<compile_context>
chip_gen: v7x
topology: tpu7x:2x2x1
jax: 0.10.2.dev20260603
libtpu: 0.0.44.dev20260713+nightly
codegen_flags: <defaults>
</compile_context>

<pallas_src>
import functools

import jax
import jax.numpy as jnp
from jax import lax
from jax.experimental import pallas as pl
from jax.experimental.pallas import tpu as pltpu
from jax.experimental.pallas import tpu_sc as plsc

_NC = 2
_NS = 16
_NW = _NC * _NS
_LANES = 16

_VOCAB = 1000000
_D = 64
_SEQ = 200
_BATCH = 16384
_NCLS = 1000

_BAGS_PER_W = _BATCH // _NW
_CB = 2
_CHUNK_ROWS = _CB * _SEQ
_CHUNKS = _BAGS_PER_W // _CB
_G0 = 128
_G1 = _SEQ - _G0


def _make_sc_bag_sum():
  mesh = plsc.VectorSubcoreMesh(
      core_axis_name="c", subcore_axis_name="s",
      num_cores=_NC, num_subcores=_NS)

  @functools.partial(
      pl.kernel,
      out_type=jax.ShapeDtypeStruct((_BATCH, _D), jnp.float32),
      mesh=mesh,
      compiler_params=pltpu.CompilerParams(use_tc_tiling_on_sc=False),
      scratch_types=[
          pltpu.VMEM((3, _CB * 128), jnp.int32),
          pltpu.VMEM((3, _CB * 128), jnp.int32),
          pltpu.VMEM((3, _CHUNK_ROWS, _D), jnp.float32),
          pltpu.VMEM((_BAGS_PER_W, _D), jnp.float32),
          pltpu.SemaphoreType.DMA,
          pltpu.SemaphoreType.DMA,
          pltpu.SemaphoreType.DMA,
          pltpu.SemaphoreType.DMA,
      ],
  )
  def sc_bag_sum(texta_hbm, textb_hbm, table_hbm, out_hbm,
                 idxa_v, idxb_v, rows_v, out_v, isem, gsem0, gsem1, gsem2):
    cid = lax.axis_index("c")
    sid = lax.axis_index("s")
    wid = sid * _NC + cid
    bag0 = wid * _BAGS_PER_W
    gsems = [gsem0, gsem1, gsem2]

    def idx_copy_start(c, s):
      off = (bag0 + c * _CB) * 128
      pltpu.make_async_copy(
          texta_hbm.at[pl.ds(off, _CB * 128)], idxa_v.at[s], isem).start()
      pltpu.make_async_copy(
          textb_hbm.at[pl.ds(off, _CB * 128)], idxb_v.at[s], isem).start()

    def idx_copy_wait(c, s):
      off = (bag0 + c * _CB) * 128
      pltpu.make_async_copy(
          texta_hbm.at[pl.ds(off, _CB * 128)], idxa_v.at[s], isem).wait()
      pltpu.make_async_copy(
          textb_hbm.at[pl.ds(off, _CB * 128)], idxb_v.at[s], isem).wait()

    def gather_start(s):
      for j in range(_CB):
        pltpu.make_async_copy(
            table_hbm.at[idxa_v.at[s, pl.ds(j * 128, _G0)]],
            rows_v.at[s, pl.ds(j * _SEQ, _G0)],
            gsems[s]).start()
        pltpu.make_async_copy(
            table_hbm.at[idxb_v.at[s, pl.ds(j * 128, _G1)]],
            rows_v.at[s, pl.ds(j * _SEQ + _G0, _G1)],
            gsems[s]).start()

    def gather_wait(s):
      pltpu.make_async_copy(
          table_hbm.at[pl.ds(0, _CHUNK_ROWS)], rows_v.at[s], gsems[s]).wait()

    def accumulate(c, s):
      for j in range(_CB):
        def gbody(g, accs):
          base = j * _SEQ + g * 8
          out = []
          for q in range(_D // _LANES):
            sl = pl.ds(q * _LANES, _LANES)
            v = [rows_v[s, base + i, sl] for i in range(8)]
            gsum = ((v[0] + v[1]) + (v[2] + v[3])) + ((v[4] + v[5]) + (v[6] + v[7]))
            out.append(accs[q] + gsum)
          return tuple(out)
        zero = jnp.zeros((_LANES,), jnp.float32)
        accs = lax.fori_loop(0, _SEQ // 8, gbody, (zero,) * (_D // _LANES))
        for q in range(_D // _LANES):
          out_v[c * _CB + j, pl.ds(q * _LANES, _LANES)] = accs[q]

    def step(c, s):
      @pl.when(c + 2 < _CHUNKS)
      def _():
        idx_copy_wait(c + 2, (s + 2) % 3)
        gather_start((s + 2) % 3)
      gather_wait(s)
      @pl.when(c + 3 < _CHUNKS)
      def _():
        idx_copy_start(c + 3, s)
      accumulate(c, s)

    idx_copy_start(0, 0)
    idx_copy_wait(0, 0)
    gather_start(0)
    idx_copy_start(1, 1)
    idx_copy_wait(1, 1)
    gather_start(1)
    idx_copy_start(2, 2)

    def loop(k, carry):
      step(3 * k, 0)
      step(3 * k + 1, 1)
      step(3 * k + 2, 2)
      return carry
    lax.fori_loop(0, _CHUNKS // 3, loop, 0)
    step(_CHUNKS - 1, (_CHUNKS - 1) % 3)

    pltpu.sync_copy(out_v, out_hbm.at[pl.ds(bag0, _BAGS_PER_W)])

  return sc_bag_sum


def _tc_head(texta2, textb2, sums, Wt, bcol):
  BB = 512
  grid = (_BATCH // BB,)

  def body(ta_ref, tb_ref, sums_ref, w_ref, b_ref, out_ref):
    cnt = (jnp.sum((ta_ref[...] != 0).astype(jnp.float32), axis=1,
                   keepdims=True)
           + jnp.sum((tb_ref[...] != 0).astype(jnp.float32), axis=1,
                     keepdims=True))
    mean = sums_ref[...] * (1.0 / jnp.maximum(cnt, 1.0))
    out_ref[...] = lax.dot_general(
        w_ref[...], mean, (((0,), (1,)), ((), ())),
        preferred_element_type=jnp.float32) + b_ref[...]

  return pl.pallas_call(
      body,
      grid=grid,
      in_specs=[
          pl.BlockSpec((BB, 128), lambda i: (i, 0)),
          pl.BlockSpec((BB, 128), lambda i: (i, 0)),
          pl.BlockSpec((BB, _D), lambda i: (i, 0)),
          pl.BlockSpec((_D, _NCLS), lambda i: (0, 0)),
          pl.BlockSpec((_NCLS, 1), lambda i: (0, 0)),
      ],
      out_specs=pl.BlockSpec((_NCLS, BB), lambda i: (0, i)),
      out_shape=jax.ShapeDtypeStruct((_NCLS, _BATCH), jnp.float32),
  )(texta2, textb2, sums, Wt, bcol)


_sc_bag_sum = _make_sc_bag_sum()


def kernel(text, table, W, b):
  text = text.astype(jnp.int32)
  texta = lax.slice(text, (0, 0), (_BATCH, _G0)).reshape(-1)
  textb = jnp.pad(lax.slice(text, (0, _G0), (_BATCH, _SEQ)),
                  ((0, 0), (0, 128 - _G1))).reshape(-1)
  sums = _sc_bag_sum(texta, textb, table)
  out_t = _tc_head(texta.reshape(_BATCH, 128), textb.reshape(_BATCH, 128),
                   sums, W.T, b.reshape(_NCLS, 1))
  return out_t.T

# --- scband reference (transcript-rebuilt; emitter-appended) ---
"""Pipeline reference for scband-fast-text-model-56186762166893 (READ-ONLY COPY).

The authoritative reference and input builder live on the scoring server;
editing this copy changes nothing except your own understanding.
"""

import jax, jax.numpy as jnp
import numpy as np

VOCAB = 1000000
D_MODEL = 64
NUM_CLASSES = 1000
BATCH = 16384
SEQ = 200

def setup_inputs(seed: int = 0) -> dict:
    key = jax.random.key(seed)
    k1, k2, k3 = jax.random.split(key, 3)
    text = jax.random.randint(k1, (BATCH, SEQ), 0, VOCAB)
    table = jax.random.uniform(k2, (VOCAB, D_MODEL), minval=-0.5, maxval=0.5, dtype=jnp.float32)
    table = table.at[0].set(0.0)  # padding_idx=0 row is zero
    W = jax.random.uniform(k3, (NUM_CLASSES, D_MODEL), minval=-0.5, maxval=0.5, dtype=jnp.float32)
    b = jnp.zeros((NUM_CLASSES,), dtype=jnp.float32)
    return {"text": text, "table": table, "W": W, "b": b}

def reference(text, table, W, b):
    # nn.EmbeddingBag(mode='mean', padding_idx=0) over 2D input [B, L]:
    # padding indices (0) are excluded from both the sum and the count.
    emb = jnp.take(table, text, axis=0)  # [B, L, D] gather
    mask = (text != 0).astype(emb.dtype)[..., None]  # [B, L, 1]
    summed = jnp.sum(emb * mask, axis=1)  # [B, D]
    count = jnp.sum(mask, axis=1)  # [B, 1]
    mean = summed / jnp.maximum(count, 1.0)  # empty bag -> zeros, like torch
    return mean @ W.T + b

if __name__ == "__main__":
    import jax
    _d = setup_inputs()
    print(jax.jit(kernel)(*tuple(_d.values())))

</pallas_src>

<mosaic_0001>
#map = affine_map<(d0, d1) -> (0)>
#map1 = affine_map<(d0, d1) -> (0, 0)>
module attributes {stable_mosaic.version = 14 : i64} {
  func.func @sc_bag_sum(%arg0: i32, %arg1: i32, %arg2: memref<2097152xi32, #tpu.memory_space<hbm>>, %arg3: memref<2097152xi32, #tpu.memory_space<hbm>>, %arg4: memref<1000000x64xf32, #tpu.memory_space<hbm>>, %arg5: memref<16384x64xf32, #tpu.memory_space<hbm>>, %arg6: memref<3x256xi32, #tpu.memory_space<vmem>>, %arg7: memref<3x256xi32, #tpu.memory_space<vmem>>, %arg8: memref<3x400x64xf32, #tpu.memory_space<vmem>>, %arg9: memref<512x64xf32, #tpu.memory_space<vmem>>, %arg10: memref<!tpu.dma_semaphore, #tpu.memory_space<semaphore_mem>>, %arg11: memref<!tpu.dma_semaphore, #tpu.memory_space<semaphore_mem>>, %arg12: memref<!tpu.dma_semaphore, #tpu.memory_space<semaphore_mem>>, %arg13: memref<!tpu.dma_semaphore, #tpu.memory_space<semaphore_mem>>) attributes {dimension_semantics = [#tpu.dimension_semantics<core_parallel>, #tpu.dimension_semantics<subcore_parallel>], iteration_bounds = array<i64: 2, 16>, scalar_prefetch = 0 : i64, scratch_operands = 8 : i64, tpu.core_type = #tpu.core_type<sc_vector_subcore>, window_params = [{transform_indices = #map}, {transform_indices = #map}, {transform_indices = #map1}, {transform_indices = #map1}]} {
    %mul3A = arith.constant 2 : i32
    %mul3A_0 = arith.muli %arg1, %mul3A : i32
    %add3A = arith.addi %mul3A_0, %arg0 : i32
    %mul3A_1 = arith.constant 512 : i32
    %mul3A_2 = arith.muli %add3A, %mul3A_1 : i32
    %add3A_3 = arith.constant 0 : i32
    %add3A_4 = arith.addi %mul3A_2, %add3A_3 : i32
    %mul3A_5 = arith.constant 128 : i32
    %mul3A_6 = arith.muli %add3A_4, %mul3A_5 : i32
    %dma_start3A = arith.constant 0 : i32
    %dma_start3A_7 = arith.constant 0 : i32
    %dma_start3A_8 = tpu.memref_slice %arg6[%dma_start3A, %dma_start3A_7] : memref<3x256xi32, #tpu.memory_space<vmem>> -> memref<1x256xi32, #tpu.memory_space<vmem>>
    %dma_start3A_9 = tpu.memref_squeeze %dma_start3A_8 : memref<1x256xi32, #tpu.memory_space<vmem>> -> memref<256xi32, #tpu.memory_space<vmem>>
    %dma_start3A_10 = tpu.memref_slice %arg2[%mul3A_6] : memref<2097152xi32, #tpu.memory_space<hbm>> -> memref<256xi32, #tpu.memory_space<hbm>>
    %dma_start3A_11 = arith.constant 0 : i32
    %dma_start3A_12 = tpu.memref_slice %arg6[%dma_start3A, %dma_start3A_11] : memref<3x256xi32, #tpu.memory_space<vmem>> -> memref<1x256xi32, #tpu.memory_space<vmem>>
    %dma_start3A_13 = tpu.memref_squeeze %dma_start3A_12 : memref<1x256xi32, #tpu.memory_space<vmem>> -> memref<256xi32, #tpu.memory_space<vmem>>
    %dma_start3A_14 = tpu.memref_slice %arg2[%mul3A_6] : memref<2097152xi32, #tpu.memory_space<hbm>> -> memref<256xi32, #tpu.memory_space<hbm>>
    tpu.enqueue_dma source(%dma_start3A_14 : memref<256xi32, #tpu.memory_space<hbm>>) target(%dma_start3A_13 : memref<256xi32, #tpu.memory_space<vmem>>) target_semaphore(%arg10 : memref<!tpu.dma_semaphore, #tpu.memory_space<semaphore_mem>>)
    %dma_start3A_15 = arith.constant 0 : i32
    %dma_start3A_16 = arith.constant 0 : i32
    %dma_start3A_17 = tpu.memref_slice %arg7[%dma_start3A_15, %dma_start3A_16] : memref<3x256xi32, #tpu.memory_space<vmem>> -> memref<1x256xi32, #tpu.memory_space<vmem>>
    %dma_start3A_18 = tpu.memref_squeeze %dma_start3A_17 : memref<1x256xi32, #tpu.memory_space<vmem>> -> memref<256xi32, #tpu.memory_space<vmem>>
    %dma_start3A_19 = tpu.memref_slice %arg3[%mul3A_6] : memref<2097152xi32, #tpu.memory_space<hbm>> -> memref<256xi32, #tpu.memory_space<hbm>>
    %dma_start3A_20 = arith.constant 0 : i32
    %dma_start3A_21 = tpu.memref_slice %arg7[%dma_start3A_15, %dma_start3A_20] : memref<3x256xi32, #tpu.memory_space<vmem>> -> memref<1x256xi32, #tpu.memory_space<vmem>>
    %dma_start3A_22 = tpu.memref_squeeze %dma_start3A_21 : memref<1x256xi32, #tpu.memory_space<vmem>> -> memref<256xi32, #tpu.memory_space<vmem>>
    %dma_start3A_23 = tpu.memref_slice %arg3[%mul3A_6] : memref<2097152xi32, #tpu.memory_space<hbm>> -> memref<256xi32, #tpu.memory_space<hbm>>
    tpu.enqueue_dma source(%dma_start3A_23 : memref<256xi32, #tpu.memory_space<hbm>>) target(%dma_start3A_22 : memref<256xi32, #tpu.memory_space<vmem>>) target_semaphore(%arg10 : memref<!tpu.dma_semaphore, #tpu.memory_space<semaphore_mem>>)
    %add3A_24 = arith.constant 0 : i32
    %add3A_25 = arith.addi %mul3A_2, %add3A_24 : i32
    %mul3A_26 = arith.constant 128 : i32
    %mul3A_27 = arith.muli %add3A_25, %mul3A_26 : i32
    %dma_wait3A = arith.constant 0 : i32
    %dma_wait3A_28 = arith.constant 0 : i32
    %dma_wait3A_29 = tpu.memref_slice %arg6[%dma_wait3A, %dma_wait3A_28] : memref<3x256xi32, #tpu.memory_space<vmem>> -> memref<1x256xi32, #tpu.memory_space<vmem>>
    %dma_wait3A_30 = tpu.memref_squeeze %dma_wait3A_29 : memref<1x256xi32, #tpu.memory_space<vmem>> -> memref<256xi32, #tpu.memory_space<vmem>>
    %dma_wait3A_31 = tpu.memref_slice %arg2[%mul3A_27] : memref<2097152xi32, #tpu.memory_space<hbm>> -> memref<256xi32, #tpu.memory_space<hbm>>
    %dma_wait3A_32 = arith.constant 0 : i32
    %dma_wait3A_33 = tpu.memref_slice %arg6[%dma_wait3A, %dma_wait3A_32] : memref<3x256xi32, #tpu.memory_space<vmem>> -> memref<1x256xi32, #tpu.memory_space<vmem>>
    %dma_wait3A_34 = tpu.memref_squeeze %dma_wait3A_33 : memref<1x256xi32, #tpu.memory_space<vmem>> -> memref<256xi32, #tpu.memory_space<vmem>>
    %dma_wait3A_35 = tpu.memref_slice %arg2[%mul3A_27] : memref<2097152xi32, #tpu.memory_space<hbm>> -> memref<256xi32, #tpu.memory_space<hbm>>
    tpu.wait_dma2 semaphore(%arg10 : memref<!tpu.dma_semaphore, #tpu.memory_space<semaphore_mem>>) src(%dma_wait3A_35 : memref<256xi32, #tpu.memory_space<hbm>>) dst(%dma_wait3A_34 : memref<256xi32, #tpu.memory_space<vmem>>)
    %dma_wait3A_36 = arith.constant 0 : i32
    %dma_wait3A_37 = arith.constant 0 : i32
    %dma_wait3A_38 = tpu.memref_slice %arg7[%dma_wait3A_36, %dma_wait3A_37] : memref<3x256xi32, #tpu.memory_space<vmem>> -> memref<1x256xi32, #tpu.memory_space<vmem>>
    %dma_wait3A_39 = tpu.memref_squeeze %dma_wait3A_38 : memref<1x256xi32, #tpu.memory_space<vmem>> -> memref<256xi32, #tpu.memory_space<vmem>>
    %dma_wait3A_40 = tpu.memref_slice %arg3[%mul3A_27] : memref<2097152xi32, #tpu.memory_space<hbm>> -> memref<256xi32, #tpu.memory_space<hbm>>
    %dma_wait3A_41 = arith.constant 0 : i32
    %dma_wait3A_42 = tpu.memref_slice %arg7[%dma_wait3A_36, %dma_wait3A_41] : memref<3x256xi32, #tpu.memory_space<vmem>> -> memref<1x256xi32, #tpu.memory_space<vmem>>
    %dma_wait3A_43 = tpu.memref_squeeze %dma_wait3A_42 : memref<1x256xi32, #tpu.memory_space<vmem>> -> memref<256xi32, #tpu.memory_space<vmem>>
    %dma_wait3A_44 = tpu.memref_slice %arg3[%mul3A_27] : memref<2097152xi32, #tpu.memory_space<hbm>> -> memref<256xi32, #tpu.memory_space<hbm>>
    tpu.wait_dma2 semaphore(%arg10 : memref<!tpu.dma_semaphore, #tpu.memory_space<semaphore_mem>>) src(%dma_wait3A_44 : memref<256xi32, #tpu.memory_space<hbm>>) dst(%dma_wait3A_43 : memref<256xi32, #tpu.memory_space<vmem>>)
    %dma_start3A_45 = arith.constant 0 : i32
    %dma_start3A_46 = arith.constant 0 : i32
    %dma_start3A_47 = arith.constant 0 : i32
    %dma_start3A_48 = arith.constant 0 : i32
    %dma_start3A_49 = tpu.memref_slice %arg8[%dma_start3A_46, %dma_start3A_47, %dma_start3A_48] : memref<3x400x64xf32, #tpu.memory_space<vmem>> -> memref<1x128x64xf32, #tpu.memory_space<vmem>>
    %dma_start3A_50 = tpu.memref_squeeze %dma_start3A_49 : memref<1x128x64xf32, #tpu.memory_space<vmem>> -> memref<128x64xf32, #tpu.memory_space<vmem>>
    %dma_start3A_51 = arith.constant 0 : i32
    %dma_start3A_52 = tpu.memref_slice %arg6[%dma_start3A_45, %dma_start3A_51] : memref<3x256xi32, #tpu.memory_space<vmem>> -> memref<1x128xi32, #tpu.memory_space<vmem>>
    %dma_start3A_53 = tpu.memref_squeeze %dma_start3A_52 : memref<1x128xi32, #tpu.memory_space<vmem>> -> memref<128xi32, #tpu.memory_space<vmem>>
    %dma_start3A_54 = arith.constant 0 : i32
    %dma_start3A_55 = arith.constant 0 : i32
    %dma_start3A_56 = tpu.memref_slice %arg4[%dma_start3A_54, %dma_start3A_55] : memref<1000000x64xf32, #tpu.memory_space<hbm>> -> memref<1000000x64xf32, #tpu.memory_space<hbm>>
    tpu.enqueue_indirect_dma source(%dma_start3A_56 : memref<1000000x64xf32, #tpu.memory_space<hbm>>) target(%dma_start3A_50 : memref<128x64xf32, #tpu.memory_space<vmem>>) offsets(%dma_start3A_53 : memref<128xi32, #tpu.memory_space<vmem>>) semaphore(%arg11 : memref<!tpu.dma_semaphore, #tpu.memory_space<semaphore_mem>>)
    %dma_start3A_57 = arith.constant 0 : i32
    %dma_start3A_58 = arith.constant 0 : i32
    %dma_start3A_59 = arith.constant 128 : i32
    %dma_start3A_60 = arith.constant 0 : i32
    %dma_start3A_61 = tpu.memref_slice %arg8[%dma_start3A_58, %dma_start3A_59, %dma_start3A_60] : memref<3x400x64xf32, #tpu.memory_space<vmem>> -> memref<1x72x64xf32, #tpu.memory_space<vmem>>
    %dma_start3A_62 = tpu.memref_squeeze %dma_start3A_61 : memref<1x72x64xf32, #tpu.memory_space<vmem>> -> memref<72x64xf32, #tpu.memory_space<vmem>>
    %dma_start3A_63 = arith.constant 0 : i32
    %dma_start3A_64 = tpu.memref_slice %arg7[%dma_start3A_57, %dma_start3A_63] : memref<3x256xi32, #tpu.memory_space<vmem>> -> memref<1x72xi32, #tpu.memory_space<vmem>>
    %dma_start3A_65 = tpu.memref_squeeze %dma_start3A_64 : memref<1x72xi32, #tpu.memory_space<vmem>> -> memref<72xi32, #tpu.memory_space<vmem>>
    %dma_start3A_66 = arith.constant 0 : i32
    %dma_start3A_67 = arith.constant 0 : i32
    %dma_start3A_68 = tpu.memref_slice %arg4[%dma_start3A_66, %dma_start3A_67] : memref<1000000x64xf32, #tpu.memory_space<hbm>> -> memref<1000000x64xf32, #tpu.memory_space<hbm>>
    tpu.enqueue_indirect_dma source(%dma_start3A_68 : memref<1000000x64xf32, #tpu.memory_space<hbm>>) target(%dma_start3A_62 : memref<72x64xf32, #tpu.memory_space<vmem>>) offsets(%dma_start3A_65 : memref<72xi32, #tpu.memory_space<vmem>>) semaphore(%arg11 : memref<!tpu.dma_semaphore, #tpu.memory_space<semaphore_mem>>)
    %dma_start3A_69 = arith.constant 0 : i32
    %dma_start3A_70 = arith.constant 0 : i32
    %dma_start3A_71 = arith.constant 200 : i32
    %dma_start3A_72 = arith.constant 0 : i32
    %dma_start3A_73 = tpu.memref_slice %arg8[%dma_start3A_70, %dma_start3A_71, %dma_start3A_72] : memref<3x400x64xf32, #tpu.memory_space<vmem>> -> memref<1x128x64xf32, #tpu.memory_space<vmem>>
    %dma_start3A_74 = tpu.memref_squeeze %dma_start3A_73 : memref<1x128x64xf32, #tpu.memory_space<vmem>> -> memref<128x64xf32, #tpu.memory_space<vmem>>
    %dma_start3A_75 = arith.constant 128 : i32
    %dma_start3A_76 = tpu.memref_slice %arg6[%dma_start3A_69, %dma_start3A_75] : memref<3x256xi32, #tpu.memory_space<vmem>> -> memref<1x128xi32, #tpu.memory_space<vmem>>
    %dma_start3A_77 = tpu.memref_squeeze %dma_start3A_76 : memref<1x128xi32, #tpu.memory_space<vmem>> -> memref<128xi32, #tpu.memory_space<vmem>>
    %dma_start3A_78 = arith.constant 0 : i32
    %dma_start3A_79 = arith.constant 0 : i32
    %dma_start3A_80 = tpu.memref_slice %arg4[%dma_start3A_78, %dma_start3A_79] : memref<1000000x64xf32, #tpu.memory_space<hbm>> -> memref<1000000x64xf32, #tpu.memory_space<hbm>>
    tpu.enqueue_indirect_dma source(%dma_start3A_80 : memref<1000000x64xf32, #tpu.memory_space<hbm>>) target(%dma_start3A_74 : memref<128x64xf32, #tpu.memory_space<vmem>>) offsets(%dma_start3A_77 : memref<128xi32, #tpu.memory_space<vmem>>) semaphore(%arg11 : memref<!tpu.dma_semaphore, #tpu.memory_space<semaphore_mem>>)
    %dma_start3A_81 = arith.constant 0 : i32
    %dma_start3A_82 = arith.constant 0 : i32
    %dma_start3A_83 = arith.constant 328 : i32
    %dma_start3A_84 = arith.constant 0 : i32
    %dma_start3A_85 = tpu.memref_slice %arg8[%dma_start3A_82, %dma_start3A_83, %dma_start3A_84] : memref<3x400x64xf32, #tpu.memory_space<vmem>> -> memref<1x72x64xf32, #tpu.memory_space<vmem>>
    %dma_start3A_86 = tpu.memref_squeeze %dma_start3A_85 : memref<1x72x64xf32, #tpu.memory_space<vmem>> -> memref<72x64xf32, #tpu.memory_space<vmem>>
    %dma_start3A_87 = arith.constant 128 : i32
    %dma_start3A_88 = tpu.memref_slice %arg7[%dma_start3A_81, %dma_start3A_87] : memref<3x256xi32, #tpu.memory_space<vmem>> -> memref<1x72xi32, #tpu.memory_space<vmem>>
    %dma_start3A_89 = tpu.memref_squeeze %dma_start3A_88 : memref<1x72xi32, #tpu.memory_space<vmem>> -> memref<72xi32, #tpu.memory_space<vmem>>
    %dma_start3A_90 = arith.constant 0 : i32
    %dma_start3A_91 = arith.constant 0 : i32
    %dma_start3A_92 = tpu.memref_slice %arg4[%dma_start3A_90, %dma_start3A_91] : memref<1000000x64xf32, #tpu.memory_space<hbm>> -> memref<1000000x64xf32, #tpu.memory_space<hbm>>
    tpu.enqueue_indirect_dma source(%dma_start3A_92 : memref<1000000x64xf32, #tpu.memory_space<hbm>>) target(%dma_start3A_86 : memref<72x64xf32, #tpu.memory_space<vmem>>) offsets(%dma_start3A_89 : memref<72xi32, #tpu.memory_space<vmem>>) semaphore(%arg11 : memref<!tpu.dma_semaphore, #tpu.memory_space<semaphore_mem>>)
    %add3A_93 = arith.constant 2 : i32
    %add3A_94 = arith.addi %mul3A_2, %add3A_93 : i32
    %mul3A_95 = arith.constant 128 : i32
    %mul3A_96 = arith.muli %add3A_94, %mul3A_95 : i32
    %dma_start3A_97 = arith.constant 1 : i32
    %dma_start3A_98 = arith.constant 0 : i32
    %dma_start3A_99 = tpu.memref_slice %arg6[%dma_start3A_97, %dma_start3A_98] : memref<3x256xi32, #tpu.memory_space<vmem>> -> memref<1x256xi32, #tpu.memory_space<vmem>>
    %dma_start3A_100 = tpu.memref_squeeze %dma_start3A_99 : memref<1x256xi32, #tpu.memory_space<vmem>> -> memref<256xi32, #tpu.memory_space<vmem>>
    %dma_start3A_101 = tpu.memref_slice %arg2[%mul3A_96] : memref<2097152xi32, #tpu.memory_space<hbm>> -> memref<256xi32, #tpu.memory_space<hbm>>
    %dma_start3A_102 = arith.constant 0 : i32
    %dma_start3A_103 = tpu.memref_slice %arg6[%dma_start3A_97, %dma_start3A_102] : memref<3x256xi32, #tpu.memory_space<vmem>> -> memref<1x256xi32, #tpu.memory_space<vmem>>
    %dma_start3A_104 = tpu.memref_squeeze %dma_start3A_103 : memref<1x256xi32, #tpu.memory_space<vmem>> -> memref<256xi32, #tpu.memory_space<vmem>>
    %dma_start3A_105 = tpu.memref_slice %arg2[%mul3A_96] : memref<2097152xi32, #tpu.memory_space<hbm>> -> memref<256xi32, #tpu.memory_space<hbm>>
    tpu.enqueue_dma source(%dma_start3A_105 : memref<256xi32, #tpu.memory_space<hbm>>) target(%dma_start3A_104 : memref<256xi32, #tpu.memory_space<vmem>>) target_semaphore(%arg10 : memref<!tpu.dma_semaphore, #tpu.memory_space<semaphore_mem>>)
    %dma_start3A_106 = arith.constant 1 : i32
    %dma_start3A_107 = arith.constant 0 : i32
    %dma_start3A_108 = tpu.memref_slice %arg7[%dma_start3A_106, %dma_start3A_107] : memref<3x256xi32, #tpu.memory_space<vmem>> -> memref<1x256xi32, #tpu.memory_space<vmem>>
    %dma_start3A_109 = tpu.memref_squeeze %dma_start3A_108 : memref<1x256xi32, #tpu.memory_space<vmem>> -> memref<256xi32, #tpu.memory_space<vmem>>
    %dma_start3A_110 = tpu.memref_slice %arg3[%mul3A_96] : memref<2097152xi32, #tpu.memory_space<hbm>> -> memref<256xi32, #tpu.memory_space<hbm>>
    %dma_start3A_111 = arith.constant 0 : i32
    %dma_start3A_112 = tpu.memref_slice %arg7[%dma_start3A_106, %dma_start3A_111] : memref<3x256xi32, #tpu.memory_space<vmem>> -> memref<1x256xi32, #tpu.memory_space<vmem>>
    %dma_start3A_113 = tpu.memref_squeeze %dma_start3A_112 : memref<1x256xi32, #tpu.memory_space<vmem>> -> memref<256xi32, #tpu.memory_space<vmem>>
    %dma_start3A_114 = tpu.memref_slice %arg3[%mul3A_96] : memref<2097152xi32, #tpu.memory_space<hbm>> -> memref<256xi32, #tpu.memory_space<hbm>>
    tpu.enqueue_dma source(%dma_start3A_114 : memref<256xi32, #tpu.memory_space<hbm>>) target(%dma_start3A_113 : memref<256xi32, #tpu.memory_space<vmem>>) target_semaphore(%arg10 : memref<!tpu.dma_semaphore, #tpu.memory_space<semaphore_mem>>)
    %add3A_115 = arith.constant 2 : i32
    %add3A_116 = arith.addi %mul3A_2, %add3A_115 : i32
    %mul3A_117 = arith.constant 128 : i32
    %mul3A_118 = arith.muli %add3A_116, %mul3A_117 : i32
    %dma_wait3A_119 = arith.constant 1 : i32
    %dma_wait3A_120 = arith.constant 0 : i32
    %dma_wait3A_121 = tpu.memref_slice %arg6[%dma_wait3A_119, %dma_wait3A_120] : memref<3x256xi32, #tpu.memory_space<vmem>> -> memref<1x256xi32, #tpu.memory_space<vmem>>
    %dma_wait3A_122 = tpu.memref_squeeze %dma_wait3A_121 : memref<1x256xi32, #tpu.memory_space<vmem>> -> memref<256xi32, #tpu.memory_space<vmem>>
    %dma_wait3A_123 = tpu.memref_slice %arg2[%mul3A_118] : memref<2097152xi32, #tpu.memory_space<hbm>> -> memref<256xi32, #tpu.memory_space<hbm>>
    %dma_wait3A_124 = arith.constant 0 : i32
    %dma_wait3A_125 = tpu.memref_slice %arg6[%dma_wait3A_119, %dma_wait3A_124] : memref<3x256xi32, #tpu.memory_space<vmem>> -> memref<1x256xi32, #tpu.memory_space<vmem>>
    %dma_wait3A_126 = tpu.memref_squeeze %dma_wait3A_125 : memref<1x256xi32, #tpu.memory_space<vmem>> -> memref<256xi32, #tpu.memory_space<vmem>>
    %dma_wait3A_127 = tpu.memref_slice %arg2[%mul3A_118] : memref<2097152xi32, #tpu.memory_space<hbm>> -> memref<256xi32, #tpu.memory_space<hbm>>
    tpu.wait_dma2 semaphore(%arg10 : memref<!tpu.dma_semaphore, #tpu.memory_space<semaphore_mem>>) src(%dma_wait3A_127 : memref<256xi32, #tpu.memory_space<hbm>>) dst(%dma_wait3A_126 : memref<256xi32, #tpu.memory_space<vmem>>)
    %dma_wait3A_128 = arith.constant 1 : i32
    %dma_wait3A_129 = arith.constant 0 : i32
    %dma_wait3A_130 = tpu.memref_slice %arg7[%dma_wait3A_128, %dma_wait3A_129] : memref<3x256xi32, #tpu.memory_space<vmem>> -> memref<1x256xi32, #tpu.memory_space<vmem>>
    %dma_wait3A_131 = tpu.memref_squeeze %dma_wait3A_130 : memref<1x256xi32, #tpu.memory_space<vmem>> -> memref<256xi32, #tpu.memory_space<vmem>>
    %dma_wait3A_132 = tpu.memref_slice %arg3[%mul3A_118] : memref<2097152xi32, #tpu.memory_space<hbm>> -> memref<256xi32, #tpu.memory_space<hbm>>
    %dma_wait3A_133 = arith.constant 0 : i32
    %dma_wait3A_134 = tpu.memref_slice %arg7[%dma_wait3A_128, %dma_wait3A_133] : memref<3x256xi32, #tpu.memory_space<vmem>> -> memref<1x256xi32, #tpu.memory_space<vmem>>
    %dma_wait3A_135 = tpu.memref_squeeze %dma_wait3A_134 : memref<1x256xi32, #tpu.memory_space<vmem>> -> memref<256xi32, #tpu.memory_space<vmem>>
    %dma_wait3A_136 = tpu.memref_slice %arg3[%mul3A_118] : memref<2097152xi32, #tpu.memory_space<hbm>> -> memref<256xi32, #tpu.memory_space<hbm>>
    tpu.wait_dma2 semaphore(%arg10 : memref<!tpu.dma_semaphore, #tpu.memory_space<semaphore_mem>>) src(%dma_wait3A_136 : memref<256xi32, #tpu.memory_space<hbm>>) dst(%dma_wait3A_135 : memref<256xi32, #tpu.memory_space<vmem>>)
    %dma_start3A_137 = arith.constant 1 : i32
    %dma_start3A_138 = arith.constant 1 : i32
    %dma_start3A_139 = arith.constant 0 : i32
    %dma_start3A_140 = arith.constant 0 : i32
    %dma_start3A_141 = tpu.memref_slice %arg8[%dma_start3A_138, %dma_start3A_139, %dma_start3A_140] : memref<3x400x64xf32, #tpu.memory_space<vmem>> -> memref<1x128x64xf32, #tpu.memory_space<vmem>>
    %dma_start3A_142 = tpu.memref_squeeze %dma_start3A_141 : memref<1x128x64xf32, #tpu.memory_space<vmem>> -> memref<128x64xf32, #tpu.memory_space<vmem>>
    %dma_start3A_143 = arith.constant 0 : i32
    %dma_start3A_144 = tpu.memref_slice %arg6[%dma_start3A_137, %dma_start3A_143] : memref<3x256xi32, #tpu.memory_space<vmem>> -> memref<1x128xi32, #tpu.memory_space<vmem>>
    %dma_start3A_145 = tpu.memref_squeeze %dma_start3A_144 : memref<1x128xi32, #tpu.memory_space<vmem>> -> memref<128xi32, #tpu.memory_space<vmem>>
    %dma_start3A_146 = arith.constant 0 : i32
    %dma_start3A_147 = arith.constant 0 : i32
    %dma_start3A_148 = tpu.memref_slice %arg4[%dma_start3A_146, %dma_start3A_147] : memref<1000000x64xf32, #tpu.memory_space<hbm>> -> memref<1000000x64xf32, #tpu.memory_space<hbm>>
    tpu.enqueue_indirect_dma source(%dma_start3A_148 : memref<1000000x64xf32, #tpu.memory_space<hbm>>) target(%dma_start3A_142 : memref<128x64xf32, #tpu.memory_space<vmem>>) offsets(%dma_start3A_145 : memref<128xi32, #tpu.memory_space<vmem>>) semaphore(%arg12 : memref<!tpu.dma_semaphore, #tpu.memory_space<semaphore_mem>>)
    %dma_start3A_149 = arith.constant 1 : i32
    %dma_start3A_150 = arith.constant 1 : i32
    %dma_start3A_151 = arith.constant 128 : i32
    %dma_start3A_152 = arith.constant 0 : i32
    %dma_start3A_153 = tpu.memref_slice %arg8[%dma_start3A_150, %dma_start3A_151, %dma_start3A_152] : memref<3x400x64xf32, #tpu.memory_space<vmem>> -> memref<1x72x64xf32, #tpu.memory_space<vmem>>
    %dma_start3A_154 = tpu.memref_squeeze %dma_start3A_153 : memref<1x72x64xf32, #tpu.memory_space<vmem>> -> memref<72x64xf32, #tpu.memory_space<vmem>>
    %dma_start3A_155 = arith.constant 0 : i32
    %dma_start3A_156 = tpu.memref_slice %arg7[%dma_start3A_149, %dma_start3A_155] : memref<3x256xi32, #tpu.memory_space<vmem>> -> memref<1x72xi32, #tpu.memory_space<vmem>>
    %dma_start3A_157 = tpu.memref_squeeze %dma_start3A_156 : memref<1x72xi32, #tpu.memory_space<vmem>> -> memref<72xi32, #tpu.memory_space<vmem>>
    %dma_start3A_158 = arith.constant 0 : i32
    %dma_start3A_159 = arith.constant 0 : i32
    %dma_start3A_160 = tpu.memref_slice %arg4[%dma_start3A_158, %dma_start3A_159] : memref<1000000x64xf32, #tpu.memory_space<hbm>> -> memref<1000000x64xf32, #tpu.memory_space<hbm>>
    tpu.enqueue_indirect_dma source(%dma_start3A_160 : memref<1000000x64xf32, #tpu.memory_space<hbm>>) target(%dma_start3A_154 : memref<72x64xf32, #tpu.memory_space<vmem>>) offsets(%dma_start3A_157 : memref<72xi32, #tpu.memory_space<vmem>>) semaphore(%arg12 : memref<!tpu.dma_semaphore, #tpu.memory_space<semaphore_mem>>)
    %dma_start3A_161 = arith.constant 1 : i32
    %dma_start3A_162 = arith.constant 1 : i32
    %dma_start3A_163 = arith.constant 200 : i32
    %dma_start3A_164 = arith.constant 0 : i32
    %dma_start3A_165 = tpu.memref_slice %arg8[%dma_start3A_162, %dma_start3A_163, %dma_start3A_164] : memref<3x400x64xf32, #tpu.memory_space<vmem>> -> memref<1x128x64xf32, #tpu.memory_space<vmem>>
    %dma_start3A_166 = tpu.memref_squeeze %dma_start3A_165 : memref<1x128x64xf32, #tpu.memory_space<vmem>> -> memref<128x64xf32, #tpu.memory_space<vmem>>
    %dma_start3A_167 = arith.constant 128 : i32
    %dma_start3A_168 = tpu.memref_slice %arg6[%dma_start3A_161, %dma_start3A_167] : memref<3x256xi32, #tpu.memory_space<vmem>> -> memref<1x128xi32, #tpu.memory_space<vmem>>
    %dma_start3A_169 = tpu.memref_squeeze %dma_start3A_168 : memref<1x128xi32, #tpu.memory_space<vmem>> -> memref<128xi32, #tpu.memory_space<vmem>>
    %dma_start3A_170 = arith.constant 0 : i32
    %dma_start3A_171 = arith.constant 0 : i32
    %dma_start3A_172 = tpu.memref_slice %arg4[%dma_start3A_170, %dma_start3A_171] : memref<1000000x64xf32, #tpu.memory_space<hbm>> -> memref<1000000x64xf32, #tpu.memory_space<hbm>>
    tpu.enqueue_indirect_dma source(%dma_start3A_172 : memref<1000000x64xf32, #tpu.memory_space<hbm>>) target(%dma_start3A_166 : memref<128x64xf32, #tpu.memory_space<vmem>>) offsets(%dma_start3A_169 : memref<128xi32, #tpu.memory_space<vmem>>) semaphore(%arg12 : memref<!tpu.dma_semaphore, #tpu.memory_space<semaphore_mem>>)
    %dma_start3A_173 = arith.constant 1 : i32
    %dma_start3A_174 = arith.constant 1 : i32
    %dma_start3A_175 = arith.constant 328 : i32
    %dma_start3A_176 = arith.constant 0 : i32
    %dma_start3A_177 = tpu.memref_slice %arg8[%dma_start3A_174, %dma_start3A_175, %dma_start3A_176] : memref<3x400x64xf32, #tpu.memory_space<vmem>> -> memref<1x72x64xf32, #tpu.memory_space<vmem>>
    %dma_start3A_178 = tpu.memref_squeeze %dma_start3A_177 : memref<1x72x64xf32, #tpu.memory_space<vmem>> -> memref<72x64xf32, #tpu.memory_space<vmem>>
    %dma_start3A_179 = arith.constant 128 : i32
    %dma_start3A_180 = tpu.memref_slice %arg7[%dma_start3A_173, %dma_start3A_179] : memref<3x256xi32, #tpu.memory_space<vmem>> -> memref<1x72xi32, #tpu.memory_space<vmem>>
    %dma_start3A_181 = tpu.memref_squeeze %dma_start3A_180 : memref<1x72xi32, #tpu.memory_space<vmem>> -> memref<72xi32, #tpu.memory_space<vmem>>
    %dma_start3A_182 = arith.constant 0 : i32
    %dma_start3A_183 = arith.constant 0 : i32
    %dma_start3A_184 = tpu.memref_slice %arg4[%dma_start3A_182, %dma_start3A_183] : memref<1000000x64xf32, #tpu.memory_space<hbm>> -> memref<1000000x64xf32, #tpu.memory_space<hbm>>
    tpu.enqueue_indirect_dma source(%dma_start3A_184 : memref<1000000x64xf32, #tpu.memory_space<hbm>>) target(%dma_start3A_178 : memref<72x64xf32, #tpu.memory_space<vmem>>) offsets(%dma_start3A_181 : memref<72xi32, #tpu.memory_space<vmem>>) semaphore(%arg12 : memref<!tpu.dma_semaphore, #tpu.memory_space<semaphore_mem>>)
    %add3A_185 = arith.constant 4 : i32
    %add3A_186 = arith.addi %mul3A_2, %add3A_185 : i32
    %mul3A_187 = arith.constant 128 : i32
    %mul3A_188 = arith.muli %add3A_186, %mul3A_187 : i32
    %dma_start3A_189 = arith.constant 2 : i32
    %dma_start3A_190 = arith.constant 0 : i32
    %dma_start3A_191 = tpu.memref_slice %arg6[%dma_start3A_189, %dma_start3A_190] : memref<3x256xi32, #tpu.memory_space<vmem>> -> memref<1x256xi32, #tpu.memory_space<vmem>>
    %dma_start3A_192 = tpu.memref_squeeze %dma_start3A_191 : memref<1x256xi32, #tpu.memory_space<vmem>> -> memref<256xi32, #tpu.memory_space<vmem>>
    %dma_start3A_193 = tpu.memref_slice %arg2[%mul3A_188] : memref<2097152xi32, #tpu.memory_space<hbm>> -> memref<256xi32, #tpu.memory_space<hbm>>
    %dma_start3A_194 = arith.constant 0 : i32
    %dma_start3A_195 = tpu.memref_slice %arg6[%dma_start3A_189, %dma_start3A_194] : memref<3x256xi32, #tpu.memory_space<vmem>> -> memref<1x256xi32, #tpu.memory_space<vmem>>
    %dma_start3A_196 = tpu.memref_squeeze %dma_start3A_195 : memref<1x256xi32, #tpu.memory_space<vmem>> -> memref<256xi32, #tpu.memory_space<vmem>>
    %dma_start3A_197 = tpu.memref_slice %arg2[%mul3A_188] : memref<2097152xi32, #tpu.memory_space<hbm>> -> memref<256xi32, #tpu.memory_space<hbm>>
    tpu.enqueue_dma source(%dma_start3A_197 : memref<256xi32, #tpu.memory_space<hbm>>) target(%dma_start3A_196 : memref<256xi32, #tpu.memory_space<vmem>>) target_semaphore(%arg10 : memref<!tpu.dma_semaphore, #tpu.memory_space<semaphore_mem>>)
    %dma_start3A_198 = arith.constant 2 : i32
    %dma_start3A_199 = arith.constant 0 : i32
    %dma_start3A_200 = tpu.memref_slice %arg7[%dma_start3A_198, %dma_start3A_199] : memref<3x256xi32, #tpu.memory_space<vmem>> -> memref<1x256xi32, #tpu.memory_space<vmem>>
    %dma_start3A_201 = tpu.memref_squeeze %dma_start3A_200 : memref<1x256xi32, #tpu.memory_space<vmem>> -> memref<256xi32, #tpu.memory_space<vmem>>
    %dma_start3A_202 = tpu.memref_slice %arg3[%mul3A_188] : memref<2097152xi32, #tpu.memory_space<hbm>> -> memref<256xi32, #tpu.memory_space<hbm>>
    %dma_start3A_203 = arith.constant 0 : i32
    %dma_start3A_204 = tpu.memref_slice %arg7[%dma_start3A_198, %dma_start3A_203] : memref<3x256xi32, #tpu.memory_space<vmem>> -> memref<1x256xi32, #tpu.memory_space<vmem>>
    %dma_start3A_205 = tpu.memref_squeeze %dma_start3A_204 : memref<1x256xi32, #tpu.memory_space<vmem>> -> memref<256xi32, #tpu.memory_space<vmem>>
    %dma_start3A_206 = tpu.memref_slice %arg3[%mul3A_188] : memref<2097152xi32, #tpu.memory_space<hbm>> -> memref<256xi32, #tpu.memory_space<hbm>>
    tpu.enqueue_dma source(%dma_start3A_206 : memref<256xi32, #tpu.memory_space<hbm>>) target(%dma_start3A_205 : memref<256xi32, #tpu.memory_space<vmem>>) target_semaphore(%arg10 : memref<!tpu.dma_semaphore, #tpu.memory_space<semaphore_mem>>)
    %scan3A = arith.constant 0 : i32
    %scan3A_207 = arith.constant 0 : i32
    %scan3A_208 = arith.constant 85 : i32
    %scan3A_209 = arith.addi %scan3A_207, %scan3A_208 : i32
    %scan3A_210 = arith.constant 1 : i32
    scf.for %scan3A_289 = %scan3A_207 to %scan3A_209 step %scan3A_210  : i32 {
      %mul3A_290 = arith.constant 3 : i32
      %mul3A_291 = arith.muli %mul3A_290, %scan3A_289 : i32
      %add3A_292 = arith.constant 2 : i32
      %add3A_293 = arith.addi %mul3A_291, %add3A_292 : i32
      %lt3A = arith.constant 256 : i32
      %lt3A_294 = arith.cmpi slt, %add3A_293, %lt3A : i32
      %convert_element_type3A = arith.extui %lt3A_294 : i1 to i32
      %cond3A = arith.constant 0 : i32
      %cond3A_295 = arith.cmpi ne, %convert_element_type3A, %cond3A : i32
      scf.if %cond3A_295 {
        %add3A_648 = arith.constant 2 : i32
        %add3A_649 = arith.addi %mul3A_291, %add3A_648 : i32
        %mul3A_650 = arith.constant 2 : i32
        %mul3A_651 = arith.muli %add3A_649, %mul3A_650 : i32
        %add3A_652 = arith.addi %mul3A_2, %mul3A_651 : i32
        %mul3A_653 = arith.constant 128 : i32
        %mul3A_654 = arith.muli %add3A_652, %mul3A_653 : i32
        %dma_wait3A_655 = arith.constant 2 : i32
        %dma_wait3A_656 = arith.constant 0 : i32
        %dma_wait3A_657 = tpu.memref_slice %arg6[%dma_wait3A_655, %dma_wait3A_656] : memref<3x256xi32, #tpu.memory_space<vmem>> -> memref<1x256xi32, #tpu.memory_space<vmem>>
        %dma_wait3A_658 = tpu.memref_squeeze %dma_wait3A_657 : memref<1x256xi32, #tpu.memory_space<vmem>> -> memref<256xi32, #tpu.memory_space<vmem>>
        %dma_wait3A_659 = tpu.memref_slice %arg2[%mul3A_654] : memref<2097152xi32, #tpu.memory_space<hbm>> -> memref<256xi32, #tpu.memory_space<hbm>>
        %dma_wait3A_660 = arith.constant 0 : i32
        %dma_wait3A_661 = tpu.memref_slice %arg6[%dma_wait3A_655, %dma_wait3A_660] : memref<3x256xi32, #tpu.memory_space<vmem>> -> memref<1x256xi32, #tpu.memory_space<vmem>>
        %dma_wait3A_662 = tpu.memref_squeeze %dma_wait3A_661 : memref<1x256xi32, #tpu.memory_space<vmem>> -> memref<256xi32, #tpu.memory_space<vmem>>
        %dma_wait3A_663 = tpu.memref_slice %arg2[%mul3A_654] : memref<2097152xi32, #tpu.memory_space<hbm>> -> memref<256xi32, #tpu.memory_space<hbm>>
        tpu.wait_dma2 semaphore(%arg10 : memref<!tpu.dma_semaphore, #tpu.memory_space<semaphore_mem>>) src(%dma_wait3A_663 : memref<256xi32, #tpu.memory_space<hbm>>) dst(%dma_wait3A_662 : memref<256xi32, #tpu.memory_space<vmem>>)
        %dma_wait3A_664 = arith.constant 2 : i32
        %dma_wait3A_665 = arith.constant 0 : i32
        %dma_wait3A_666 = tpu.memref_slice %arg7[%dma_wait3A_664, %dma_wait3A_665] : memref<3x256xi32, #tpu.memory_space<vmem>> -> memref<1x256xi32, #tpu.memory_space<vmem>>
        %dma_wait3A_667 = tpu.memref_squeeze %dma_wait3A_666 : memref<1x256xi32, #tpu.memory_space<vmem>> -> memref<256xi32, #tpu.memory_space<vmem>>
        %dma_wait3A_668 = tpu.memref_slice %arg3[%mul3A_654] : memref<2097152xi32, #tpu.memory_space<hbm>> -> memref<256xi32, #tpu.memory_space<hbm>>
        %dma_wait3A_669 = arith.constant 0 : i32
        %dma_wait3A_670 = tpu.memref_slice %arg7[%dma_wait3A_664, %dma_wait3A_669] : memref<3x256xi32, #tpu.memory_space<vmem>> -> memref<1x256xi32, #tpu.memory_space<vmem>>
        %dma_wait3A_671 = tpu.memref_squeeze %dma_wait3A_670 : memref<1x256xi32, #tpu.memory_space<vmem>> -> memref<256xi32, #tpu.memory_space<vmem>>
        %dma_wait3A_672 = tpu.memref_slice %arg3[%mul3A_654] : memref<2097152xi32, #tpu.memory_space<hbm>> -> memref<256xi32, #tpu.memory_space<hbm>>
        tpu.wait_dma2 semaphore(%arg10 : memref<!tpu.dma_semaphore, #tpu.memory_space<semaphore_mem>>) src(%dma_wait3A_672 : memref<256xi32, #tpu.memory_space<hbm>>) dst(%dma_wait3A_671 : memref<256xi32, #tpu.memory_space<vmem>>)
        %dma_start3A_673 = arith.constant 2 : i32
        %dma_start3A_674 = arith.constant 2 : i32
        %dma_start3A_675 = arith.constant 0 : i32
        %dma_start3A_676 = arith.constant 0 : i32
        %dma_start3A_677 = tpu.memref_slice %arg8[%dma_start3A_674, %dma_start3A_675, %dma_start3A_676] : memref<3x400x64xf32, #tpu.memory_space<vmem>> -> memref<1x128x64xf32, #tpu.memory_space<vmem>>
        %dma_start3A_678 = tpu.memref_squeeze %dma_start3A_677 : memref<1x128x64xf32, #tpu.memory_space<vmem>> -> memref<128x64xf32, #tpu.memory_space<vmem>>
        %dma_start3A_679 = arith.constant 0 : i32
        %dma_start3A_680 = tpu.memref_slice %arg6[%dma_start3A_673, %dma_start3A_679] : memref<3x256xi32, #tpu.memory_space<vmem>> -> memref<1x128xi32, #tpu.memory_space<vmem>>
        %dma_start3A_681 = tpu.memref_squeeze %dma_start3A_680 : memref<1x128xi32, #tpu.memory_space<vmem>> -> memref<128xi32, #tpu.memory_space<vmem>>
        %dma_start3A_682 = arith.constant 0 : i32
        %dma_start3A_683 = arith.constant 0 : i32
        %dma_start3A_684 = tpu.memref_slice %arg4[%dma_start3A_682, %dma_start3A_683] : memref<1000000x64xf32, #tpu.memory_space<hbm>> -> memref<1000000x64xf32, #tpu.memory_space<hbm>>
        tpu.enqueue_indirect_dma source(%dma_start3A_684 : memref<1000000x64xf32, #tpu.memory_space<hbm>>) target(%dma_start3A_678 : memref<128x64xf32, #tpu.memory_space<vmem>>) offsets(%dma_start3A_681 : memref<128xi32, #tpu.memory_space<vmem>>) semaphore(%arg13 : memref<!tpu.dma_semaphore, #tpu.memory_space<semaphore_mem>>)
        %dma_start3A_685 = arith.constant 2 : i32
        %dma_start3A_686 = arith.constant 2 : i32
        %dma_start3A_687 = arith.constant 128 : i32
        %dma_start3A_688 = arith.constant 0 : i32
        %dma_start3A_689 = tpu.memref_slice %arg8[%dma_start3A_686, %dma_start3A_687, %dma_start3A_688] : memref<3x400x64xf32, #tpu.memory_space<vmem>> -> memref<1x72x64xf32, #tpu.memory_space<vmem>>
        %dma_start3A_690 = tpu.memref_squeeze %dma_start3A_689 : memref<1x72x64xf32, #tpu.memory_space<vmem>> -> memref<72x64xf32, #tpu.memory_space<vmem>>
        %dma_start3A_691 = arith.constant 0 : i32
        %dma_start3A_692 = tpu.memref_slice %arg7[%dma_start3A_685, %dma_start3A_691] : memref<3x256xi32, #tpu.memory_space<vmem>> -> memref<1x72xi32, #tpu.memory_space<vmem>>
        %dma_start3A_693 = tpu.memref_squeeze %dma_start3A_692 : memref<1x72xi32, #tpu.memory_space<vmem>> -> memref<72xi32, #tpu.memory_space<vmem>>
        %dma_start3A_694 = arith.constant 0 : i32
        %dma_start3A_695 = arith.constant 0 : i32
        %dma_start3A_696 = tpu.memref_slice %arg4[%dma_start3A_694, %dma_start3A_695] : memref<1000000x64xf32, #tpu.memory_space<hbm>> -> memref<1000000x64xf32, #tpu.memory_space<hbm>>
        tpu.enqueue_indirect_dma source(%dma_start3A_696 : memref<1000000x64xf32, #tpu.memory_space<hbm>>) target(%dma_start3A_690 : memref<72x64xf32, #tpu.memory_space<vmem>>) offsets(%dma_start3A_693 : memref<72xi32, #tpu.memory_space<vmem>>) semaphore(%arg13 : memref<!tpu.dma_semaphore, #tpu.memory_space<semaphore_mem>>)
        %dma_start3A_697 = arith.constant 2 : i32
        %dma_start3A_698 = arith.constant 2 : i32
        %dma_start3A_699 = arith.constant 200 : i32
        %dma_start3A_700 = arith.constant 0 : i32
        %dma_start3A_701 = tpu.memref_slice %arg8[%dma_start3A_698, %dma_start3A_699, %dma_start3A_700] : memref<3x400x64xf32, #tpu.memory_space<vmem>> -> memref<1x128x64xf32, #tpu.memory_space<vmem>>
        %dma_start3A_702 = tpu.memref_squeeze %dma_start3A_701 : memref<1x128x64xf32, #tpu.memory_space<vmem>> -> memref<128x64xf32, #tpu.memory_space<vmem>>
        %dma_start3A_703 = arith.constant 128 : i32
        %dma_start3A_704 = tpu.memref_slice %arg6[%dma_start3A_697, %dma_start3A_703] : memref<3x256xi32, #tpu.memory_space<vmem>> -> memref<1x128xi32, #tpu.memory_space<vmem>>
        %dma_start3A_705 = tpu.memref_squeeze %dma_start3A_704 : memref<1x128xi32, #tpu.memory_space<vmem>> -> memref<128xi32, #tpu.memory_space<vmem>>
        %dma_start3A_706 = arith.constant 0 : i32
        %dma_start3A_707 = arith.constant 0 : i32
        %dma_start3A_708 = tpu.memref_slice %arg4[%dma_start3A_706, %dma_start3A_707] : memref<1000000x64xf32, #tpu.memory_space<hbm>> -> memref<1000000x64xf32, #tpu.memory_space<hbm>>
        tpu.enqueue_indirect_dma source(%dma_start3A_708 : memref<1000000x64xf32, #tpu.memory_space<hbm>>) target(%dma_start3A_702 : memref<128x64xf32, #tpu.memory_space<vmem>>) offsets(%dma_start3A_705 : memref<128xi32, #tpu.memory_space<vmem>>) semaphore(%arg13 : memref<!tpu.dma_semaphore, #tpu.memory_space<semaphore_mem>>)
        %dma_start3A_709 = arith.constant 2 : i32
        %dma_start3A_710 = arith.constant 2 : i32
        %dma_start3A_711 = arith.constant 328 : i32
        %dma_start3A_712 = arith.constant 0 : i32
        %dma_start3A_713 = tpu.memref_slice %arg8[%dma_start3A_710, %dma_start3A_711, %dma_start3A_712] : memref<3x400x64xf32, #tpu.memory_space<vmem>> -> memref<1x72x64xf32, #tpu.memory_space<vmem>>
        %dma_start3A_714 = tpu.memref_squeeze %dma_start3A_713 : memref<1x72x64xf32, #tpu.memory_space<vmem>> -> memref<72x64xf32, #tpu.memory_space<vmem>>
        %dma_start3A_715 = arith.constant 128 : i32
        %dma_start3A_716 = tpu.memref_slice %arg7[%dma_start3A_709, %dma_start3A_715] : memref<3x256xi32, #tpu.memory_space<vmem>> -> memref<1x72xi32, #tpu.memory_space<vmem>>
        %dma_start3A_717 = tpu.memref_squeeze %dma_start3A_716 : memref<1x72xi32, #tpu.memory_space<vmem>> -> memref<72xi32, #tpu.memory_space<vmem>>
        %dma_start3A_718 = arith.constant 0 : i32
        %dma_start3A_719 = arith.constant 0 : i32
        %dma_start3A_720 = tpu.memref_slice %arg4[%dma_start3A_718, %dma_start3A_719] : memref<1000000x64xf32, #tpu.memory_space<hbm>> -> memref<1000000x64xf32, #tpu.memory_space<hbm>>
        tpu.enqueue_indirect_dma source(%dma_start3A_720 : memref<1000000x64xf32, #tpu.memory_space<hbm>>) target(%dma_start3A_714 : memref<72x64xf32, #tpu.memory_space<vmem>>) offsets(%dma_start3A_717 : memref<72xi32, #tpu.memory_space<vmem>>) semaphore(%arg13 : memref<!tpu.dma_semaphore, #tpu.memory_space<semaphore_mem>>)
      } else {
      }
      %dma_wait3A_296 = arith.constant 0 : i32
      %dma_wait3A_297 = arith.constant 0 : i32
      %dma_wait3A_298 = arith.constant 0 : i32
      %dma_wait3A_299 = tpu.memref_slice %arg8[%dma_wait3A_296, %dma_wait3A_297, %dma_wait3A_298] : memref<3x400x64xf32, #tpu.memory_space<vmem>> -> memref<1x400x64xf32, #tpu.memory_space<vmem>>
      %dma_wait3A_300 = tpu.memref_squeeze %dma_wait3A_299 : memref<1x400x64xf32, #tpu.memory_space<vmem>> -> memref<400x64xf32, #tpu.memory_space<vmem>>
      %dma_wait3A_301 = arith.constant 0 : i32
      %dma_wait3A_302 = arith.constant 0 : i32
      %dma_wait3A_303 = tpu.memref_slice %arg4[%dma_wait3A_301, %dma_wait3A_302] : memref<1000000x64xf32, #tpu.memory_space<hbm>> -> memref<400x64xf32, #tpu.memory_space<hbm>>
      %dma_wait3A_304 = arith.constant 0 : i32
      %dma_wait3A_305 = arith.constant 0 : i32
      %dma_wait3A_306 = tpu.memref_slice %arg8[%dma_wait3A_296, %dma_wait3A_304, %dma_wait3A_305] : memref<3x400x64xf32, #tpu.memory_space<vmem>> -> memref<1x400x64xf32, #tpu.memory_space<vmem>>
      %dma_wait3A_307 = tpu.memref_squeeze %dma_wait3A_306 : memref<1x400x64xf32, #tpu.memory_space<vmem>> -> memref<400x64xf32, #tpu.memory_space<vmem>>
      %dma_wait3A_308 = arith.constant 0 : i32
      %dma_wait3A_309 = arith.constant 0 : i32
      %dma_wait3A_310 = tpu.memref_slice %arg4[%dma_wait3A_308, %dma_wait3A_309] : memref<1000000x64xf32, #tpu.memory_space<hbm>> -> memref<400x64xf32, #tpu.memory_space<hbm>>
      tpu.wait_dma2 semaphore(%arg11 : memref<!tpu.dma_semaphore, #tpu.memory_space<semaphore_mem>>) src(%dma_wait3A_310 : memref<400x64xf32, #tpu.memory_space<hbm>>) dst(%dma_wait3A_307 : memref<400x64xf32, #tpu.memory_space<vmem>>)
      %add3A_311 = arith.constant 3 : i32
      %add3A_312 = arith.addi %mul3A_291, %add3A_311 : i32
      %lt3A_313 = arith.constant 256 : i32
      %lt3A_314 = arith.cmpi slt, %add3A_312, %lt3A_313 : i32
      %convert_element_type3A_315 = arith.extui %lt3A_314 : i1 to i32
      %cond3A_316 = arith.constant 0 : i32
      %cond3A_317 = arith.cmpi ne, %convert_element_type3A_315, %cond3A_316 : i32
      scf.if %cond3A_317 {
        %add3A_648 = arith.constant 3 : i32
        %add3A_649 = arith.addi %mul3A_291, %add3A_648 : i32
        %mul3A_650 = arith.constant 2 : i32
        %mul3A_651 = arith.muli %add3A_649, %mul3A_650 : i32
        %add3A_652 = arith.addi %mul3A_2, %mul3A_651 : i32
        %mul3A_653 = arith.constant 128 : i32
        %mul3A_654 = arith.muli %add3A_652, %mul3A_653 : i32
        %dma_start3A_655 = arith.constant 0 : i32
        %dma_start3A_656 = arith.constant 0 : i32
        %dma_start3A_657 = tpu.memref_slice %arg6[%dma_start3A_655, %dma_start3A_656] : memref<3x256xi32, #tpu.memory_space<vmem>> -> memref<1x256xi32, #tpu.memory_space<vmem>>
        %dma_start3A_658 = tpu.memref_squeeze %dma_start3A_657 : memref<1x256xi32, #tpu.memory_space<vmem>> -> memref<256xi32, #tpu.memory_space<vmem>>
        %dma_start3A_659 = tpu.memref_slice %arg2[%mul3A_654] : memref<2097152xi32, #tpu.memory_space<hbm>> -> memref<256xi32, #tpu.memory_space<hbm>>
        %dma_start3A_660 = arith.constant 0 : i32
        %dma_start3A_661 = tpu.memref_slice %arg6[%dma_start3A_655, %dma_start3A_660] : memref<3x256xi32, #tpu.memory_space<vmem>> -> memref<1x256xi32, #tpu.memory_space<vmem>>
        %dma_start3A_662 = tpu.memref_squeeze %dma_start3A_661 : memref<1x256xi32, #tpu.memory_space<vmem>> -> memref<256xi32, #tpu.memory_space<vmem>>
        %dma_start3A_663 = tpu.memref_slice %arg2[%mul3A_654] : memref<2097152xi32, #tpu.memory_space<hbm>> -> memref<256xi32, #tpu.memory_space<hbm>>
        tpu.enqueue_dma source(%dma_start3A_663 : memref<256xi32, #tpu.memory_space<hbm>>) target(%dma_start3A_662 : memref<256xi32, #tpu.memory_space<vmem>>) target_semaphore(%arg10 : memref<!tpu.dma_semaphore, #tpu.memory_space<semaphore_mem>>)
        %dma_start3A_664 = arith.constant 0 : i32
        %dma_start3A_665 = arith.constant 0 : i32
        %dma_start3A_666 = tpu.memref_slice %arg7[%dma_start3A_664, %dma_start3A_665] : memref<3x256xi32, #tpu.memory_space<vmem>> -> memref<1x256xi32, #tpu.memory_space<vmem>>
        %dma_start3A_667 = tpu.memref_squeeze %dma_start3A_666 : memref<1x256xi32, #tpu.memory_space<vmem>> -> memref<256xi32, #tpu.memory_space<vmem>>
        %dma_start3A_668 = tpu.memref_slice %arg3[%mul3A_654] : memref<2097152xi32, #tpu.memory_space<hbm>> -> memref<256xi32, #tpu.memory_space<hbm>>
        %dma_start3A_669 = arith.constant 0 : i32
        %dma_start3A_670 = tpu.memref_slice %arg7[%dma_start3A_664, %dma_start3A_669] : memref<3x256xi32, #tpu.memory_space<vmem>> -> memref<1x256xi32, #tpu.memory_space<vmem>>
        %dma_start3A_671 = tpu.memref_squeeze %dma_start3A_670 : memref<1x256xi32, #tpu.memory_space<vmem>> -> memref<256xi32, #tpu.memory_space<vmem>>
        %dma_start3A_672 = tpu.memref_slice %arg3[%mul3A_654] : memref<2097152xi32, #tpu.memory_space<hbm>> -> memref<256xi32, #tpu.memory_space<hbm>>
        tpu.enqueue_dma source(%dma_start3A_672 : memref<256xi32, #tpu.memory_space<hbm>>) target(%dma_start3A_671 : memref<256xi32, #tpu.memory_space<vmem>>) target_semaphore(%arg10 : memref<!tpu.dma_semaphore, #tpu.memory_space<semaphore_mem>>)
      } else {
      }
      %broadcast_in_dim3A_318 = arith.constant 0.000000e+00 : f32
      %broadcast_in_dim3A_319 = vector.broadcast %broadcast_in_dim3A_318 : f32 to vector<16xf32>
      %scan3A_320 = arith.constant 0 : i32
      %scan3A_321 = arith.constant 25 : i32
      %scan3A_322 = arith.addi %scan3A_320, %scan3A_321 : i32
      %scan3A_323 = arith.constant 1 : i32
      %scan3A_324:4 = scf.for %scan3A_648 = %scan3A_320 to %scan3A_322 step %scan3A_323 iter_args(%scan3A_649 = %broadcast_in_dim3A_319, %scan3A_650 = %broadcast_in_dim3A_319, %scan3A_651 = %broadcast_in_dim3A_319, %scan3A_652 = %broadcast_in_dim3A_319) -> (vector<16xf32>, vector<16xf32>, vector<16xf32>, vector<16xf32>)  : i32 {
        %mul3A_653 = arith.constant 8 : i32
        %mul3A_654 = arith.muli %scan3A_648, %mul3A_653 : i32
        %add3A_655 = arith.constant 0 : i32
        %add3A_656 = arith.addi %add3A_655, %mul3A_654 : i32
        %add3A_657 = arith.constant 0 : i32
        %add3A_658 = arith.addi %add3A_656, %add3A_657 : i32
        %get3A = arith.constant 0 : i32
        %get3A_659 = arith.index_cast %get3A : i32 to index
        %get3A_660 = arith.index_cast %add3A_658 : i32 to index
        %get3A_661 = arith.constant 0 : index
        %get3A_662 = tpu.vector_load %arg8[%get3A_659, %get3A_660, %get3A_661] {strides = array<i32>} : memref<3x400x64xf32, #tpu.memory_space<vmem>>, vector<1x1x16xf32>,
        %get3A_663 = vector.shape_cast %get3A_662 : vector<1x1x16xf32> to vector<16xf32>
        %add3A_664 = arith.constant 1 : i32
        %add3A_665 = arith.addi %add3A_656, %add3A_664 : i32
        %get3A_666 = arith.constant 0 : i32
        %get3A_667 = arith.index_cast %get3A_666 : i32 to index
        %get3A_668 = arith.index_cast %add3A_665 : i32 to index
        %get3A_669 = arith.constant 0 : index
        %get3A_670 = tpu.vector_load %arg8[%get3A_667, %get3A_668, %get3A_669] {strides = array<i32>} : memref<3x400x64xf32, #tpu.memory_space<vmem>>, vector<1x1x16xf32>,
        %get3A_671 = vector.shape_cast %get3A_670 : vector<1x1x16xf32> to vector<16xf32>
        %add3A_672 = arith.constant 2 : i32
        %add3A_673 = arith.addi %add3A_656, %add3A_672 : i32
        %get3A_674 = arith.constant 0 : i32
        %get3A_675 = arith.index_cast %get3A_674 : i32 to index
        %get3A_676 = arith.index_cast %add3A_673 : i32 to index
        %get3A_677 = arith.constant 0 : index
        %get3A_678 = tpu.vector_load %arg8[%get3A_675, %get3A_676, %get3A_677] {strides = array<i32>} : memref<3x400x64xf32, #tpu.memory_space<vmem>>, vector<1x1x16xf32>,
        %get3A_679 = vector.shape_cast %get3A_678 : vector<1x1x16xf32> to vector<16xf32>
        %add3A_680 = arith.constant 3 : i32
        %add3A_681 = arith.addi %add3A_656, %add3A_680 : i32
        %get3A_682 = arith.constant 0 : i32
        %get3A_683 = arith.index_cast %get3A_682 : i32 to index
        %get3A_684 = arith.index_cast %add3A_681 : i32 to index
        %get3A_685 = arith.constant 0 : index
        %get3A_686 = tpu.vector_load %arg8[%get3A_683, %get3A_684, %get3A_685] {strides = array<i32>} : memref<3x400x64xf32, #tpu.memory_space<vmem>>, vector<1x1x16xf32>,
        %get3A_687 = vector.shape_cast %get3A_686 : vector<1x1x16xf32> to vector<16xf32>
        %add3A_688 = arith.constant 4 : i32
        %add3A_689 = arith.addi %add3A_656, %add3A_688 : i32
        %get3A_690 = arith.constant 0 : i32
        %get3A_691 = arith.index_cast %get3A_690 : i32 to index
        %get3A_692 = arith.index_cast %add3A_689 : i32 to index
        %get3A_693 = arith.constant 0 : index
        %get3A_694 = tpu.vector_load %arg8[%get3A_691, %get3A_692, %get3A_693] {strides = array<i32>} : memref<3x400x64xf32, #tpu.memory_space<vmem>>, vector<1x1x16xf32>,
        %get3A_695 = vector.shape_cast %get3A_694 : vector<1x1x16xf32> to vector<16xf32>
        %add3A_696 = arith.constant 5 : i32
        %add3A_697 = arith.addi %add3A_656, %add3A_696 : i32
        %get3A_698 = arith.constant 0 : i32
        %get3A_699 = arith.index_cast %get3A_698 : i32 to index
        %get3A_700 = arith.index_cast %add3A_697 : i32 to index
        %get3A_701 = arith.constant 0 : index
        %get3A_702 = tpu.vector_load %arg8[%get3A_699, %get3A_700, %get3A_701] {strides = array<i32>} : memref<3x400x64xf32, #tpu.memory_space<vmem>>, vector<1x1x16xf32>,
        %get3A_703 = vector.shape_cast %get3A_702 : vector<1x1x16xf32> to vector<16xf32>
        %add3A_704 = arith.constant 6 : i32
        %add3A_705 = arith.addi %add3A_656, %add3A_704 : i32
        %get3A_706 = arith.constant 0 : i32
        %get3A_707 = arith.index_cast %get3A_706 : i32 to index
        %get3A_708 = arith.index_cast %add3A_705 : i32 to index
        %get3A_709 = arith.constant 0 : index
        %get3A_710 = tpu.vector_load %arg8[%get3A_707, %get3A_708, %get3A_709] {strides = array<i32>} : memref<3x400x64xf32, #tpu.memory_space<vmem>>, vector<1x1x16xf32>,
        %get3A_711 = vector.shape_cast %get3A_710 : vector<1x1x16xf32> to vector<16xf32>
        %add3A_712 = arith.constant 7 : i32
        %add3A_713 = arith.addi %add3A_656, %add3A_712 : i32
        %get3A_714 = arith.constant 0 : i32
        %get3A_715 = arith.index_cast %get3A_714 : i32 to index
        %get3A_716 = arith.index_cast %add3A_713 : i32 to index
        %get3A_717 = arith.constant 0 : index
        %get3A_718 = tpu.vector_load %arg8[%get3A_715, %get3A_716, %get3A_717] {strides = array<i32>} : memref<3x400x64xf32, #tpu.memory_space<vmem>>, vector<1x1x16xf32>,
        %get3A_719 = vector.shape_cast %get3A_718 : vector<1x1x16xf32> to vector<16xf32>
        %add3A_720 = arith.addf %get3A_663, %get3A_671 : vector<16xf32>
        %add3A_721 = arith.addf %get3A_679, %get3A_687 : vector<16xf32>
        %add3A_722 = arith.addf %add3A_720, %add3A_721 : vector<16xf32>
        %add3A_723 = arith.addf %get3A_695, %get3A_703 : vector<16xf32>
        %add3A_724 = arith.addf %get3A_711, %get3A_719 : vector<16xf32>
        %add3A_725 = arith.addf %add3A_723, %add3A_724 : vector<16xf32>
        %add3A_726 = arith.addf %add3A_722, %add3A_725 : vector<16xf32>
        %add3A_727 = arith.addf %scan3A_649, %add3A_726 : vector<16xf32>
        %add3A_728 = arith.constant 0 : i32
        %add3A_729 = arith.addi %add3A_656, %add3A_728 : i32
        %get3A_730 = arith.constant 0 : i32
        %get3A_731 = arith.index_cast %get3A_730 : i32 to index
        %get3A_732 = arith.index_cast %add3A_729 : i32 to index
        %get3A_733 = arith.constant 16 : index
        %get3A_734 = tpu.vector_load %arg8[%get3A_731, %get3A_732, %get3A_733] {strides = array<i32>} : memref<3x400x64xf32, #tpu.memory_space<vmem>>, vector<1x1x16xf32>,
        %get3A_735 = vector.shape_cast %get3A_734 : vector<1x1x16xf32> to vector<16xf32>
        %add3A_736 = arith.constant 1 : i32
        %add3A_737 = arith.addi %add3A_656, %add3A_736 : i32
        %get3A_738 = arith.constant 0 : i32
        %get3A_739 = arith.index_cast %get3A_738 : i32 to index
        %get3A_740 = arith.index_cast %add3A_737 : i32 to index
        %get3A_741 = arith.constant 16 : index
        %get3A_742 = tpu.vector_load %arg8[%get3A_739, %get3A_740, %get3A_741] {strides = array<i32>} : memref<3x400x64xf32, #tpu.memory_space<vmem>>, vector<1x1x16xf32>,
        %get3A_743 = vector.shape_cast %get3A_742 : vector<1x1x16xf32> to vector<16xf32>
        %add3A_744 = arith.constant 2 : i32
        %add3A_745 = arith.addi %add3A_656, %add3A_744 : i32
        %get3A_746 = arith.constant 0 : i32
        %get3A_747 = arith.index_cast %get3A_746 : i32 to index
        %get3A_748 = arith.index_cast %add3A_745 : i32 to index
        %get3A_749 = arith.constant 16 : index
        %get3A_750 = tpu.vector_load %arg8[%get3A_747, %get3A_748, %get3A_749] {strides = array<i32>} : memref<3x400x64xf32, #tpu.memory_space<vmem>>, vector<1x1x16xf32>,
        %get3A_751 = vector.shape_cast %get3A_750 : vector<1x1x16xf32> to vector<16xf32>
        %add3A_752 = arith.constant 3 : i32
        %add3A_753 = arith.addi %add3A_656, %add3A_752 : i32
        %get3A_754 = arith.constant 0 : i32
        %get3A_755 = arith.index_cast %get3A_754 : i32 to index
        %get3A_756 = arith.index_cast %add3A_753 : i32 to index
        %get3A_757 = arith.constant 16 : index
        %get3A_758 = tpu.vector_load %arg8[%get3A_755, %get3A_756, %get3A_757] {strides = array<i32>} : memref<3x400x64xf32, #tpu.memory_space<vmem>>, vector<1x1x16xf32>,
        %get3A_759 = vector.shape_cast %get3A_758 : vector<1x1x16xf32> to vector<16xf32>
        %add3A_760 = arith.constant 4 : i32
        %add3A_761 = arith.addi %add3A_656, %add3A_760 : i32
        %get3A_762 = arith.constant 0 : i32
        %get3A_763 = arith.index_cast %get3A_762 : i32 to index
        %get3A_764 = arith.index_cast %add3A_761 : i32 to index
        %get3A_765 = arith.constant 16 : index
        %get3A_766 = tpu.vector_load %arg8[%get3A_763, %get3A_764, %get3A_765] {strides = array<i32>} : memref<3x400x64xf32, #tpu.memory_space<vmem>>, vector<1x1x16xf32>,
        %get3A_767 = vector.shape_cast %get3A_766 : vector<1x1x16xf32> to vector<16xf32>
        %add3A_768 = arith.constant 5 : i32
        %add3A_769 = arith.addi %add3A_656, %add3A_768 : i32
        %get3A_770 = arith.constant 0 : i32
        %get3A_771 = arith.index_cast %get3A_770 : i32 to index
        %get3A_772 = arith.index_cast %add3A_769 : i32 to index
        %get3A_773 = arith.constant 16 : index
        %get3A_774 = tpu.vector_load %arg8[%get3A_771, %get3A_772, %get3A_773] {strides = array<i32>} : memref<3x400x64xf32, #tpu.memory_space<vmem>>, vector<1x1x16xf32>,
        %get3A_775 = vector.shape_cast %get3A_774 : vector<1x1x16xf32> to vector<16xf32>
        %add3A_776 = arith.constant 6 : i32
        %add3A_777 = arith.addi %add3A_656, %add3A_776 : i32
        %get3A_778 = arith.constant 0 : i32
        %get3A_779 = arith.index_cast %get3A_778 : i32 to index
        %get3A_780 = arith.index_cast %add3A_777 : i32 to index
        %get3A_781 = arith.constant 16 : index
        %get3A_782 = tpu.vector_load %arg8[%get3A_779, %get3A_780, %get3A_781] {strides = array<i32>} : memref<3x400x64xf32, #tpu.memory_space<vmem>>, vector<1x1x16xf32>,
        %get3A_783 = vector.shape_cast %get3A_782 : vector<1x1x16xf32> to vector<16xf32>
        %add3A_784 = arith.constant 7 : i32
        %add3A_785 = arith.addi %add3A_656, %add3A_784 : i32
        %get3A_786 = arith.constant 0 : i32
        %get3A_787 = arith.index_cast %get3A_786 : i32 to index
        %get3A_788 = arith.index_cast %add3A_785 : i32 to index
        %get3A_789 = arith.constant 16 : index
        %get3A_790 = tpu.vector_load %arg8[%get3A_787, %get3A_788, %get3A_789] {strides = array<i32>} : memref<3x400x64xf32, #tpu.memory_space<vmem>>, vector<1x1x16xf32>,
        %get3A_791 = vector.shape_cast %get3A_790 : vector<1x1x16xf32> to vector<16xf32>
        %add3A_792 = arith.addf %get3A_735, %get3A_743 : vector<16xf32>
        %add3A_793 = arith.addf %get3A_751, %get3A_759 : vector<16xf32>
        %add3A_794 = arith.addf %add3A_792, %add3A_793 : vector<16xf32>
        %add3A_795 = arith.addf %get3A_767, %get3A_775 : vector<16xf32>
        %add3A_796 = arith.addf %get3A_783, %get3A_791 : vector<16xf32>
        %add3A_797 = arith.addf %add3A_795, %add3A_796 : vector<16xf32>
        %add3A_798 = arith.addf %add3A_794, %add3A_797 : vector<16xf32>
        %add3A_799 = arith.addf %scan3A_650, %add3A_798 : vector<16xf32>
        %add3A_800 = arith.constant 0 : i32
        %add3A_801 = arith.addi %add3A_656, %add3A_800 : i32
        %get3A_802 = arith.constant 0 : i32
        %get3A_803 = arith.index_cast %get3A_802 : i32 to index
        %get3A_804 = arith.index_cast %add3A_801 : i32 to index
        %get3A_805 = arith.constant 32 : index
        %get3A_806 = tpu.vector_load %arg8[%get3A_803, %get3A_804, %get3A_805] {strides = array<i32>} : memref<3x400x64xf32, #tpu.memory_space<vmem>>, vector<1x1x16xf32>,
        %get3A_807 = vector.shape_cast %get3A_806 : vector<1x1x16xf32> to vector<16xf32>
        %add3A_808 = arith.constant 1 : i32
        %add3A_809 = arith.addi %add3A_656, %add3A_808 : i32
        %get3A_810 = arith.constant 0 : i32
        %get3A_811 = arith.index_cast %get3A_810 : i32 to index
        %get3A_812 = arith.index_cast %add3A_809 : i32 to index
        %get3A_813 = arith.constant 32 : index
        %get3A_814 = tpu.vector_load %arg8[%get3A_811, %get3A_812, %get3A_813] {strides = array<i32>} : memref<3x400x64xf32, #tpu.memory_space<vmem>>, vector<1x1x16xf32>,
        %get3A_815 = vector.shape_cast %get3A_814 : vector<1x1x16xf32> to vector<16xf32>
        %add3A_816 = arith.constant 2 : i32
        %add3A_817 = arith.addi %add3A_656, %add3A_816 : i32
        %get3A_818 = arith.constant 0 : i32
        %get3A_819 = arith.index_cast %get3A_818 : i32 to index
        %get3A_820 = arith.index_cast %add3A_817 : i32 to index
        %get3A_821 = arith.constant 32 : index
        %get3A_822 = tpu.vector_load %arg8[%get3A_819, %get3A_820, %get3A_821] {strides = array<i32>} : memref<3x400x64xf32, #tpu.memory_space<vmem>>, vector<1x1x16xf32>,
        %get3A_823 = vector.shape_cast %get3A_822 : vector<1x1x16xf32> to vector<16xf32>
        %add3A_824 = arith.constant 3 : i32
        %add3A_825 = arith.addi %add3A_656, %add3A_824 : i32
        %get3A_826 = arith.constant 0 : i32
        %get3A_827 = arith.index_cast %get3A_826 : i32 to index
        %get3A_828 = arith.index_cast %add3A_825 : i32 to index
        %get3A_829 = arith.constant 32 : index
        %get3A_830 = tpu.vector_load %arg8[%get3A_827, %get3A_828, %get3A_829] {strides = array<i32>} : memref<3x400x64xf32, #tpu.memory_space<vmem>>, vector<1x1x16xf32>,
        %get3A_831 = vector.shape_cast %get3A_830 : vector<1x1x16xf32> to vector<16xf32>
        %add3A_832 = arith.constant 4 : i32
        %add3A_833 = arith.addi %add3A_656, %add3A_832 : i32
        %get3A_834 = arith.constant 0 : i32
        %get3A_835 = arith.index_cast %get3A_834 : i32 to index
        %get3A_836 = arith.index_cast %add3A_833 : i32 to index
        %get3A_837 = arith.constant 32 : index
        %get3A_838 = tpu.vector_load %arg8[%get3A_835, %get3A_836, %get3A_837] {strides = array<i32>} : memref<3x400x64xf32, #tpu.memory_space<vmem>>, vector<1x1x16xf32>,
        %get3A_839 = vector.shape_cast %get3A_838 : vector<1x1x16xf32> to vector<16xf32>
        %add3A_840 = arith.constant 5 : i32
        %add3A_841 = arith.addi %add3A_656, %add3A_840 : i32
        %get3A_842 = arith.constant 0 : i32
        %get3A_843 = arith.index_cast %get3A_842 : i32 to index
        %get3A_844 = arith.index_cast %add3A_841 : i32 to index
        %get3A_845 = arith.constant 32 : index
        %get3A_846 = tpu.vector_load %arg8[%get3A_843, %get3A_844, %get3A_845] {strides = array<i32>} : memref<3x400x64xf32, #tpu.memory_space<vmem>>, vector<1x1x16xf32>,
        %get3A_847 = vector.shape_cast %get3A_846 : vector<1x1x16xf32> to vector<16xf32>
        %add3A_848 = arith.constant 6 : i32
        %add3A_849 = arith.addi %add3A_656, %add3A_848 : i32
        %get3A_850 = arith.constant 0 : i32
        %get3A_851 = arith.index_cast %get3A_850 : i32 to index
        %get3A_852 = arith.index_cast %add3A_849 : i32 to index
        %get3A_853 = arith.constant 32 : index
        %get3A_854 = tpu.vector_load %arg8[%get3A_851, %get3A_852, %get3A_853] {strides = array<i32>} : memref<3x400x64xf32, #tpu.memory_space<vmem>>, vector<1x1x16xf32>,
        %get3A_855 = vector.shape_cast %get3A_854 : vector<1x1x16xf32> to vector<16xf32>
        %add3A_856 = arith.constant 7 : i32
        %add3A_857 = arith.addi %add3A_656, %add3A_856 : i32
        %get3A_858 = arith.constant 0 : i32
        %get3A_859 = arith.index_cast %get3A_858 : i32 to index
        %get3A_860 = arith.index_cast %add3A_857 : i32 to index
        %get3A_861 = arith.constant 32 : index
        %get3A_862 = tpu.vector_load %arg8[%get3A_859, %get3A_860, %get3A_861] {strides = array<i32>} : memref<3x400x64xf32, #tpu.memory_space<vmem>>, vector<1x1x16xf32>,
        %get3A_863 = vector.shape_cast %get3A_862 : vector<1x1x16xf32> to vector<16xf32>
        %add3A_864 = arith.addf %get3A_807, %get3A_815 : vector<16xf32>
        %add3A_865 = arith.addf %get3A_823, %get3A_831 : vector<16xf32>
        %add3A_866 = arith.addf %add3A_864, %add3A_865 : vector<16xf32>
        %add3A_867 = arith.addf %get3A_839, %get3A_847 : vector<16xf32>
        %add3A_868 = arith.addf %get3A_855, %get3A_863 : vector<16xf32>
        %add3A_869 = arith.addf %add3A_867, %add3A_868 : vector<16xf32>
        %add3A_870 = arith.addf %add3A_866, %add3A_869 : vector<16xf32>
        %add3A_871 = arith.addf %scan3A_651, %add3A_870 : vector<16xf32>
        %add3A_872 = arith.constant 0 : i32
        %add3A_873 = arith.addi %add3A_656, %add3A_872 : i32
        %get3A_874 = arith.constant 0 : i32
        %get3A_875 = arith.index_cast %get3A_874 : i32 to index
        %get3A_876 = arith.index_cast %add3A_873 : i32 to index
        %get3A_877 = arith.constant 48 : index
        %get3A_878 = tpu.vector_load %arg8[%get3A_875, %get3A_876, %get3A_877] {strides = array<i32>} : memref<3x400x64xf32, #tpu.memory_space<vmem>>, vector<1x1x16xf32>,
        %get3A_879 = vector.shape_cast %get3A_878 : vector<1x1x16xf32> to vector<16xf32>
        %add3A_880 = arith.constant 1 : i32
        %add3A_881 = arith.addi %add3A_656, %add3A_880 : i32
        %get3A_882 = arith.constant 0 : i32
        %get3A_883 = arith.index_cast %get3A_882 : i32 to index
        %get3A_884 = arith.index_cast %add3A_881 : i32 to index
        %get3A_885 = arith.constant 48 : index
        %get3A_886 = tpu.vector_load %arg8[%get3A_883, %get3A_884, %get3A_885] {strides = array<i32>} : memref<3x400x64xf32, #tpu.memory_space<vmem>>, vector<1x1x16xf32>,
        %get3A_887 = vector.shape_cast %get3A_886 : vector<1x1x16xf32> to vector<16xf32>
        %add3A_888 = arith.constant 2 : i32
        %add3A_889 = arith.addi %add3A_656, %add3A_888 : i32
        %get3A_890 = arith.constant 0 : i32
        %get3A_891 = arith.index_cast %get3A_890 : i32 to index
        %get3A_892 = arith.index_cast %add3A_889 : i32 to index
        %get3A_893 = arith.constant 48 : index
        %get3A_894 = tpu.vector_load %arg8[%get3A_891, %get3A_892, %get3A_893] {strides = array<i32>} : memref<3x400x64xf32, #tpu.memory_space<vmem>>, vector<1x1x16xf32>,
        %get3A_895 = vector.shape_cast %get3A_894 : vector<1x1x16xf32> to vector<16xf32>
        %add3A_896 = arith.constant 3 : i32
        %add3A_897 = arith.addi %add3A_656, %add3A_896 : i32
        %get3A_898 = arith.constant 0 : i32
        %get3A_899 = arith.index_cast %get3A_898 : i32 to index
        %get3A_900 = arith.index_cast %add3A_897 : i32 to index
        %get3A_901 = arith.constant 48 : index
        %get3A_902 = tpu.vector_load %arg8[%get3A_899, %get3A_900, %get3A_901] {strides = array<i32>} : memref<3x400x64xf32, #tpu.memory_space<vmem>>, vector<1x1x16xf32>,
        %get3A_903 = vector.shape_cast %get3A_902 : vector<1x1x16xf32> to vector<16xf32>
        %add3A_904 = arith.constant 4 : i32
        %add3A_905 = arith.addi %add3A_656, %add3A_904 : i32
        %get3A_906 = arith.constant 0 : i32
        %get3A_907 = arith.index_cast %get3A_906 : i32 to index
        %get3A_908 = arith.index_cast %add3A_905 : i32 to index
        %get3A_909 = arith.constant 48 : index
        %get3A_910 = tpu.vector_load %arg8[%get3A_907, %get3A_908, %get3A_909] {strides = array<i32>} : memref<3x400x64xf32, #tpu.memory_space<vmem>>, vector<1x1x16xf32>,
        %get3A_911 = vector.shape_cast %get3A_910 : vector<1x1x16xf32> to vector<16xf32>
        %add3A_912 = arith.constant 5 : i32
        %add3A_913 = arith.addi %add3A_656, %add3A_912 : i32
        %get3A_914 = arith.constant 0 : i32
        %get3A_915 = arith.index_cast %get3A_914 : i32 to index
        %get3A_916 = arith.index_cast %add3A_913 : i32 to index
        %get3A_917 = arith.constant 48 : index
        %get3A_918 = tpu.vector_load %arg8[%get3A_915, %get3A_916, %get3A_917] {strides = array<i32>} : memref<3x400x64xf32, #tpu.memory_space<vmem>>, vector<1x1x16xf32>,
        %get3A_919 = vector.shape_cast %get3A_918 : vector<1x1x16xf32> to vector<16xf32>
        %add3A_920 = arith.constant 6 : i32
        %add3A_921 = arith.addi %add3A_656, %add3A_920 : i32
        %get3A_922 = arith.constant 0 : i32
        %get3A_923 = arith.index_cast %get3A_922 : i32 to index
        %get3A_924 = arith.index_cast %add3A_921 : i32 to index
        %get3A_925 = arith.constant 48 : index
        %get3A_926 = tpu.vector_load %arg8[%get3A_923, %get3A_924, %get3A_925] {strides = array<i32>} : memref<3x400x64xf32, #tpu.memory_space<vmem>>, vector<1x1x16xf32>,
        %get3A_927 = vector.shape_cast %get3A_926 : vector<1x1x16xf32> to vector<16xf32>
        %add3A_928 = arith.constant 7 : i32
        %add3A_929 = arith.addi %add3A_656, %add3A_928 : i32
        %get3A_930 = arith.constant 0 : i32
        %get3A_931 = arith.index_cast %get3A_930 : i32 to index
        %get3A_932 = arith.index_cast %add3A_929 : i32 to index
        %get3A_933 = arith.constant 48 : index
        %get3A_934 = tpu.vector_load %arg8[%get3A_931, %get3A_932, %get3A_933] {strides = array<i32>} : memref<3x400x64xf32, #tpu.memory_space<vmem>>, vector<1x1x16xf32>,
        %get3A_935 = vector.shape_cast %get3A_934 : vector<1x1x16xf32> to vector<16xf32>
        %add3A_936 = arith.addf %get3A_879, %get3A_887 : vector<16xf32>
        %add3A_937 = arith.addf %get3A_895, %get3A_903 : vector<16xf32>
        %add3A_938 = arith.addf %add3A_936, %add3A_937 : vector<16xf32>
        %add3A_939 = arith.addf %get3A_911, %get3A_919 : vector<16xf32>
        %add3A_940 = arith.addf %get3A_927, %get3A_935 : vector<16xf32>
        %add3A_941 = arith.addf %add3A_939, %add3A_940 : vector<16xf32>
        %add3A_942 = arith.addf %add3A_938, %add3A_941 : vector<16xf32>
        %add3A_943 = arith.addf %scan3A_652, %add3A_942 : vector<16xf32>
        scf.yield %add3A_727, %add3A_799, %add3A_871, %add3A_943 : vector<16xf32>, vector<16xf32>, vector<16xf32>, vector<16xf32>
      }
      %scan3A_325 = arith.constant 25 : i32
      %mul3A_326 = arith.constant 2 : i32
      %mul3A_327 = arith.muli %mul3A_291, %mul3A_326 : i32
      %add3A_328 = arith.constant 0 : i32
      %add3A_329 = arith.addi %mul3A_327, %add3A_328 : i32
      %swap3A_330 = arith.index_cast %add3A_329 : i32 to index
      %swap3A_331 = arith.constant 0 : index
      %swap3A_332 = tpu.vector_load %arg9[%swap3A_330, %swap3A_331] {strides = array<i32>} : memref<512x64xf32, #tpu.memory_space<vmem>>, vector<1x16xf32>,
      %swap3A_333 = vector.shape_cast %swap3A_332 : vector<1x16xf32> to vector<16xf32>
      %swap3A_334 = vector.shape_cast %scan3A_324#0 : vector<16xf32> to vector<1x16xf32>
      tpu.vector_store %arg9[%swap3A_330, %swap3A_331], %swap3A_334 {strides = array<i32>} : memref<512x64xf32, #tpu.memory_space<vmem>>, vector<1x16xf32>,
      %mul3A_335 = arith.constant 2 : i32
      %mul3A_336 = arith.muli %mul3A_291, %mul3A_335 : i32
      %add3A_337 = arith.constant 0 : i32
      %add3A_338 = arith.addi %mul3A_336, %add3A_337 : i32
      %swap3A_339 = arith.index_cast %add3A_338 : i32 to index
      %swap3A_340 = arith.constant 16 : index
      %swap3A_341 = tpu.vector_load %arg9[%swap3A_339, %swap3A_340] {strides = array<i32>} : memref<512x64xf32, #tpu.memory_space<vmem>>, vector<1x16xf32>,
      %swap3A_342 = vector.shape_cast %swap3A_341 : vector<1x16xf32> to vector<16xf32>
      %swap3A_343 = vector.shape_cast %scan3A_324#1 : vector<16xf32> to vector<1x16xf32>
      tpu.vector_store %arg9[%swap3A_339, %swap3A_340], %swap3A_343 {strides = array<i32>} : memref<512x64xf32, #tpu.memory_space<vmem>>, vector<1x16xf32>,
      %mul3A_344 = arith.constant 2 : i32
      %mul3A_345 = arith.muli %mul3A_291, %mul3A_344 : i32
      %add3A_346 = arith.constant 0 : i32
      %add3A_347 = arith.addi %mul3A_345, %add3A_346 : i32
      %swap3A_348 = arith.index_cast %add3A_347 : i32 to index
      %swap3A_349 = arith.constant 32 : index
      %swap3A_350 = tpu.vector_load %arg9[%swap3A_348, %swap3A_349] {strides = array<i32>} : memref<512x64xf32, #tpu.memory_space<vmem>>, vector<1x16xf32>,
      %swap3A_351 = vector.shape_cast %swap3A_350 : vector<1x16xf32> to vector<16xf32>
      %swap3A_352 = vector.shape_cast %scan3A_324#2 : vector<16xf32> to vector<1x16xf32>
      tpu.vector_store %arg9[%swap3A_348, %swap3A_349], %swap3A_352 {strides = array<i32>} : memref<512x64xf32, #tpu.memory_space<vmem>>, vector<1x16xf32>,
      %mul3A_353 = arith.constant 2 : i32
      %mul3A_354 = arith.muli %mul3A_291, %mul3A_353 : i32
      %add3A_355 = arith.constant 0 : i32
      %add3A_356 = arith.addi %mul3A_354, %add3A_355 : i32
      %swap3A_357 = arith.index_cast %add3A_356 : i32 to index
      %swap3A_358 = arith.constant 48 : index
      %swap3A_359 = tpu.vector_load %arg9[%swap3A_357, %swap3A_358] {strides = array<i32>} : memref<512x64xf32, #tpu.memory_space<vmem>>, vector<1x16xf32>,
      %swap3A_360 = vector.shape_cast %swap3A_359 : vector<1x16xf32> to vector<16xf32>
      %swap3A_361 = vector.shape_cast %scan3A_324#3 : vector<16xf32> to vector<1x16xf32>
      tpu.vector_store %arg9[%swap3A_357, %swap3A_358], %swap3A_361 {strides = array<i32>} : memref<512x64xf32, #tpu.memory_space<vmem>>, vector<1x16xf32>,
      %broadcast_in_dim3A_362 = arith.constant 0.000000e+00 : f32
      %broadcast_in_dim3A_363 = vector.broadcast %broadcast_in_dim3A_362 : f32 to vector<16xf32>
      %scan3A_364 = arith.constant 0 : i32
      %scan3A_365 = arith.constant 25 : i32
      %scan3A_366 = arith.addi %scan3A_364, %scan3A_365 : i32
      %scan3A_367 = arith.constant 1 : i32
      %scan3A_368:4 = scf.for %scan3A_648 = %scan3A_364 to %scan3A_366 step %scan3A_367 iter_args(%scan3A_649 = %broadcast_in_dim3A_363, %scan3A_650 = %broadcast_in_dim3A_363, %scan3A_651 = %broadcast_in_dim3A_363, %scan3A_652 = %broadcast_in_dim3A_363) -> (vector<16xf32>, vector<16xf32>, vector<16xf32>, vector<16xf32>)  : i32 {
        %mul3A_653 = arith.constant 8 : i32
        %mul3A_654 = arith.muli %scan3A_648, %mul3A_653 : i32
        %add3A_655 = arith.constant 200 : i32
        %add3A_656 = arith.addi %add3A_655, %mul3A_654 : i32
        %add3A_657 = arith.constant 0 : i32
        %add3A_658 = arith.addi %add3A_656, %add3A_657 : i32
        %get3A = arith.constant 0 : i32
        %get3A_659 = arith.index_cast %get3A : i32 to index
        %get3A_660 = arith.index_cast %add3A_658 : i32 to index
        %get3A_661 = arith.constant 0 : index
        %get3A_662 = tpu.vector_load %arg8[%get3A_659, %get3A_660, %get3A_661] {strides = array<i32>} : memref<3x400x64xf32, #tpu.memory_space<vmem>>, vector<1x1x16xf32>,
        %get3A_663 = vector.shape_cast %get3A_662 : vector<1x1x16xf32> to vector<16xf32>
        %add3A_664 = arith.constant 1 : i32
        %add3A_665 = arith.addi %add3A_656, %add3A_664 : i32
        %get3A_666 = arith.constant 0 : i32
        %get3A_667 = arith.index_cast %get3A_666 : i32 to index
        %get3A_668 = arith.index_cast %add3A_665 : i32 to index
        %get3A_669 = arith.constant 0 : index
        %get3A_670 = tpu.vector_load %arg8[%get3A_667, %get3A_668, %get3A_669] {strides = array<i32>} : memref<3x400x64xf32, #tpu.memory_space<vmem>>, vector<1x1x16xf32>,
        %get3A_671 = vector.shape_cast %get3A_670 : vector<1x1x16xf32> to vector<16xf32>
        %add3A_672 = arith.constant 2 : i32
        %add3A_673 = arith.addi %add3A_656, %add3A_672 : i32
        %get3A_674 = arith.constant 0 : i32
        %get3A_675 = arith.index_cast %get3A_674 : i32 to index
        %get3A_676 = arith.index_cast %add3A_673 : i32 to index
        %get3A_677 = arith.constant 0 : index
        %get3A_678 = tpu.vector_load %arg8[%get3A_675, %get3A_676, %get3A_677] {strides = array<i32>} : memref<3x400x64xf32, #tpu.memory_space<vmem>>, vector<1x1x16xf32>,
        %get3A_679 = vector.shape_cast %get3A_678 : vector<1x1x16xf32> to vector<16xf32>
        %add3A_680 = arith.constant 3 : i32
        %add3A_681 = arith.addi %add3A_656, %add3A_680 : i32
        %get3A_682 = arith.constant 0 : i32
        %get3A_683 = arith.index_cast %get3A_682 : i32 to index
        %get3A_684 = arith.index_cast %add3A_681 : i32 to index
        %get3A_685 = arith.constant 0 : index
        %get3A_686 = tpu.vector_load %arg8[%get3A_683, %get3A_684, %get3A_685] {strides = array<i32>} : memref<3x400x64xf32, #tpu.memory_space<vmem>>, vector<1x1x16xf32>,
        %get3A_687 = vector.shape_cast %get3A_686 : vector<1x1x16xf32> to vector<16xf32>
        %add3A_688 = arith.constant 4 : i32
        %add3A_689 = arith.addi %add3A_656, %add3A_688 : i32
        %get3A_690 = arith.constant 0 : i32
        %get3A_691 = arith.index_cast %get3A_690 : i32 to index
        %get3A_692 = arith.index_cast %add3A_689 : i32 to index
        %get3A_693 = arith.constant 0 : index
        %get3A_694 = tpu.vector_load %arg8[%get3A_691, %get3A_692, %get3A_693] {strides = array<i32>} : memref<3x400x64xf32, #tpu.memory_space<vmem>>, vector<1x1x16xf32>,
        %get3A_695 = vector.shape_cast %get3A_694 : vector<1x1x16xf32> to vector<16xf32>
        %add3A_696 = arith.constant 5 : i32
        %add3A_697 = arith.addi %add3A_656, %add3A_696 : i32
        %get3A_698 = arith.constant 0 : i32
        %get3A_699 = arith.index_cast %get3A_698 : i32 to index
        %get3A_700 = arith.index_cast %add3A_697 : i32 to index
        %get3A_701 = arith.constant 0 : index
        %get3A_702 = tpu.vector_load %arg8[%get3A_699, %get3A_700, %get3A_701] {strides = array<i32>} : memref<3x400x64xf32, #tpu.memory_space<vmem>>, vector<1x1x16xf32>,
        %get3A_703 = vector.shape_cast %get3A_702 : vector<1x1x16xf32> to vector<16xf32>
        %add3A_704 = arith.constant 6 : i32
        %add3A_705 = arith.addi %add3A_656, %add3A_704 : i32
        %get3A_706 = arith.constant 0 : i32
        %get3A_707 = arith.index_cast %get3A_706 : i32 to index
        %get3A_708 = arith.index_cast %add3A_705 : i32 to index
        %get3A_709 = arith.constant 0 : index
        %get3A_710 = tpu.vector_load %arg8[%get3A_707, %get3A_708, %get3A_709] {strides = array<i32>} : memref<3x400x64xf32, #tpu.memory_space<vmem>>, vector<1x1x16xf32>,
        %get3A_711 = vector.shape_cast %get3A_710 : vector<1x1x16xf32> to vector<16xf32>
        %add3A_712 = arith.constant 7 : i32
        %add3A_713 = arith.addi %add3A_656, %add3A_712 : i32
        %get3A_714 = arith.constant 0 : i32
        %get3A_715 = arith.index_cast %get3A_714 : i32 to index
        %get3A_716 = arith.index_cast %add3A_713 : i32 to index
        %get3A_717 = arith.constant 0 : index
        %get3A_718 = tpu.vector_load %arg8[%get3A_715, %get3A_716, %get3A_717] {strides = array<i32>} : memref<3x400x64xf32, #tpu.memory_space<vmem>>, vector<1x1x16xf32>,
        %get3A_719 = vector.shape_cast %get3A_718 : vector<1x1x16xf32> to vector<16xf32>
        %add3A_720 = arith.addf %get3A_663, %get3A_671 : vector<16xf32>
        %add3A_721 = arith.addf %get3A_679, %get3A_687 : vector<16xf32>
        %add3A_722 = arith.addf %add3A_720, %add3A_721 : vector<16xf32>
        %add3A_723 = arith.addf %get3A_695, %get3A_703 : vector<16xf32>
        %add3A_724 = arith.addf %get3A_711, %get3A_719 : vector<16xf32>
        %add3A_725 = arith.addf %add3A_723, %add3A_724 : vector<16xf32>
        %add3A_726 = arith.addf %add3A_722, %add3A_725 : vector<16xf32>
        %add3A_727 = arith.addf %scan3A_649, %add3A_726 : vector<16xf32>
        %add3A_728 = arith.constant 0 : i32
        %add3A_729 = arith.addi %add3A_656, %add3A_728 : i32
        %get3A_730 = arith.constant 0 : i32
        %get3A_731 = arith.index_cast %get3A_730 : i32 to index
        %get3A_732 = arith.index_cast %add3A_729 : i32 to index
        %get3A_733 = arith.constant 16 : index
        %get3A_734 = tpu.vector_load %arg8[%get3A_731, %get3A_732, %get3A_733] {strides = array<i32>} : memref<3x400x64xf32, #tpu.memory_space<vmem>>, vector<1x1x16xf32>,
        %get3A_735 = vector.shape_cast %get3A_734 : vector<1x1x16xf32> to vector<16xf32>
        %add3A_736 = arith.constant 1 : i32
        %add3A_737 = arith.addi %add3A_656, %add3A_736 : i32
        %get3A_738 = arith.constant 0 : i32
        %get3A_739 = arith.index_cast %get3A_738 : i32 to index
        %get3A_740 = arith.index_cast %add3A_737 : i32 to index
        %get3A_741 = arith.constant 16 : index
        %get3A_742 = tpu.vector_load %arg8[%get3A_739, %get3A_740, %get3A_741] {strides = array<i32>} : memref<3x400x64xf32, #tpu.memory_space<vmem>>, vector<1x1x16xf32>,
        %get3A_743 = vector.shape_cast %get3A_742 : vector<1x1x16xf32> to vector<16xf32>
        %add3A_744 = arith.constant 2 : i32
        %add3A_745 = arith.addi %add3A_656, %add3A_744 : i32
        %get3A_746 = arith.constant 0 : i32
        %get3A_747 = arith.index_cast %get3A_746 : i32 to index
        %get3A_748 = arith.index_cast %add3A_745 : i32 to index
        %get3A_749 = arith.constant 16 : index
        %get3A_750 = tpu.vector_load %arg8[%get3A_747, %get3A_748, %get3A_749] {strides = array<i32>} : memref<3x400x64xf32, #tpu.memory_space<vmem>>, vector<1x1x16xf32>,
        %get3A_751 = vector.shape_cast %get3A_750 : vector<1x1x16xf32> to vector<16xf32>
        %add3A_752 = arith.constant 3 : i32
        %add3A_753 = arith.addi %add3A_656, %add3A_752 : i32
        %get3A_754 = arith.constant 0 : i32
        %get3A_755 = arith.index_cast %get3A_754 : i32 to index
        %get3A_756 = arith.index_cast %add3A_753 : i32 to index
        %get3A_757 = arith.constant 16 : index
        %get3A_758 = tpu.vector_load %arg8[%get3A_755, %get3A_756, %get3A_757] {strides = array<i32>} : memref<3x400x64xf32, #tpu.memory_space<vmem>>, vector<1x1x16xf32>,
        %get3A_759 = vector.shape_cast %get3A_758 : vector<1x1x16xf32> to vector<16xf32>
        %add3A_760 = arith.constant 4 : i32
        %add3A_761 = arith.addi %add3A_656, %add3A_760 : i32
        %get3A_762 = arith.constant 0 : i32
        %get3A_763 = arith.index_cast %get3A_762 : i32 to index
        %get3A_764 = arith.index_cast %add3A_761 : i32 to index
        %get3A_765 = arith.constant 16 : index
        %get3A_766 = tpu.vector_load %arg8[%get3A_763, %get3A_764, %get3A_765] {strides = array<i32>} : memref<3x400x64xf32, #tpu.memory_space<vmem>>, vector<1x1x16xf32>,
        %get3A_767 = vector.shape_cast %get3A_766 : vector<1x1x16xf32> to vector<16xf32>
        %add3A_768 = arith.constant 5 : i32
        %add3A_769 = arith.addi %add3A_656, %add3A_768 : i32
        %get3A_770 = arith.constant 0 : i32
        %get3A_771 = arith.index_cast %get3A_770 : i32 to index
        %get3A_772 = arith.index_cast %add3A_769 : i32 to index
        %get3A_773 = arith.constant 16 : index
        %get3A_774 = tpu.vector_load %arg8[%get3A_771, %get3A_772, %get3A_773] {strides = array<i32>} : memref<3x400x64xf32, #tpu.memory_space<vmem>>, vector<1x1x16xf32>,
        %get3A_775 = vector.shape_cast %get3A_774 : vector<1x1x16xf32> to vector<16xf32>
        %add3A_776 = arith.constant 6 : i32
        %add3A_777 = arith.addi %add3A_656, %add3A_776 : i32
        %get3A_778 = arith.constant 0 : i32
        %get3A_779 = arith.index_cast %get3A_778 : i32 to index
        %get3A_780 = arith.index_cast %add3A_777 : i32 to index
        %get3A_781 = arith.constant 16 : index
        %get3A_782 = tpu.vector_load %arg8[%get3A_779, %get3A_780, %get3A_781] {strides = array<i32>} : memref<3x400x64xf32, #tpu.memory_space<vmem>>, vector<1x1x16xf32>,
        %get3A_783 = vector.shape_cast %get3A_782 : vector<1x1x16xf32> to vector<16xf32>
        %add3A_784 = arith.constant 7 : i32
        %add3A_785 = arith.addi %add3A_656, %add3A_784 : i32
        %get3A_786 = arith.constant 0 : i32
        %get3A_787 = arith.index_cast %get3A_786 : i32 to index
        %get3A_788 = arith.index_cast %add3A_785 : i32 to index
        %get3A_789 = arith.constant 16 : index
        %get3A_790 = tpu.vector_load %arg8[%get3A_787, %get3A_788, %get3A_789] {strides = array<i32>} : memref<3x400x64xf32, #tpu.memory_space<vmem>>, vector<1x1x16xf32>,
        %get3A_791 = vector.shape_cast %get3A_790 : vector<1x1x16xf32> to vector<16xf32>
        %add3A_792 = arith.addf %get3A_735, %get3A_743 : vector<16xf32>
        %add3A_793 = arith.addf %get3A_751, %get3A_759 : vector<16xf32>
        %add3A_794 = arith.addf %add3A_792, %add3A_793 : vector<16xf32>
        %add3A_795 = arith.addf %get3A_767, %get3A_775 : vector<16xf32>
        %add3A_796 = arith.addf %get3A_783, %get3A_791 : vector<16xf32>
        %add3A_797 = arith.addf %add3A_795, %add3A_796 : vector<16xf32>
        %add3A_798 = arith.addf %add3A_794, %add3A_797 : vector<16xf32>
        %add3A_799 = arith.addf %scan3A_650, %add3A_798 : vector<16xf32>
        %add3A_800 = arith.constant 0 : i32
        %add3A_801 = arith.addi %add3A_656, %add3A_800 : i32
        %get3A_802 = arith.constant 0 : i32
        %get3A_803 = arith.index_cast %get3A_802 : i32 to index
        %get3A_804 = arith.index_cast %add3A_801 : i32 to index
        %get3A_805 = arith.constant 32 : index
        %get3A_806 = tpu.vector_load %arg8[%get3A_803, %get3A_804, %get3A_805] {strides = array<i32>} : memref<3x400x64xf32, #tpu.memory_space<vmem>>, vector<1x1x16xf32>,
        %get3A_807 = vector.shape_cast %get3A_806 : vector<1x1x16xf32> to vector<16xf32>
        %add3A_808 = arith.constant 1 : i32
        %add3A_809 = arith.addi %add3A_656, %add3A_808 : i32
        %get3A_810 = arith.constant 0 : i32
        %get3A_811 = arith.index_cast %get3A_810 : i32 to index
        %get3A_812 = arith.index_cast %add3A_809 : i32 to index
        %get3A_813 = arith.constant 32 : index
        %get3A_814 = tpu.vector_load %arg8[%get3A_811, %get3A_812, %get3A_813] {strides = array<i32>} : memref<3x400x64xf32, #tpu.memory_space<vmem>>, vector<1x1x16xf32>,
        %get3A_815 = vector.shape_cast %get3A_814 : vector<1x1x16xf32> to vector<16xf32>
        %add3A_816 = arith.constant 2 : i32
        %add3A_817 = arith.addi %add3A_656, %add3A_816 : i32
        %get3A_818 = arith.constant 0 : i32
        %get3A_819 = arith.index_cast %get3A_818 : i32 to index
        %get3A_820 = arith.index_cast %add3A_817 : i32 to index
        %get3A_821 = arith.constant 32 : index
        %get3A_822 = tpu.vector_load %arg8[%get3A_819, %get3A_820, %get3A_821] {strides = array<i32>} : memref<3x400x64xf32, #tpu.memory_space<vmem>>, vector<1x1x16xf32>,
        %get3A_823 = vector.shape_cast %get3A_822 : vector<1x1x16xf32> to vector<16xf32>
        %add3A_824 = arith.constant 3 : i32
        %add3A_825 = arith.addi %add3A_656, %add3A_824 : i32
        %get3A_826 = arith.constant 0 : i32
        %get3A_827 = arith.index_cast %get3A_826 : i32 to index
        %get3A_828 = arith.index_cast %add3A_825 : i32 to index
        %get3A_829 = arith.constant 32 : index
        %get3A_830 = tpu.vector_load %arg8[%get3A_827, %get3A_828, %get3A_829] {strides = array<i32>} : memref<3x400x64xf32, #tpu.memory_space<vmem>>, vector<1x1x16xf32>,
        %get3A_831 = vector.shape_cast %get3A_830 : vector<1x1x16xf32> to vector<16xf32>
        %add3A_832 = arith.constant 4 : i32
        %add3A_833 = arith.addi %add3A_656, %add3A_832 : i32
        %get3A_834 = arith.constant 0 : i32
        %get3A_835 = arith.index_cast %get3A_834 : i32 to index
        %get3A_836 = arith.index_cast %add3A_833 : i32 to index
        %get3A_837 = arith.constant 32 : index
        %get3A_838 = tpu.vector_load %arg8[%get3A_835, %get3A_836, %get3A_837] {strides = array<i32>} : memref<3x400x64xf32, #tpu.memory_space<vmem>>, vector<1x1x16xf32>,
        %get3A_839 = vector.shape_cast %get3A_838 : vector<1x1x16xf32> to vector<16xf32>
        %add3A_840 = arith.constant 5 : i32
        %add3A_841 = arith.addi %add3A_656, %add3A_840 : i32
        %get3A_842 = arith.constant 0 : i32
        %get3A_843 = arith.index_cast %get3A_842 : i32 to index
        %get3A_844 = arith.index_cast %add3A_841 : i32 to index
        %get3A_845 = arith.constant 32 : index
        %get3A_846 = tpu.vector_load %arg8[%get3A_843, %get3A_844, %get3A_845] {strides = array<i32>} : memref<3x400x64xf32, #tpu.memory_space<vmem>>, vector<1x1x16xf32>,
        %get3A_847 = vector.shape_cast %get3A_846 : vector<1x1x16xf32> to vector<16xf32>
        %add3A_848 = arith.constant 6 : i32
        %add3A_849 = arith.addi %add3A_656, %add3A_848 : i32
        %get3A_850 = arith.constant 0 : i32
        %get3A_851 = arith.index_cast %get3A_850 : i32 to index
        %get3A_852 = arith.index_cast %add3A_849 : i32 to index
        %get3A_853 = arith.constant 32 : index
        %get3A_854 = tpu.vector_load %arg8[%get3A_851, %get3A_852, %get3A_853] {strides = array<i32>} : memref<3x400x64xf32, #tpu.memory_space<vmem>>, vector<1x1x16xf32>,
        %get3A_855 = vector.shape_cast %get3A_854 : vector<1x1x16xf32> to vector<16xf32>
        %add3A_856 = arith.constant 7 : i32
        %add3A_857 = arith.addi %add3A_656, %add3A_856 : i32
        %get3A_858 = arith.constant 0 : i32
        %get3A_859 = arith.index_cast %get3A_858 : i32 to index
        %get3A_860 = arith.index_cast %add3A_857 : i32 to index
        %get3A_861 = arith.constant 32 : index
        %get3A_862 = tpu.vector_load %arg8[%get3A_859, %get3A_860, %get3A_861] {strides = array<i32>} : memref<3x400x64xf32, #tpu.memory_space<vmem>>, vector<1x1x16xf32>,
        %get3A_863 = vector.shape_cast %get3A_862 : vector<1x1x16xf32> to vector<16xf32>
        %add3A_864 = arith.addf %get3A_807, %get3A_815 : vector<16xf32>
        %add3A_865 = arith.addf %get3A_823, %get3A_831 : vector<16xf32>
        %add3A_866 = arith.addf %add3A_864, %add3A_865 : vector<16xf32>
        %add3A_867 = arith.addf %get3A_839, %get3A_847 : vector<16xf32>
        %add3A_868 = arith.addf %get3A_855, %get3A_863 : vector<16xf32>
        %add3A_869 = arith.addf %add3A_867, %add3A_868 : vector<16xf32>
        %add3A_870 = arith.addf %add3A_866, %add3A_869 : vector<16xf32>
        %add3A_871 = arith.addf %scan3A_651, %add3A_870 : vector<16xf32>
        %add3A_872 = arith.constant 0 : i32
        %add3A_873 = arith.addi %add3A_656, %add3A_872 : i32
        %get3A_874 = arith.constant 0 : i32
        %get3A_875 = arith.index_cast %get3A_874 : i32 to index
        %get3A_876 = arith.index_cast %add3A_873 : i32 to index
        %get3A_877 = arith.constant 48 : index
        %get3A_878 = tpu.vector_load %arg8[%get3A_875, %get3A_876, %get3A_877] {strides = array<i32>} : memref<3x400x64xf32, #tpu.memory_space<vmem>>, vector<1x1x16xf32>,
        %get3A_879 = vector.shape_cast %get3A_878 : vector<1x1x16xf32> to vector<16xf32>
        %add3A_880 = arith.constant 1 : i32
        %add3A_881 = arith.addi %add3A_656, %add3A_880 : i32
        %get3A_882 = arith.constant 0 : i32
        %get3A_883 = arith.index_cast %get3A_882 : i32 to index
        %get3A_884 = arith.index_cast %add3A_881 : i32 to index
        %get3A_885 = arith.constant 48 : index
        %get3A_886 = tpu.vector_load %arg8[%get3A_883, %get3A_884, %get3A_885] {strides = array<i32>} : memref<3x400x64xf32, #tpu.memory_space<vmem>>, vector<1x1x16xf32>,
        %get3A_887 = vector.shape_cast %get3A_886 : vector<1x1x16xf32> to vector<16xf32>
        %add3A_888 = arith.constant 2 : i32
        %add3A_889 = arith.addi %add3A_656, %add3A_888 : i32
        %get3A_890 = arith.constant 0 : i32
        %get3A_891 = arith.index_cast %get3A_890 : i32 to index
        %get3A_892 = arith.index_cast %add3A_889 : i32 to index
        %get3A_893 = arith.constant 48 : index
        %get3A_894 = tpu.vector_load %arg8[%get3A_891, %get3A_892, %get3A_893] {strides = array<i32>} : memref<3x400x64xf32, #tpu.memory_space<vmem>>, vector<1x1x16xf32>,
        %get3A_895 = vector.shape_cast %get3A_894 : vector<1x1x16xf32> to vector<16xf32>
        %add3A_896 = arith.constant 3 : i32
        %add3A_897 = arith.addi %add3A_656, %add3A_896 : i32
        %get3A_898 = arith.constant 0 : i32
        %get3A_899 = arith.index_cast %get3A_898 : i32 to index
        %get3A_900 = arith.index_cast %add3A_897 : i32 to index
        %get3A_901 = arith.constant 48 : index
        %get3A_902 = tpu.vector_load %arg8[%get3A_899, %get3A_900, %get3A_901] {strides = array<i32>} : memref<3x400x64xf32, #tpu.memory_space<vmem>>, vector<1x1x16xf32>,
        %get3A_903 = vector.shape_cast %get3A_902 : vector<1x1x16xf32> to vector<16xf32>
        %add3A_904 = arith.constant 4 : i32
        %add3A_905 = arith.addi %add3A_656, %add3A_904 : i32
        %get3A_906 = arith.constant 0 : i32
        %get3A_907 = arith.index_cast %get3A_906 : i32 to index
        %get3A_908 = arith.index_cast %add3A_905 : i32 to index
        %get3A_909 = arith.constant 48 : index
        %get3A_910 = tpu.vector_load %arg8[%get3A_907, %get3A_908, %get3A_909] {strides = array<i32>} : memref<3x400x64xf32, #tpu.memory_space<vmem>>, vector<1x1x16xf32>,
        %get3A_911 = vector.shape_cast %get3A_910 : vector<1x1x16xf32> to vector<16xf32>
        %add3A_912 = arith.constant 5 : i32
        %add3A_913 = arith.addi %add3A_656, %add3A_912 : i32
        %get3A_914 = arith.constant 0 : i32
        %get3A_915 = arith.index_cast %get3A_914 : i32 to index
        %get3A_916 = arith.index_cast %add3A_913 : i32 to index
        %get3A_917 = arith.constant 48 : index
        %get3A_918 = tpu.vector_load %arg8[%get3A_915, %get3A_916, %get3A_917] {strides = array<i32>} : memref<3x400x64xf32, #tpu.memory_space<vmem>>, vector<1x1x16xf32>,
        %get3A_919 = vector.shape_cast %get3A_918 : vector<1x1x16xf32> to vector<16xf32>
        %add3A_920 = arith.constant 6 : i32
        %add3A_921 = arith.addi %add3A_656, %add3A_920 : i32
        %get3A_922 = arith.constant 0 : i32
        %get3A_923 = arith.index_cast %get3A_922 : i32 to index
        %get3A_924 = arith.index_cast %add3A_921 : i32 to index
        %get3A_925 = arith.constant 48 : index
        %get3A_926 = tpu.vector_load %arg8[%get3A_923, %get3A_924, %get3A_925] {strides = array<i32>} : memref<3x400x64xf32, #tpu.memory_space<vmem>>, vector<1x1x16xf32>,
        %get3A_927 = vector.shape_cast %get3A_926 : vector<1x1x16xf32> to vector<16xf32>
        %add3A_928 = arith.constant 7 : i32
        %add3A_929 = arith.addi %add3A_656, %add3A_928 : i32
        %get3A_930 = arith.constant 0 : i32
        %get3A_931 = arith.index_cast %get3A_930 : i32 to index
        %get3A_932 = arith.index_cast %add3A_929 : i32 to index
        %get3A_933 = arith.constant 48 : index
        %get3A_934 = tpu.vector_load %arg8[%get3A_931, %get3A_932, %get3A_933] {strides = array<i32>} : memref<3x400x64xf32, #tpu.memory_space<vmem>>, vector<1x1x16xf32>,
        %get3A_935 = vector.shape_cast %get3A_934 : vector<1x1x16xf32> to vector<16xf32>
        %add3A_936 = arith.addf %get3A_879, %get3A_887 : vector<16xf32>
        %add3A_937 = arith.addf %get3A_895, %get3A_903 : vector<16xf32>
        %add3A_938 = arith.addf %add3A_936, %add3A_937 : vector<16xf32>
        %add3A_939 = arith.addf %get3A_911, %get3A_919 : vector<16xf32>
        %add3A_940 = arith.addf %get3A_927, %get3A_935 : vector<16xf32>
        %add3A_941 = arith.addf %add3A_939, %add3A_940 : vector<16xf32>
        %add3A_942 = arith.addf %add3A_938, %add3A_941 : vector<16xf32>
        %add3A_943 = arith.addf %scan3A_652, %add3A_942 : vector<16xf32>
        scf.yield %add3A_727, %add3A_799, %add3A_871, %add3A_943 : vector<16xf32>, vector<16xf32>, vector<16xf32>, vector<16xf32>
      }
      %scan3A_369 = arith.constant 25 : i32
      %mul3A_370 = arith.constant 2 : i32
      %mul3A_371 = arith.muli %mul3A_291, %mul3A_370 : i32
      %add3A_372 = arith.constant 1 : i32
      %add3A_373 = arith.addi %mul3A_371, %add3A_372 : i32
      %swap3A_374 = arith.index_cast %add3A_373 : i32 to index
      %swap3A_375 = arith.constant 0 : index
      %swap3A_376 = tpu.vector_load %arg9[%swap3A_374, %swap3A_375] {strides = array<i32>} : memref<512x64xf32, #tpu.memory_space<vmem>>, vector<1x16xf32>,
      %swap3A_377 = vector.shape_cast %swap3A_376 : vector<1x16xf32> to vector<16xf32>
      %swap3A_378 = vector.shape_cast %scan3A_368#0 : vector<16xf32> to vector<1x16xf32>
      tpu.vector_store %arg9[%swap3A_374, %swap3A_375], %swap3A_378 {strides = array<i32>} : memref<512x64xf32, #tpu.memory_space<vmem>>, vector<1x16xf32>,
      %mul3A_379 = arith.constant 2 : i32
      %mul3A_380 = arith.muli %mul3A_291, %mul3A_379 : i32
      %add3A_381 = arith.constant 1 : i32
      %add3A_382 = arith.addi %mul3A_380, %add3A_381 : i32
      %swap3A_383 = arith.index_cast %add3A_382 : i32 to index
      %swap3A_384 = arith.constant 16 : index
      %swap3A_385 = tpu.vector_load %arg9[%swap3A_383, %swap3A_384] {strides = array<i32>} : memref<512x64xf32, #tpu.memory_space<vmem>>, vector<1x16xf32>,
      %swap3A_386 = vector.shape_cast %swap3A_385 : vector<1x16xf32> to vector<16xf32>
      %swap3A_387 = vector.shape_cast %scan3A_368#1 : vector<16xf32> to vector<1x16xf32>
      tpu.vector_store %arg9[%swap3A_383, %swap3A_384], %swap3A_387 {strides = array<i32>} : memref<512x64xf32, #tpu.memory_space<vmem>>, vector<1x16xf32>,
      %mul3A_388 = arith.constant 2 : i32
      %mul3A_389 = arith.muli %mul3A_291, %mul3A_388 : i32
      %add3A_390 = arith.constant 1 : i32
      %add3A_391 = arith.addi %mul3A_389, %add3A_390 : i32
      %swap3A_392 = arith.index_cast %add3A_391 : i32 to index
      %swap3A_393 = arith.constant 32 : index
      %swap3A_394 = tpu.vector_load %arg9[%swap3A_392, %swap3A_393] {strides = array<i32>} : memref<512x64xf32, #tpu.memory_space<vmem>>, vector<1x16xf32>,
      %swap3A_395 = vector.shape_cast %swap3A_394 : vector<1x16xf32> to vector<16xf32>
      %swap3A_396 = vector.shape_cast %scan3A_368#2 : vector<16xf32> to vector<1x16xf32>
      tpu.vector_store %arg9[%swap3A_392, %swap3A_393], %swap3A_396 {strides = array<i32>} : memref<512x64xf32, #tpu.memory_space<vmem>>, vector<1x16xf32>,
      %mul3A_397 = arith.constant 2 : i32
      %mul3A_398 = arith.muli %mul3A_291, %mul3A_397 : i32
      %add3A_399 = arith.constant 1 : i32
      %add3A_400 = arith.addi %mul3A_398, %add3A_399 : i32
      %swap3A_401 = arith.index_cast %add3A_400 : i32 to index
      %swap3A_402 = arith.constant 48 : index
      %swap3A_403 = tpu.vector_load %arg9[%swap3A_401, %swap3A_402] {strides = array<i32>} : memref<512x64xf32, #tpu.memory_space<vmem>>, vector<1x16xf32>,
      %swap3A_404 = vector.shape_cast %swap3A_403 : vector<1x16xf32> to vector<16xf32>
      %swap3A_405 = vector.shape_cast %scan3A_368#3 : vector<16xf32> to vector<1x16xf32>
      tpu.vector_store %arg9[%swap3A_401, %swap3A_402], %swap3A_405 {strides = array<i32>} : memref<512x64xf32, #tpu.memory_space<vmem>>, vector<1x16xf32>,
      %mul3A_406 = arith.constant 3 : i32
      %mul3A_407 = arith.muli %mul3A_406, %scan3A_289 : i32
      %add3A_408 = arith.constant 1 : i32
      %add3A_409 = arith.addi %mul3A_407, %add3A_408 : i32
      %add3A_410 = arith.constant 2 : i32
      %add3A_411 = arith.addi %add3A_409, %add3A_410 : i32
      %lt3A_412 = arith.constant 256 : i32
      %lt3A_413 = arith.cmpi slt, %add3A_411, %lt3A_412 : i32
      %convert_element_type3A_414 = arith.extui %lt3A_413 : i1 to i32
      %cond3A_415 = arith.constant 0 : i32
      %cond3A_416 = arith.cmpi ne, %convert_element_type3A_414, %cond3A_415 : i32
      scf.if %cond3A_416 {
        %add3A_648 = arith.constant 2 : i32
        %add3A_649 = arith.addi %add3A_409, %add3A_648 : i32
        %mul3A_650 = arith.constant 2 : i32
        %mul3A_651 = arith.muli %add3A_649, %mul3A_650 : i32
        %add3A_652 = arith.addi %mul3A_2, %mul3A_651 : i32
        %mul3A_653 = arith.constant 128 : i32
        %mul3A_654 = arith.muli %add3A_652, %mul3A_653 : i32
        %dma_wait3A_655 = arith.constant 0 : i32
        %dma_wait3A_656 = arith.constant 0 : i32
        %dma_wait3A_657 = tpu.memref_slice %arg6[%dma_wait3A_655, %dma_wait3A_656] : memref<3x256xi32, #tpu.memory_space<vmem>> -> memref<1x256xi32, #tpu.memory_space<vmem>>
        %dma_wait3A_658 = tpu.memref_squeeze %dma_wait3A_657 : memref<1x256xi32, #tpu.memory_space<vmem>> -> memref<256xi32, #tpu.memory_space<vmem>>
        %dma_wait3A_659 = tpu.memref_slice %arg2[%mul3A_654] : memref<2097152xi32, #tpu.memory_space<hbm>> -> memref<256xi32, #tpu.memory_space<hbm>>
        %dma_wait3A_660 = arith.constant 0 : i32
        %dma_wait3A_661 = tpu.memref_slice %arg6[%dma_wait3A_655, %dma_wait3A_660] : memref<3x256xi32, #tpu.memory_space<vmem>> -> memref<1x256xi32, #tpu.memory_space<vmem>>
        %dma_wait3A_662 = tpu.memref_squeeze %dma_wait3A_661 : memref<1x256xi32, #tpu.memory_space<vmem>> -> memref<256xi32, #tpu.memory_space<vmem>>
        %dma_wait3A_663 = tpu.memref_slice %arg2[%mul3A_654] : memref<2097152xi32, #tpu.memory_space<hbm>> -> memref<256xi32, #tpu.memory_space<hbm>>
        tpu.wait_dma2 semaphore(%arg10 : memref<!tpu.dma_semaphore, #tpu.memory_space<semaphore_mem>>) src(%dma_wait3A_663 : memref<256xi32, #tpu.memory_space<hbm>>) dst(%dma_wait3A_662 : memref<256xi32, #tpu.memory_space<vmem>>)
        %dma_wait3A_664 = arith.constant 0 : i32
        %dma_wait3A_665 = arith.constant 0 : i32
        %dma_wait3A_666 = tpu.memref_slice %arg7[%dma_wait3A_664, %dma_wait3A_665] : memref<3x256xi32, #tpu.memory_space<vmem>> -> memref<1x256xi32, #tpu.memory_space<vmem>>
        %dma_wait3A_667 = tpu.memref_squeeze %dma_wait3A_666 : memref<1x256xi32, #tpu.memory_space<vmem>> -> memref<256xi32, #tpu.memory_space<vmem>>
        %dma_wait3A_668 = tpu.memref_slice %arg3[%mul3A_654] : memref<2097152xi32, #tpu.memory_space<hbm>> -> memref<256xi32, #tpu.memory_space<hbm>>
        %dma_wait3A_669 = arith.constant 0 : i32
        %dma_wait3A_670 = tpu.memref_slice %arg7[%dma_wait3A_664, %dma_wait3A_669] : memref<3x256xi32, #tpu.memory_space<vmem>> -> memref<1x256xi32, #tpu.memory_space<vmem>>
        %dma_wait3A_671 = tpu.memref_squeeze %dma_wait3A_670 : memref<1x256xi32, #tpu.memory_space<vmem>> -> memref<256xi32, #tpu.memory_space<vmem>>
        %dma_wait3A_672 = tpu.memref_slice %arg3[%mul3A_654] : memref<2097152xi32, #tpu.memory_space<hbm>> -> memref<256xi32, #tpu.memory_space<hbm>>
        tpu.wait_dma2 semaphore(%arg10 : memref<!tpu.dma_semaphore, #tpu.memory_space<semaphore_mem>>) src(%dma_wait3A_672 : memref<256xi32, #tpu.memory_space<hbm>>) dst(%dma_wait3A_671 : memref<256xi32, #tpu.memory_space<vmem>>)
        %dma_start3A_673 = arith.constant 0 : i32
        %dma_start3A_674 = arith.constant 0 : i32
        %dma_start3A_675 = arith.constant 0 : i32
        %dma_start3A_676 = arith.constant 0 : i32
        %dma_start3A_677 = tpu.memref_slice %arg8[%dma_start3A_674, %dma_start3A_675, %dma_start3A_676] : memref<3x400x64xf32, #tpu.memory_space<vmem>> -> memref<1x128x64xf32, #tpu.memory_space<vmem>>
        %dma_start3A_678 = tpu.memref_squeeze %dma_start3A_677 : memref<1x128x64xf32, #tpu.memory_space<vmem>> -> memref<128x64xf32, #tpu.memory_space<vmem>>
        %dma_start3A_679 = arith.constant 0 : i32
        %dma_start3A_680 = tpu.memref_slice %arg6[%dma_start3A_673, %dma_start3A_679] : memref<3x256xi32, #tpu.memory_space<vmem>> -> memref<1x128xi32, #tpu.memory_space<vmem>>
        %dma_start3A_681 = tpu.memref_squeeze %dma_start3A_680 : memref<1x128xi32, #tpu.memory_space<vmem>> -> memref<128xi32, #tpu.memory_space<vmem>>
        %dma_start3A_682 = arith.constant 0 : i32
        %dma_start3A_683 = arith.constant 0 : i32
        %dma_start3A_684 = tpu.memref_slice %arg4[%dma_start3A_682, %dma_start3A_683] : memref<1000000x64xf32, #tpu.memory_space<hbm>> -> memref<1000000x64xf32, #tpu.memory_space<hbm>>
        tpu.enqueue_indirect_dma source(%dma_start3A_684 : memref<1000000x64xf32, #tpu.memory_space<hbm>>) target(%dma_start3A_678 : memref<128x64xf32, #tpu.memory_space<vmem>>) offsets(%dma_start3A_681 : memref<128xi32, #tpu.memory_space<vmem>>) semaphore(%arg11 : memref<!tpu.dma_semaphore, #tpu.memory_space<semaphore_mem>>)
        %dma_start3A_685 = arith.constant 0 : i32
        %dma_start3A_686 = arith.constant 0 : i32
        %dma_start3A_687 = arith.constant 128 : i32
        %dma_start3A_688 = arith.constant 0 : i32
        %dma_start3A_689 = tpu.memref_slice %arg8[%dma_start3A_686, %dma_start3A_687, %dma_start3A_688] : memref<3x400x64xf32, #tpu.memory_space<vmem>> -> memref<1x72x64xf32, #tpu.memory_space<vmem>>
        %dma_start3A_690 = tpu.memref_squeeze %dma_start3A_689 : memref<1x72x64xf32, #tpu.memory_space<vmem>> -> memref<72x64xf32, #tpu.memory_space<vmem>>
        %dma_start3A_691 = arith.constant 0 : i32
        %dma_start3A_692 = tpu.memref_slice %arg7[%dma_start3A_685, %dma_start3A_691] : memref<3x256xi32, #tpu.memory_space<vmem>> -> memref<1x72xi32, #tpu.memory_space<vmem>>
        %dma_start3A_693 = tpu.memref_squeeze %dma_start3A_692 : memref<1x72xi32, #tpu.memory_space<vmem>> -> memref<72xi32, #tpu.memory_space<vmem>>
        %dma_start3A_694 = arith.constant 0 : i32
        %dma_start3A_695 = arith.constant 0 : i32
        %dma_start3A_696 = tpu.memref_slice %arg4[%dma_start3A_694, %dma_start3A_695] : memref<1000000x64xf32, #tpu.memory_space<hbm>> -> memref<1000000x64xf32, #tpu.memory_space<hbm>>
        tpu.enqueue_indirect_dma source(%dma_start3A_696 : memref<1000000x64xf32, #tpu.memory_space<hbm>>) target(%dma_start3A_690 : memref<72x64xf32, #tpu.memory_space<vmem>>) offsets(%dma_start3A_693 : memref<72xi32, #tpu.memory_space<vmem>>) semaphore(%arg11 : memref<!tpu.dma_semaphore, #tpu.memory_space<semaphore_mem>>)
        %dma_start3A_697 = arith.constant 0 : i32
        %dma_start3A_698 = arith.constant 0 : i32
        %dma_start3A_699 = arith.constant 200 : i32
        %dma_start3A_700 = arith.constant 0 : i32
        %dma_start3A_701 = tpu.memref_slice %arg8[%dma_start3A_698, %dma_start3A_699, %dma_start3A_700] : memref<3x400x64xf32, #tpu.memory_space<vmem>> -> memref<1x128x64xf32, #tpu.memory_space<vmem>>
        %dma_start3A_702 = tpu.memref_squeeze %dma_start3A_701 : memref<1x128x64xf32, #tpu.memory_space<vmem>> -> memref<128x64xf32, #tpu.memory_space<vmem>>
        %dma_start3A_703 = arith.constant 128 : i32
        %dma_start3A_704 = tpu.memref_slice %arg6[%dma_start3A_697, %dma_start3A_703] : memref<3x256xi32, #tpu.memory_space<vmem>> -> memref<1x128xi32, #tpu.memory_space<vmem>>
        %dma_start3A_705 = tpu.memref_squeeze %dma_start3A_704 : memref<1x128xi32, #tpu.memory_space<vmem>> -> memref<128xi32, #tpu.memory_space<vmem>>
        %dma_start3A_706 = arith.constant 0 : i32
        %dma_start3A_707 = arith.constant 0 : i32
        %dma_start3A_708 = tpu.memref_slice %arg4[%dma_start3A_706, %dma_start3A_707] : memref<1000000x64xf32, #tpu.memory_space<hbm>> -> memref<1000000x64xf32, #tpu.memory_space<hbm>>
        tpu.enqueue_indirect_dma source(%dma_start3A_708 : memref<1000000x64xf32, #tpu.memory_space<hbm>>) target(%dma_start3A_702 : memref<128x64xf32, #tpu.memory_space<vmem>>) offsets(%dma_start3A_705 : memref<128xi32, #tpu.memory_space<vmem>>) semaphore(%arg11 : memref<!tpu.dma_semaphore, #tpu.memory_space<semaphore_mem>>)
        %dma_start3A_709 = arith.constant 0 : i32
        %dma_start3A_710 = arith.constant 0 : i32
        %dma_start3A_711 = arith.constant 328 : i32
        %dma_start3A_712 = arith.constant 0 : i32
        %dma_start3A_713 = tpu.memref_slice %arg8[%dma_start3A_710, %dma_start3A_711, %dma_start3A_712] : memref<3x400x64xf32, #tpu.memory_space<vmem>> -> memref<1x72x64xf32, #tpu.memory_space<vmem>>
        %dma_start3A_714 = tpu.memref_squeeze %dma_start3A_713 : memref<1x72x64xf32, #tpu.memory_space<vmem>> -> memref<72x64xf32, #tpu.memory_space<vmem>>
        %dma_start3A_715 = arith.constant 128 : i32
        %dma_start3A_716 = tpu.memref_slice %arg7[%dma_start3A_709, %dma_start3A_715] : memref<3x256xi32, #tpu.memory_space<vmem>> -> memref<1x72xi32, #tpu.memory_space<vmem>>
        %dma_start3A_717 = tpu.memref_squeeze %dma_start3A_716 : memref<1x72xi32, #tpu.memory_space<vmem>> -> memref<72xi32, #tpu.memory_space<vmem>>
        %dma_start3A_718 = arith.constant 0 : i32
        %dma_start3A_719 = arith.constant 0 : i32
        %dma_start3A_720 = tpu.memref_slice %arg4[%dma_start3A_718, %dma_start3A_719] : memref<1000000x64xf32, #tpu.memory_space<hbm>> -> memref<1000000x64xf32, #tpu.memory_space<hbm>>
        tpu.enqueue_indirect_dma source(%dma_start3A_720 : memref<1000000x64xf32, #tpu.memory_space<hbm>>) target(%dma_start3A_714 : memref<72x64xf32, #tpu.memory_space<vmem>>) offsets(%dma_start3A_717 : memref<72xi32, #tpu.memory_space<vmem>>) semaphore(%arg11 : memref<!tpu.dma_semaphore, #tpu.memory_space<semaphore_mem>>)
      } else {
      }
      %dma_wait3A_417 = arith.constant 1 : i32
      %dma_wait3A_418 = arith.constant 0 : i32
      %dma_wait3A_419 = arith.constant 0 : i32
      %dma_wait3A_420 = tpu.memref_slice %arg8[%dma_wait3A_417, %dma_wait3A_418, %dma_wait3A_419] : memref<3x400x64xf32, #tpu.memory_space<vmem>> -> memref<1x400x64xf32, #tpu.memory_space<vmem>>
      %dma_wait3A_421 = tpu.memref_squeeze %dma_wait3A_420 : memref<1x400x64xf32, #tpu.memory_space<vmem>> -> memref<400x64xf32, #tpu.memory_space<vmem>>
      %dma_wait3A_422 = arith.constant 0 : i32
      %dma_wait3A_423 = arith.constant 0 : i32
      %dma_wait3A_424 = tpu.memref_slice %arg4[%dma_wait3A_422, %dma_wait3A_423] : memref<1000000x64xf32, #tpu.memory_space<hbm>> -> memref<400x64xf32, #tpu.memory_space<hbm>>
      %dma_wait3A_425 = arith.constant 0 : i32
      %dma_wait3A_426 = arith.constant 0 : i32
      %dma_wait3A_427 = tpu.memref_slice %arg8[%dma_wait3A_417, %dma_wait3A_425, %dma_wait3A_426] : memref<3x400x64xf32, #tpu.memory_space<vmem>> -> memref<1x400x64xf32, #tpu.memory_space<vmem>>
      %dma_wait3A_428 = tpu.memref_squeeze %dma_wait3A_427 : memref<1x400x64xf32, #tpu.memory_space<vmem>> -> memref<400x64xf32, #tpu.memory_space<vmem>>
      %dma_wait3A_429 = arith.constant 0 : i32
      %dma_wait3A_430 = arith.constant 0 : i32
      %dma_wait3A_431 = tpu.memref_slice %arg4[%dma_wait3A_429, %dma_wait3A_430] : memref<1000000x64xf32, #tpu.memory_space<hbm>> -> memref<400x64xf32, #tpu.memory_space<hbm>>
      tpu.wait_dma2 semaphore(%arg12 : memref<!tpu.dma_semaphore, #tpu.memory_space<semaphore_mem>>) src(%dma_wait3A_431 : memref<400x64xf32, #tpu.memory_space<hbm>>) dst(%dma_wait3A_428 : memref<400x64xf32, #tpu.memory_space<vmem>>)
      %add3A_432 = arith.constant 3 : i32
      %add3A_433 = arith.addi %add3A_409, %add3A_432 : i32
      %lt3A_434 = arith.constant 256 : i32
      %lt3A_435 = arith.cmpi slt, %add3A_433, %lt3A_434 : i32
      %convert_element_type3A_436 = arith.extui %lt3A_435 : i1 to i32
      %cond3A_437 = arith.constant 0 : i32
      %cond3A_438 = arith.cmpi ne, %convert_element_type3A_436, %cond3A_437 : i32
      scf.if %cond3A_438 {
        %add3A_648 = arith.constant 3 : i32
        %add3A_649 = arith.addi %add3A_409, %add3A_648 : i32
        %mul3A_650 = arith.constant 2 : i32
        %mul3A_651 = arith.muli %add3A_649, %mul3A_650 : i32
        %add3A_652 = arith.addi %mul3A_2, %mul3A_651 : i32
        %mul3A_653 = arith.constant 128 : i32
        %mul3A_654 = arith.muli %add3A_652, %mul3A_653 : i32
        %dma_start3A_655 = arith.constant 1 : i32
        %dma_start3A_656 = arith.constant 0 : i32
        %dma_start3A_657 = tpu.memref_slice %arg6[%dma_start3A_655, %dma_start3A_656] : memref<3x256xi32, #tpu.memory_space<vmem>> -> memref<1x256xi32, #tpu.memory_space<vmem>>
        %dma_start3A_658 = tpu.memref_squeeze %dma_start3A_657 : memref<1x256xi32, #tpu.memory_space<vmem>> -> memref<256xi32, #tpu.memory_space<vmem>>
        %dma_start3A_659 = tpu.memref_slice %arg2[%mul3A_654] : memref<2097152xi32, #tpu.memory_space<hbm>> -> memref<256xi32, #tpu.memory_space<hbm>>
        %dma_start3A_660 = arith.constant 0 : i32
        %dma_start3A_661 = tpu.memref_slice %arg6[%dma_start3A_655, %dma_start3A_660] : memref<3x256xi32, #tpu.memory_space<vmem>> -> memref<1x256xi32, #tpu.memory_space<vmem>>
        %dma_start3A_662 = tpu.memref_squeeze %dma_start3A_661 : memref<1x256xi32, #tpu.memory_space<vmem>> -> memref<256xi32, #tpu.memory_space<vmem>>
        %dma_start3A_663 = tpu.memref_slice %arg2[%mul3A_654] : memref<2097152xi32, #tpu.memory_space<hbm>> -> memref<256xi32, #tpu.memory_space<hbm>>
        tpu.enqueue_dma source(%dma_start3A_663 : memref<256xi32, #tpu.memory_space<hbm>>) target(%dma_start3A_662 : memref<256xi32, #tpu.memory_space<vmem>>) target_semaphore(%arg10 : memref<!tpu.dma_semaphore, #tpu.memory_space<semaphore_mem>>)
        %dma_start3A_664 = arith.constant 1 : i32
        %dma_start3A_665 = arith.constant 0 : i32
        %dma_start3A_666 = tpu.memref_slice %arg7[%dma_start3A_664, %dma_start3A_665] : memref<3x256xi32, #tpu.memory_space<vmem>> -> memref<1x256xi32, #tpu.memory_space<vmem>>
        %dma_start3A_667 = tpu.memref_squeeze %dma_start3A_666 : memref<1x256xi32, #tpu.memory_space<vmem>> -> memref<256xi32, #tpu.memory_space<vmem>>
        %dma_start3A_668 = tpu.memref_slice %arg3[%mul3A_654] : memref<2097152xi32, #tpu.memory_space<hbm>> -> memref<256xi32, #tpu.memory_space<hbm>>
        %dma_start3A_669 = arith.constant 0 : i32
        %dma_start3A_670 = tpu.memref_slice %arg7[%dma_start3A_664, %dma_start3A_669] : memref<3x256xi32, #tpu.memory_space<vmem>> -> memref<1x256xi32, #tpu.memory_space<vmem>>
        %dma_start3A_671 = tpu.memref_squeeze %dma_start3A_670 : memref<1x256xi32, #tpu.memory_space<vmem>> -> memref<256xi32, #tpu.memory_space<vmem>>
        %dma_start3A_672 = tpu.memref_slice %arg3[%mul3A_654] : memref<2097152xi32, #tpu.memory_space<hbm>> -> memref<256xi32, #tpu.memory_space<hbm>>
        tpu.enqueue_dma source(%dma_start3A_672 : memref<256xi32, #tpu.memory_space<hbm>>) target(%dma_start3A_671 : memref<256xi32, #tpu.memory_space<vmem>>) target_semaphore(%arg10 : memref<!tpu.dma_semaphore, #tpu.memory_space<semaphore_mem>>)
      } else {
      }
      %broadcast_in_dim3A_439 = arith.constant 0.000000e+00 : f32
      %broadcast_in_dim3A_440 = vector.broadcast %broadcast_in_dim3A_439 : f32 to vector<16xf32>
      %scan3A_441 = arith.constant 0 : i32
      %scan3A_442 = arith.constant 25 : i32
      %scan3A_443 = arith.addi %scan3A_441, %scan3A_442 : i32
      %scan3A_444 = arith.constant 1 : i32
      %scan3A_445:4 = scf.for %scan3A_648 = %scan3A_441 to %scan3A_443 step %scan3A_444 iter_args(%scan3A_649 = %broadcast_in_dim3A_440, %scan3A_650 = %broadcast_in_dim3A_440, %scan3A_651 = %broadcast_in_dim3A_440, %scan3A_652 = %broadcast_in_dim3A_440) -> (vector<16xf32>, vector<16xf32>, vector<16xf32>, vector<16xf32>)  : i32 {
        %mul3A_653 = arith.constant 8 : i32
        %mul3A_654 = arith.muli %scan3A_648, %mul3A_653 : i32
        %add3A_655 = arith.constant 0 : i32
        %add3A_656 = arith.addi %add3A_655, %mul3A_654 : i32
        %add3A_657 = arith.constant 0 : i32
        %add3A_658 = arith.addi %add3A_656, %add3A_657 : i32
        %get3A = arith.constant 1 : i32
        %get3A_659 = arith.index_cast %get3A : i32 to index
        %get3A_660 = arith.index_cast %add3A_658 : i32 to index
        %get3A_661 = arith.constant 0 : index
        %get3A_662 = tpu.vector_load %arg8[%get3A_659, %get3A_660, %get3A_661] {strides = array<i32>} : memref<3x400x64xf32, #tpu.memory_space<vmem>>, vector<1x1x16xf32>,
        %get3A_663 = vector.shape_cast %get3A_662 : vector<1x1x16xf32> to vector<16xf32>
        %add3A_664 = arith.constant 1 : i32
        %add3A_665 = arith.addi %add3A_656, %add3A_664 : i32
        %get3A_666 = arith.constant 1 : i32
        %get3A_667 = arith.index_cast %get3A_666 : i32 to index
        %get3A_668 = arith.index_cast %add3A_665 : i32 to index
        %get3A_669 = arith.constant 0 : index
        %get3A_670 = tpu.vector_load %arg8[%get3A_667, %get3A_668, %get3A_669] {strides = array<i32>} : memref<3x400x64xf32, #tpu.memory_space<vmem>>, vector<1x1x16xf32>,
        %get3A_671 = vector.shape_cast %get3A_670 : vector<1x1x16xf32> to vector<16xf32>
        %add3A_672 = arith.constant 2 : i32
        %add3A_673 = arith.addi %add3A_656, %add3A_672 : i32
        %get3A_674 = arith.constant 1 : i32
        %get3A_675 = arith.index_cast %get3A_674 : i32 to index
        %get3A_676 = arith.index_cast %add3A_673 : i32 to index
        %get3A_677 = arith.constant 0 : index
        %get3A_678 = tpu.vector_load %arg8[%get3A_675, %get3A_676, %get3A_677] {strides = array<i32>} : memref<3x400x64xf32, #tpu.memory_space<vmem>>, vector<1x1x16xf32>,
        %get3A_679 = vector.shape_cast %get3A_678 : vector<1x1x16xf32> to vector<16xf32>
        %add3A_680 = arith.constant 3 : i32
        %add3A_681 = arith.addi %add3A_656, %add3A_680 : i32
        %get3A_682 = arith.constant 1 : i32
        %get3A_683 = arith.index_cast %get3A_682 : i32 to index
        %get3A_684 = arith.index_cast %add3A_681 : i32 to index
        %get3A_685 = arith.constant 0 : index
        %get3A_686 = tpu.vector_load %arg8[%get3A_683, %get3A_684, %get3A_685] {strides = array<i32>} : memref<3x400x64xf32, #tpu.memory_space<vmem>>, vector<1x1x16xf32>,
        %get3A_687 = vector.shape_cast %get3A_686 : vector<1x1x16xf32> to vector<16xf32>
        %add3A_688 = arith.constant 4 : i32
        %add3A_689 = arith.addi %add3A_656, %add3A_688 : i32
        %get3A_690 = arith.constant 1 : i32
        %get3A_691 = arith.index_cast %get3A_690 : i32 to index
        %get3A_692 = arith.index_cast %add3A_689 : i32 to index
        %get3A_693 = arith.constant 0 : index
        %get3A_694 = tpu.vector_load %arg8[%get3A_691, %get3A_692, %get3A_693] {strides = array<i32>} : memref<3x400x64xf32, #tpu.memory_space<vmem>>, vector<1x1x16xf32>,
        %get3A_695 = vector.shape_cast %get3A_694 : vector<1x1x16xf32> to vector<16xf32>
        %add3A_696 = arith.constant 5 : i32
        %add3A_697 = arith.addi %add3A_656, %add3A_696 : i32
        %get3A_698 = arith.constant 1 : i32
        %get3A_699 = arith.index_cast %get3A_698 : i32 to index
        %get3A_700 = arith.index_cast %add3A_697 : i32 to index
        %get3A_701 = arith.constant 0 : index
        %get3A_702 = tpu.vector_load %arg8[%get3A_699, %get3A_700, %get3A_701] {strides = array<i32>} : memref<3x400x64xf32, #tpu.memory_space<vmem>>, vector<1x1x16xf32>,
        %get3A_703 = vector.shape_cast %get3A_702 : vector<1x1x16xf32> to vector<16xf32>
        %add3A_704 = arith.constant 6 : i32
        %add3A_705 = arith.addi %add3A_656, %add3A_704 : i32
        %get3A_706 = arith.constant 1 : i32
        %get3A_707 = arith.index_cast %get3A_706 : i32 to index
        %get3A_708 = arith.index_cast %add3A_705 : i32 to index
        %get3A_709 = arith.constant 0 : index
        %get3A_710 = tpu.vector_load %arg8[%get3A_707, %get3A_708, %get3A_709] {strides = array<i32>} : memref<3x400x64xf32, #tpu.memory_space<vmem>>, vector<1x1x16xf32>,
        %get3A_711 = vector.shape_cast %get3A_710 : vector<1x1x16xf32> to vector<16xf32>
        %add3A_712 = arith.constant 7 : i32
        %add3A_713 = arith.addi %add3A_656, %add3A_712 : i32
        %get3A_714 = arith.constant 1 : i32
        %get3A_715 = arith.index_cast %get3A_714 : i32 to index
        %get3A_716 = arith.index_cast %add3A_713 : i32 to index
        %get3A_717 = arith.constant 0 : index
        %get3A_718 = tpu.vector_load %arg8[%get3A_715, %get3A_716, %get3A_717] {strides = array<i32>} : memref<3x400x64xf32, #tpu.memory_space<vmem>>, vector<1x1x16xf32>,
        %get3A_719 = vector.shape_cast %get3A_718 : vector<1x1x16xf32> to vector<16xf32>
        %add3A_720 = arith.addf %get3A_663, %get3A_671 : vector<16xf32>
        %add3A_721 = arith.addf %get3A_679, %get3A_687 : vector<16xf32>
        %add3A_722 = arith.addf %add3A_720, %add3A_721 : vector<16xf32>
        %add3A_723 = arith.addf %get3A_695, %get3A_703 : vector<16xf32>
        %add3A_724 = arith.addf %get3A_711, %get3A_719 : vector<16xf32>
        %add3A_725 = arith.addf %add3A_723, %add3A_724 : vector<16xf32>
        %add3A_726 = arith.addf %add3A_722, %add3A_725 : vector<16xf32>
        %add3A_727 = arith.addf %scan3A_649, %add3A_726 : vector<16xf32>
        %add3A_728 = arith.constant 0 : i32
        %add3A_729 = arith.addi %add3A_656, %add3A_728 : i32
        %get3A_730 = arith.constant 1 : i32
        %get3A_731 = arith.index_cast %get3A_730 : i32 to index
        %get3A_732 = arith.index_cast %add3A_729 : i32 to index
        %get3A_733 = arith.constant 16 : index
        %get3A_734 = tpu.vector_load %arg8[%get3A_731, %get3A_732, %get3A_733] {strides = array<i32>} : memref<3x400x64xf32, #tpu.memory_space<vmem>>, vector<1x1x16xf32>,
        %get3A_735 = vector.shape_cast %get3A_734 : vector<1x1x16xf32> to vector<16xf32>
        %add3A_736 = arith.constant 1 : i32
        %add3A_737 = arith.addi %add3A_656, %add3A_736 : i32
        %get3A_738 = arith.constant 1 : i32
        %get3A_739 = arith.index_cast %get3A_738 : i32 to index
        %get3A_740 = arith.index_cast %add3A_737 : i32 to index
        %get3A_741 = arith.constant 16 : index
        %get3A_742 = tpu.vector_load %arg8[%get3A_739, %get3A_740, %get3A_741] {strides = array<i32>} : memref<3x400x64xf32, #tpu.memory_space<vmem>>, vector<1x1x16xf32>,
        %get3A_743 = vector.shape_cast %get3A_742 : vector<1x1x16xf32> to vector<16xf32>
        %add3A_744 = arith.constant 2 : i32
        %add3A_745 = arith.addi %add3A_656, %add3A_744 : i32
        %get3A_746 = arith.constant 1 : i32
        %get3A_747 = arith.index_cast %get3A_746 : i32 to index
        %get3A_748 = arith.index_cast %add3A_745 : i32 to index
        %get3A_749 = arith.constant 16 : index
        %get3A_750 = tpu.vector_load %arg8[%get3A_747, %get3A_748, %get3A_749] {strides = array<i32>} : memref<3x400x64xf32, #tpu.memory_space<vmem>>, vector<1x1x16xf32>,
        %get3A_751 = vector.shape_cast %get3A_750 : vector<1x1x16xf32> to vector<16xf32>
        %add3A_752 = arith.constant 3 : i32
        %add3A_753 = arith.addi %add3A_656, %add3A_752 : i32
        %get3A_754 = arith.constant 1 : i32
        %get3A_755 = arith.index_cast %get3A_754 : i32 to index
        %get3A_756 = arith.index_cast %add3A_753 : i32 to index
        %get3A_757 = arith.constant 16 : index
        %get3A_758 = tpu.vector_load %arg8[%get3A_755, %get3A_756, %get3A_757] {strides = array<i32>} : memref<3x400x64xf32, #tpu.memory_space<vmem>>, vector<1x1x16xf32>,
        %get3A_759 = vector.shape_cast %get3A_758 : vector<1x1x16xf32> to vector<16xf32>
        %add3A_760 = arith.constant 4 : i32
        %add3A_761 = arith.addi %add3A_656, %add3A_760 : i32
        %get3A_762 = arith.constant 1 : i32
        %get3A_763 = arith.index_cast %get3A_762 : i32 to index
        %get3A_764 = arith.index_cast %add3A_761 : i32 to index
        %get3A_765 = arith.constant 16 : index
        %get3A_766 = tpu.vector_load %arg8[%get3A_763, %get3A_764, %get3A_765] {strides = array<i32>} : memref<3x400x64xf32, #tpu.memory_space<vmem>>, vector<1x1x16xf32>,
        %get3A_767 = vector.shape_cast %get3A_766 : vector<1x1x16xf32> to vector<16xf32>
        %add3A_768 = arith.constant 5 : i32
        %add3A_769 = arith.addi %add3A_656, %add3A_768 : i32
        %get3A_770 = arith.constant 1 : i32
        %get3A_771 = arith.index_cast %get3A_770 : i32 to index
        %get3A_772 = arith.index_cast %add3A_769 : i32 to index
        %get3A_773 = arith.constant 16 : index
        %get3A_774 = tpu.vector_load %arg8[%get3A_771, %get3A_772, %get3A_773] {strides = array<i32>} : memref<3x400x64xf32, #tpu.memory_space<vmem>>, vector<1x1x16xf32>,
        %get3A_775 = vector.shape_cast %get3A_774 : vector<1x1x16xf32> to vector<16xf32>
        %add3A_776 = arith.constant 6 : i32
        %add3A_777 = arith.addi %add3A_656, %add3A_776 : i32
        %get3A_778 = arith.constant 1 : i32
        %get3A_779 = arith.index_cast %get3A_778 : i32 to index
        %get3A_780 = arith.index_cast %add3A_777 : i32 to index
        %get3A_781 = arith.constant 16 : index
        %get3A_782 = tpu.vector_load %arg8[%get3A_779, %get3A_780, %get3A_781] {strides = array<i32>} : memref<3x400x64xf32, #tpu.memory_space<vmem>>, vector<1x1x16xf32>,
        %get3A_783 = vector.shape_cast %get3A_782 : vector<1x1x16xf32> to vector<16xf32>
        %add3A_784 = arith.constant 7 : i32
        %add3A_785 = arith.addi %add3A_656, %add3A_784 : i32
        %get3A_786 = arith.constant 1 : i32
        %get3A_787 = arith.index_cast %get3A_786 : i32 to index
        %get3A_788 = arith.index_cast %add3A_785 : i32 to index
        %get3A_789 = arith.constant 16 : index
        %get3A_790 = tpu.vector_load %arg8[%get3A_787, %get3A_788, %get3A_789] {strides = array<i32>} : memref<3x400x64xf32, #tpu.memory_space<vmem>>, vector<1x1x16xf32>,
        %get3A_791 = vector.shape_cast %get3A_790 : vector<1x1x16xf32> to vector<16xf32>
        %add3A_792 = arith.addf %get3A_735, %get3A_743 : vector<16xf32>
        %add3A_793 = arith.addf %get3A_751, %get3A_759 : vector<16xf32>
        %add3A_794 = arith.addf %add3A_792, %add3A_793 : vector<16xf32>
        %add3A_795 = arith.addf %get3A_767, %get3A_775 : vector<16xf32>
        %add3A_796 = arith.addf %get3A_783, %get3A_791 : vector<16xf32>
        %add3A_797 = arith.addf %add3A_795, %add3A_796 : vector<16xf32>
        %add3A_798 = arith.addf %add3A_794, %add3A_797 : vector<16xf32>
        %add3A_799 = arith.addf %scan3A_650, %add3A_798 : vector<16xf32>
        %add3A_800 = arith.constant 0 : i32
        %add3A_801 = arith.addi %add3A_656, %add3A_800 : i32
        %get3A_802 = arith.constant 1 : i32
        %get3A_803 = arith.index_cast %get3A_802 : i32 to index
        %get3A_804 = arith.index_cast %add3A_801 : i32 to index
        %get3A_805 = arith.constant 32 : index
        %get3A_806 = tpu.vector_load %arg8[%get3A_803, %get3A_804, %get3A_805] {strides = array<i32>} : memref<3x400x64xf32, #tpu.memory_space<vmem>>, vector<1x1x16xf32>,
        %get3A_807 = vector.shape_cast %get3A_806 : vector<1x1x16xf32> to vector<16xf32>
        %add3A_808 = arith.constant 1 : i32
        %add3A_809 = arith.addi %add3A_656, %add3A_808 : i32
        %get3A_810 = arith.constant 1 : i32
        %get3A_811 = arith.index_cast %get3A_810 : i32 to index
        %get3A_812 = arith.index_cast %add3A_809 : i32 to index
        %get3A_813 = arith.constant 32 : index
        %get3A_814 = tpu.vector_load %arg8[%get3A_811, %get3A_812, %get3A_813] {strides = array<i32>} : memref<3x400x64xf32, #tpu.memory_space<vmem>>, vector<1x1x16xf32>,
        %get3A_815 = vector.shape_cast %get3A_814 : vector<1x1x16xf32> to vector<16xf32>
        %add3A_816 = arith.constant 2 : i32
        %add3A_817 = arith.addi %add3A_656, %add3A_816 : i32
        %get3A_818 = arith.constant 1 : i32
        %get3A_819 = arith.index_cast %get3A_818 : i32 to index
        %get3A_820 = arith.index_cast %add3A_817 : i32 to index
        %get3A_821 = arith.constant 32 : index
        %get3A_822 = tpu.vector_load %arg8[%get3A_819, %get3A_820, %get3A_821] {strides = array<i32>} : memref<3x400x64xf32, #tpu.memory_space<vmem>>, vector<1x1x16xf32>,
        %get3A_823 = vector.shape_cast %get3A_822 : vector<1x1x16xf32> to vector<16xf32>
        %add3A_824 = arith.constant 3 : i32
        %add3A_825 = arith.addi %add3A_656, %add3A_824 : i32
        %get3A_826 = arith.constant 1 : i32
        %get3A_827 = arith.index_cast %get3A_826 : i32 to index
        %get3A_828 = arith.index_cast %add3A_825 : i32 to index
        %get3A_829 = arith.constant 32 : index
        %get3A_830 = tpu.vector_load %arg8[%get3A_827, %get3A_828, %get3A_829] {strides = array<i32>} : memref<3x400x64xf32, #tpu.memory_space<vmem>>, vector<1x1x16xf32>,
        %get3A_831 = vector.shape_cast %get3A_830 : vector<1x1x16xf32> to vector<16xf32>
        %add3A_832 = arith.constant 4 : i32
        %add3A_833 = arith.addi %add3A_656, %add3A_832 : i32
        %get3A_834 = arith.constant 1 : i32
        %get3A_835 = arith.index_cast %get3A_834 : i32 to index
        %get3A_836 = arith.index_cast %add3A_833 : i32 to index
        %get3A_837 = arith.constant 32 : index
        %get3A_838 = tpu.vector_load %arg8[%get3A_835, %get3A_836, %get3A_837] {strides = array<i32>} : memref<3x400x64xf32, #tpu.memory_space<vmem>>, vector<1x1x16xf32>,
        %get3A_839 = vector.shape_cast %get3A_838 : vector<1x1x16xf32> to vector<16xf32>
        %add3A_840 = arith.constant 5 : i32
        %add3A_841 = arith.addi %add3A_656, %add3A_840 : i32
        %get3A_842 = arith.constant 1 : i32
        %get3A_843 = arith.index_cast %get3A_842 : i32 to index
        %get3A_844 = arith.index_cast %add3A_841 : i32 to index
        %get3A_845 = arith.constant 32 : index
        %get3A_846 = tpu.vector_load %arg8[%get3A_843, %get3A_844, %get3A_845] {strides = array<i32>} : memref<3x400x64xf32, #tpu.memory_space<vmem>>, vector<1x1x16xf32>,
        %get3A_847 = vector.shape_cast %get3A_846 : vector<1x1x16xf32> to vector<16xf32>
        %add3A_848 = arith.constant 6 : i32
        %add3A_849 = arith.addi %add3A_656, %add3A_848 : i32
        %get3A_850 = arith.constant 1 : i32
        %get3A_851 = arith.index_cast %get3A_850 : i32 to index
        %get3A_852 = arith.index_cast %add3A_849 : i32 to index
        %get3A_853 = arith.constant 32 : index
        %get3A_854 = tpu.vector_load %arg8[%get3A_851, %get3A_852, %get3A_853] {strides = array<i32>} : memref<3x400x64xf32, #tpu.memory_space<vmem>>, vector<1x1x16xf32>,
        %get3A_855 = vector.shape_cast %get3A_854 : vector<1x1x16xf32> to vector<16xf32>
        %add3A_856 = arith.constant 7 : i32
        %add3A_857 = arith.addi %add3A_656, %add3A_856 : i32
        %get3A_858 = arith.constant 1 : i32
        %get3A_859 = arith.index_cast %get3A_858 : i32 to index
        %get3A_860 = arith.index_cast %add3A_857 : i32 to index
        %get3A_861 = arith.constant 32 : index
        %get3A_862 = tpu.vector_load %arg8[%get3A_859, %get3A_860, %get3A_861] {strides = array<i32>} : memref<3x400x64xf32, #tpu.memory_space<vmem>>, vector<1x1x16xf32>,
        %get3A_863 = vector.shape_cast %get3A_862 : vector<1x1x16xf32> to vector<16xf32>
        %add3A_864 = arith.addf %get3A_807, %get3A_815 : vector<16xf32>
        %add3A_865 = arith.addf %get3A_823, %get3A_831 : vector<16xf32>
        %add3A_866 = arith.addf %add3A_864, %add3A_865 : vector<16xf32>
        %add3A_867 = arith.addf %get3A_839, %get3A_847 : vector<16xf32>
        %add3A_868 = arith.addf %get3A_855, %get3A_863 : vector<16xf32>
        %add3A_869 = arith.addf %add3A_867, %add3A_868 : vector<16xf32>
        %add3A_870 = arith.addf %add3A_866, %add3A_869 : vector<16xf32>
        %add3A_871 = arith.addf %scan3A_651, %add3A_870 : vector<16xf32>
        %add3A_872 = arith.constant 0 : i32
        %add3A_873 = arith.addi %add3A_656, %add3A_872 : i32
        %get3A_874 = arith.constant 1 : i32
        %get3A_875 = arith.index_cast %get3A_874 : i32 to index
        %get3A_876 = arith.index_cast %add3A_873 : i32 to index
        %get3A_877 = arith.constant 48 : index
        %get3A_878 = tpu.vector_load %arg8[%get3A_875, %get3A_876, %get3A_877] {strides = array<i32>} : memref<3x400x64xf32, #tpu.memory_space<vmem>>, vector<1x1x16xf32>,
        %get3A_879 = vector.shape_cast %get3A_878 : vector<1x1x16xf32> to vector<16xf32>
        %add3A_880 = arith.constant 1 : i32
        %add3A_881 = arith.addi %add3A_656, %add3A_880 : i32
        %get3A_882 = arith.constant 1 : i32
        %get3A_883 = arith.index_cast %get3A_882 : i32 to index
        %get3A_884 = arith.index_cast %add3A_881 : i32 to index
        %get3A_885 = arith.constant 48 : index
        %get3A_886 = tpu.vector_load %arg8[%get3A_883, %get3A_884, %get3A_885] {strides = array<i32>} : memref<3x400x64xf32, #tpu.memory_space<vmem>>, vector<1x1x16xf32>,
        %get3A_887 = vector.shape_cast %get3A_886 : vector<1x1x16xf32> to vector<16xf32>
        %add3A_888 = arith.constant 2 : i32
        %add3A_889 = arith.addi %add3A_656, %add3A_888 : i32
        %get3A_890 = arith.constant 1 : i32
        %get3A_891 = arith.index_cast %get3A_890 : i32 to index
        %get3A_892 = arith.index_cast %add3A_889 : i32 to index
        %get3A_893 = arith.constant 48 : index
        %get3A_894 = tpu.vector_load %arg8[%get3A_891, %get3A_892, %get3A_893] {strides = array<i32>} : memref<3x400x64xf32, #tpu.memory_space<vmem>>, vector<1x1x16xf32>,
        %get3A_895 = vector.shape_cast %get3A_894 : vector<1x1x16xf32> to vector<16xf32>
        %add3A_896 = arith.constant 3 : i32
        %add3A_897 = arith.addi %add3A_656, %add3A_896 : i32
        %get3A_898 = arith.constant 1 : i32
        %get3A_899 = arith.index_cast %get3A_898 : i32 to index
        %get3A_900 = arith.index_cast %add3A_897 : i32 to index
        %get3A_901 = arith.constant 48 : index
        %get3A_902 = tpu.vector_load %arg8[%get3A_899, %get3A_900, %get3A_901] {strides = array<i32>} : memref<3x400x64xf32, #tpu.memory_space<vmem>>, vector<1x1x16xf32>,
        %get3A_903 = vector.shape_cast %get3A_902 : vector<1x1x16xf32> to vector<16xf32>
        %add3A_904 = arith.constant 4 : i32
        %add3A_905 = arith.addi %add3A_656, %add3A_904 : i32
        %get3A_906 = arith.constant 1 : i32
        %get3A_907 = arith.index_cast %get3A_906 : i32 to index
        %get3A_908 = arith.index_cast %add3A_905 : i32 to index
        %get3A_909 = arith.constant 48 : index
        %get3A_910 = tpu.vector_load %arg8[%get3A_907, %get3A_908, %get3A_909] {strides = array<i32>} : memref<3x400x64xf32, #tpu.memory_space<vmem>>, vector<1x1x16xf32>,
        %get3A_911 = vector.shape_cast %get3A_910 : vector<1x1x16xf32> to vector<16xf32>
        %add3A_912 = arith.constant 5 : i32
        %add3A_913 = arith.addi %add3A_656, %add3A_912 : i32
        %get3A_914 = arith.constant 1 : i32
        %get3A_915 = arith.index_cast %get3A_914 : i32 to index
        %get3A_916 = arith.index_cast %add3A_913 : i32 to index
        %get3A_917 = arith.constant 48 : index
        %get3A_918 = tpu.vector_load %arg8[%get3A_915, %get3A_916, %get3A_917] {strides = array<i32>} : memref<3x400x64xf32, #tpu.memory_space<vmem>>, vector<1x1x16xf32>,
        %get3A_919 = vector.shape_cast %get3A_918 : vector<1x1x16xf32> to vector<16xf32>
        %add3A_920 = arith.constant 6 : i32
        %add3A_921 = arith.addi %add3A_656, %add3A_920 : i32
        %get3A_922 = arith.constant 1 : i32
        %get3A_923 = arith.index_cast %get3A_922 : i32 to index
        %get3A_924 = arith.index_cast %add3A_921 : i32 to index
        %get3A_925 = arith.constant 48 : index
        %get3A_926 = tpu.vector_load %arg8[%get3A_923, %get3A_924, %get3A_925] {strides = array<i32>} : memref<3x400x64xf32, #tpu.memory_space<vmem>>, vector<1x1x16xf32>,
        %get3A_927 = vector.shape_cast %get3A_926 : vector<1x1x16xf32> to vector<16xf32>
        %add3A_928 = arith.constant 7 : i32
        %add3A_929 = arith.addi %add3A_656, %add3A_928 : i32
        %get3A_930 = arith.constant 1 : i32
        %get3A_931 = arith.index_cast %get3A_930 : i32 to index
        %get3A_932 = arith.index_cast %add3A_929 : i32 to index
        %get3A_933 = arith.constant 48 : index
        %get3A_934 = tpu.vector_load %arg8[%get3A_931, %get3A_932, %get3A_933] {strides = array<i32>} : memref<3x400x64xf32, #tpu.memory_space<vmem>>, vector<1x1x16xf32>,
        %get3A_935 = vector.shape_cast %get3A_934 : vector<1x1x16xf32> to vector<16xf32>
        %add3A_936 = arith.addf %get3A_879, %get3A_887 : vector<16xf32>
        %add3A_937 = arith.addf %get3A_895, %get3A_903 : vector<16xf32>
        %add3A_938 = arith.addf %add3A_936, %add3A_937 : vector<16xf32>
        %add3A_939 = arith.addf %get3A_911, %get3A_919 : vector<16xf32>
        %add3A_940 = arith.addf %get3A_927, %get3A_935 : vector<16xf32>
        %add3A_941 = arith.addf %add3A_939, %add3A_940 : vector<16xf32>
        %add3A_942 = arith.addf %add3A_938, %add3A_941 : vector<16xf32>
        %add3A_943 = arith.addf %scan3A_652, %add3A_942 : vector<16xf32>
        scf.yield %add3A_727, %add3A_799, %add3A_871, %add3A_943 : vector<16xf32>, vector<16xf32>, vector<16xf32>, vector<16xf32>
      }
      %scan3A_446 = arith.constant 25 : i32
      %mul3A_447 = arith.constant 2 : i32
      %mul3A_448 = arith.muli %add3A_409, %mul3A_447 : i32
      %add3A_449 = arith.constant 0 : i32
      %add3A_450 = arith.addi %mul3A_448, %add3A_449 : i32
      %swap3A_451 = arith.index_cast %add3A_450 : i32 to index
      %swap3A_452 = arith.constant 0 : index
      %swap3A_453 = tpu.vector_load %arg9[%swap3A_451, %swap3A_452] {strides = array<i32>} : memref<512x64xf32, #tpu.memory_space<vmem>>, vector<1x16xf32>,
      %swap3A_454 = vector.shape_cast %swap3A_453 : vector<1x16xf32> to vector<16xf32>
      %swap3A_455 = vector.shape_cast %scan3A_445#0 : vector<16xf32> to vector<1x16xf32>
      tpu.vector_store %arg9[%swap3A_451, %swap3A_452], %swap3A_455 {strides = array<i32>} : memref<512x64xf32, #tpu.memory_space<vmem>>, vector<1x16xf32>,
      %mul3A_456 = arith.constant 2 : i32
      %mul3A_457 = arith.muli %add3A_409, %mul3A_456 : i32
      %add3A_458 = arith.constant 0 : i32
      %add3A_459 = arith.addi %mul3A_457, %add3A_458 : i32
      %swap3A_460 = arith.index_cast %add3A_459 : i32 to index
      %swap3A_461 = arith.constant 16 : index
      %swap3A_462 = tpu.vector_load %arg9[%swap3A_460, %swap3A_461] {strides = array<i32>} : memref<512x64xf32, #tpu.memory_space<vmem>>, vector<1x16xf32>,
      %swap3A_463 = vector.shape_cast %swap3A_462 : vector<1x16xf32> to vector<16xf32>
      %swap3A_464 = vector.shape_cast %scan3A_445#1 : vector<16xf32> to vector<1x16xf32>
      tpu.vector_store %arg9[%swap3A_460, %swap3A_461], %swap3A_464 {strides = array<i32>} : memref<512x64xf32, #tpu.memory_space<vmem>>, vector<1x16xf32>,
      %mul3A_465 = arith.constant 2 : i32
      %mul3A_466 = arith.muli %add3A_409, %mul3A_465 : i32
      %add3A_467 = arith.constant 0 : i32
      %add3A_468 = arith.addi %mul3A_466, %add3A_467 : i32
      %swap3A_469 = arith.index_cast %add3A_468 : i32 to index
      %swap3A_470 = arith.constant 32 : index
      %swap3A_471 = tpu.vector_load %arg9[%swap3A_469, %swap3A_470] {strides = array<i32>} : memref<512x64xf32, #tpu.memory_space<vmem>>, vector<1x16xf32>,
      %swap3A_472 = vector.shape_cast %swap3A_471 : vector<1x16xf32> to vector<16xf32>
      %swap3A_473 = vector.shape_cast %scan3A_445#2 : vector<16xf32> to vector<1x16xf32>
      tpu.vector_store %arg9[%swap3A_469, %swap3A_470], %swap3A_473 {strides = array<i32>} : memref<512x64xf32, #tpu.memory_space<vmem>>, vector<1x16xf32>,
      %mul3A_474 = arith.constant 2 : i32
      %mul3A_475 = arith.muli %add3A_409, %mul3A_474 : i32
      %add3A_476 = arith.constant 0 : i32
      %add3A_477 = arith.addi %mul3A_475, %add3A_476 : i32
      %swap3A_478 = arith.index_cast %add3A_477 : i32 to index
      %swap3A_479 = arith.constant 48 : index
      %swap3A_480 = tpu.vector_load %arg9[%swap3A_478, %swap3A_479] {strides = array<i32>} : memref<512x64xf32, #tpu.memory_space<vmem>>, vector<1x16xf32>,
      %swap3A_481 = vector.shape_cast %swap3A_480 : vector<1x16xf32> to vector<16xf32>
      %swap3A_482 = vector.shape_cast %scan3A_445#3 : vector<16xf32> to vector<1x16xf32>
      tpu.vector_store %arg9[%swap3A_478, %swap3A_479], %swap3A_482 {strides = array<i32>} : memref<512x64xf32, #tpu.memory_space<vmem>>, vector<1x16xf32>,
      %broadcast_in_dim3A_483 = arith.constant 0.000000e+00 : f32
      %broadcast_in_dim3A_484 = vector.broadcast %broadcast_in_dim3A_483 : f32 to vector<16xf32>
      %scan3A_485 = arith.constant 0 : i32
      %scan3A_486 = arith.constant 25 : i32
      %scan3A_487 = arith.addi %scan3A_485, %scan3A_486 : i32
      %scan3A_488 = arith.constant 1 : i32
      %scan3A_489:4 = scf.for %scan3A_648 = %scan3A_485 to %scan3A_487 step %scan3A_488 iter_args(%scan3A_649 = %broadcast_in_dim3A_484, %scan3A_650 = %broadcast_in_dim3A_484, %scan3A_651 = %broadcast_in_dim3A_484, %scan3A_652 = %broadcast_in_dim3A_484) -> (vector<16xf32>, vector<16xf32>, vector<16xf32>, vector<16xf32>)  : i32 {
        %mul3A_653 = arith.constant 8 : i32
        %mul3A_654 = arith.muli %scan3A_648, %mul3A_653 : i32
        %add3A_655 = arith.constant 200 : i32
        %add3A_656 = arith.addi %add3A_655, %mul3A_654 : i32
        %add3A_657 = arith.constant 0 : i32
        %add3A_658 = arith.addi %add3A_656, %add3A_657 : i32
        %get3A = arith.constant 1 : i32
        %get3A_659 = arith.index_cast %get3A : i32 to index
        %get3A_660 = arith.index_cast %add3A_658 : i32 to index
        %get3A_661 = arith.constant 0 : index
        %get3A_662 = tpu.vector_load %arg8[%get3A_659, %get3A_660, %get3A_661] {strides = array<i32>} : memref<3x400x64xf32, #tpu.memory_space<vmem>>, vector<1x1x16xf32>,
        %get3A_663 = vector.shape_cast %get3A_662 : vector<1x1x16xf32> to vector<16xf32>
        %add3A_664 = arith.constant 1 : i32
        %add3A_665 = arith.addi %add3A_656, %add3A_664 : i32
        %get3A_666 = arith.constant 1 : i32
        %get3A_667 = arith.index_cast %get3A_666 : i32 to index
        %get3A_668 = arith.index_cast %add3A_665 : i32 to index
        %get3A_669 = arith.constant 0 : index
        %get3A_670 = tpu.vector_load %arg8[%get3A_667, %get3A_668, %get3A_669] {strides = array<i32>} : memref<3x400x64xf32, #tpu.memory_space<vmem>>, vector<1x1x16xf32>,
        %get3A_671 = vector.shape_cast %get3A_670 : vector<1x1x16xf32> to vector<16xf32>
        %add3A_672 = arith.constant 2 : i32
        %add3A_673 = arith.addi %add3A_656, %add3A_672 : i32
        %get3A_674 = arith.constant 1 : i32
        %get3A_675 = arith.index_cast %get3A_674 : i32 to index
        %get3A_676 = arith.index_cast %add3A_673 : i32 to index
        %get3A_677 = arith.constant 0 : index
        %get3A_678 = tpu.vector_load %arg8[%get3A_675, %get3A_676, %get3A_677] {strides = array<i32>} : memref<3x400x64xf32, #tpu.memory_space<vmem>>, vector<1x1x16xf32>,
        %get3A_679 = vector.shape_cast %get3A_678 : vector<1x1x16xf32> to vector<16xf32>
        %add3A_680 = arith.constant 3 : i32
        %add3A_681 = arith.addi %add3A_656, %add3A_680 : i32
        %get3A_682 = arith.constant 1 : i32
        %get3A_683 = arith.index_cast %get3A_682 : i32 to index
        %get3A_684 = arith.index_cast %add3A_681 : i32 to index
        %get3A_685 = arith.constant 0 : index
        %get3A_686 = tpu.vector_load %arg8[%get3A_683, %get3A_684, %get3A_685] {strides = array<i32>} : memref<3x400x64xf32, #tpu.memory_space<vmem>>, vector<1x1x16xf32>,
        %get3A_687 = vector.shape_cast %get3A_686 : vector<1x1x16xf32> to vector<16xf32>
        %add3A_688 = arith.constant 4 : i32
        %add3A_689 = arith.addi %add3A_656, %add3A_688 : i32
        %get3A_690 = arith.constant 1 : i32
        %get3A_691 = arith.index_cast %get3A_690 : i32 to index
        %get3A_692 = arith.index_cast %add3A_689 : i32 to index
        %get3A_693 = arith.constant 0 : index
        %get3A_694 = tpu.vector_load %arg8[%get3A_691, %get3A_692, %get3A_693] {strides = array<i32>} : memref<3x400x64xf32, #tpu.memory_space<vmem>>, vector<1x1x16xf32>,
        %get3A_695 = vector.shape_cast %get3A_694 : vector<1x1x16xf32> to vector<16xf32>
        %add3A_696 = arith.constant 5 : i32
        %add3A_697 = arith.addi %add3A_656, %add3A_696 : i32
        %get3A_698 = arith.constant 1 : i32
        %get3A_699 = arith.index_cast %get3A_698 : i32 to index
        %get3A_700 = arith.index_cast %add3A_697 : i32 to index
        %get3A_701 = arith.constant 0 : index
        %get3A_702 = tpu.vector_load %arg8[%get3A_699, %get3A_700, %get3A_701] {strides = array<i32>} : memref<3x400x64xf32, #tpu.memory_space<vmem>>, vector<1x1x16xf32>,
        %get3A_703 = vector.shape_cast %get3A_702 : vector<1x1x16xf32> to vector<16xf32>
        %add3A_704 = arith.constant 6 : i32
        %add3A_705 = arith.addi %add3A_656, %add3A_704 : i32
        %get3A_706 = arith.constant 1 : i32
        %get3A_707 = arith.index_cast %get3A_706 : i32 to index
        %get3A_708 = arith.index_cast %add3A_705 : i32 to index
        %get3A_709 = arith.constant 0 : index
        %get3A_710 = tpu.vector_load %arg8[%get3A_707, %get3A_708, %get3A_709] {strides = array<i32>} : memref<3x400x64xf32, #tpu.memory_space<vmem>>, vector<1x1x16xf32>,
        %get3A_711 = vector.shape_cast %get3A_710 : vector<1x1x16xf32> to vector<16xf32>
        %add3A_712 = arith.constant 7 : i32
        %add3A_713 = arith.addi %add3A_656, %add3A_712 : i32
        %get3A_714 = arith.constant 1 : i32
        %get3A_715 = arith.index_cast %get3A_714 : i32 to index
        %get3A_716 = arith.index_cast %add3A_713 : i32 to index
        %get3A_717 = arith.constant 0 : index
        %get3A_718 = tpu.vector_load %arg8[%get3A_715, %get3A_716, %get3A_717] {strides = array<i32>} : memref<3x400x64xf32, #tpu.memory_space<vmem>>, vector<1x1x16xf32>,
        %get3A_719 = vector.shape_cast %get3A_718 : vector<1x1x16xf32> to vector<16xf32>
        %add3A_720 = arith.addf %get3A_663, %get3A_671 : vector<16xf32>
        %add3A_721 = arith.addf %get3A_679, %get3A_687 : vector<16xf32>
        %add3A_722 = arith.addf %add3A_720, %add3A_721 : vector<16xf32>
        %add3A_723 = arith.addf %get3A_695, %get3A_703 : vector<16xf32>
        %add3A_724 = arith.addf %get3A_711, %get3A_719 : vector<16xf32>
        %add3A_725 = arith.addf %add3A_723, %add3A_724 : vector<16xf32>
        %add3A_726 = arith.addf %add3A_722, %add3A_725 : vector<16xf32>
        %add3A_727 = arith.addf %scan3A_649, %add3A_726 : vector<16xf32>
        %add3A_728 = arith.constant 0 : i32
        %add3A_729 = arith.addi %add3A_656, %add3A_728 : i32
        %get3A_730 = arith.constant 1 : i32
        %get3A_731 = arith.index_cast %get3A_730 : i32 to index
        %get3A_732 = arith.index_cast %add3A_729 : i32 to index
        %get3A_733 = arith.constant 16 : index
        %get3A_734 = tpu.vector_load %arg8[%get3A_731, %get3A_732, %get3A_733] {strides = array<i32>} : memref<3x400x64xf32, #tpu.memory_space<vmem>>, vector<1x1x16xf32>,
        %get3A_735 = vector.shape_cast %get3A_734 : vector<1x1x16xf32> to vector<16xf32>
        %add3A_736 = arith.constant 1 : i32
        %add3A_737 = arith.addi %add3A_656, %add3A_736 : i32
        %get3A_738 = arith.constant 1 : i32
        %get3A_739 = arith.index_cast %get3A_738 : i32 to index
        %get3A_740 = arith.index_cast %add3A_737 : i32 to index
        %get3A_741 = arith.constant 16 : index
        %get3A_742 = tpu.vector_load %arg8[%get3A_739, %get3A_740, %get3A_741] {strides = array<i32>} : memref<3x400x64xf32, #tpu.memory_space<vmem>>, vector<1x1x16xf32>,
        %get3A_743 = vector.shape_cast %get3A_742 : vector<1x1x16xf32> to vector<16xf32>
        %add3A_744 = arith.constant 2 : i32
        %add3A_745 = arith.addi %add3A_656, %add3A_744 : i32
        %get3A_746 = arith.constant 1 : i32
        %get3A_747 = arith.index_cast %get3A_746 : i32 to index
        %get3A_748 = arith.index_cast %add3A_745 : i32 to index
        %get3A_749 = arith.constant 16 : index
        %get3A_750 = tpu.vector_load %arg8[%get3A_747, %get3A_748, %get3A_749] {strides = array<i32>} : memref<3x400x64xf32, #tpu.memory_space<vmem>>, vector<1x1x16xf32>,
        %get3A_751 = vector.shape_cast %get3A_750 : vector<1x1x16xf32> to vector<16xf32>
        %add3A_752 = arith.constant 3 : i32
        %add3A_753 = arith.addi %add3A_656, %add3A_752 : i32
        %get3A_754 = arith.constant 1 : i32
        %get3A_755 = arith.index_cast %get3A_754 : i32 to index
        %get3A_756 = arith.index_cast %add3A_753 : i32 to index
        %get3A_757 = arith.constant 16 : index
        %get3A_758 = tpu.vector_load %arg8[%get3A_755, %get3A_756, %get3A_757] {strides = array<i32>} : memref<3x400x64xf32, #tpu.memory_space<vmem>>, vector<1x1x16xf32>,
        %get3A_759 = vector.shape_cast %get3A_758 : vector<1x1x16xf32> to vector<16xf32>
        %add3A_760 = arith.constant 4 : i32
        %add3A_761 = arith.addi %add3A_656, %add3A_760 : i32
        %get3A_762 = arith.constant 1 : i32
        %get3A_763 = arith.index_cast %get3A_762 : i32 to index
        %get3A_764 = arith.index_cast %add3A_761 : i32 to index
        %get3A_765 = arith.constant 16 : index
        %get3A_766 = tpu.vector_load %arg8[%get3A_763, %get3A_764, %get3A_765] {strides = array<i32>} : memref<3x400x64xf32, #tpu.memory_space<vmem>>, vector<1x1x16xf32>,
        %get3A_767 = vector.shape_cast %get3A_766 : vector<1x1x16xf32> to vector<16xf32>
        %add3A_768 = arith.constant 5 : i32
        %add3A_769 = arith.addi %add3A_656, %add3A_768 : i32
        %get3A_770 = arith.constant 1 : i32
        %get3A_771 = arith.index_cast %get3A_770 : i32 to index
        %get3A_772 = arith.index_cast %add3A_769 : i32 to index
        %get3A_773 = arith.constant 16 : index
        %get3A_774 = tpu.vector_load %arg8[%get3A_771, %get3A_772, %get3A_773] {strides = array<i32>} : memref<3x400x64xf32, #tpu.memory_space<vmem>>, vector<1x1x16xf32>,
        %get3A_775 = vector.shape_cast %get3A_774 : vector<1x1x16xf32> to vector<16xf32>
        %add3A_776 = arith.constant 6 : i32
        %add3A_777 = arith.addi %add3A_656, %add3A_776 : i32
        %get3A_778 = arith.constant 1 : i32
        %get3A_779 = arith.index_cast %get3A_778 : i32 to index
        %get3A_780 = arith.index_cast %add3A_777 : i32 to index
        %get3A_781 = arith.constant 16 : index
        %get3A_782 = tpu.vector_load %arg8[%get3A_779, %get3A_780, %get3A_781] {strides = array<i32>} : memref<3x400x64xf32, #tpu.memory_space<vmem>>, vector<1x1x16xf32>,
        %get3A_783 = vector.shape_cast %get3A_782 : vector<1x1x16xf32> to vector<16xf32>
        %add3A_784 = arith.constant 7 : i32
        %add3A_785 = arith.addi %add3A_656, %add3A_784 : i32
        %get3A_786 = arith.constant 1 : i32
        %get3A_787 = arith.index_cast %get3A_786 : i32 to index
        %get3A_788 = arith.index_cast %add3A_785 : i32 to index
        %get3A_789 = arith.constant 16 : index
        %get3A_790 = tpu.vector_load %arg8[%get3A_787, %get3A_788, %get3A_789] {strides = array<i32>} : memref<3x400x64xf32, #tpu.memory_space<vmem>>, vector<1x1x16xf32>,
        %get3A_791 = vector.shape_cast %get3A_790 : vector<1x1x16xf32> to vector<16xf32>
        %add3A_792 = arith.addf %get3A_735, %get3A_743 : vector<16xf32>
        %add3A_793 = arith.addf %get3A_751, %get3A_759 : vector<16xf32>
        %add3A_794 = arith.addf %add3A_792, %add3A_793 : vector<16xf32>
        %add3A_795 = arith.addf %get3A_767, %get3A_775 : vector<16xf32>
        %add3A_796 = arith.addf %get3A_783, %get3A_791 : vector<16xf32>
        %add3A_797 = arith.addf %add3A_795, %add3A_796 : vector<16xf32>
        %add3A_798 = arith.addf %add3A_794, %add3A_797 : vector<16xf32>
        %add3A_799 = arith.addf %scan3A_650, %add3A_798 : vector<16xf32>
        %add3A_800 = arith.constant 0 : i32
        %add3A_801 = arith.addi %add3A_656, %add3A_800 : i32
        %get3A_802 = arith.constant 1 : i32
        %get3A_803 = arith.index_cast %get3A_802 : i32 to index
        %get3A_804 = arith.index_cast %add3A_801 : i32 to index
        %get3A_805 = arith.constant 32 : index
        %get3A_806 = tpu.vector_load %arg8[%get3A_803, %get3A_804, %get3A_805] {strides = array<i32>} : memref<3x400x64xf32, #tpu.memory_space<vmem>>, vector<1x1x16xf32>,
        %get3A_807 = vector.shape_cast %get3A_806 : vector<1x1x16xf32> to vector<16xf32>
        %add3A_808 = arith.constant 1 : i32
        %add3A_809 = arith.addi %add3A_656, %add3A_808 : i32
        %get3A_810 = arith.constant 1 : i32
        %get3A_811 = arith.index_cast %get3A_810 : i32 to index
        %get3A_812 = arith.index_cast %add3A_809 : i32 to index
        %get3A_813 = arith.constant 32 : index
        %get3A_814 = tpu.vector_load %arg8[%get3A_811, %get3A_812, %get3A_813] {strides = array<i32>} : memref<3x400x64xf32, #tpu.memory_space<vmem>>, vector<1x1x16xf32>,
        %get3A_815 = vector.shape_cast %get3A_814 : vector<1x1x16xf32> to vector<16xf32>
        %add3A_816 = arith.constant 2 : i32
        %add3A_817 = arith.addi %add3A_656, %add3A_816 : i32
        %get3A_818 = arith.constant 1 : i32
        %get3A_819 = arith.index_cast %get3A_818 : i32 to index
        %get3A_820 = arith.index_cast %add3A_817 : i32 to index
        %get3A_821 = arith.constant 32 : index
        %get3A_822 = tpu.vector_load %arg8[%get3A_819, %get3A_820, %get3A_821] {strides = array<i32>} : memref<3x400x64xf32, #tpu.memory_space<vmem>>, vector<1x1x16xf32>,
        %get3A_823 = vector.shape_cast %get3A_822 : vector<1x1x16xf32> to vector<16xf32>
        %add3A_824 = arith.constant 3 : i32
        %add3A_825 = arith.addi %add3A_656, %add3A_824 : i32
        %get3A_826 = arith.constant 1 : i32
        %get3A_827 = arith.index_cast %get3A_826 : i32 to index
        %get3A_828 = arith.index_cast %add3A_825 : i32 to index
        %get3A_829 = arith.constant 32 : index
        %get3A_830 = tpu.vector_load %arg8[%get3A_827, %get3A_828, %get3A_829] {strides = array<i32>} : memref<3x400x64xf32, #tpu.memory_space<vmem>>, vector<1x1x16xf32>,
        %get3A_831 = vector.shape_cast %get3A_830 : vector<1x1x16xf32> to vector<16xf32>
        %add3A_832 = arith.constant 4 : i32
        %add3A_833 = arith.addi %add3A_656, %add3A_832 : i32
        %get3A_834 = arith.constant 1 : i32
        %get3A_835 = arith.index_cast %get3A_834 : i32 to index
        %get3A_836 = arith.index_cast %add3A_833 : i32 to index
        %get3A_837 = arith.constant 32 : index
        %get3A_838 = tpu.vector_load %arg8[%get3A_835, %get3A_836, %get3A_837] {strides = array<i32>} : memref<3x400x64xf32, #tpu.memory_space<vmem>>, vector<1x1x16xf32>,
        %get3A_839 = vector.shape_cast %get3A_838 : vector<1x1x16xf32> to vector<16xf32>
        %add3A_840 = arith.constant 5 : i32
        %add3A_841 = arith.addi %add3A_656, %add3A_840 : i32
        %get3A_842 = arith.constant 1 : i32
        %get3A_843 = arith.index_cast %get3A_842 : i32 to index
        %get3A_844 = arith.index_cast %add3A_841 : i32 to index
        %get3A_845 = arith.constant 32 : index
        %get3A_846 = tpu.vector_load %arg8[%get3A_843, %get3A_844, %get3A_845] {strides = array<i32>} : memref<3x400x64xf32, #tpu.memory_space<vmem>>, vector<1x1x16xf32>,
        %get3A_847 = vector.shape_cast %get3A_846 : vector<1x1x16xf32> to vector<16xf32>
        %add3A_848 = arith.constant 6 : i32
        %add3A_849 = arith.addi %add3A_656, %add3A_848 : i32
        %get3A_850 = arith.constant 1 : i32
        %get3A_851 = arith.index_cast %get3A_850 : i32 to index
        %get3A_852 = arith.index_cast %add3A_849 : i32 to index
        %get3A_853 = arith.constant 32 : index
        %get3A_854 = tpu.vector_load %arg8[%get3A_851, %get3A_852, %get3A_853] {strides = array<i32>} : memref<3x400x64xf32, #tpu.memory_space<vmem>>, vector<1x1x16xf32>,
        %get3A_855 = vector.shape_cast %get3A_854 : vector<1x1x16xf32> to vector<16xf32>
        %add3A_856 = arith.constant 7 : i32
        %add3A_857 = arith.addi %add3A_656, %add3A_856 : i32
        %get3A_858 = arith.constant 1 : i32
        %get3A_859 = arith.index_cast %get3A_858 : i32 to index
        %get3A_860 = arith.index_cast %add3A_857 : i32 to index
        %get3A_861 = arith.constant 32 : index
        %get3A_862 = tpu.vector_load %arg8[%get3A_859, %get3A_860, %get3A_861] {strides = array<i32>} : memref<3x400x64xf32, #tpu.memory_space<vmem>>, vector<1x1x16xf32>,
        %get3A_863 = vector.shape_cast %get3A_862 : vector<1x1x16xf32> to vector<16xf32>
        %add3A_864 = arith.addf %get3A_807, %get3A_815 : vector<16xf32>
        %add3A_865 = arith.addf %get3A_823, %get3A_831 : vector<16xf32>
        %add3A_866 = arith.addf %add3A_864, %add3A_865 : vector<16xf32>
        %add3A_867 = arith.addf %get3A_839, %get3A_847 : vector<16xf32>
        %add3A_868 = arith.addf %get3A_855, %get3A_863 : vector<16xf32>
        %add3A_869 = arith.addf %add3A_867, %add3A_868 : vector<16xf32>
        %add3A_870 = arith.addf %add3A_866, %add3A_869 : vector<16xf32>
        %add3A_871 = arith.addf %scan3A_651, %add3A_870 : vector<16xf32>
        %add3A_872 = arith.constant 0 : i32
        %add3A_873 = arith.addi %add3A_656, %add3A_872 : i32
        %get3A_874 = arith.constant 1 : i32
        %get3A_875 = arith.index_cast %get3A_874 : i32 to index
        %get3A_876 = arith.index_cast %add3A_873 : i32 to index
        %get3A_877 = arith.constant 48 : index
        %get3A_878 = tpu.vector_load %arg8[%get3A_875, %get3A_876, %get3A_877] {strides = array<i32>} : memref<3x400x64xf32, #tpu.memory_space<vmem>>, vector<1x1x16xf32>,
        %get3A_879 = vector.shape_cast %get3A_878 : vector<1x1x16xf32> to vector<16xf32>
        %add3A_880 = arith.constant 1 : i32
        %add3A_881 = arith.addi %add3A_656, %add3A_880 : i32
        %get3A_882 = arith.constant 1 : i32
        %get3A_883 = arith.index_cast %get3A_882 : i32 to index
        %get3A_884 = arith.index_cast %add3A_881 : i32 to index
        %get3A_885 = arith.constant 48 : index
        %get3A_886 = tpu.vector_load %arg8[%get3A_883, %get3A_884, %get3A_885] {strides = array<i32>} : memref<3x400x64xf32, #tpu.memory_space<vmem>>, vector<1x1x16xf32>,
        %get3A_887 = vector.shape_cast %get3A_886 : vector<1x1x16xf32> to vector<16xf32>
        %add3A_888 = arith.constant 2 : i32
        %add3A_889 = arith.addi %add3A_656, %add3A_888 : i32
        %get3A_890 = arith.constant 1 : i32
        %get3A_891 = arith.index_cast %get3A_890 : i32 to index
        %get3A_892 = arith.index_cast %add3A_889 : i32 to index
        %get3A_893 = arith.constant 48 : index
        %get3A_894 = tpu.vector_load %arg8[%get3A_891, %get3A_892, %get3A_893] {strides = array<i32>} : memref<3x400x64xf32, #tpu.memory_space<vmem>>, vector<1x1x16xf32>,
        %get3A_895 = vector.shape_cast %get3A_894 : vector<1x1x16xf32> to vector<16xf32>
        %add3A_896 = arith.constant 3 : i32
        %add3A_897 = arith.addi %add3A_656, %add3A_896 : i32
        %get3A_898 = arith.constant 1 : i32
        %get3A_899 = arith.index_cast %get3A_898 : i32 to index
        %get3A_900 = arith.index_cast %add3A_897 : i32 to index
        %get3A_901 = arith.constant 48 : index
        %get3A_902 = tpu.vector_load %arg8[%get3A_899, %get3A_900, %get3A_901] {strides = array<i32>} : memref<3x400x64xf32, #tpu.memory_space<vmem>>, vector<1x1x16xf32>,
        %get3A_903 = vector.shape_cast %get3A_902 : vector<1x1x16xf32> to vector<16xf32>
        %add3A_904 = arith.constant 4 : i32
        %add3A_905 = arith.addi %add3A_656, %add3A_904 : i32
        %get3A_906 = arith.constant 1 : i32
        %get3A_907 = arith.index_cast %get3A_906 : i32 to index
        %get3A_908 = arith.index_cast %add3A_905 : i32 to index
        %get3A_909 = arith.constant 48 : index
        %get3A_910 = tpu.vector_load %arg8[%get3A_907, %get3A_908, %get3A_909] {strides = array<i32>} : memref<3x400x64xf32, #tpu.memory_space<vmem>>, vector<1x1x16xf32>,
        %get3A_911 = vector.shape_cast %get3A_910 : vector<1x1x16xf32> to vector<16xf32>
        %add3A_912 = arith.constant 5 : i32
        %add3A_913 = arith.addi %add3A_656, %add3A_912 : i32
        %get3A_914 = arith.constant 1 : i32
        %get3A_915 = arith.index_cast %get3A_914 : i32 to index
        %get3A_916 = arith.index_cast %add3A_913 : i32 to index
        %get3A_917 = arith.constant 48 : index
        %get3A_918 = tpu.vector_load %arg8[%get3A_915, %get3A_916, %get3A_917] {strides = array<i32>} : memref<3x400x64xf32, #tpu.memory_space<vmem>>, vector<1x1x16xf32>,
        %get3A_919 = vector.shape_cast %get3A_918 : vector<1x1x16xf32> to vector<16xf32>
        %add3A_920 = arith.constant 6 : i32
        %add3A_921 = arith.addi %add3A_656, %add3A_920 : i32
        %get3A_922 = arith.constant 1 : i32
        %get3A_923 = arith.index_cast %get3A_922 : i32 to index
        %get3A_924 = arith.index_cast %add3A_921 : i32 to index
        %get3A_925 = arith.constant 48 : index
        %get3A_926 = tpu.vector_load %arg8[%get3A_923, %get3A_924, %get3A_925] {strides = array<i32>} : memref<3x400x64xf32, #tpu.memory_space<vmem>>, vector<1x1x16xf32>,
        %get3A_927 = vector.shape_cast %get3A_926 : vector<1x1x16xf32> to vector<16xf32>
        %add3A_928 = arith.constant 7 : i32
        %add3A_929 = arith.addi %add3A_656, %add3A_928 : i32
        %get3A_930 = arith.constant 1 : i32
        %get3A_931 = arith.index_cast %get3A_930 : i32 to index
        %get3A_932 = arith.index_cast %add3A_929 : i32 to index
        %get3A_933 = arith.constant 48 : index
        %get3A_934 = tpu.vector_load %arg8[%get3A_931, %get3A_932, %get3A_933] {strides = array<i32>} : memref<3x400x64xf32, #tpu.memory_space<vmem>>, vector<1x1x16xf32>,
        %get3A_935 = vector.shape_cast %get3A_934 : vector<1x1x16xf32> to vector<16xf32>
        %add3A_936 = arith.addf %get3A_879, %get3A_887 : vector<16xf32>
        %add3A_937 = arith.addf %get3A_895, %get3A_903 : vector<16xf32>
        %add3A_938 = arith.addf %add3A_936, %add3A_937 : vector<16xf32>
        %add3A_939 = arith.addf %get3A_911, %get3A_919 : vector<16xf32>
        %add3A_940 = arith.addf %get3A_927, %get3A_935 : vector<16xf32>
        %add3A_941 = arith.addf %add3A_939, %add3A_940 : vector<16xf32>
        %add3A_942 = arith.addf %add3A_938, %add3A_941 : vector<16xf32>
        %add3A_943 = arith.addf %scan3A_652, %add3A_942 : vector<16xf32>
        scf.yield %add3A_727, %add3A_799, %add3A_871, %add3A_943 : vector<16xf32>, vector<16xf32>, vector<16xf32>, vector<16xf32>
      }
      %scan3A_490 = arith.constant 25 : i32
      %mul3A_491 = arith.constant 2 : i32
      %mul3A_492 = arith.muli %add3A_409, %mul3A_491 : i32
      %add3A_493 = arith.constant 1 : i32
      %add3A_494 = arith.addi %mul3A_492, %add3A_493 : i32
      %swap3A_495 = arith.index_cast %add3A_494 : i32 to index
      %swap3A_496 = arith.constant 0 : index
      %swap3A_497 = tpu.vector_load %arg9[%swap3A_495, %swap3A_496] {strides = array<i32>} : memref<512x64xf32, #tpu.memory_space<vmem>>, vector<1x16xf32>,
      %swap3A_498 = vector.shape_cast %swap3A_497 : vector<1x16xf32> to vector<16xf32>
      %swap3A_499 = vector.shape_cast %scan3A_489#0 : vector<16xf32> to vector<1x16xf32>
      tpu.vector_store %arg9[%swap3A_495, %swap3A_496], %swap3A_499 {strides = array<i32>} : memref<512x64xf32, #tpu.memory_space<vmem>>, vector<1x16xf32>,
      %mul3A_500 = arith.constant 2 : i32
      %mul3A_501 = arith.muli %add3A_409, %mul3A_500 : i32
      %add3A_502 = arith.constant 1 : i32
      %add3A_503 = arith.addi %mul3A_501, %add3A_502 : i32
      %swap3A_504 = arith.index_cast %add3A_503 : i32 to index
      %swap3A_505 = arith.constant 16 : index
      %swap3A_506 = tpu.vector_load %arg9[%swap3A_504, %swap3A_505] {strides = array<i32>} : memref<512x64xf32, #tpu.memory_space<vmem>>, vector<1x16xf32>,
      %swap3A_507 = vector.shape_cast %swap3A_506 : vector<1x16xf32> to vector<16xf32>
      %swap3A_508 = vector.shape_cast %scan3A_489#1 : vector<16xf32> to vector<1x16xf32>
      tpu.vector_store %arg9[%swap3A_504, %swap3A_505], %swap3A_508 {strides = array<i32>} : memref<512x64xf32, #tpu.memory_space<vmem>>, vector<1x16xf32>,
      %mul3A_509 = arith.constant 2 : i32
      %mul3A_510 = arith.muli %add3A_409, %mul3A_509 : i32
      %add3A_511 = arith.constant 1 : i32
      %add3A_512 = arith.addi %mul3A_510, %add3A_511 : i32
      %swap3A_513 = arith.index_cast %add3A_512 : i32 to index
      %swap3A_514 = arith.constant 32 : index
      %swap3A_515 = tpu.vector_load %arg9[%swap3A_513, %swap3A_514] {strides = array<i32>} : memref<512x64xf32, #tpu.memory_space<vmem>>, vector<1x16xf32>,
      %swap3A_516 = vector.shape_cast %swap3A_515 : vector<1x16xf32> to vector<16xf32>
      %swap3A_517 = vector.shape_cast %scan3A_489#2 : vector<16xf32> to vector<1x16xf32>
      tpu.vector_store %arg9[%swap3A_513, %swap3A_514], %swap3A_517 {strides = array<i32>} : memref<512x64xf32, #tpu.memory_space<vmem>>, vector<1x16xf32>,
      %mul3A_518 = arith.constant 2 : i32
      %mul3A_519 = arith.muli %add3A_409, %mul3A_518 : i32
      %add3A_520 = arith.constant 1 : i32
      %add3A_521 = arith.addi %mul3A_519, %add3A_520 : i32
      %swap3A_522 = arith.index_cast %add3A_521 : i32 to index
      %swap3A_523 = arith.constant 48 : index
      %swap3A_524 = tpu.vector_load %arg9[%swap3A_522, %swap3A_523] {strides = array<i32>} : memref<512x64xf32, #tpu.memory_space<vmem>>, vector<1x16xf32>,
      %swap3A_525 = vector.shape_cast %swap3A_524 : vector<1x16xf32> to vector<16xf32>
      %swap3A_526 = vector.shape_cast %scan3A_489#3 : vector<16xf32> to vector<1x16xf32>
      tpu.vector_store %arg9[%swap3A_522, %swap3A_523], %swap3A_526 {strides = array<i32>} : memref<512x64xf32, #tpu.memory_space<vmem>>, vector<1x16xf32>,
      %mul3A_527 = arith.constant 3 : i32
      %mul3A_528 = arith.muli %mul3A_527, %scan3A_289 : i32
      %add3A_529 = arith.constant 2 : i32
      %add3A_530 = arith.addi %mul3A_528, %add3A_529 : i32
      %add3A_531 = arith.constant 2 : i32
      %add3A_532 = arith.addi %add3A_530, %add3A_531 : i32
      %lt3A_533 = arith.constant 256 : i32
      %lt3A_534 = arith.cmpi slt, %add3A_532, %lt3A_533 : i32
      %convert_element_type3A_535 = arith.extui %lt3A_534 : i1 to i32
      %cond3A_536 = arith.constant 0 : i32
      %cond3A_537 = arith.cmpi ne, %convert_element_type3A_535, %cond3A_536 : i32
      scf.if %cond3A_537 {
        %add3A_648 = arith.constant 2 : i32
        %add3A_649 = arith.addi %add3A_530, %add3A_648 : i32
        %mul3A_650 = arith.constant 2 : i32
        %mul3A_651 = arith.muli %add3A_649, %mul3A_650 : i32
        %add3A_652 = arith.addi %mul3A_2, %mul3A_651 : i32
        %mul3A_653 = arith.constant 128 : i32
        %mul3A_654 = arith.muli %add3A_652, %mul3A_653 : i32
        %dma_wait3A_655 = arith.constant 1 : i32
        %dma_wait3A_656 = arith.constant 0 : i32
        %dma_wait3A_657 = tpu.memref_slice %arg6[%dma_wait3A_655, %dma_wait3A_656] : memref<3x256xi32, #tpu.memory_space<vmem>> -> memref<1x256xi32, #tpu.memory_space<vmem>>
        %dma_wait3A_658 = tpu.memref_squeeze %dma_wait3A_657 : memref<1x256xi32, #tpu.memory_space<vmem>> -> memref<256xi32, #tpu.memory_space<vmem>>
        %dma_wait3A_659 = tpu.memref_slice %arg2[%mul3A_654] : memref<2097152xi32, #tpu.memory_space<hbm>> -> memref<256xi32, #tpu.memory_space<hbm>>
        %dma_wait3A_660 = arith.constant 0 : i32
        %dma_wait3A_661 = tpu.memref_slice %arg6[%dma_wait3A_655, %dma_wait3A_660] : memref<3x256xi32, #tpu.memory_space<vmem>> -> memref<1x256xi32, #tpu.memory_space<vmem>>
        %dma_wait3A_662 = tpu.memref_squeeze %dma_wait3A_661 : memref<1x256xi32, #tpu.memory_space<vmem>> -> memref<256xi32, #tpu.memory_space<vmem>>
        %dma_wait3A_663 = tpu.memref_slice %arg2[%mul3A_654] : memref<2097152xi32, #tpu.memory_space<hbm>> -> memref<256xi32, #tpu.memory_space<hbm>>
        tpu.wait_dma2 semaphore(%arg10 : memref<!tpu.dma_semaphore, #tpu.memory_space<semaphore_mem>>) src(%dma_wait3A_663 : memref<256xi32, #tpu.memory_space<hbm>>) dst(%dma_wait3A_662 : memref<256xi32, #tpu.memory_space<vmem>>)
        %dma_wait3A_664 = arith.constant 1 : i32
        %dma_wait3A_665 = arith.constant 0 : i32
        %dma_wait3A_666 = tpu.memref_slice %arg7[%dma_wait3A_664, %dma_wait3A_665] : memref<3x256xi32, #tpu.memory_space<vmem>> -> memref<1x256xi32, #tpu.memory_space<vmem>>
        %dma_wait3A_667 = tpu.memref_squeeze %dma_wait3A_666 : memref<1x256xi32, #tpu.memory_space<vmem>> -> memref<256xi32, #tpu.memory_space<vmem>>
        %dma_wait3A_668 = tpu.memref_slice %arg3[%mul3A_654] : memref<2097152xi32, #tpu.memory_space<hbm>> -> memref<256xi32, #tpu.memory_space<hbm>>
        %dma_wait3A_669 = arith.constant 0 : i32
        %dma_wait3A_670 = tpu.memref_slice %arg7[%dma_wait3A_664, %dma_wait3A_669] : memref<3x256xi32, #tpu.memory_space<vmem>> -> memref<1x256xi32, #tpu.memory_space<vmem>>
        %dma_wait3A_671 = tpu.memref_squeeze %dma_wait3A_670 : memref<1x256xi32, #tpu.memory_space<vmem>> -> memref<256xi32, #tpu.memory_space<vmem>>
        %dma_wait3A_672 = tpu.memref_slice %arg3[%mul3A_654] : memref<2097152xi32, #tpu.memory_space<hbm>> -> memref<256xi32, #tpu.memory_space<hbm>>
        tpu.wait_dma2 semaphore(%arg10 : memref<!tpu.dma_semaphore, #tpu.memory_space<semaphore_mem>>) src(%dma_wait3A_672 : memref<256xi32, #tpu.memory_space<hbm>>) dst(%dma_wait3A_671 : memref<256xi32, #tpu.memory_space<vmem>>)
        %dma_start3A_673 = arith.constant 1 : i32
        %dma_start3A_674 = arith.constant 1 : i32
        %dma_start3A_675 = arith.constant 0 : i32
        %dma_start3A_676 = arith.constant 0 : i32
        %dma_start3A_677 = tpu.memref_slice %arg8[%dma_start3A_674, %dma_start3A_675, %dma_start3A_676] : memref<3x400x64xf32, #tpu.memory_space<vmem>> -> memref<1x128x64xf32, #tpu.memory_space<vmem>>
        %dma_start3A_678 = tpu.memref_squeeze %dma_start3A_677 : memref<1x128x64xf32, #tpu.memory_space<vmem>> -> memref<128x64xf32, #tpu.memory_space<vmem>>
        %dma_start3A_679 = arith.constant 0 : i32
        %dma_start3A_680 = tpu.memref_slice %arg6[%dma_start3A_673, %dma_start3A_679] : memref<3x256xi32, #tpu.memory_space<vmem>> -> memref<1x128xi32, #tpu.memory_space<vmem>>
        %dma_start3A_681 = tpu.memref_squeeze %dma_start3A_680 : memref<1x128xi32, #tpu.memory_space<vmem>> -> memref<128xi32, #tpu.memory_space<vmem>>
        %dma_start3A_682 = arith.constant 0 : i32
        %dma_start3A_683 = arith.constant 0 : i32
        %dma_start3A_684 = tpu.memref_slice %arg4[%dma_start3A_682, %dma_start3A_683] : memref<1000000x64xf32, #tpu.memory_space<hbm>> -> memref<1000000x64xf32, #tpu.memory_space<hbm>>
        tpu.enqueue_indirect_dma source(%dma_start3A_684 : memref<1000000x64xf32, #tpu.memory_space<hbm>>) target(%dma_start3A_678 : memref<128x64xf32, #tpu.memory_space<vmem>>) offsets(%dma_start3A_681 : memref<128xi32, #tpu.memory_space<vmem>>) semaphore(%arg12 : memref<!tpu.dma_semaphore, #tpu.memory_space<semaphore_mem>>)
        %dma_start3A_685 = arith.constant 1 : i32
        %dma_start3A_686 = arith.constant 1 : i32
        %dma_start3A_687 = arith.constant 128 : i32
        %dma_start3A_688 = arith.constant 0 : i32
        %dma_start3A_689 = tpu.memref_slice %arg8[%dma_start3A_686, %dma_start3A_687, %dma_start3A_688] : memref<3x400x64xf32, #tpu.memory_space<vmem>> -> memref<1x72x64xf32, #tpu.memory_space<vmem>>
        %dma_start3A_690 = tpu.memref_squeeze %dma_start3A_689 : memref<1x72x64xf32, #tpu.memory_space<vmem>> -> memref<72x64xf32, #tpu.memory_space<vmem>>
        %dma_start3A_691 = arith.constant 0 : i32
        %dma_start3A_692 = tpu.memref_slice %arg7[%dma_start3A_685, %dma_start3A_691] : memref<3x256xi32, #tpu.memory_space<vmem>> -> memref<1x72xi32, #tpu.memory_space<vmem>>
        %dma_start3A_693 = tpu.memref_squeeze %dma_start3A_692 : memref<1x72xi32, #tpu.memory_space<vmem>> -> memref<72xi32, #tpu.memory_space<vmem>>
        %dma_start3A_694 = arith.constant 0 : i32
        %dma_start3A_695 = arith.constant 0 : i32
        %dma_start3A_696 = tpu.memref_slice %arg4[%dma_start3A_694, %dma_start3A_695] : memref<1000000x64xf32, #tpu.memory_space<hbm>> -> memref<1000000x64xf32, #tpu.memory_space<hbm>>
        tpu.enqueue_indirect_dma source(%dma_start3A_696 : memref<1000000x64xf32, #tpu.memory_space<hbm>>) target(%dma_start3A_690 : memref<72x64xf32, #tpu.memory_space<vmem>>) offsets(%dma_start3A_693 : memref<72xi32, #tpu.memory_space<vmem>>) semaphore(%arg12 : memref<!tpu.dma_semaphore, #tpu.memory_space<semaphore_mem>>)
        %dma_start3A_697 = arith.constant 1 : i32
        %dma_start3A_698 = arith.constant 1 : i32
        %dma_start3A_699 = arith.constant 200 : i32
        %dma_start3A_700 = arith.constant 0 : i32
        %dma_start3A_701 = tpu.memref_slice %arg8[%dma_start3A_698, %dma_start3A_699, %dma_start3A_700] : memref<3x400x64xf32, #tpu.memory_space<vmem>> -> memref<1x128x64xf32, #tpu.memory_space<vmem>>
        %dma_start3A_702 = tpu.memref_squeeze %dma_start3A_701 : memref<1x128x64xf32, #tpu.memory_space<vmem>> -> memref<128x64xf32, #tpu.memory_space<vmem>>
        %dma_start3A_703 = arith.constant 128 : i32
        %dma_start3A_704 = tpu.memref_slice %arg6[%dma_start3A_697, %dma_start3A_703] : memref<3x256xi32, #tpu.memory_space<vmem>> -> memref<1x128xi32, #tpu.memory_space<vmem>>
        %dma_start3A_705 = tpu.memref_squeeze %dma_start3A_704 : memref<1x128xi32, #tpu.memory_space<vmem>> -> memref<128xi32, #tpu.memory_space<vmem>>
        %dma_start3A_706 = arith.constant 0 : i32
        %dma_start3A_707 = arith.constant 0 : i32
        %dma_start3A_708 = tpu.memref_slice %arg4[%dma_start3A_706, %dma_start3A_707] : memref<1000000x64xf32, #tpu.memory_space<hbm>> -> memref<1000000x64xf32, #tpu.memory_space<hbm>>
        tpu.enqueue_indirect_dma source(%dma_start3A_708 : memref<1000000x64xf32, #tpu.memory_space<hbm>>) target(%dma_start3A_702 : memref<128x64xf32, #tpu.memory_space<vmem>>) offsets(%dma_start3A_705 : memref<128xi32, #tpu.memory_space<vmem>>) semaphore(%arg12 : memref<!tpu.dma_semaphore, #tpu.memory_space<semaphore_mem>>)
        %dma_start3A_709 = arith.constant 1 : i32
        %dma_start3A_710 = arith.constant 1 : i32
        %dma_start3A_711 = arith.constant 328 : i32
        %dma_start3A_712 = arith.constant 0 : i32
        %dma_start3A_713 = tpu.memref_slice %arg8[%dma_start3A_710, %dma_start3A_711, %dma_start3A_712] : memref<3x400x64xf32, #tpu.memory_space<vmem>> -> memref<1x72x64xf32, #tpu.memory_space<vmem>>
        %dma_start3A_714 = tpu.memref_squeeze %dma_start3A_713 : memref<1x72x64xf32, #tpu.memory_space<vmem>> -> memref<72x64xf32, #tpu.memory_space<vmem>>
        %dma_start3A_715 = arith.constant 128 : i32
        %dma_start3A_716 = tpu.memref_slice %arg7[%dma_start3A_709, %dma_start3A_715] : memref<3x256xi32, #tpu.memory_space<vmem>> -> memref<1x72xi32, #tpu.memory_space<vmem>>
        %dma_start3A_717 = tpu.memref_squeeze %dma_start3A_716 : memref<1x72xi32, #tpu.memory_space<vmem>> -> memref<72xi32, #tpu.memory_space<vmem>>
        %dma_start3A_718 = arith.constant 0 : i32
        %dma_start3A_719 = arith.constant 0 : i32
        %dma_start3A_720 = tpu.memref_slice %arg4[%dma_start3A_718, %dma_start3A_719] : memref<1000000x64xf32, #tpu.memory_space<hbm>> -> memref<1000000x64xf32, #tpu.memory_space<hbm>>
        tpu.enqueue_indirect_dma source(%dma_start3A_720 : memref<1000000x64xf32, #tpu.memory_space<hbm>>) target(%dma_start3A_714 : memref<72x64xf32, #tpu.memory_space<vmem>>) offsets(%dma_start3A_717 : memref<72xi32, #tpu.memory_space<vmem>>) semaphore(%arg12 : memref<!tpu.dma_semaphore, #tpu.memory_space<semaphore_mem>>)
      } else {
      }
      %dma_wait3A_538 = arith.constant 2 : i32
      %dma_wait3A_539 = arith.constant 0 : i32
      %dma_wait3A_540 = arith.constant 0 : i32
      %dma_wait3A_541 = tpu.memref_slice %arg8[%dma_wait3A_538, %dma_wait3A_539, %dma_wait3A_540] : memref<3x400x64xf32, #tpu.memory_space<vmem>> -> memref<1x400x64xf32, #tpu.memory_space<vmem>>
      %dma_wait3A_542 = tpu.memref_squeeze %dma_wait3A_541 : memref<1x400x64xf32, #tpu.memory_space<vmem>> -> memref<400x64xf32, #tpu.memory_space<vmem>>
      %dma_wait3A_543 = arith.constant 0 : i32
      %dma_wait3A_544 = arith.constant 0 : i32
      %dma_wait3A_545 = tpu.memref_slice %arg4[%dma_wait3A_543, %dma_wait3A_544] : memref<1000000x64xf32, #tpu.memory_space<hbm>> -> memref<400x64xf32, #tpu.memory_space<hbm>>
      %dma_wait3A_546 = arith.constant 0 : i32
      %dma_wait3A_547 = arith.constant 0 : i32
      %dma_wait3A_548 = tpu.memref_slice %arg8[%dma_wait3A_538, %dma_wait3A_546, %dma_wait3A_547] : memref<3x400x64xf32, #tpu.memory_space<vmem>> -> memref<1x400x64xf32, #tpu.memory_space<vmem>>
      %dma_wait3A_549 = tpu.memref_squeeze %dma_wait3A_548 : memref<1x400x64xf32, #tpu.memory_space<vmem>> -> memref<400x64xf32, #tpu.memory_space<vmem>>
      %dma_wait3A_550 = arith.constant 0 : i32
      %dma_wait3A_551 = arith.constant 0 : i32
      %dma_wait3A_552 = tpu.memref_slice %arg4[%dma_wait3A_550, %dma_wait3A_551] : memref<1000000x64xf32, #tpu.memory_space<hbm>> -> memref<400x64xf32, #tpu.memory_space<hbm>>
      tpu.wait_dma2 semaphore(%arg13 : memref<!tpu.dma_semaphore, #tpu.memory_space<semaphore_mem>>) src(%dma_wait3A_552 : memref<400x64xf32, #tpu.memory_space<hbm>>) dst(%dma_wait3A_549 : memref<400x64xf32, #tpu.memory_space<vmem>>)
      %add3A_553 = arith.constant 3 : i32
      %add3A_554 = arith.addi %add3A_530, %add3A_553 : i32
      %lt3A_555 = arith.constant 256 : i32
      %lt3A_556 = arith.cmpi slt, %add3A_554, %lt3A_555 : i32
      %convert_element_type3A_557 = arith.extui %lt3A_556 : i1 to i32
      %cond3A_558 = arith.constant 0 : i32
      %cond3A_559 = arith.cmpi ne, %convert_element_type3A_557, %cond3A_558 : i32
      scf.if %cond3A_559 {
        %add3A_648 = arith.constant 3 : i32
        %add3A_649 = arith.addi %add3A_530, %add3A_648 : i32
        %mul3A_650 = arith.constant 2 : i32
        %mul3A_651 = arith.muli %add3A_649, %mul3A_650 : i32
        %add3A_652 = arith.addi %mul3A_2, %mul3A_651 : i32
        %mul3A_653 = arith.constant 128 : i32
        %mul3A_654 = arith.muli %add3A_652, %mul3A_653 : i32
        %dma_start3A_655 = arith.constant 2 : i32
        %dma_start3A_656 = arith.constant 0 : i32
        %dma_start3A_657 = tpu.memref_slice %arg6[%dma_start3A_655, %dma_start3A_656] : memref<3x256xi32, #tpu.memory_space<vmem>> -> memref<1x256xi32, #tpu.memory_space<vmem>>
        %dma_start3A_658 = tpu.memref_squeeze %dma_start3A_657 : memref<1x256xi32, #tpu.memory_space<vmem>> -> memref<256xi32, #tpu.memory_space<vmem>>
        %dma_start3A_659 = tpu.memref_slice %arg2[%mul3A_654] : memref<2097152xi32, #tpu.memory_space<hbm>> -> memref<256xi32, #tpu.memory_space<hbm>>
        %dma_start3A_660 = arith.constant 0 : i32
        %dma_start3A_661 = tpu.memref_slice %arg6[%dma_start3A_655, %dma_start3A_660] : memref<3x256xi32, #tpu.memory_space<vmem>> -> memref<1x256xi32, #tpu.memory_space<vmem>>
        %dma_start3A_662 = tpu.memref_squeeze %dma_start3A_661 : memref<1x256xi32, #tpu.memory_space<vmem>> -> memref<256xi32, #tpu.memory_space<vmem>>
        %dma_start3A_663 = tpu.memref_slice %arg2[%mul3A_654] : memref<2097152xi32, #tpu.memory_space<hbm>> -> memref<256xi32, #tpu.memory_space<hbm>>
        tpu.enqueue_dma source(%dma_start3A_663 : memref<256xi32, #tpu.memory_space<hbm>>) target(%dma_start3A_662 : memref<256xi32, #tpu.memory_space<vmem>>) target_semaphore(%arg10 : memref<!tpu.dma_semaphore, #tpu.memory_space<semaphore_mem>>)
        %dma_start3A_664 = arith.constant 2 : i32
        %dma_start3A_665 = arith.constant 0 : i32
        %dma_start3A_666 = tpu.memref_slice %arg7[%dma_start3A_664, %dma_start3A_665] : memref<3x256xi32, #tpu.memory_space<vmem>> -> memref<1x256xi32, #tpu.memory_space<vmem>>
        %dma_start3A_667 = tpu.memref_squeeze %dma_start3A_666 : memref<1x256xi32, #tpu.memory_space<vmem>> -> memref<256xi32, #tpu.memory_space<vmem>>
        %dma_start3A_668 = tpu.memref_slice %arg3[%mul3A_654] : memref<2097152xi32, #tpu.memory_space<hbm>> -> memref<256xi32, #tpu.memory_space<hbm>>
        %dma_start3A_669 = arith.constant 0 : i32
        %dma_start3A_670 = tpu.memref_slice %arg7[%dma_start3A_664, %dma_start3A_669] : memref<3x256xi32, #tpu.memory_space<vmem>> -> memref<1x256xi32, #tpu.memory_space<vmem>>
        %dma_start3A_671 = tpu.memref_squeeze %dma_start3A_670 : memref<1x256xi32, #tpu.memory_space<vmem>> -> memref<256xi32, #tpu.memory_space<vmem>>
        %dma_start3A_672 = tpu.memref_slice %arg3[%mul3A_654] : memref<2097152xi32, #tpu.memory_space<hbm>> -> memref<256xi32, #tpu.memory_space<hbm>>
        tpu.enqueue_dma source(%dma_start3A_672 : memref<256xi32, #tpu.memory_space<hbm>>) target(%dma_start3A_671 : memref<256xi32, #tpu.memory_space<vmem>>) target_semaphore(%arg10 : memref<!tpu.dma_semaphore, #tpu.memory_space<semaphore_mem>>)
      } else {
      }
      %broadcast_in_dim3A_560 = arith.constant 0.000000e+00 : f32
      %broadcast_in_dim3A_561 = vector.broadcast %broadcast_in_dim3A_560 : f32 to vector<16xf32>
      %scan3A_562 = arith.constant 0 : i32
      %scan3A_563 = arith.constant 25 : i32
      %scan3A_564 = arith.addi %scan3A_562, %scan3A_563 : i32
      %scan3A_565 = arith.constant 1 : i32
      %scan3A_566:4 = scf.for %scan3A_648 = %scan3A_562 to %scan3A_564 step %scan3A_565 iter_args(%scan3A_649 = %broadcast_in_dim3A_561, %scan3A_650 = %broadcast_in_dim3A_561, %scan3A_651 = %broadcast_in_dim3A_561, %scan3A_652 = %broadcast_in_dim3A_561) -> (vector<16xf32>, vector<16xf32>, vector<16xf32>, vector<16xf32>)  : i32 {
        %mul3A_653 = arith.constant 8 : i32
        %mul3A_654 = arith.muli %scan3A_648, %mul3A_653 : i32
        %add3A_655 = arith.constant 0 : i32
        %add3A_656 = arith.addi %add3A_655, %mul3A_654 : i32
        %add3A_657 = arith.constant 0 : i32
        %add3A_658 = arith.addi %add3A_656, %add3A_657 : i32
        %get3A = arith.constant 2 : i32
        %get3A_659 = arith.index_cast %get3A : i32 to index
        %get3A_660 = arith.index_cast %add3A_658 : i32 to index
        %get3A_661 = arith.constant 0 : index
        %get3A_662 = tpu.vector_load %arg8[%get3A_659, %get3A_660, %get3A_661] {strides = array<i32>} : memref<3x400x64xf32, #tpu.memory_space<vmem>>, vector<1x1x16xf32>,
        %get3A_663 = vector.shape_cast %get3A_662 : vector<1x1x16xf32> to vector<16xf32>
        %add3A_664 = arith.constant 1 : i32
        %add3A_665 = arith.addi %add3A_656, %add3A_664 : i32
        %get3A_666 = arith.constant 2 : i32
        %get3A_667 = arith.index_cast %get3A_666 : i32 to index
        %get3A_668 = arith.index_cast %add3A_665 : i32 to index
        %get3A_669 = arith.constant 0 : index
        %get3A_670 = tpu.vector_load %arg8[%get3A_667, %get3A_668, %get3A_669] {strides = array<i32>} : memref<3x400x64xf32, #tpu.memory_space<vmem>>, vector<1x1x16xf32>,
        %get3A_671 = vector.shape_cast %get3A_670 : vector<1x1x16xf32> to vector<16xf32>
        %add3A_672 = arith.constant 2 : i32
        %add3A_673 = arith.addi %add3A_656, %add3A_672 : i32
        %get3A_674 = arith.constant 2 : i32
        %get3A_675 = arith.index_cast %get3A_674 : i32 to index
        %get3A_676 = arith.index_cast %add3A_673 : i32 to index
        %get3A_677 = arith.constant 0 : index
        %get3A_678 = tpu.vector_load %arg8[%get3A_675, %get3A_676, %get3A_677] {strides = array<i32>} : memref<3x400x64xf32, #tpu.memory_space<vmem>>, vector<1x1x16xf32>,
        %get3A_679 = vector.shape_cast %get3A_678 : vector<1x1x16xf32> to vector<16xf32>
        %add3A_680 = arith.constant 3 : i32
        %add3A_681 = arith.addi %add3A_656, %add3A_680 : i32
        %get3A_682 = arith.constant 2 : i32
        %get3A_683 = arith.index_cast %get3A_682 : i32 to index
        %get3A_684 = arith.index_cast %add3A_681 : i32 to index
        %get3A_685 = arith.constant 0 : index
        %get3A_686 = tpu.vector_load %arg8[%get3A_683, %get3A_684, %get3A_685] {strides = array<i32>} : memref<3x400x64xf32, #tpu.memory_space<vmem>>, vector<1x1x16xf32>,
        %get3A_687 = vector.shape_cast %get3A_686 : vector<1x1x16xf32> to vector<16xf32>
        %add3A_688 = arith.constant 4 : i32
        %add3A_689 = arith.addi %add3A_656, %add3A_688 : i32
        %get3A_690 = arith.constant 2 : i32
        %get3A_691 = arith.index_cast %get3A_690 : i32 to index
        %get3A_692 = arith.index_cast %add3A_689 : i32 to index
        %get3A_693 = arith.constant 0 : index
        %get3A_694 = tpu.vector_load %arg8[%get3A_691, %get3A_692, %get3A_693] {strides = array<i32>} : memref<3x400x64xf32, #tpu.memory_space<vmem>>, vector<1x1x16xf32>,
        %get3A_695 = vector.shape_cast %get3A_694 : vector<1x1x16xf32> to vector<16xf32>
        %add3A_696 = arith.constant 5 : i32
        %add3A_697 = arith.addi %add3A_656, %add3A_696 : i32
        %get3A_698 = arith.constant 2 : i32
        %get3A_699 = arith.index_cast %get3A_698 : i32 to index
        %get3A_700 = arith.index_cast %add3A_697 : i32 to index
        %get3A_701 = arith.constant 0 : index
        %get3A_702 = tpu.vector_load %arg8[%get3A_699, %get3A_700, %get3A_701] {strides = array<i32>} : memref<3x400x64xf32, #tpu.memory_space<vmem>>, vector<1x1x16xf32>,
        %get3A_703 = vector.shape_cast %get3A_702 : vector<1x1x16xf32> to vector<16xf32>
        %add3A_704 = arith.constant 6 : i32
        %add3A_705 = arith.addi %add3A_656, %add3A_704 : i32
        %get3A_706 = arith.constant 2 : i32
        %get3A_707 = arith.index_cast %get3A_706 : i32 to index
        %get3A_708 = arith.index_cast %add3A_705 : i32 to index
        %get3A_709 = arith.constant 0 : index
        %get3A_710 = tpu.vector_load %arg8[%get3A_707, %get3A_708, %get3A_709] {strides = array<i32>} : memref<3x400x64xf32, #tpu.memory_space<vmem>>, vector<1x1x16xf32>,
        %get3A_711 = vector.shape_cast %get3A_710 : vector<1x1x16xf32> to vector<16xf32>
        %add3A_712 = arith.constant 7 : i32
        %add3A_713 = arith.addi %add3A_656, %add3A_712 : i32
        %get3A_714 = arith.constant 2 : i32
        %get3A_715 = arith.index_cast %get3A_714 : i32 to index
        %get3A_716 = arith.index_cast %add3A_713 : i32 to index
        %get3A_717 = arith.constant 0 : index
        %get3A_718 = tpu.vector_load %arg8[%get3A_715, %get3A_716, %get3A_717] {strides = array<i32>} : memref<3x400x64xf32, #tpu.memory_space<vmem>>, vector<1x1x16xf32>,
        %get3A_719 = vector.shape_cast %get3A_718 : vector<1x1x16xf32> to vector<16xf32>
        %add3A_720 = arith.addf %get3A_663, %get3A_671 : vector<16xf32>
        %add3A_721 = arith.addf %get3A_679, %get3A_687 : vector<16xf32>
        %add3A_722 = arith.addf %add3A_720, %add3A_721 : vector<16xf32>
        %add3A_723 = arith.addf %get3A_695, %get3A_703 : vector<16xf32>
        %add3A_724 = arith.addf %get3A_711, %get3A_719 : vector<16xf32>
        %add3A_725 = arith.addf %add3A_723, %add3A_724 : vector<16xf32>
        %add3A_726 = arith.addf %add3A_722, %add3A_725 : vector<16xf32>
        %add3A_727 = arith.addf %scan3A_649, %add3A_726 : vector<16xf32>
        %add3A_728 = arith.constant 0 : i32
        %add3A_729 = arith.addi %add3A_656, %add3A_728 : i32
        %get3A_730 = arith.constant 2 : i32
        %get3A_731 = arith.index_cast %get3A_730 : i32 to index
        %get3A_732 = arith.index_cast %add3A_729 : i32 to index
        %get3A_733 = arith.constant 16 : index
        %get3A_734 = tpu.vector_load %arg8[%get3A_731, %get3A_732, %get3A_733] {strides = array<i32>} : memref<3x400x64xf32, #tpu.memory_space<vmem>>, vector<1x1x16xf32>,
        %get3A_735 = vector.shape_cast %get3A_734 : vector<1x1x16xf32> to vector<16xf32>
        %add3A_736 = arith.constant 1 : i32
        %add3A_737 = arith.addi %add3A_656, %add3A_736 : i32
        %get3A_738 = arith.constant 2 : i32
        %get3A_739 = arith.index_cast %get3A_738 : i32 to index
        %get3A_740 = arith.index_cast %add3A_737 : i32 to index
        %get3A_741 = arith.constant 16 : index
        %get3A_742 = tpu.vector_load %arg8[%get3A_739, %get3A_740, %get3A_741] {strides = array<i32>} : memref<3x400x64xf32, #tpu.memory_space<vmem>>, vector<1x1x16xf32>,
        %get3A_743 = vector.shape_cast %get3A_742 : vector<1x1x16xf32> to vector<16xf32>
        %add3A_744 = arith.constant 2 : i32
        %add3A_745 = arith.addi %add3A_656, %add3A_744 : i32
        %get3A_746 = arith.constant 2 : i32
        %get3A_747 = arith.index_cast %get3A_746 : i32 to index
        %get3A_748 = arith.index_cast %add3A_745 : i32 to index
        %get3A_749 = arith.constant 16 : index
        %get3A_750 = tpu.vector_load %arg8[%get3A_747, %get3A_748, %get3A_749] {strides = array<i32>} : memref<3x400x64xf32, #tpu.memory_space<vmem>>, vector<1x1x16xf32>,
        %get3A_751 = vector.shape_cast %get3A_750 : vector<1x1x16xf32> to vector<16xf32>
        %add3A_752 = arith.constant 3 : i32
        %add3A_753 = arith.addi %add3A_656, %add3A_752 : i32
        %get3A_754 = arith.constant 2 : i32
        %get3A_755 = arith.index_cast %get3A_754 : i32 to index
        %get3A_756 = arith.index_cast %add3A_753 : i32 to index
        %get3A_757 = arith.constant 16 : index
        %get3A_758 = tpu.vector_load %arg8[%get3A_755, %get3A_756, %get3A_757] {strides = array<i32>} : memref<3x400x64xf32, #tpu.memory_space<vmem>>, vector<1x1x16xf32>,
        %get3A_759 = vector.shape_cast %get3A_758 : vector<1x1x16xf32> to vector<16xf32>
        %add3A_760 = arith.constant 4 : i32
        %add3A_761 = arith.addi %add3A_656, %add3A_760 : i32
        %get3A_762 = arith.constant 2 : i32
        %get3A_763 = arith.index_cast %get3A_762 : i32 to index
        %get3A_764 = arith.index_cast %add3A_761 : i32 to index
        %get3A_765 = arith.constant 16 : index
        %get3A_766 = tpu.vector_load %arg8[%get3A_763, %get3A_764, %get3A_765] {strides = array<i32>} : memref<3x400x64xf32, #tpu.memory_space<vmem>>, vector<1x1x16xf32>,
        %get3A_767 = vector.shape_cast %get3A_766 : vector<1x1x16xf32> to vector<16xf32>
        %add3A_768 = arith.constant 5 : i32
        %add3A_769 = arith.addi %add3A_656, %add3A_768 : i32
        %get3A_770 = arith.constant 2 : i32
        %get3A_771 = arith.index_cast %get3A_770 : i32 to index
        %get3A_772 = arith.index_cast %add3A_769 : i32 to index
        %get3A_773 = arith.constant 16 : index
        %get3A_774 = tpu.vector_load %arg8[%get3A_771, %get3A_772, %get3A_773] {strides = array<i32>} : memref<3x400x64xf32, #tpu.memory_space<vmem>>, vector<1x1x16xf32>,
        %get3A_775 = vector.shape_cast %get3A_774 : vector<1x1x16xf32> to vector<16xf32>
        %add3A_776 = arith.constant 6 : i32
        %add3A_777 = arith.addi %add3A_656, %add3A_776 : i32
        %get3A_778 = arith.constant 2 : i32
        %get3A_779 = arith.index_cast %get3A_778 : i32 to index
        %get3A_780 = arith.index_cast %add3A_777 : i32 to index
        %get3A_781 = arith.constant 16 : index
        %get3A_782 = tpu.vector_load %arg8[%get3A_779, %get3A_780, %get3A_781] {strides = array<i32>} : memref<3x400x64xf32, #tpu.memory_space<vmem>>, vector<1x1x16xf32>,
        %get3A_783 = vector.shape_cast %get3A_782 : vector<1x1x16xf32> to vector<16xf32>
        %add3A_784 = arith.constant 7 : i32
        %add3A_785 = arith.addi %add3A_656, %add3A_784 : i32
        %get3A_786 = arith.constant 2 : i32
        %get3A_787 = arith.index_cast %get3A_786 : i32 to index
        %get3A_788 = arith.index_cast %add3A_785 : i32 to index
        %get3A_789 = arith.constant 16 : index
        %get3A_790 = tpu.vector_load %arg8[%get3A_787, %get3A_788, %get3A_789] {strides = array<i32>} : memref<3x400x64xf32, #tpu.memory_space<vmem>>, vector<1x1x16xf32>,
        %get3A_791 = vector.shape_cast %get3A_790 : vector<1x1x16xf32> to vector<16xf32>
        %add3A_792 = arith.addf %get3A_735, %get3A_743 : vector<16xf32>
        %add3A_793 = arith.addf %get3A_751, %get3A_759 : vector<16xf32>
        %add3A_794 = arith.addf %add3A_792, %add3A_793 : vector<16xf32>
        %add3A_795 = arith.addf %get3A_767, %get3A_775 : vector<16xf32>
        %add3A_796 = arith.addf %get3A_783, %get3A_791 : vector<16xf32>
        %add3A_797 = arith.addf %add3A_795, %add3A_796 : vector<16xf32>
        %add3A_798 = arith.addf %add3A_794, %add3A_797 : vector<16xf32>
        %add3A_799 = arith.addf %scan3A_650, %add3A_798 : vector<16xf32>
        %add3A_800 = arith.constant 0 : i32
        %add3A_801 = arith.addi %add3A_656, %add3A_800 : i32
        %get3A_802 = arith.constant 2 : i32
        %get3A_803 = arith.index_cast %get3A_802 : i32 to index
        %get3A_804 = arith.index_cast %add3A_801 : i32 to index
        %get3A_805 = arith.constant 32 : index
        %get3A_806 = tpu.vector_load %arg8[%get3A_803, %get3A_804, %get3A_805] {strides = array<i32>} : memref<3x400x64xf32, #tpu.memory_space<vmem>>, vector<1x1x16xf32>,
        %get3A_807 = vector.shape_cast %get3A_806 : vector<1x1x16xf32> to vector<16xf32>
        %add3A_808 = arith.constant 1 : i32
        %add3A_809 = arith.addi %add3A_656, %add3A_808 : i32
        %get3A_810 = arith.constant 2 : i32
        %get3A_811 = arith.index_cast %get3A_810 : i32 to index
        %get3A_812 = arith.index_cast %add3A_809 : i32 to index
        %get3A_813 = arith.constant 32 : index
        %get3A_814 = tpu.vector_load %arg8[%get3A_811, %get3A_812, %get3A_813] {strides = array<i32>} : memref<3x400x64xf32, #tpu.memory_space<vmem>>, vector<1x1x16xf32>,
        %get3A_815 = vector.shape_cast %get3A_814 : vector<1x1x16xf32> to vector<16xf32>
        %add3A_816 = arith.constant 2 : i32
        %add3A_817 = arith.addi %add3A_656, %add3A_816 : i32
        %get3A_818 = arith.constant 2 : i32
        %get3A_819 = arith.index_cast %get3A_818 : i32 to index
        %get3A_820 = arith.index_cast %add3A_817 : i32 to index
        %get3A_821 = arith.constant 32 : index
        %get3A_822 = tpu.vector_load %arg8[%get3A_819, %get3A_820, %get3A_821] {strides = array<i32>} : memref<3x400x64xf32, #tpu.memory_space<vmem>>, vector<1x1x16xf32>,
        %get3A_823 = vector.shape_cast %get3A_822 : vector<1x1x16xf32> to vector<16xf32>
        %add3A_824 = arith.constant 3 : i32
        %add3A_825 = arith.addi %add3A_656, %add3A_824 : i32
        %get3A_826 = arith.constant 2 : i32
        %get3A_827 = arith.index_cast %get3A_826 : i32 to index
        %get3A_828 = arith.index_cast %add3A_825 : i32 to index
        %get3A_829 = arith.constant 32 : index
        %get3A_830 = tpu.vector_load %arg8[%get3A_827, %get3A_828, %get3A_829] {strides = array<i32>} : memref<3x400x64xf32, #tpu.memory_space<vmem>>, vector<1x1x16xf32>,
        %get3A_831 = vector.shape_cast %get3A_830 : vector<1x1x16xf32> to vector<16xf32>
        %add3A_832 = arith.constant 4 : i32
        %add3A_833 = arith.addi %add3A_656, %add3A_832 : i32
        %get3A_834 = arith.constant 2 : i32
        %get3A_835 = arith.index_cast %get3A_834 : i32 to index
        %get3A_836 = arith.index_cast %add3A_833 : i32 to index
        %get3A_837 = arith.constant 32 : index
        %get3A_838 = tpu.vector_load %arg8[%get3A_835, %get3A_836, %get3A_837] {strides = array<i32>} : memref<3x400x64xf32, #tpu.memory_space<vmem>>, vector<1x1x16xf32>,
        %get3A_839 = vector.shape_cast %get3A_838 : vector<1x1x16xf32> to vector<16xf32>
        %add3A_840 = arith.constant 5 : i32
        %add3A_841 = arith.addi %add3A_656, %add3A_840 : i32
        %get3A_842 = arith.constant 2 : i32
        %get3A_843 = arith.index_cast %get3A_842 : i32 to index
        %get3A_844 = arith.index_cast %add3A_841 : i32 to index
        %get3A_845 = arith.constant 32 : index
        %get3A_846 = tpu.vector_load %arg8[%get3A_843, %get3A_844, %get3A_845] {strides = array<i32>} : memref<3x400x64xf32, #tpu.memory_space<vmem>>, vector<1x1x16xf32>,
        %get3A_847 = vector.shape_cast %get3A_846 : vector<1x1x16xf32> to vector<16xf32>
        %add3A_848 = arith.constant 6 : i32
        %add3A_849 = arith.addi %add3A_656, %add3A_848 : i32
        %get3A_850 = arith.constant 2 : i32
        %get3A_851 = arith.index_cast %get3A_850 : i32 to index
        %get3A_852 = arith.index_cast %add3A_849 : i32 to index
        %get3A_853 = arith.constant 32 : index
        %get3A_854 = tpu.vector_load %arg8[%get3A_851, %get3A_852, %get3A_853] {strides = array<i32>} : memref<3x400x64xf32, #tpu.memory_space<vmem>>, vector<1x1x16xf32>,
        %get3A_855 = vector.shape_cast %get3A_854 : vector<1x1x16xf32> to vector<16xf32>
        %add3A_856 = arith.constant 7 : i32
        %add3A_857 = arith.addi %add3A_656, %add3A_856 : i32
        %get3A_858 = arith.constant 2 : i32
        %get3A_859 = arith.index_cast %get3A_858 : i32 to index
        %get3A_860 = arith.index_cast %add3A_857 : i32 to index
        %get3A_861 = arith.constant 32 : index
        %get3A_862 = tpu.vector_load %arg8[%get3A_859, %get3A_860, %get3A_861] {strides = array<i32>} : memref<3x400x64xf32, #tpu.memory_space<vmem>>, vector<1x1x16xf32>,
        %get3A_863 = vector.shape_cast %get3A_862 : vector<1x1x16xf32> to vector<16xf32>
        %add3A_864 = arith.addf %get3A_807, %get3A_815 : vector<16xf32>
        %add3A_865 = arith.addf %get3A_823, %get3A_831 : vector<16xf32>
        %add3A_866 = arith.addf %add3A_864, %add3A_865 : vector<16xf32>
        %add3A_867 = arith.addf %get3A_839, %get3A_847 : vector<16xf32>
        %add3A_868 = arith.addf %get3A_855, %get3A_863 : vector<16xf32>
        %add3A_869 = arith.addf %add3A_867, %add3A_868 : vector<16xf32>
        %add3A_870 = arith.addf %add3A_866, %add3A_869 : vector<16xf32>
        %add3A_871 = arith.addf %scan3A_651, %add3A_870 : vector<16xf32>
        %add3A_872 = arith.constant 0 : i32
        %add3A_873 = arith.addi %add3A_656, %add3A_872 : i32
        %get3A_874 = arith.constant 2 : i32
        %get3A_875 = arith.index_cast %get3A_874 : i32 to index
        %get3A_876 = arith.index_cast %add3A_873 : i32 to index
        %get3A_877 = arith.constant 48 : index
        %get3A_878 = tpu.vector_load %arg8[%get3A_875, %get3A_876, %get3A_877] {strides = array<i32>} : memref<3x400x64xf32, #tpu.memory_space<vmem>>, vector<1x1x16xf32>,
        %get3A_879 = vector.shape_cast %get3A_878 : vector<1x1x16xf32> to vector<16xf32>
        %add3A_880 = arith.constant 1 : i32
        %add3A_881 = arith.addi %add3A_656, %add3A_880 : i32
        %get3A_882 = arith.constant 2 : i32
        %get3A_883 = arith.index_cast %get3A_882 : i32 to index
        %get3A_884 = arith.index_cast %add3A_881 : i32 to index
        %get3A_885 = arith.constant 48 : index
        %get3A_886 = tpu.vector_load %arg8[%get3A_883, %get3A_884, %get3A_885] {strides = array<i32>} : memref<3x400x64xf32, #tpu.memory_space<vmem>>, vector<1x1x16xf32>,
        %get3A_887 = vector.shape_cast %get3A_886 : vector<1x1x16xf32> to vector<16xf32>
        %add3A_888 = arith.constant 2 : i32
        %add3A_889 = arith.addi %add3A_656, %add3A_888 : i32
        %get3A_890 = arith.constant 2 : i32
        %get3A_891 = arith.index_cast %get3A_890 : i32 to index
        %get3A_892 = arith.index_cast %add3A_889 : i32 to index
        %get3A_893 = arith.constant 48 : index
        %get3A_894 = tpu.vector_load %arg8[%get3A_891, %get3A_892, %get3A_893] {strides = array<i32>} : memref<3x400x64xf32, #tpu.memory_space<vmem>>, vector<1x1x16xf32>,
        %get3A_895 = vector.shape_cast %get3A_894 : vector<1x1x16xf32> to vector<16xf32>
        %add3A_896 = arith.constant 3 : i32
        %add3A_897 = arith.addi %add3A_656, %add3A_896 : i32
        %get3A_898 = arith.constant 2 : i32
        %get3A_899 = arith.index_cast %get3A_898 : i32 to index
        %get3A_900 = arith.index_cast %add3A_897 : i32 to index
        %get3A_901 = arith.constant 48 : index
        %get3A_902 = tpu.vector_load %arg8[%get3A_899, %get3A_900, %get3A_901] {strides = array<i32>} : memref<3x400x64xf32, #tpu.memory_space<vmem>>, vector<1x1x16xf32>,
        %get3A_903 = vector.shape_cast %get3A_902 : vector<1x1x16xf32> to vector<16xf32>
        %add3A_904 = arith.constant 4 : i32
        %add3A_905 = arith.addi %add3A_656, %add3A_904 : i32
        %get3A_906 = arith.constant 2 : i32
        %get3A_907 = arith.index_cast %get3A_906 : i32 to index
        %get3A_908 = arith.index_cast %add3A_905 : i32 to index
        %get3A_909 = arith.constant 48 : index
        %get3A_910 = tpu.vector_load %arg8[%get3A_907, %get3A_908, %get3A_909] {strides = array<i32>} : memref<3x400x64xf32, #tpu.memory_space<vmem>>, vector<1x1x16xf32>,
        %get3A_911 = vector.shape_cast %get3A_910 : vector<1x1x16xf32> to vector<16xf32>
        %add3A_912 = arith.constant 5 : i32
        %add3A_913 = arith.addi %add3A_656, %add3A_912 : i32
        %get3A_914 = arith.constant 2 : i32
        %get3A_915 = arith.index_cast %get3A_914 : i32 to index
        %get3A_916 = arith.index_cast %add3A_913 : i32 to index
        %get3A_917 = arith.constant 48 : index
        %get3A_918 = tpu.vector_load %arg8[%get3A_915, %get3A_916, %get3A_917] {strides = array<i32>} : memref<3x400x64xf32, #tpu.memory_space<vmem>>, vector<1x1x16xf32>,
        %get3A_919 = vector.shape_cast %get3A_918 : vector<1x1x16xf32> to vector<16xf32>
        %add3A_920 = arith.constant 6 : i32
        %add3A_921 = arith.addi %add3A_656, %add3A_920 : i32
        %get3A_922 = arith.constant 2 : i32
        %get3A_923 = arith.index_cast %get3A_922 : i32 to index
        %get3A_924 = arith.index_cast %add3A_921 : i32 to index
        %get3A_925 = arith.constant 48 : index
        %get3A_926 = tpu.vector_load %arg8[%get3A_923, %get3A_924, %get3A_925] {strides = array<i32>} : memref<3x400x64xf32, #tpu.memory_space<vmem>>, vector<1x1x16xf32>,
        %get3A_927 = vector.shape_cast %get3A_926 : vector<1x1x16xf32> to vector<16xf32>
        %add3A_928 = arith.constant 7 : i32
        %add3A_929 = arith.addi %add3A_656, %add3A_928 : i32
        %get3A_930 = arith.constant 2 : i32
        %get3A_931 = arith.index_cast %get3A_930 : i32 to index
        %get3A_932 = arith.index_cast %add3A_929 : i32 to index
        %get3A_933 = arith.constant 48 : index
        %get3A_934 = tpu.vector_load %arg8[%get3A_931, %get3A_932, %get3A_933] {strides = array<i32>} : memref<3x400x64xf32, #tpu.memory_space<vmem>>, vector<1x1x16xf32>,
        %get3A_935 = vector.shape_cast %get3A_934 : vector<1x1x16xf32> to vector<16xf32>
        %add3A_936 = arith.addf %get3A_879, %get3A_887 : vector<16xf32>
        %add3A_937 = arith.addf %get3A_895, %get3A_903 : vector<16xf32>
        %add3A_938 = arith.addf %add3A_936, %add3A_937 : vector<16xf32>
        %add3A_939 = arith.addf %get3A_911, %get3A_919 : vector<16xf32>
        %add3A_940 = arith.addf %get3A_927, %get3A_935 : vector<16xf32>
        %add3A_941 = arith.addf %add3A_939, %add3A_940 : vector<16xf32>
        %add3A_942 = arith.addf %add3A_938, %add3A_941 : vector<16xf32>
        %add3A_943 = arith.addf %scan3A_652, %add3A_942 : vector<16xf32>
        scf.yield %add3A_727, %add3A_799, %add3A_871, %add3A_943 : vector<16xf32>, vector<16xf32>, vector<16xf32>, vector<16xf32>
      }
      %scan3A_567 = arith.constant 25 : i32
      %mul3A_568 = arith.constant 2 : i32
      %mul3A_569 = arith.muli %add3A_530, %mul3A_568 : i32
      %add3A_570 = arith.constant 0 : i32
      %add3A_571 = arith.addi %mul3A_569, %add3A_570 : i32
      %swap3A_572 = arith.index_cast %add3A_571 : i32 to index
      %swap3A_573 = arith.constant 0 : index
      %swap3A_574 = tpu.vector_load %arg9[%swap3A_572, %swap3A_573] {strides = array<i32>} : memref<512x64xf32, #tpu.memory_space<vmem>>, vector<1x16xf32>,
      %swap3A_575 = vector.shape_cast %swap3A_574 : vector<1x16xf32> to vector<16xf32>
      %swap3A_576 = vector.shape_cast %scan3A_566#0 : vector<16xf32> to vector<1x16xf32>
      tpu.vector_store %arg9[%swap3A_572, %swap3A_573], %swap3A_576 {strides = array<i32>} : memref<512x64xf32, #tpu.memory_space<vmem>>, vector<1x16xf32>,
      %mul3A_577 = arith.constant 2 : i32
      %mul3A_578 = arith.muli %add3A_530, %mul3A_577 : i32
      %add3A_579 = arith.constant 0 : i32
      %add3A_580 = arith.addi %mul3A_578, %add3A_579 : i32
      %swap3A_581 = arith.index_cast %add3A_580 : i32 to index
      %swap3A_582 = arith.constant 16 : index
      %swap3A_583 = tpu.vector_load %arg9[%swap3A_581, %swap3A_582] {strides = array<i32>} : memref<512x64xf32, #tpu.memory_space<vmem>>, vector<1x16xf32>,
      %swap3A_584 = vector.shape_cast %swap3A_583 : vector<1x16xf32> to vector<16xf32>
      %swap3A_585 = vector.shape_cast %scan3A_566#1 : vector<16xf32> to vector<1x16xf32>
      tpu.vector_store %arg9[%swap3A_581, %swap3A_582], %swap3A_585 {strides = array<i32>} : memref<512x64xf32, #tpu.memory_space<vmem>>, vector<1x16xf32>,
      %mul3A_586 = arith.constant 2 : i32
      %mul3A_587 = arith.muli %add3A_530, %mul3A_586 : i32
      %add3A_588 = arith.constant 0 : i32
      %add3A_589 = arith.addi %mul3A_587, %add3A_588 : i32
      %swap3A_590 = arith.index_cast %add3A_589 : i32 to index
      %swap3A_591 = arith.constant 32 : index
      %swap3A_592 = tpu.vector_load %arg9[%swap3A_590, %swap3A_591] {strides = array<i32>} : memref<512x64xf32, #tpu.memory_space<vmem>>, vector<1x16xf32>,
      %swap3A_593 = vector.shape_cast %swap3A_592 : vector<1x16xf32> to vector<16xf32>
      %swap3A_594 = vector.shape_cast %scan3A_566#2 : vector<16xf32> to vector<1x16xf32>
      tpu.vector_store %arg9[%swap3A_590, %swap3A_591], %swap3A_594 {strides = array<i32>} : memref<512x64xf32, #tpu.memory_space<vmem>>, vector<1x16xf32>,
      %mul3A_595 = arith.constant 2 : i32
      %mul3A_596 = arith.muli %add3A_530, %mul3A_595 : i32
      %add3A_597 = arith.constant 0 : i32
      %add3A_598 = arith.addi %mul3A_596, %add3A_597 : i32
      %swap3A_599 = arith.index_cast %add3A_598 : i32 to index
      %swap3A_600 = arith.constant 48 : index
      %swap3A_601 = tpu.vector_load %arg9[%swap3A_599, %swap3A_600] {strides = array<i32>} : memref<512x64xf32, #tpu.memory_space<vmem>>, vector<1x16xf32>,
      %swap3A_602 = vector.shape_cast %swap3A_601 : vector<1x16xf32> to vector<16xf32>
      %swap3A_603 = vector.shape_cast %scan3A_566#3 : vector<16xf32> to vector<1x16xf32>
      tpu.vector_store %arg9[%swap3A_599, %swap3A_600], %swap3A_603 {strides = array<i32>} : memref<512x64xf32, #tpu.memory_space<vmem>>, vector<1x16xf32>,
      %broadcast_in_dim3A_604 = arith.constant 0.000000e+00 : f32
      %broadcast_in_dim3A_605 = vector.broadcast %broadcast_in_dim3A_604 : f32 to vector<16xf32>
      %scan3A_606 = arith.constant 0 : i32
      %scan3A_607 = arith.constant 25 : i32
      %scan3A_608 = arith.addi %scan3A_606, %scan3A_607 : i32
      %scan3A_609 = arith.constant 1 : i32
      %scan3A_610:4 = scf.for %scan3A_648 = %scan3A_606 to %scan3A_608 step %scan3A_609 iter_args(%scan3A_649 = %broadcast_in_dim3A_605, %scan3A_650 = %broadcast_in_dim3A_605, %scan3A_651 = %broadcast_in_dim3A_605, %scan3A_652 = %broadcast_in_dim3A_605) -> (vector<16xf32>, vector<16xf32>, vector<16xf32>, vector<16xf32>)  : i32 {
        %mul3A_653 = arith.constant 8 : i32
        %mul3A_654 = arith.muli %scan3A_648, %mul3A_653 : i32
        %add3A_655 = arith.constant 200 : i32
        %add3A_656 = arith.addi %add3A_655, %mul3A_654 : i32
        %add3A_657 = arith.constant 0 : i32
        %add3A_658 = arith.addi %add3A_656, %add3A_657 : i32
        %get3A = arith.constant 2 : i32
        %get3A_659 = arith.index_cast %get3A : i32 to index
        %get3A_660 = arith.index_cast %add3A_658 : i32 to index
        %get3A_661 = arith.constant 0 : index
        %get3A_662 = tpu.vector_load %arg8[%get3A_659, %get3A_660, %get3A_661] {strides = array<i32>} : memref<3x400x64xf32, #tpu.memory_space<vmem>>, vector<1x1x16xf32>,
        %get3A_663 = vector.shape_cast %get3A_662 : vector<1x1x16xf32> to vector<16xf32>
        %add3A_664 = arith.constant 1 : i32
        %add3A_665 = arith.addi %add3A_656, %add3A_664 : i32
        %get3A_666 = arith.constant 2 : i32
        %get3A_667 = arith.index_cast %get3A_666 : i32 to index
        %get3A_668 = arith.index_cast %add3A_665 : i32 to index
        %get3A_669 = arith.constant 0 : index
        %get3A_670 = tpu.vector_load %arg8[%get3A_667, %get3A_668, %get3A_669] {strides = array<i32>} : memref<3x400x64xf32, #tpu.memory_space<vmem>>, vector<1x1x16xf32>,
        %get3A_671 = vector.shape_cast %get3A_670 : vector<1x1x16xf32> to vector<16xf32>
        %add3A_672 = arith.constant 2 : i32
        %add3A_673 = arith.addi %add3A_656, %add3A_672 : i32
        %get3A_674 = arith.constant 2 : i32
        %get3A_675 = arith.index_cast %get3A_674 : i32 to index
        %get3A_676 = arith.index_cast %add3A_673 : i32 to index
        %get3A_677 = arith.constant 0 : index
        %get3A_678 = tpu.vector_load %arg8[%get3A_675, %get3A_676, %get3A_677] {strides = array<i32>} : memref<3x400x64xf32, #tpu.memory_space<vmem>>, vector<1x1x16xf32>,
        %get3A_679 = vector.shape_cast %get3A_678 : vector<1x1x16xf32> to vector<16xf32>
        %add3A_680 = arith.constant 3 : i32
        %add3A_681 = arith.addi %add3A_656, %add3A_680 : i32
        %get3A_682 = arith.constant 2 : i32
        %get3A_683 = arith.index_cast %get3A_682 : i32 to index
        %get3A_684 = arith.index_cast %add3A_681 : i32 to index
        %get3A_685 = arith.constant 0 : index
        %get3A_686 = tpu.vector_load %arg8[%get3A_683, %get3A_684, %get3A_685] {strides = array<i32>} : memref<3x400x64xf32, #tpu.memory_space<vmem>>, vector<1x1x16xf32>,
        %get3A_687 = vector.shape_cast %get3A_686 : vector<1x1x16xf32> to vector<16xf32>
        %add3A_688 = arith.constant 4 : i32
        %add3A_689 = arith.addi %add3A_656, %add3A_688 : i32
        %get3A_690 = arith.constant 2 : i32
        %get3A_691 = arith.index_cast %get3A_690 : i32 to index
        %get3A_692 = arith.index_cast %add3A_689 : i32 to index
        %get3A_693 = arith.constant 0 : index
        %get3A_694 = tpu.vector_load %arg8[%get3A_691, %get3A_692, %get3A_693] {strides = array<i32>} : memref<3x400x64xf32, #tpu.memory_space<vmem>>, vector<1x1x16xf32>,
        %get3A_695 = vector.shape_cast %get3A_694 : vector<1x1x16xf32> to vector<16xf32>
        %add3A_696 = arith.constant 5 : i32
        %add3A_697 = arith.addi %add3A_656, %add3A_696 : i32
        %get3A_698 = arith.constant 2 : i32
        %get3A_699 = arith.index_cast %get3A_698 : i32 to index
        %get3A_700 = arith.index_cast %add3A_697 : i32 to index
        %get3A_701 = arith.constant 0 : index
        %get3A_702 = tpu.vector_load %arg8[%get3A_699, %get3A_700, %get3A_701] {strides = array<i32>} : memref<3x400x64xf32, #tpu.memory_space<vmem>>, vector<1x1x16xf32>,
        %get3A_703 = vector.shape_cast %get3A_702 : vector<1x1x16xf32> to vector<16xf32>
        %add3A_704 = arith.constant 6 : i32
        %add3A_705 = arith.addi %add3A_656, %add3A_704 : i32
        %get3A_706 = arith.constant 2 : i32
        %get3A_707 = arith.index_cast %get3A_706 : i32 to index
        %get3A_708 = arith.index_cast %add3A_705 : i32 to index
        %get3A_709 = arith.constant 0 : index
        %get3A_710 = tpu.vector_load %arg8[%get3A_707, %get3A_708, %get3A_709] {strides = array<i32>} : memref<3x400x64xf32, #tpu.memory_space<vmem>>, vector<1x1x16xf32>,
        %get3A_711 = vector.shape_cast %get3A_710 : vector<1x1x16xf32> to vector<16xf32>
        %add3A_712 = arith.constant 7 : i32
        %add3A_713 = arith.addi %add3A_656, %add3A_712 : i32
        %get3A_714 = arith.constant 2 : i32
        %get3A_715 = arith.index_cast %get3A_714 : i32 to index
        %get3A_716 = arith.index_cast %add3A_713 : i32 to index
        %get3A_717 = arith.constant 0 : index
        %get3A_718 = tpu.vector_load %arg8[%get3A_715, %get3A_716, %get3A_717] {strides = array<i32>} : memref<3x400x64xf32, #tpu.memory_space<vmem>>, vector<1x1x16xf32>,
        %get3A_719 = vector.shape_cast %get3A_718 : vector<1x1x16xf32> to vector<16xf32>
        %add3A_720 = arith.addf %get3A_663, %get3A_671 : vector<16xf32>
        %add3A_721 = arith.addf %get3A_679, %get3A_687 : vector<16xf32>
        %add3A_722 = arith.addf %add3A_720, %add3A_721 : vector<16xf32>
        %add3A_723 = arith.addf %get3A_695, %get3A_703 : vector<16xf32>
        %add3A_724 = arith.addf %get3A_711, %get3A_719 : vector<16xf32>
        %add3A_725 = arith.addf %add3A_723, %add3A_724 : vector<16xf32>
        %add3A_726 = arith.addf %add3A_722, %add3A_725 : vector<16xf32>
        %add3A_727 = arith.addf %scan3A_649, %add3A_726 : vector<16xf32>
        %add3A_728 = arith.constant 0 : i32
        %add3A_729 = arith.addi %add3A_656, %add3A_728 : i32
        %get3A_730 = arith.constant 2 : i32
        %get3A_731 = arith.index_cast %get3A_730 : i32 to index
        %get3A_732 = arith.index_cast %add3A_729 : i32 to index
        %get3A_733 = arith.constant 16 : index
        %get3A_734 = tpu.vector_load %arg8[%get3A_731, %get3A_732, %get3A_733] {strides = array<i32>} : memref<3x400x64xf32, #tpu.memory_space<vmem>>, vector<1x1x16xf32>,
        %get3A_735 = vector.shape_cast %get3A_734 : vector<1x1x16xf32> to vector<16xf32>
        %add3A_736 = arith.constant 1 : i32
        %add3A_737 = arith.addi %add3A_656, %add3A_736 : i32
        %get3A_738 = arith.constant 2 : i32
        %get3A_739 = arith.index_cast %get3A_738 : i32 to index
        %get3A_740 = arith.index_cast %add3A_737 : i32 to index
        %get3A_741 = arith.constant 16 : index
        %get3A_742 = tpu.vector_load %arg8[%get3A_739, %get3A_740, %get3A_741] {strides = array<i32>} : memref<3x400x64xf32, #tpu.memory_space<vmem>>, vector<1x1x16xf32>,
        %get3A_743 = vector.shape_cast %get3A_742 : vector<1x1x16xf32> to vector<16xf32>
        %add3A_744 = arith.constant 2 : i32
        %add3A_745 = arith.addi %add3A_656, %add3A_744 : i32
        %get3A_746 = arith.constant 2 : i32
        %get3A_747 = arith.index_cast %get3A_746 : i32 to index
        %get3A_748 = arith.index_cast %add3A_745 : i32 to index
        %get3A_749 = arith.constant 16 : index
        %get3A_750 = tpu.vector_load %arg8[%get3A_747, %get3A_748, %get3A_749] {strides = array<i32>} : memref<3x400x64xf32, #tpu.memory_space<vmem>>, vector<1x1x16xf32>,
        %get3A_751 = vector.shape_cast %get3A_750 : vector<1x1x16xf32> to vector<16xf32>
        %add3A_752 = arith.constant 3 : i32
        %add3A_753 = arith.addi %add3A_656, %add3A_752 : i32
        %get3A_754 = arith.constant 2 : i32
        %get3A_755 = arith.index_cast %get3A_754 : i32 to index
        %get3A_756 = arith.index_cast %add3A_753 : i32 to index
        %get3A_757 = arith.constant 16 : index
        %get3A_758 = tpu.vector_load %arg8[%get3A_755, %get3A_756, %get3A_757] {strides = array<i32>} : memref<3x400x64xf32, #tpu.memory_space<vmem>>, vector<1x1x16xf32>,
        %get3A_759 = vector.shape_cast %get3A_758 : vector<1x1x16xf32> to vector<16xf32>
        %add3A_760 = arith.constant 4 : i32
        %add3A_761 = arith.addi %add3A_656, %add3A_760 : i32
        %get3A_762 = arith.constant 2 : i32
        %get3A_763 = arith.index_cast %get3A_762 : i32 to index
        %get3A_764 = arith.index_cast %add3A_761 : i32 to index
        %get3A_765 = arith.constant 16 : index
        %get3A_766 = tpu.vector_load %arg8[%get3A_763, %get3A_764, %get3A_765] {strides = array<i32>} : memref<3x400x64xf32, #tpu.memory_space<vmem>>, vector<1x1x16xf32>,
        %get3A_767 = vector.shape_cast %get3A_766 : vector<1x1x16xf32> to vector<16xf32>
        %add3A_768 = arith.constant 5 : i32
        %add3A_769 = arith.addi %add3A_656, %add3A_768 : i32
        %get3A_770 = arith.constant 2 : i32
        %get3A_771 = arith.index_cast %get3A_770 : i32 to index
        %get3A_772 = arith.index_cast %add3A_769 : i32 to index
        %get3A_773 = arith.constant 16 : index
        %get3A_774 = tpu.vector_load %arg8[%get3A_771, %get3A_772, %get3A_773] {strides = array<i32>} : memref<3x400x64xf32, #tpu.memory_space<vmem>>, vector<1x1x16xf32>,
        %get3A_775 = vector.shape_cast %get3A_774 : vector<1x1x16xf32> to vector<16xf32>
        %add3A_776 = arith.constant 6 : i32
        %add3A_777 = arith.addi %add3A_656, %add3A_776 : i32
        %get3A_778 = arith.constant 2 : i32
        %get3A_779 = arith.index_cast %get3A_778 : i32 to index
        %get3A_780 = arith.index_cast %add3A_777 : i32 to index
        %get3A_781 = arith.constant 16 : index
        %get3A_782 = tpu.vector_load %arg8[%get3A_779, %get3A_780, %get3A_781] {strides = array<i32>} : memref<3x400x64xf32, #tpu.memory_space<vmem>>, vector<1x1x16xf32>,
        %get3A_783 = vector.shape_cast %get3A_782 : vector<1x1x16xf32> to vector<16xf32>
        %add3A_784 = arith.constant 7 : i32
        %add3A_785 = arith.addi %add3A_656, %add3A_784 : i32
        %get3A_786 = arith.constant 2 : i32
        %get3A_787 = arith.index_cast %get3A_786 : i32 to index
        %get3A_788 = arith.index_cast %add3A_785 : i32 to index
        %get3A_789 = arith.constant 16 : index
        %get3A_790 = tpu.vector_load %arg8[%get3A_787, %get3A_788, %get3A_789] {strides = array<i32>} : memref<3x400x64xf32, #tpu.memory_space<vmem>>, vector<1x1x16xf32>,
        %get3A_791 = vector.shape_cast %get3A_790 : vector<1x1x16xf32> to vector<16xf32>
        %add3A_792 = arith.addf %get3A_735, %get3A_743 : vector<16xf32>
        %add3A_793 = arith.addf %get3A_751, %get3A_759 : vector<16xf32>
        %add3A_794 = arith.addf %add3A_792, %add3A_793 : vector<16xf32>
        %add3A_795 = arith.addf %get3A_767, %get3A_775 : vector<16xf32>
        %add3A_796 = arith.addf %get3A_783, %get3A_791 : vector<16xf32>
        %add3A_797 = arith.addf %add3A_795, %add3A_796 : vector<16xf32>
        %add3A_798 = arith.addf %add3A_794, %add3A_797 : vector<16xf32>
        %add3A_799 = arith.addf %scan3A_650, %add3A_798 : vector<16xf32>
        %add3A_800 = arith.constant 0 : i32
        %add3A_801 = arith.addi %add3A_656, %add3A_800 : i32
        %get3A_802 = arith.constant 2 : i32
        %get3A_803 = arith.index_cast %get3A_802 : i32 to index
        %get3A_804 = arith.index_cast %add3A_801 : i32 to index
        %get3A_805 = arith.constant 32 : index
        %get3A_806 = tpu.vector_load %arg8[%get3A_803, %get3A_804, %get3A_805] {strides = array<i32>} : memref<3x400x64xf32, #tpu.memory_space<vmem>>, vector<1x1x16xf32>,
        %get3A_807 = vector.shape_cast %get3A_806 : vector<1x1x16xf32> to vector<16xf32>
        %add3A_808 = arith.constant 1 : i32
        %add3A_809 = arith.addi %add3A_656, %add3A_808 : i32
        %get3A_810 = arith.constant 2 : i32
        %get3A_811 = arith.index_cast %get3A_810 : i32 to index
        %get3A_812 = arith.index_cast %add3A_809 : i32 to index
        %get3A_813 = arith.constant 32 : index
        %get3A_814 = tpu.vector_load %arg8[%get3A_811, %get3A_812, %get3A_813] {strides = array<i32>} : memref<3x400x64xf32, #tpu.memory_space<vmem>>, vector<1x1x16xf32>,
        %get3A_815 = vector.shape_cast %get3A_814 : vector<1x1x16xf32> to vector<16xf32>
        %add3A_816 = arith.constant 2 : i32
        %add3A_817 = arith.addi %add3A_656, %add3A_816 : i32
        %get3A_818 = arith.constant 2 : i32
        %get3A_819 = arith.index_cast %get3A_818 : i32 to index
        %get3A_820 = arith.index_cast %add3A_817 : i32 to index
        %get3A_821 = arith.constant 32 : index
        %get3A_822 = tpu.vector_load %arg8[%get3A_819, %get3A_820, %get3A_821] {strides = array<i32>} : memref<3x400x64xf32, #tpu.memory_space<vmem>>, vector<1x1x16xf32>,
        %get3A_823 = vector.shape_cast %get3A_822 : vector<1x1x16xf32> to vector<16xf32>
        %add3A_824 = arith.constant 3 : i32
        %add3A_825 = arith.addi %add3A_656, %add3A_824 : i32
        %get3A_826 = arith.constant 2 : i32
        %get3A_827 = arith.index_cast %get3A_826 : i32 to index
        %get3A_828 = arith.index_cast %add3A_825 : i32 to index
        %get3A_829 = arith.constant 32 : index
        %get3A_830 = tpu.vector_load %arg8[%get3A_827, %get3A_828, %get3A_829] {strides = array<i32>} : memref<3x400x64xf32, #tpu.memory_space<vmem>>, vector<1x1x16xf32>,
        %get3A_831 = vector.shape_cast %get3A_830 : vector<1x1x16xf32> to vector<16xf32>
        %add3A_832 = arith.constant 4 : i32
        %add3A_833 = arith.addi %add3A_656, %add3A_832 : i32
        %get3A_834 = arith.constant 2 : i32
        %get3A_835 = arith.index_cast %get3A_834 : i32 to index
        %get3A_836 = arith.index_cast %add3A_833 : i32 to index
        %get3A_837 = arith.constant 32 : index
        %get3A_838 = tpu.vector_load %arg8[%get3A_835, %get3A_836, %get3A_837] {strides = array<i32>} : memref<3x400x64xf32, #tpu.memory_space<vmem>>, vector<1x1x16xf32>,
        %get3A_839 = vector.shape_cast %get3A_838 : vector<1x1x16xf32> to vector<16xf32>
        %add3A_840 = arith.constant 5 : i32
        %add3A_841 = arith.addi %add3A_656, %add3A_840 : i32
        %get3A_842 = arith.constant 2 : i32
        %get3A_843 = arith.index_cast %get3A_842 : i32 to index
        %get3A_844 = arith.index_cast %add3A_841 : i32 to index
        %get3A_845 = arith.constant 32 : index
        %get3A_846 = tpu.vector_load %arg8[%get3A_843, %get3A_844, %get3A_845] {strides = array<i32>} : memref<3x400x64xf32, #tpu.memory_space<vmem>>, vector<1x1x16xf32>,
        %get3A_847 = vector.shape_cast %get3A_846 : vector<1x1x16xf32> to vector<16xf32>
        %add3A_848 = arith.constant 6 : i32
        %add3A_849 = arith.addi %add3A_656, %add3A_848 : i32
        %get3A_850 = arith.constant 2 : i32
        %get3A_851 = arith.index_cast %get3A_850 : i32 to index
        %get3A_852 = arith.index_cast %add3A_849 : i32 to index
        %get3A_853 = arith.constant 32 : index
        %get3A_854 = tpu.vector_load %arg8[%get3A_851, %get3A_852, %get3A_853] {strides = array<i32>} : memref<3x400x64xf32, #tpu.memory_space<vmem>>, vector<1x1x16xf32>,
        %get3A_855 = vector.shape_cast %get3A_854 : vector<1x1x16xf32> to vector<16xf32>
        %add3A_856 = arith.constant 7 : i32
        %add3A_857 = arith.addi %add3A_656, %add3A_856 : i32
        %get3A_858 = arith.constant 2 : i32
        %get3A_859 = arith.index_cast %get3A_858 : i32 to index
        %get3A_860 = arith.index_cast %add3A_857 : i32 to index
        %get3A_861 = arith.constant 32 : index
        %get3A_862 = tpu.vector_load %arg8[%get3A_859, %get3A_860, %get3A_861] {strides = array<i32>} : memref<3x400x64xf32, #tpu.memory_space<vmem>>, vector<1x1x16xf32>,
        %get3A_863 = vector.shape_cast %get3A_862 : vector<1x1x16xf32> to vector<16xf32>
        %add3A_864 = arith.addf %get3A_807, %get3A_815 : vector<16xf32>
        %add3A_865 = arith.addf %get3A_823, %get3A_831 : vector<16xf32>
        %add3A_866 = arith.addf %add3A_864, %add3A_865 : vector<16xf32>
        %add3A_867 = arith.addf %get3A_839, %get3A_847 : vector<16xf32>
        %add3A_868 = arith.addf %get3A_855, %get3A_863 : vector<16xf32>
        %add3A_869 = arith.addf %add3A_867, %add3A_868 : vector<16xf32>
        %add3A_870 = arith.addf %add3A_866, %add3A_869 : vector<16xf32>
        %add3A_871 = arith.addf %scan3A_651, %add3A_870 : vector<16xf32>
        %add3A_872 = arith.constant 0 : i32
        %add3A_873 = arith.addi %add3A_656, %add3A_872 : i32
        %get3A_874 = arith.constant 2 : i32
        %get3A_875 = arith.index_cast %get3A_874 : i32 to index
        %get3A_876 = arith.index_cast %add3A_873 : i32 to index
        %get3A_877 = arith.constant 48 : index
        %get3A_878 = tpu.vector_load %arg8[%get3A_875, %get3A_876, %get3A_877] {strides = array<i32>} : memref<3x400x64xf32, #tpu.memory_space<vmem>>, vector<1x1x16xf32>,
        %get3A_879 = vector.shape_cast %get3A_878 : vector<1x1x16xf32> to vector<16xf32>
        %add3A_880 = arith.constant 1 : i32
        %add3A_881 = arith.addi %add3A_656, %add3A_880 : i32
        %get3A_882 = arith.constant 2 : i32
        %get3A_883 = arith.index_cast %get3A_882 : i32 to index
        %get3A_884 = arith.index_cast %add3A_881 : i32 to index
        %get3A_885 = arith.constant 48 : index
        %get3A_886 = tpu.vector_load %arg8[%get3A_883, %get3A_884, %get3A_885] {strides = array<i32>} : memref<3x400x64xf32, #tpu.memory_space<vmem>>, vector<1x1x16xf32>,
        %get3A_887 = vector.shape_cast %get3A_886 : vector<1x1x16xf32> to vector<16xf32>
        %add3A_888 = arith.constant 2 : i32
        %add3A_889 = arith.addi %add3A_656, %add3A_888 : i32
        %get3A_890 = arith.constant 2 : i32
        %get3A_891 = arith.index_cast %get3A_890 : i32 to index
        %get3A_892 = arith.index_cast %add3A_889 : i32 to index
        %get3A_893 = arith.constant 48 : index
        %get3A_894 = tpu.vector_load %arg8[%get3A_891, %get3A_892, %get3A_893] {strides = array<i32>} : memref<3x400x64xf32, #tpu.memory_space<vmem>>, vector<1x1x16xf32>,
        %get3A_895 = vector.shape_cast %get3A_894 : vector<1x1x16xf32> to vector<16xf32>
        %add3A_896 = arith.constant 3 : i32
        %add3A_897 = arith.addi %add3A_656, %add3A_896 : i32
        %get3A_898 = arith.constant 2 : i32
        %get3A_899 = arith.index_cast %get3A_898 : i32 to index
        %get3A_900 = arith.index_cast %add3A_897 : i32 to index
        %get3A_901 = arith.constant 48 : index
        %get3A_902 = tpu.vector_load %arg8[%get3A_899, %get3A_900, %get3A_901] {strides = array<i32>} : memref<3x400x64xf32, #tpu.memory_space<vmem>>, vector<1x1x16xf32>,
        %get3A_903 = vector.shape_cast %get3A_902 : vector<1x1x16xf32> to vector<16xf32>
        %add3A_904 = arith.constant 4 : i32
        %add3A_905 = arith.addi %add3A_656, %add3A_904 : i32
        %get3A_906 = arith.constant 2 : i32
        %get3A_907 = arith.index_cast %get3A_906 : i32 to index
        %get3A_908 = arith.index_cast %add3A_905 : i32 to index
        %get3A_909 = arith.constant 48 : index
        %get3A_910 = tpu.vector_load %arg8[%get3A_907, %get3A_908, %get3A_909] {strides = array<i32>} : memref<3x400x64xf32, #tpu.memory_space<vmem>>, vector<1x1x16xf32>,
        %get3A_911 = vector.shape_cast %get3A_910 : vector<1x1x16xf32> to vector<16xf32>
        %add3A_912 = arith.constant 5 : i32
        %add3A_913 = arith.addi %add3A_656, %add3A_912 : i32
        %get3A_914 = arith.constant 2 : i32
        %get3A_915 = arith.index_cast %get3A_914 : i32 to index
        %get3A_916 = arith.index_cast %add3A_913 : i32 to index
        %get3A_917 = arith.constant 48 : index
        %get3A_918 = tpu.vector_load %arg8[%get3A_915, %get3A_916, %get3A_917] {strides = array<i32>} : memref<3x400x64xf32, #tpu.memory_space<vmem>>, vector<1x1x16xf32>,
        %get3A_919 = vector.shape_cast %get3A_918 : vector<1x1x16xf32> to vector<16xf32>
        %add3A_920 = arith.constant 6 : i32
        %add3A_921 = arith.addi %add3A_656, %add3A_920 : i32
        %get3A_922 = arith.constant 2 : i32
        %get3A_923 = arith.index_cast %get3A_922 : i32 to index
        %get3A_924 = arith.index_cast %add3A_921 : i32 to index
        %get3A_925 = arith.constant 48 : index
        %get3A_926 = tpu.vector_load %arg8[%get3A_923, %get3A_924, %get3A_925] {strides = array<i32>} : memref<3x400x64xf32, #tpu.memory_space<vmem>>, vector<1x1x16xf32>,
        %get3A_927 = vector.shape_cast %get3A_926 : vector<1x1x16xf32> to vector<16xf32>
        %add3A_928 = arith.constant 7 : i32
        %add3A_929 = arith.addi %add3A_656, %add3A_928 : i32
        %get3A_930 = arith.constant 2 : i32
        %get3A_931 = arith.index_cast %get3A_930 : i32 to index
        %get3A_932 = arith.index_cast %add3A_929 : i32 to index
        %get3A_933 = arith.constant 48 : index
        %get3A_934 = tpu.vector_load %arg8[%get3A_931, %get3A_932, %get3A_933] {strides = array<i32>} : memref<3x400x64xf32, #tpu.memory_space<vmem>>, vector<1x1x16xf32>,
        %get3A_935 = vector.shape_cast %get3A_934 : vector<1x1x16xf32> to vector<16xf32>
        %add3A_936 = arith.addf %get3A_879, %get3A_887 : vector<16xf32>
        %add3A_937 = arith.addf %get3A_895, %get3A_903 : vector<16xf32>
        %add3A_938 = arith.addf %add3A_936, %add3A_937 : vector<16xf32>
        %add3A_939 = arith.addf %get3A_911, %get3A_919 : vector<16xf32>
        %add3A_940 = arith.addf %get3A_927, %get3A_935 : vector<16xf32>
        %add3A_941 = arith.addf %add3A_939, %add3A_940 : vector<16xf32>
        %add3A_942 = arith.addf %add3A_938, %add3A_941 : vector<16xf32>
        %add3A_943 = arith.addf %scan3A_652, %add3A_942 : vector<16xf32>
        scf.yield %add3A_727, %add3A_799, %add3A_871, %add3A_943 : vector<16xf32>, vector<16xf32>, vector<16xf32>, vector<16xf32>
      }
      %scan3A_611 = arith.constant 25 : i32
      %mul3A_612 = arith.constant 2 : i32
      %mul3A_613 = arith.muli %add3A_530, %mul3A_612 : i32
      %add3A_614 = arith.constant 1 : i32
      %add3A_615 = arith.addi %mul3A_613, %add3A_614 : i32
      %swap3A_616 = arith.index_cast %add3A_615 : i32 to index
      %swap3A_617 = arith.constant 0 : index
      %swap3A_618 = tpu.vector_load %arg9[%swap3A_616, %swap3A_617] {strides = array<i32>} : memref<512x64xf32, #tpu.memory_space<vmem>>, vector<1x16xf32>,
      %swap3A_619 = vector.shape_cast %swap3A_618 : vector<1x16xf32> to vector<16xf32>
      %swap3A_620 = vector.shape_cast %scan3A_610#0 : vector<16xf32> to vector<1x16xf32>
      tpu.vector_store %arg9[%swap3A_616, %swap3A_617], %swap3A_620 {strides = array<i32>} : memref<512x64xf32, #tpu.memory_space<vmem>>, vector<1x16xf32>,
      %mul3A_621 = arith.constant 2 : i32
      %mul3A_622 = arith.muli %add3A_530, %mul3A_621 : i32
      %add3A_623 = arith.constant 1 : i32
      %add3A_624 = arith.addi %mul3A_622, %add3A_623 : i32
      %swap3A_625 = arith.index_cast %add3A_624 : i32 to index
      %swap3A_626 = arith.constant 16 : index
      %swap3A_627 = tpu.vector_load %arg9[%swap3A_625, %swap3A_626] {strides = array<i32>} : memref<512x64xf32, #tpu.memory_space<vmem>>, vector<1x16xf32>,
      %swap3A_628 = vector.shape_cast %swap3A_627 : vector<1x16xf32> to vector<16xf32>
      %swap3A_629 = vector.shape_cast %scan3A_610#1 : vector<16xf32> to vector<1x16xf32>
      tpu.vector_store %arg9[%swap3A_625, %swap3A_626], %swap3A_629 {strides = array<i32>} : memref<512x64xf32, #tpu.memory_space<vmem>>, vector<1x16xf32>,
      %mul3A_630 = arith.constant 2 : i32
      %mul3A_631 = arith.muli %add3A_530, %mul3A_630 : i32
      %add3A_632 = arith.constant 1 : i32
      %add3A_633 = arith.addi %mul3A_631, %add3A_632 : i32
      %swap3A_634 = arith.index_cast %add3A_633 : i32 to index
      %swap3A_635 = arith.constant 32 : index
      %swap3A_636 = tpu.vector_load %arg9[%swap3A_634, %swap3A_635] {strides = array<i32>} : memref<512x64xf32, #tpu.memory_space<vmem>>, vector<1x16xf32>,
      %swap3A_637 = vector.shape_cast %swap3A_636 : vector<1x16xf32> to vector<16xf32>
      %swap3A_638 = vector.shape_cast %scan3A_610#2 : vector<16xf32> to vector<1x16xf32>
      tpu.vector_store %arg9[%swap3A_634, %swap3A_635], %swap3A_638 {strides = array<i32>} : memref<512x64xf32, #tpu.memory_space<vmem>>, vector<1x16xf32>,
      %mul3A_639 = arith.constant 2 : i32
      %mul3A_640 = arith.muli %add3A_530, %mul3A_639 : i32
      %add3A_641 = arith.constant 1 : i32
      %add3A_642 = arith.addi %mul3A_640, %add3A_641 : i32
      %swap3A_643 = arith.index_cast %add3A_642 : i32 to index
      %swap3A_644 = arith.constant 48 : index
      %swap3A_645 = tpu.vector_load %arg9[%swap3A_643, %swap3A_644] {strides = array<i32>} : memref<512x64xf32, #tpu.memory_space<vmem>>, vector<1x16xf32>,
      %swap3A_646 = vector.shape_cast %swap3A_645 : vector<1x16xf32> to vector<16xf32>
      %swap3A_647 = vector.shape_cast %scan3A_610#3 : vector<16xf32> to vector<1x16xf32>
      tpu.vector_store %arg9[%swap3A_643, %swap3A_644], %swap3A_647 {strides = array<i32>} : memref<512x64xf32, #tpu.memory_space<vmem>>, vector<1x16xf32>,
    }
    %scan3A_211 = arith.constant 85 : i32
    %dma_wait3A_212 = arith.constant 0 : i32
    %dma_wait3A_213 = arith.constant 0 : i32
    %dma_wait3A_214 = arith.constant 0 : i32
    %dma_wait3A_215 = tpu.memref_slice %arg8[%dma_wait3A_212, %dma_wait3A_213, %dma_wait3A_214] : memref<3x400x64xf32, #tpu.memory_space<vmem>> -> memref<1x400x64xf32, #tpu.memory_space<vmem>>
    %dma_wait3A_216 = tpu.memref_squeeze %dma_wait3A_215 : memref<1x400x64xf32, #tpu.memory_space<vmem>> -> memref<400x64xf32, #tpu.memory_space<vmem>>
    %dma_wait3A_217 = arith.constant 0 : i32
    %dma_wait3A_218 = arith.constant 0 : i32
    %dma_wait3A_219 = tpu.memref_slice %arg4[%dma_wait3A_217, %dma_wait3A_218] : memref<1000000x64xf32, #tpu.memory_space<hbm>> -> memref<400x64xf32, #tpu.memory_space<hbm>>
    %dma_wait3A_220 = arith.constant 0 : i32
    %dma_wait3A_221 = arith.constant 0 : i32
    %dma_wait3A_222 = tpu.memref_slice %arg8[%dma_wait3A_212, %dma_wait3A_220, %dma_wait3A_221] : memref<3x400x64xf32, #tpu.memory_space<vmem>> -> memref<1x400x64xf32, #tpu.memory_space<vmem>>
    %dma_wait3A_223 = tpu.memref_squeeze %dma_wait3A_222 : memref<1x400x64xf32, #tpu.memory_space<vmem>> -> memref<400x64xf32, #tpu.memory_space<vmem>>
    %dma_wait3A_224 = arith.constant 0 : i32
    %dma_wait3A_225 = arith.constant 0 : i32
    %dma_wait3A_226 = tpu.memref_slice %arg4[%dma_wait3A_224, %dma_wait3A_225] : memref<1000000x64xf32, #tpu.memory_space<hbm>> -> memref<400x64xf32, #tpu.memory_space<hbm>>
    tpu.wait_dma2 semaphore(%arg11 : memref<!tpu.dma_semaphore, #tpu.memory_space<semaphore_mem>>) src(%dma_wait3A_226 : memref<400x64xf32, #tpu.memory_space<hbm>>) dst(%dma_wait3A_223 : memref<400x64xf32, #tpu.memory_space<vmem>>)
    %broadcast_in_dim3A = arith.constant 0.000000e+00 : f32
    %broadcast_in_dim3A_227 = vector.broadcast %broadcast_in_dim3A : f32 to vector<16xf32>
    %scan3A_228 = arith.constant 0 : i32
    %scan3A_229 = arith.constant 25 : i32
    %scan3A_230 = arith.addi %scan3A_228, %scan3A_229 : i32
    %scan3A_231 = arith.constant 1 : i32
    %scan3A_232:4 = scf.for %scan3A_289 = %scan3A_228 to %scan3A_230 step %scan3A_231 iter_args(%scan3A_290 = %broadcast_in_dim3A_227, %scan3A_291 = %broadcast_in_dim3A_227, %scan3A_292 = %broadcast_in_dim3A_227, %scan3A_293 = %broadcast_in_dim3A_227) -> (vector<16xf32>, vector<16xf32>, vector<16xf32>, vector<16xf32>)  : i32 {
      %mul3A_294 = arith.constant 8 : i32
      %mul3A_295 = arith.muli %scan3A_289, %mul3A_294 : i32
      %add3A_296 = arith.constant 0 : i32
      %add3A_297 = arith.addi %add3A_296, %mul3A_295 : i32
      %add3A_298 = arith.constant 0 : i32
      %add3A_299 = arith.addi %add3A_297, %add3A_298 : i32
      %get3A = arith.constant 0 : i32
      %get3A_300 = arith.index_cast %get3A : i32 to index
      %get3A_301 = arith.index_cast %add3A_299 : i32 to index
      %get3A_302 = arith.constant 0 : index
      %get3A_303 = tpu.vector_load %arg8[%get3A_300, %get3A_301, %get3A_302] {strides = array<i32>} : memref<3x400x64xf32, #tpu.memory_space<vmem>>, vector<1x1x16xf32>,
      %get3A_304 = vector.shape_cast %get3A_303 : vector<1x1x16xf32> to vector<16xf32>
      %add3A_305 = arith.constant 1 : i32
      %add3A_306 = arith.addi %add3A_297, %add3A_305 : i32
      %get3A_307 = arith.constant 0 : i32
      %get3A_308 = arith.index_cast %get3A_307 : i32 to index
      %get3A_309 = arith.index_cast %add3A_306 : i32 to index
      %get3A_310 = arith.constant 0 : index
      %get3A_311 = tpu.vector_load %arg8[%get3A_308, %get3A_309, %get3A_310] {strides = array<i32>} : memref<3x400x64xf32, #tpu.memory_space<vmem>>, vector<1x1x16xf32>,
      %get3A_312 = vector.shape_cast %get3A_311 : vector<1x1x16xf32> to vector<16xf32>
      %add3A_313 = arith.constant 2 : i32
      %add3A_314 = arith.addi %add3A_297, %add3A_313 : i32
      %get3A_315 = arith.constant 0 : i32
      %get3A_316 = arith.index_cast %get3A_315 : i32 to index
      %get3A_317 = arith.index_cast %add3A_314 : i32 to index
      %get3A_318 = arith.constant 0 : index
      %get3A_319 = tpu.vector_load %arg8[%get3A_316, %get3A_317, %get3A_318] {strides = array<i32>} : memref<3x400x64xf32, #tpu.memory_space<vmem>>, vector<1x1x16xf32>,
      %get3A_320 = vector.shape_cast %get3A_319 : vector<1x1x16xf32> to vector<16xf32>
      %add3A_321 = arith.constant 3 : i32
      %add3A_322 = arith.addi %add3A_297, %add3A_321 : i32
      %get3A_323 = arith.constant 0 : i32
      %get3A_324 = arith.index_cast %get3A_323 : i32 to index
      %get3A_325 = arith.index_cast %add3A_322 : i32 to index
      %get3A_326 = arith.constant 0 : index
      %get3A_327 = tpu.vector_load %arg8[%get3A_324, %get3A_325, %get3A_326] {strides = array<i32>} : memref<3x400x64xf32, #tpu.memory_space<vmem>>, vector<1x1x16xf32>,
      %get3A_328 = vector.shape_cast %get3A_327 : vector<1x1x16xf32> to vector<16xf32>
      %add3A_329 = arith.constant 4 : i32
      %add3A_330 = arith.addi %add3A_297, %add3A_329 : i32
      %get3A_331 = arith.constant 0 : i32
      %get3A_332 = arith.index_cast %get3A_331 : i32 to index
      %get3A_333 = arith.index_cast %add3A_330 : i32 to index
      %get3A_334 = arith.constant 0 : index
      %get3A_335 = tpu.vector_load %arg8[%get3A_332, %get3A_333, %get3A_334] {strides = array<i32>} : memref<3x400x64xf32, #tpu.memory_space<vmem>>, vector<1x1x16xf32>,
      %get3A_336 = vector.shape_cast %get3A_335 : vector<1x1x16xf32> to vector<16xf32>
      %add3A_337 = arith.constant 5 : i32
      %add3A_338 = arith.addi %add3A_297, %add3A_337 : i32
      %get3A_339 = arith.constant 0 : i32
      %get3A_340 = arith.index_cast %get3A_339 : i32 to index
      %get3A_341 = arith.index_cast %add3A_338 : i32 to index
      %get3A_342 = arith.constant 0 : index
      %get3A_343 = tpu.vector_load %arg8[%get3A_340, %get3A_341, %get3A_342] {strides = array<i32>} : memref<3x400x64xf32, #tpu.memory_space<vmem>>, vector<1x1x16xf32>,
      %get3A_344 = vector.shape_cast %get3A_343 : vector<1x1x16xf32> to vector<16xf32>
      %add3A_345 = arith.constant 6 : i32
      %add3A_346 = arith.addi %add3A_297, %add3A_345 : i32
      %get3A_347 = arith.constant 0 : i32
      %get3A_348 = arith.index_cast %get3A_347 : i32 to index
      %get3A_349 = arith.index_cast %add3A_346 : i32 to index
      %get3A_350 = arith.constant 0 : index
      %get3A_351 = tpu.vector_load %arg8[%get3A_348, %get3A_349, %get3A_350] {strides = array<i32>} : memref<3x400x64xf32, #tpu.memory_space<vmem>>, vector<1x1x16xf32>,
      %get3A_352 = vector.shape_cast %get3A_351 : vector<1x1x16xf32> to vector<16xf32>
      %add3A_353 = arith.constant 7 : i32
      %add3A_354 = arith.addi %add3A_297, %add3A_353 : i32
      %get3A_355 = arith.constant 0 : i32
      %get3A_356 = arith.index_cast %get3A_355 : i32 to index
      %get3A_357 = arith.index_cast %add3A_354 : i32 to index
      %get3A_358 = arith.constant 0 : index
      %get3A_359 = tpu.vector_load %arg8[%get3A_356, %get3A_357, %get3A_358] {strides = array<i32>} : memref<3x400x64xf32, #tpu.memory_space<vmem>>, vector<1x1x16xf32>,
      %get3A_360 = vector.shape_cast %get3A_359 : vector<1x1x16xf32> to vector<16xf32>
      %add3A_361 = arith.addf %get3A_304, %get3A_312 : vector<16xf32>
      %add3A_362 = arith.addf %get3A_320, %get3A_328 : vector<16xf32>
      %add3A_363 = arith.addf %add3A_361, %add3A_362 : vector<16xf32>
      %add3A_364 = arith.addf %get3A_336, %get3A_344 : vector<16xf32>
      %add3A_365 = arith.addf %get3A_352, %get3A_360 : vector<16xf32>
      %add3A_366 = arith.addf %add3A_364, %add3A_365 : vector<16xf32>
      %add3A_367 = arith.addf %add3A_363, %add3A_366 : vector<16xf32>
      %add3A_368 = arith.addf %scan3A_290, %add3A_367 : vector<16xf32>
      %add3A_369 = arith.constant 0 : i32
      %add3A_370 = arith.addi %add3A_297, %add3A_369 : i32
      %get3A_371 = arith.constant 0 : i32
      %get3A_372 = arith.index_cast %get3A_371 : i32 to index
      %get3A_373 = arith.index_cast %add3A_370 : i32 to index
      %get3A_374 = arith.constant 16 : index
      %get3A_375 = tpu.vector_load %arg8[%get3A_372, %get3A_373, %get3A_374] {strides = array<i32>} : memref<3x400x64xf32, #tpu.memory_space<vmem>>, vector<1x1x16xf32>,
      %get3A_376 = vector.shape_cast %get3A_375 : vector<1x1x16xf32> to vector<16xf32>
      %add3A_377 = arith.constant 1 : i32
      %add3A_378 = arith.addi %add3A_297, %add3A_377 : i32
      %get3A_379 = arith.constant 0 : i32
      %get3A_380 = arith.index_cast %get3A_379 : i32 to index
      %get3A_381 = arith.index_cast %add3A_378 : i32 to index
      %get3A_382 = arith.constant 16 : index
      %get3A_383 = tpu.vector_load %arg8[%get3A_380, %get3A_381, %get3A_382] {strides = array<i32>} : memref<3x400x64xf32, #tpu.memory_space<vmem>>, vector<1x1x16xf32>,
      %get3A_384 = vector.shape_cast %get3A_383 : vector<1x1x16xf32> to vector<16xf32>
      %add3A_385 = arith.constant 2 : i32
      %add3A_386 = arith.addi %add3A_297, %add3A_385 : i32
      %get3A_387 = arith.constant 0 : i32
      %get3A_388 = arith.index_cast %get3A_387 : i32 to index
      %get3A_389 = arith.index_cast %add3A_386 : i32 to index
      %get3A_390 = arith.constant 16 : index
      %get3A_391 = tpu.vector_load %arg8[%get3A_388, %get3A_389, %get3A_390] {strides = array<i32>} : memref<3x400x64xf32, #tpu.memory_space<vmem>>, vector<1x1x16xf32>,
      %get3A_392 = vector.shape_cast %get3A_391 : vector<1x1x16xf32> to vector<16xf32>
      %add3A_393 = arith.constant 3 : i32
      %add3A_394 = arith.addi %add3A_297, %add3A_393 : i32
      %get3A_395 = arith.constant 0 : i32
      %get3A_396 = arith.index_cast %get3A_395 : i32 to index
      %get3A_397 = arith.index_cast %add3A_394 : i32 to index
      %get3A_398 = arith.constant 16 : index
      %get3A_399 = tpu.vector_load %arg8[%get3A_396, %get3A_397, %get3A_398] {strides = array<i32>} : memref<3x400x64xf32, #tpu.memory_space<vmem>>, vector<1x1x16xf32>,
      %get3A_400 = vector.shape_cast %get3A_399 : vector<1x1x16xf32> to vector<16xf32>
      %add3A_401 = arith.constant 4 : i32
      %add3A_402 = arith.addi %add3A_297, %add3A_401 : i32
      %get3A_403 = arith.constant 0 : i32
      %get3A_404 = arith.index_cast %get3A_403 : i32 to index
      %get3A_405 = arith.index_cast %add3A_402 : i32 to index
      %get3A_406 = arith.constant 16 : index
      %get3A_407 = tpu.vector_load %arg8[%get3A_404, %get3A_405, %get3A_406] {strides = array<i32>} : memref<3x400x64xf32, #tpu.memory_space<vmem>>, vector<1x1x16xf32>,
      %get3A_408 = vector.shape_cast %get3A_407 : vector<1x1x16xf32> to vector<16xf32>
      %add3A_409 = arith.constant 5 : i32
      %add3A_410 = arith.addi %add3A_297, %add3A_409 : i32
      %get3A_411 = arith.constant 0 : i32
      %get3A_412 = arith.index_cast %get3A_411 : i32 to index
      %get3A_413 = arith.index_cast %add3A_410 : i32 to index
      %get3A_414 = arith.constant 16 : index
      %get3A_415 = tpu.vector_load %arg8[%get3A_412, %get3A_413, %get3A_414] {strides = array<i32>} : memref<3x400x64xf32, #tpu.memory_space<vmem>>, vector<1x1x16xf32>,
      %get3A_416 = vector.shape_cast %get3A_415 : vector<1x1x16xf32> to vector<16xf32>
      %add3A_417 = arith.constant 6 : i32
      %add3A_418 = arith.addi %add3A_297, %add3A_417 : i32
      %get3A_419 = arith.constant 0 : i32
      %get3A_420 = arith.index_cast %get3A_419 : i32 to index
      %get3A_421 = arith.index_cast %add3A_418 : i32 to index
      %get3A_422 = arith.constant 16 : index
      %get3A_423 = tpu.vector_load %arg8[%get3A_420, %get3A_421, %get3A_422] {strides = array<i32>} : memref<3x400x64xf32, #tpu.memory_space<vmem>>, vector<1x1x16xf32>,
      %get3A_424 = vector.shape_cast %get3A_423 : vector<1x1x16xf32> to vector<16xf32>
      %add3A_425 = arith.constant 7 : i32
      %add3A_426 = arith.addi %add3A_297, %add3A_425 : i32
      %get3A_427 = arith.constant 0 : i32
      %get3A_428 = arith.index_cast %get3A_427 : i32 to index
      %get3A_429 = arith.index_cast %add3A_426 : i32 to index
      %get3A_430 = arith.constant 16 : index
      %get3A_431 = tpu.vector_load %arg8[%get3A_428, %get3A_429, %get3A_430] {strides = array<i32>} : memref<3x400x64xf32, #tpu.memory_space<vmem>>, vector<1x1x16xf32>,
      %get3A_432 = vector.shape_cast %get3A_431 : vector<1x1x16xf32> to vector<16xf32>
      %add3A_433 = arith.addf %get3A_376, %get3A_384 : vector<16xf32>
      %add3A_434 = arith.addf %get3A_392, %get3A_400 : vector<16xf32>
      %add3A_435 = arith.addf %add3A_433, %add3A_434 : vector<16xf32>
      %add3A_436 = arith.addf %get3A_408, %get3A_416 : vector<16xf32>
      %add3A_437 = arith.addf %get3A_424, %get3A_432 : vector<16xf32>
      %add3A_438 = arith.addf %add3A_436, %add3A_437 : vector<16xf32>
      %add3A_439 = arith.addf %add3A_435, %add3A_438 : vector<16xf32>
      %add3A_440 = arith.addf %scan3A_291, %add3A_439 : vector<16xf32>
      %add3A_441 = arith.constant 0 : i32
      %add3A_442 = arith.addi %add3A_297, %add3A_441 : i32
      %get3A_443 = arith.constant 0 : i32
      %get3A_444 = arith.index_cast %get3A_443 : i32 to index
      %get3A_445 = arith.index_cast %add3A_442 : i32 to index
      %get3A_446 = arith.constant 32 : index
      %get3A_447 = tpu.vector_load %arg8[%get3A_444, %get3A_445, %get3A_446] {strides = array<i32>} : memref<3x400x64xf32, #tpu.memory_space<vmem>>, vector<1x1x16xf32>,
      %get3A_448 = vector.shape_cast %get3A_447 : vector<1x1x16xf32> to vector<16xf32>
      %add3A_449 = arith.constant 1 : i32
      %add3A_450 = arith.addi %add3A_297, %add3A_449 : i32
      %get3A_451 = arith.constant 0 : i32
      %get3A_452 = arith.index_cast %get3A_451 : i32 to index
      %get3A_453 = arith.index_cast %add3A_450 : i32 to index
      %get3A_454 = arith.constant 32 : index
      %get3A_455 = tpu.vector_load %arg8[%get3A_452, %get3A_453, %get3A_454] {strides = array<i32>} : memref<3x400x64xf32, #tpu.memory_space<vmem>>, vector<1x1x16xf32>,
      %get3A_456 = vector.shape_cast %get3A_455 : vector<1x1x16xf32> to vector<16xf32>
      %add3A_457 = arith.constant 2 : i32
      %add3A_458 = arith.addi %add3A_297, %add3A_457 : i32
      %get3A_459 = arith.constant 0 : i32
      %get3A_460 = arith.index_cast %get3A_459 : i32 to index
      %get3A_461 = arith.index_cast %add3A_458 : i32 to index
      %get3A_462 = arith.constant 32 : index
      %get3A_463 = tpu.vector_load %arg8[%get3A_460, %get3A_461, %get3A_462] {strides = array<i32>} : memref<3x400x64xf32, #tpu.memory_space<vmem>>, vector<1x1x16xf32>,
      %get3A_464 = vector.shape_cast %get3A_463 : vector<1x1x16xf32> to vector<16xf32>
      %add3A_465 = arith.constant 3 : i32
      %add3A_466 = arith.addi %add3A_297, %add3A_465 : i32
      %get3A_467 = arith.constant 0 : i32
      %get3A_468 = arith.index_cast %get3A_467 : i32 to index
      %get3A_469 = arith.index_cast %add3A_466 : i32 to index
      %get3A_470 = arith.constant 32 : index
      %get3A_471 = tpu.vector_load %arg8[%get3A_468, %get3A_469, %get3A_470] {strides = array<i32>} : memref<3x400x64xf32, #tpu.memory_space<vmem>>, vector<1x1x16xf32>,
      %get3A_472 = vector.shape_cast %get3A_471 : vector<1x1x16xf32> to vector<16xf32>
      %add3A_473 = arith.constant 4 : i32
      %add3A_474 = arith.addi %add3A_297, %add3A_473 : i32
      %get3A_475 = arith.constant 0 : i32
      %get3A_476 = arith.index_cast %get3A_475 : i32 to index
      %get3A_477 = arith.index_cast %add3A_474 : i32 to index
      %get3A_478 = arith.constant 32 : index
      %get3A_479 = tpu.vector_load %arg8[%get3A_476, %get3A_477, %get3A_478] {strides = array<i32>} : memref<3x400x64xf32, #tpu.memory_space<vmem>>, vector<1x1x16xf32>,
      %get3A_480 = vector.shape_cast %get3A_479 : vector<1x1x16xf32> to vector<16xf32>
      %add3A_481 = arith.constant 5 : i32
      %add3A_482 = arith.addi %add3A_297, %add3A_481 : i32
      %get3A_483 = arith.constant 0 : i32
      %get3A_484 = arith.index_cast %get3A_483 : i32 to index
      %get3A_485 = arith.index_cast %add3A_482 : i32 to index
      %get3A_486 = arith.constant 32 : index
      %get3A_487 = tpu.vector_load %arg8[%get3A_484, %get3A_485, %get3A_486] {strides = array<i32>} : memref<3x400x64xf32, #tpu.memory_space<vmem>>, vector<1x1x16xf32>,
      %get3A_488 = vector.shape_cast %get3A_487 : vector<1x1x16xf32> to vector<16xf32>
      %add3A_489 = arith.constant 6 : i32
      %add3A_490 = arith.addi %add3A_297, %add3A_489 : i32
      %get3A_491 = arith.constant 0 : i32
      %get3A_492 = arith.index_cast %get3A_491 : i32 to index
      %get3A_493 = arith.index_cast %add3A_490 : i32 to index
      %get3A_494 = arith.constant 32 : index
      %get3A_495 = tpu.vector_load %arg8[%get3A_492, %get3A_493, %get3A_494] {strides = array<i32>} : memref<3x400x64xf32, #tpu.memory_space<vmem>>, vector<1x1x16xf32>,
      %get3A_496 = vector.shape_cast %get3A_495 : vector<1x1x16xf32> to vector<16xf32>
      %add3A_497 = arith.constant 7 : i32
      %add3A_498 = arith.addi %add3A_297, %add3A_497 : i32
      %get3A_499 = arith.constant 0 : i32
      %get3A_500 = arith.index_cast %get3A_499 : i32 to index
      %get3A_501 = arith.index_cast %add3A_498 : i32 to index
      %get3A_502 = arith.constant 32 : index
      %get3A_503 = tpu.vector_load %arg8[%get3A_500, %get3A_501, %get3A_502] {strides = array<i32>} : memref<3x400x64xf32, #tpu.memory_space<vmem>>, vector<1x1x16xf32>,
      %get3A_504 = vector.shape_cast %get3A_503 : vector<1x1x16xf32> to vector<16xf32>
      %add3A_505 = arith.addf %get3A_448, %get3A_456 : vector<16xf32>
      %add3A_506 = arith.addf %get3A_464, %get3A_472 : vector<16xf32>
      %add3A_507 = arith.addf %add3A_505, %add3A_506 : vector<16xf32>
      %add3A_508 = arith.addf %get3A_480, %get3A_488 : vector<16xf32>
      %add3A_509 = arith.addf %get3A_496, %get3A_504 : vector<16xf32>
      %add3A_510 = arith.addf %add3A_508, %add3A_509 : vector<16xf32>
      %add3A_511 = arith.addf %add3A_507, %add3A_510 : vector<16xf32>
      %add3A_512 = arith.addf %scan3A_292, %add3A_511 : vector<16xf32>
      %add3A_513 = arith.constant 0 : i32
      %add3A_514 = arith.addi %add3A_297, %add3A_513 : i32
      %get3A_515 = arith.constant 0 : i32
      %get3A_516 = arith.index_cast %get3A_515 : i32 to index
      %get3A_517 = arith.index_cast %add3A_514 : i32 to index
      %get3A_518 = arith.constant 48 : index
      %get3A_519 = tpu.vector_load %arg8[%get3A_516, %get3A_517, %get3A_518] {strides = array<i32>} : memref<3x400x64xf32, #tpu.memory_space<vmem>>, vector<1x1x16xf32>,
      %get3A_520 = vector.shape_cast %get3A_519 : vector<1x1x16xf32> to vector<16xf32>
      %add3A_521 = arith.constant 1 : i32
      %add3A_522 = arith.addi %add3A_297, %add3A_521 : i32
      %get3A_523 = arith.constant 0 : i32
      %get3A_524 = arith.index_cast %get3A_523 : i32 to index
      %get3A_525 = arith.index_cast %add3A_522 : i32 to index
      %get3A_526 = arith.constant 48 : index
      %get3A_527 = tpu.vector_load %arg8[%get3A_524, %get3A_525, %get3A_526] {strides = array<i32>} : memref<3x400x64xf32, #tpu.memory_space<vmem>>, vector<1x1x16xf32>,
      %get3A_528 = vector.shape_cast %get3A_527 : vector<1x1x16xf32> to vector<16xf32>
      %add3A_529 = arith.constant 2 : i32
      %add3A_530 = arith.addi %add3A_297, %add3A_529 : i32
      %get3A_531 = arith.constant 0 : i32
      %get3A_532 = arith.index_cast %get3A_531 : i32 to index
      %get3A_533 = arith.index_cast %add3A_530 : i32 to index
      %get3A_534 = arith.constant 48 : index
      %get3A_535 = tpu.vector_load %arg8[%get3A_532, %get3A_533, %get3A_534] {strides = array<i32>} : memref<3x400x64xf32, #tpu.memory_space<vmem>>, vector<1x1x16xf32>,
      %get3A_536 = vector.shape_cast %get3A_535 : vector<1x1x16xf32> to vector<16xf32>
      %add3A_537 = arith.constant 3 : i32
      %add3A_538 = arith.addi %add3A_297, %add3A_537 : i32
      %get3A_539 = arith.constant 0 : i32
      %get3A_540 = arith.index_cast %get3A_539 : i32 to index
      %get3A_541 = arith.index_cast %add3A_538 : i32 to index
      %get3A_542 = arith.constant 48 : index
      %get3A_543 = tpu.vector_load %arg8[%get3A_540, %get3A_541, %get3A_542] {strides = array<i32>} : memref<3x400x64xf32, #tpu.memory_space<vmem>>, vector<1x1x16xf32>,
      %get3A_544 = vector.shape_cast %get3A_543 : vector<1x1x16xf32> to vector<16xf32>
      %add3A_545 = arith.constant 4 : i32
      %add3A_546 = arith.addi %add3A_297, %add3A_545 : i32
      %get3A_547 = arith.constant 0 : i32
      %get3A_548 = arith.index_cast %get3A_547 : i32 to index
      %get3A_549 = arith.index_cast %add3A_546 : i32 to index
      %get3A_550 = arith.constant 48 : index
      %get3A_551 = tpu.vector_load %arg8[%get3A_548, %get3A_549, %get3A_550] {strides = array<i32>} : memref<3x400x64xf32, #tpu.memory_space<vmem>>, vector<1x1x16xf32>,
      %get3A_552 = vector.shape_cast %get3A_551 : vector<1x1x16xf32> to vector<16xf32>
      %add3A_553 = arith.constant 5 : i32
      %add3A_554 = arith.addi %add3A_297, %add3A_553 : i32
      %get3A_555 = arith.constant 0 : i32
      %get3A_556 = arith.index_cast %get3A_555 : i32 to index
      %get3A_557 = arith.index_cast %add3A_554 : i32 to index
      %get3A_558 = arith.constant 48 : index
      %get3A_559 = tpu.vector_load %arg8[%get3A_556, %get3A_557, %get3A_558] {strides = array<i32>} : memref<3x400x64xf32, #tpu.memory_space<vmem>>, vector<1x1x16xf32>,
      %get3A_560 = vector.shape_cast %get3A_559 : vector<1x1x16xf32> to vector<16xf32>
      %add3A_561 = arith.constant 6 : i32
      %add3A_562 = arith.addi %add3A_297, %add3A_561 : i32
      %get3A_563 = arith.constant 0 : i32
      %get3A_564 = arith.index_cast %get3A_563 : i32 to index
      %get3A_565 = arith.index_cast %add3A_562 : i32 to index
      %get3A_566 = arith.constant 48 : index
      %get3A_567 = tpu.vector_load %arg8[%get3A_564, %get3A_565, %get3A_566] {strides = array<i32>} : memref<3x400x64xf32, #tpu.memory_space<vmem>>, vector<1x1x16xf32>,
      %get3A_568 = vector.shape_cast %get3A_567 : vector<1x1x16xf32> to vector<16xf32>
      %add3A_569 = arith.constant 7 : i32
      %add3A_570 = arith.addi %add3A_297, %add3A_569 : i32
      %get3A_571 = arith.constant 0 : i32
      %get3A_572 = arith.index_cast %get3A_571 : i32 to index
      %get3A_573 = arith.index_cast %add3A_570 : i32 to index
      %get3A_574 = arith.constant 48 : index
      %get3A_575 = tpu.vector_load %arg8[%get3A_572, %get3A_573, %get3A_574] {strides = array<i32>} : memref<3x400x64xf32, #tpu.memory_space<vmem>>, vector<1x1x16xf32>,
      %get3A_576 = vector.shape_cast %get3A_575 : vector<1x1x16xf32> to vector<16xf32>
      %add3A_577 = arith.addf %get3A_520, %get3A_528 : vector<16xf32>
      %add3A_578 = arith.addf %get3A_536, %get3A_544 : vector<16xf32>
      %add3A_579 = arith.addf %add3A_577, %add3A_578 : vector<16xf32>
      %add3A_580 = arith.addf %get3A_552, %get3A_560 : vector<16xf32>
      %add3A_581 = arith.addf %get3A_568, %get3A_576 : vector<16xf32>
      %add3A_582 = arith.addf %add3A_580, %add3A_581 : vector<16xf32>
      %add3A_583 = arith.addf %add3A_579, %add3A_582 : vector<16xf32>
      %add3A_584 = arith.addf %scan3A_293, %add3A_583 : vector<16xf32>
      scf.yield %add3A_368, %add3A_440, %add3A_512, %add3A_584 : vector<16xf32>, vector<16xf32>, vector<16xf32>, vector<16xf32>
    }
    %scan3A_233 = arith.constant 25 : i32
    %swap3A = arith.constant 510 : i32
    %swap3A_234 = arith.index_cast %swap3A : i32 to index
    %swap3A_235 = arith.constant 0 : index
    %swap3A_236 = tpu.vector_load %arg9[%swap3A_234, %swap3A_235] {strides = array<i32>} : memref<512x64xf32, #tpu.memory_space<vmem>>, vector<1x16xf32>,
    %swap3A_237 = vector.shape_cast %swap3A_236 : vector<1x16xf32> to vector<16xf32>
    %swap3A_238 = vector.shape_cast %scan3A_232#0 : vector<16xf32> to vector<1x16xf32>
    tpu.vector_store %arg9[%swap3A_234, %swap3A_235], %swap3A_238 {strides = array<i32>} : memref<512x64xf32, #tpu.memory_space<vmem>>, vector<1x16xf32>,
    %swap3A_239 = arith.constant 510 : i32
    %swap3A_240 = arith.index_cast %swap3A_239 : i32 to index
    %swap3A_241 = arith.constant 16 : index
    %swap3A_242 = tpu.vector_load %arg9[%swap3A_240, %swap3A_241] {strides = array<i32>} : memref<512x64xf32, #tpu.memory_space<vmem>>, vector<1x16xf32>,
    %swap3A_243 = vector.shape_cast %swap3A_242 : vector<1x16xf32> to vector<16xf32>
    %swap3A_244 = vector.shape_cast %scan3A_232#1 : vector<16xf32> to vector<1x16xf32>
    tpu.vector_store %arg9[%swap3A_240, %swap3A_241], %swap3A_244 {strides = array<i32>} : memref<512x64xf32, #tpu.memory_space<vmem>>, vector<1x16xf32>,
    %swap3A_245 = arith.constant 510 : i32
    %swap3A_246 = arith.index_cast %swap3A_245 : i32 to index
    %swap3A_247 = arith.constant 32 : index
    %swap3A_248 = tpu.vector_load %arg9[%swap3A_246, %swap3A_247] {strides = array<i32>} : memref<512x64xf32, #tpu.memory_space<vmem>>, vector<1x16xf32>,
    %swap3A_249 = vector.shape_cast %swap3A_248 : vector<1x16xf32> to vector<16xf32>
    %swap3A_250 = vector.shape_cast %scan3A_232#2 : vector<16xf32> to vector<1x16xf32>
    tpu.vector_store %arg9[%swap3A_246, %swap3A_247], %swap3A_250 {strides = array<i32>} : memref<512x64xf32, #tpu.memory_space<vmem>>, vector<1x16xf32>,
    %swap3A_251 = arith.constant 510 : i32
    %swap3A_252 = arith.index_cast %swap3A_251 : i32 to index
    %swap3A_253 = arith.constant 48 : index
    %swap3A_254 = tpu.vector_load %arg9[%swap3A_252, %swap3A_253] {strides = array<i32>} : memref<512x64xf32, #tpu.memory_space<vmem>>, vector<1x16xf32>,
    %swap3A_255 = vector.shape_cast %swap3A_254 : vector<1x16xf32> to vector<16xf32>
    %swap3A_256 = vector.shape_cast %scan3A_232#3 : vector<16xf32> to vector<1x16xf32>
    tpu.vector_store %arg9[%swap3A_252, %swap3A_253], %swap3A_256 {strides = array<i32>} : memref<512x64xf32, #tpu.memory_space<vmem>>, vector<1x16xf32>,
    %broadcast_in_dim3A_257 = arith.constant 0.000000e+00 : f32
    %broadcast_in_dim3A_258 = vector.broadcast %broadcast_in_dim3A_257 : f32 to vector<16xf32>
    %scan3A_259 = arith.constant 0 : i32
    %scan3A_260 = arith.constant 25 : i32
    %scan3A_261 = arith.addi %scan3A_259, %scan3A_260 : i32
    %scan3A_262 = arith.constant 1 : i32
    %scan3A_263:4 = scf.for %scan3A_289 = %scan3A_259 to %scan3A_261 step %scan3A_262 iter_args(%scan3A_290 = %broadcast_in_dim3A_258, %scan3A_291 = %broadcast_in_dim3A_258, %scan3A_292 = %broadcast_in_dim3A_258, %scan3A_293 = %broadcast_in_dim3A_258) -> (vector<16xf32>, vector<16xf32>, vector<16xf32>, vector<16xf32>)  : i32 {
      %mul3A_294 = arith.constant 8 : i32
      %mul3A_295 = arith.muli %scan3A_289, %mul3A_294 : i32
      %add3A_296 = arith.constant 200 : i32
      %add3A_297 = arith.addi %add3A_296, %mul3A_295 : i32
      %add3A_298 = arith.constant 0 : i32
      %add3A_299 = arith.addi %add3A_297, %add3A_298 : i32
      %get3A = arith.constant 0 : i32
      %get3A_300 = arith.index_cast %get3A : i32 to index
      %get3A_301 = arith.index_cast %add3A_299 : i32 to index
      %get3A_302 = arith.constant 0 : index
      %get3A_303 = tpu.vector_load %arg8[%get3A_300, %get3A_301, %get3A_302] {strides = array<i32>} : memref<3x400x64xf32, #tpu.memory_space<vmem>>, vector<1x1x16xf32>,
      %get3A_304 = vector.shape_cast %get3A_303 : vector<1x1x16xf32> to vector<16xf32>
      %add3A_305 = arith.constant 1 : i32
      %add3A_306 = arith.addi %add3A_297, %add3A_305 : i32
      %get3A_307 = arith.constant 0 : i32
      %get3A_308 = arith.index_cast %get3A_307 : i32 to index
      %get3A_309 = arith.index_cast %add3A_306 : i32 to index
      %get3A_310 = arith.constant 0 : index
      %get3A_311 = tpu.vector_load %arg8[%get3A_308, %get3A_309, %get3A_310] {strides = array<i32>} : memref<3x400x64xf32, #tpu.memory_space<vmem>>, vector<1x1x16xf32>,
      %get3A_312 = vector.shape_cast %get3A_311 : vector<1x1x16xf32> to vector<16xf32>
      %add3A_313 = arith.constant 2 : i32
      %add3A_314 = arith.addi %add3A_297, %add3A_313 : i32
      %get3A_315 = arith.constant 0 : i32
      %get3A_316 = arith.index_cast %get3A_315 : i32 to index
      %get3A_317 = arith.index_cast %add3A_314 : i32 to index
      %get3A_318 = arith.constant 0 : index
      %get3A_319 = tpu.vector_load %arg8[%get3A_316, %get3A_317, %get3A_318] {strides = array<i32>} : memref<3x400x64xf32, #tpu.memory_space<vmem>>, vector<1x1x16xf32>,
      %get3A_320 = vector.shape_cast %get3A_319 : vector<1x1x16xf32> to vector<16xf32>
      %add3A_321 = arith.constant 3 : i32
      %add3A_322 = arith.addi %add3A_297, %add3A_321 : i32
      %get3A_323 = arith.constant 0 : i32
      %get3A_324 = arith.index_cast %get3A_323 : i32 to index
      %get3A_325 = arith.index_cast %add3A_322 : i32 to index
      %get3A_326 = arith.constant 0 : index
      %get3A_327 = tpu.vector_load %arg8[%get3A_324, %get3A_325, %get3A_326] {strides = array<i32>} : memref<3x400x64xf32, #tpu.memory_space<vmem>>, vector<1x1x16xf32>,
      %get3A_328 = vector.shape_cast %get3A_327 : vector<1x1x16xf32> to vector<16xf32>
      %add3A_329 = arith.constant 4 : i32
      %add3A_330 = arith.addi %add3A_297, %add3A_329 : i32
      %get3A_331 = arith.constant 0 : i32
      %get3A_332 = arith.index_cast %get3A_331 : i32 to index
      %get3A_333 = arith.index_cast %add3A_330 : i32 to index
      %get3A_334 = arith.constant 0 : index
      %get3A_335 = tpu.vector_load %arg8[%get3A_332, %get3A_333, %get3A_334] {strides = array<i32>} : memref<3x400x64xf32, #tpu.memory_space<vmem>>, vector<1x1x16xf32>,
      %get3A_336 = vector.shape_cast %get3A_335 : vector<1x1x16xf32> to vector<16xf32>
      %add3A_337 = arith.constant 5 : i32
      %add3A_338 = arith.addi %add3A_297, %add3A_337 : i32
      %get3A_339 = arith.constant 0 : i32
      %get3A_340 = arith.index_cast %get3A_339 : i32 to index
      %get3A_341 = arith.index_cast %add3A_338 : i32 to index
      %get3A_342 = arith.constant 0 : index
      %get3A_343 = tpu.vector_load %arg8[%get3A_340, %get3A_341, %get3A_342] {strides = array<i32>} : memref<3x400x64xf32, #tpu.memory_space<vmem>>, vector<1x1x16xf32>,
      %get3A_344 = vector.shape_cast %get3A_343 : vector<1x1x16xf32> to vector<16xf32>
      %add3A_345 = arith.constant 6 : i32
      %add3A_346 = arith.addi %add3A_297, %add3A_345 : i32
      %get3A_347 = arith.constant 0 : i32
      %get3A_348 = arith.index_cast %get3A_347 : i32 to index
      %get3A_349 = arith.index_cast %add3A_346 : i32 to index
      %get3A_350 = arith.constant 0 : index
      %get3A_351 = tpu.vector_load %arg8[%get3A_348, %get3A_349, %get3A_350] {strides = array<i32>} : memref<3x400x64xf32, #tpu.memory_space<vmem>>, vector<1x1x16xf32>,
      %get3A_352 = vector.shape_cast %get3A_351 : vector<1x1x16xf32> to vector<16xf32>
      %add3A_353 = arith.constant 7 : i32
      %add3A_354 = arith.addi %add3A_297, %add3A_353 : i32
      %get3A_355 = arith.constant 0 : i32
      %get3A_356 = arith.index_cast %get3A_355 : i32 to index
      %get3A_357 = arith.index_cast %add3A_354 : i32 to index
      %get3A_358 = arith.constant 0 : index
      %get3A_359 = tpu.vector_load %arg8[%get3A_356, %get3A_357, %get3A_358] {strides = array<i32>} : memref<3x400x64xf32, #tpu.memory_space<vmem>>, vector<1x1x16xf32>,
      %get3A_360 = vector.shape_cast %get3A_359 : vector<1x1x16xf32> to vector<16xf32>
      %add3A_361 = arith.addf %get3A_304, %get3A_312 : vector<16xf32>
      %add3A_362 = arith.addf %get3A_320, %get3A_328 : vector<16xf32>
      %add3A_363 = arith.addf %add3A_361, %add3A_362 : vector<16xf32>
      %add3A_364 = arith.addf %get3A_336, %get3A_344 : vector<16xf32>
      %add3A_365 = arith.addf %get3A_352, %get3A_360 : vector<16xf32>
      %add3A_366 = arith.addf %add3A_364, %add3A_365 : vector<16xf32>
      %add3A_367 = arith.addf %add3A_363, %add3A_366 : vector<16xf32>
      %add3A_368 = arith.addf %scan3A_290, %add3A_367 : vector<16xf32>
      %add3A_369 = arith.constant 0 : i32
      %add3A_370 = arith.addi %add3A_297, %add3A_369 : i32
      %get3A_371 = arith.constant 0 : i32
      %get3A_372 = arith.index_cast %get3A_371 : i32 to index
      %get3A_373 = arith.index_cast %add3A_370 : i32 to index
      %get3A_374 = arith.constant 16 : index
      %get3A_375 = tpu.vector_load %arg8[%get3A_372, %get3A_373, %get3A_374] {strides = array<i32>} : memref<3x400x64xf32, #tpu.memory_space<vmem>>, vector<1x1x16xf32>,
      %get3A_376 = vector.shape_cast %get3A_375 : vector<1x1x16xf32> to vector<16xf32>
      %add3A_377 = arith.constant 1 : i32
      %add3A_378 = arith.addi %add3A_297, %add3A_377 : i32
      %get3A_379 = arith.constant 0 : i32
      %get3A_380 = arith.index_cast %get3A_379 : i32 to index
      %get3A_381 = arith.index_cast %add3A_378 : i32 to index
      %get3A_382 = arith.constant 16 : index
      %get3A_383 = tpu.vector_load %arg8[%get3A_380, %get3A_381, %get3A_382] {strides = array<i32>} : memref<3x400x64xf32, #tpu.memory_space<vmem>>, vector<1x1x16xf32>,
      %get3A_384 = vector.shape_cast %get3A_383 : vector<1x1x16xf32> to vector<16xf32>
      %add3A_385 = arith.constant 2 : i32
      %add3A_386 = arith.addi %add3A_297, %add3A_385 : i32
      %get3A_387 = arith.constant 0 : i32
      %get3A_388 = arith.index_cast %get3A_387 : i32 to index
      %get3A_389 = arith.index_cast %add3A_386 : i32 to index
      %get3A_390 = arith.constant 16 : index
      %get3A_391 = tpu.vector_load %arg8[%get3A_388, %get3A_389, %get3A_390] {strides = array<i32>} : memref<3x400x64xf32, #tpu.memory_space<vmem>>, vector<1x1x16xf32>,
      %get3A_392 = vector.shape_cast %get3A_391 : vector<1x1x16xf32> to vector<16xf32>
      %add3A_393 = arith.constant 3 : i32
      %add3A_394 = arith.addi %add3A_297, %add3A_393 : i32
      %get3A_395 = arith.constant 0 : i32
      %get3A_396 = arith.index_cast %get3A_395 : i32 to index
      %get3A_397 = arith.index_cast %add3A_394 : i32 to index
      %get3A_398 = arith.constant 16 : index
      %get3A_399 = tpu.vector_load %arg8[%get3A_396, %get3A_397, %get3A_398] {strides = array<i32>} : memref<3x400x64xf32, #tpu.memory_space<vmem>>, vector<1x1x16xf32>,
      %get3A_400 = vector.shape_cast %get3A_399 : vector<1x1x16xf32> to vector<16xf32>
      %add3A_401 = arith.constant 4 : i32
      %add3A_402 = arith.addi %add3A_297, %add3A_401 : i32
      %get3A_403 = arith.constant 0 : i32
      %get3A_404 = arith.index_cast %get3A_403 : i32 to index
      %get3A_405 = arith.index_cast %add3A_402 : i32 to index
      %get3A_406 = arith.constant 16 : index
      %get3A_407 = tpu.vector_load %arg8[%get3A_404, %get3A_405, %get3A_406] {strides = array<i32>} : memref<3x400x64xf32, #tpu.memory_space<vmem>>, vector<1x1x16xf32>,
      %get3A_408 = vector.shape_cast %get3A_407 : vector<1x1x16xf32> to vector<16xf32>
      %add3A_409 = arith.constant 5 : i32
      %add3A_410 = arith.addi %add3A_297, %add3A_409 : i32
      %get3A_411 = arith.constant 0 : i32
      %get3A_412 = arith.index_cast %get3A_411 : i32 to index
      %get3A_413 = arith.index_cast %add3A_410 : i32 to index
      %get3A_414 = arith.constant 16 : index
      %get3A_415 = tpu.vector_load %arg8[%get3A_412, %get3A_413, %get3A_414] {strides = array<i32>} : memref<3x400x64xf32, #tpu.memory_space<vmem>>, vector<1x1x16xf32>,
      %get3A_416 = vector.shape_cast %get3A_415 : vector<1x1x16xf32> to vector<16xf32>
      %add3A_417 = arith.constant 6 : i32
      %add3A_418 = arith.addi %add3A_297, %add3A_417 : i32
      %get3A_419 = arith.constant 0 : i32
      %get3A_420 = arith.index_cast %get3A_419 : i32 to index
      %get3A_421 = arith.index_cast %add3A_418 : i32 to index
      %get3A_422 = arith.constant 16 : index
      %get3A_423 = tpu.vector_load %arg8[%get3A_420, %get3A_421, %get3A_422] {strides = array<i32>} : memref<3x400x64xf32, #tpu.memory_space<vmem>>, vector<1x1x16xf32>,
      %get3A_424 = vector.shape_cast %get3A_423 : vector<1x1x16xf32> to vector<16xf32>
      %add3A_425 = arith.constant 7 : i32
      %add3A_426 = arith.addi %add3A_297, %add3A_425 : i32
      %get3A_427 = arith.constant 0 : i32
      %get3A_428 = arith.index_cast %get3A_427 : i32 to index
      %get3A_429 = arith.index_cast %add3A_426 : i32 to index
      %get3A_430 = arith.constant 16 : index
      %get3A_431 = tpu.vector_load %arg8[%get3A_428, %get3A_429, %get3A_430] {strides = array<i32>} : memref<3x400x64xf32, #tpu.memory_space<vmem>>, vector<1x1x16xf32>,
      %get3A_432 = vector.shape_cast %get3A_431 : vector<1x1x16xf32> to vector<16xf32>
      %add3A_433 = arith.addf %get3A_376, %get3A_384 : vector<16xf32>
      %add3A_434 = arith.addf %get3A_392, %get3A_400 : vector<16xf32>
      %add3A_435 = arith.addf %add3A_433, %add3A_434 : vector<16xf32>
      %add3A_436 = arith.addf %get3A_408, %get3A_416 : vector<16xf32>
      %add3A_437 = arith.addf %get3A_424, %get3A_432 : vector<16xf32>
      %add3A_438 = arith.addf %add3A_436, %add3A_437 : vector<16xf32>
      %add3A_439 = arith.addf %add3A_435, %add3A_438 : vector<16xf32>
      %add3A_440 = arith.addf %scan3A_291, %add3A_439 : vector<16xf32>
      %add3A_441 = arith.constant 0 : i32
      %add3A_442 = arith.addi %add3A_297, %add3A_441 : i32
      %get3A_443 = arith.constant 0 : i32
      %get3A_444 = arith.index_cast %get3A_443 : i32 to index
      %get3A_445 = arith.index_cast %add3A_442 : i32 to index
      %get3A_446 = arith.constant 32 : index
      %get3A_447 = tpu.vector_load %arg8[%get3A_444, %get3A_445, %get3A_446] {strides = array<i32>} : memref<3x400x64xf32, #tpu.memory_space<vmem>>, vector<1x1x16xf32>,
      %get3A_448 = vector.shape_cast %get3A_447 : vector<1x1x16xf32> to vector<16xf32>
      %add3A_449 = arith.constant 1 : i32
      %add3A_450 = arith.addi %add3A_297, %add3A_449 : i32
      %get3A_451 = arith.constant 0 : i32
      %get3A_452 = arith.index_cast %get3A_451 : i32 to index
      %get3A_453 = arith.index_cast %add3A_450 : i32 to index
      %get3A_454 = arith.constant 32 : index
      %get3A_455 = tpu.vector_load %arg8[%get3A_452, %get3A_453, %get3A_454] {strides = array<i32>} : memref<3x400x64xf32, #tpu.memory_space<vmem>>, vector<1x1x16xf32>,
      %get3A_456 = vector.shape_cast %get3A_455 : vector<1x1x16xf32> to vector<16xf32>
      %add3A_457 = arith.constant 2 : i32
      %add3A_458 = arith.addi %add3A_297, %add3A_457 : i32
      %get3A_459 = arith.constant 0 : i32
      %get3A_460 = arith.index_cast %get3A_459 : i32 to index
      %get3A_461 = arith.index_cast %add3A_458 : i32 to index
      %get3A_462 = arith.constant 32 : index
      %get3A_463 = tpu.vector_load %arg8[%get3A_460, %get3A_461, %get3A_462] {strides = array<i32>} : memref<3x400x64xf32, #tpu.memory_space<vmem>>, vector<1x1x16xf32>,
      %get3A_464 = vector.shape_cast %get3A_463 : vector<1x1x16xf32> to vector<16xf32>
      %add3A_465 = arith.constant 3 : i32
      %add3A_466 = arith.addi %add3A_297, %add3A_465 : i32
      %get3A_467 = arith.constant 0 : i32
      %get3A_468 = arith.index_cast %get3A_467 : i32 to index
      %get3A_469 = arith.index_cast %add3A_466 : i32 to index
      %get3A_470 = arith.constant 32 : index
      %get3A_471 = tpu.vector_load %arg8[%get3A_468, %get3A_469, %get3A_470] {strides = array<i32>} : memref<3x400x64xf32, #tpu.memory_space<vmem>>, vector<1x1x16xf32>,
      %get3A_472 = vector.shape_cast %get3A_471 : vector<1x1x16xf32> to vector<16xf32>
      %add3A_473 = arith.constant 4 : i32
      %add3A_474 = arith.addi %add3A_297, %add3A_473 : i32
      %get3A_475 = arith.constant 0 : i32
      %get3A_476 = arith.index_cast %get3A_475 : i32 to index
      %get3A_477 = arith.index_cast %add3A_474 : i32 to index
      %get3A_478 = arith.constant 32 : index
      %get3A_479 = tpu.vector_load %arg8[%get3A_476, %get3A_477, %get3A_478] {strides = array<i32>} : memref<3x400x64xf32, #tpu.memory_space<vmem>>, vector<1x1x16xf32>,
      %get3A_480 = vector.shape_cast %get3A_479 : vector<1x1x16xf32> to vector<16xf32>
      %add3A_481 = arith.constant 5 : i32
      %add3A_482 = arith.addi %add3A_297, %add3A_481 : i32
      %get3A_483 = arith.constant 0 : i32
      %get3A_484 = arith.index_cast %get3A_483 : i32 to index
      %get3A_485 = arith.index_cast %add3A_482 : i32 to index
      %get3A_486 = arith.constant 32 : index
      %get3A_487 = tpu.vector_load %arg8[%get3A_484, %get3A_485, %get3A_486] {strides = array<i32>} : memref<3x400x64xf32, #tpu.memory_space<vmem>>, vector<1x1x16xf32>,
      %get3A_488 = vector.shape_cast %get3A_487 : vector<1x1x16xf32> to vector<16xf32>
      %add3A_489 = arith.constant 6 : i32
      %add3A_490 = arith.addi %add3A_297, %add3A_489 : i32
      %get3A_491 = arith.constant 0 : i32
      %get3A_492 = arith.index_cast %get3A_491 : i32 to index
      %get3A_493 = arith.index_cast %add3A_490 : i32 to index
      %get3A_494 = arith.constant 32 : index
      %get3A_495 = tpu.vector_load %arg8[%get3A_492, %get3A_493, %get3A_494] {strides = array<i32>} : memref<3x400x64xf32, #tpu.memory_space<vmem>>, vector<1x1x16xf32>,
      %get3A_496 = vector.shape_cast %get3A_495 : vector<1x1x16xf32> to vector<16xf32>
      %add3A_497 = arith.constant 7 : i32
      %add3A_498 = arith.addi %add3A_297, %add3A_497 : i32
      %get3A_499 = arith.constant 0 : i32
      %get3A_500 = arith.index_cast %get3A_499 : i32 to index
      %get3A_501 = arith.index_cast %add3A_498 : i32 to index
      %get3A_502 = arith.constant 32 : index
      %get3A_503 = tpu.vector_load %arg8[%get3A_500, %get3A_501, %get3A_502] {strides = array<i32>} : memref<3x400x64xf32, #tpu.memory_space<vmem>>, vector<1x1x16xf32>,
      %get3A_504 = vector.shape_cast %get3A_503 : vector<1x1x16xf32> to vector<16xf32>
      %add3A_505 = arith.addf %get3A_448, %get3A_456 : vector<16xf32>
      %add3A_506 = arith.addf %get3A_464, %get3A_472 : vector<16xf32>
      %add3A_507 = arith.addf %add3A_505, %add3A_506 : vector<16xf32>
      %add3A_508 = arith.addf %get3A_480, %get3A_488 : vector<16xf32>
      %add3A_509 = arith.addf %get3A_496, %get3A_504 : vector<16xf32>
      %add3A_510 = arith.addf %add3A_508, %add3A_509 : vector<16xf32>
      %add3A_511 = arith.addf %add3A_507, %add3A_510 : vector<16xf32>
      %add3A_512 = arith.addf %scan3A_292, %add3A_511 : vector<16xf32>
      %add3A_513 = arith.constant 0 : i32
      %add3A_514 = arith.addi %add3A_297, %add3A_513 : i32
      %get3A_515 = arith.constant 0 : i32
      %get3A_516 = arith.index_cast %get3A_515 : i32 to index
      %get3A_517 = arith.index_cast %add3A_514 : i32 to index
      %get3A_518 = arith.constant 48 : index
      %get3A_519 = tpu.vector_load %arg8[%get3A_516, %get3A_517, %get3A_518] {strides = array<i32>} : memref<3x400x64xf32, #tpu.memory_space<vmem>>, vector<1x1x16xf32>,
      %get3A_520 = vector.shape_cast %get3A_519 : vector<1x1x16xf32> to vector<16xf32>
      %add3A_521 = arith.constant 1 : i32
      %add3A_522 = arith.addi %add3A_297, %add3A_521 : i32
      %get3A_523 = arith.constant 0 : i32
      %get3A_524 = arith.index_cast %get3A_523 : i32 to index
      %get3A_525 = arith.index_cast %add3A_522 : i32 to index
      %get3A_526 = arith.constant 48 : index
      %get3A_527 = tpu.vector_load %arg8[%get3A_524, %get3A_525, %get3A_526] {strides = array<i32>} : memref<3x400x64xf32, #tpu.memory_space<vmem>>, vector<1x1x16xf32>,
      %get3A_528 = vector.shape_cast %get3A_527 : vector<1x1x16xf32> to vector<16xf32>
      %add3A_529 = arith.constant 2 : i32
      %add3A_530 = arith.addi %add3A_297, %add3A_529 : i32
      %get3A_531 = arith.constant 0 : i32
      %get3A_532 = arith.index_cast %get3A_531 : i32 to index
      %get3A_533 = arith.index_cast %add3A_530 : i32 to index
      %get3A_534 = arith.constant 48 : index
      %get3A_535 = tpu.vector_load %arg8[%get3A_532, %get3A_533, %get3A_534] {strides = array<i32>} : memref<3x400x64xf32, #tpu.memory_space<vmem>>, vector<1x1x16xf32>,
      %get3A_536 = vector.shape_cast %get3A_535 : vector<1x1x16xf32> to vector<16xf32>
      %add3A_537 = arith.constant 3 : i32
      %add3A_538 = arith.addi %add3A_297, %add3A_537 : i32
      %get3A_539 = arith.constant 0 : i32
      %get3A_540 = arith.index_cast %get3A_539 : i32 to index
      %get3A_541 = arith.index_cast %add3A_538 : i32 to index
      %get3A_542 = arith.constant 48 : index
      %get3A_543 = tpu.vector_load %arg8[%get3A_540, %get3A_541, %get3A_542] {strides = array<i32>} : memref<3x400x64xf32, #tpu.memory_space<vmem>>, vector<1x1x16xf32>,
      %get3A_544 = vector.shape_cast %get3A_543 : vector<1x1x16xf32> to vector<16xf32>
      %add3A_545 = arith.constant 4 : i32
      %add3A_546 = arith.addi %add3A_297, %add3A_545 : i32
      %get3A_547 = arith.constant 0 : i32
      %get3A_548 = arith.index_cast %get3A_547 : i32 to index
      %get3A_549 = arith.index_cast %add3A_546 : i32 to index
      %get3A_550 = arith.constant 48 : index
      %get3A_551 = tpu.vector_load %arg8[%get3A_548, %get3A_549, %get3A_550] {strides = array<i32>} : memref<3x400x64xf32, #tpu.memory_space<vmem>>, vector<1x1x16xf32>,
      %get3A_552 = vector.shape_cast %get3A_551 : vector<1x1x16xf32> to vector<16xf32>
      %add3A_553 = arith.constant 5 : i32
      %add3A_554 = arith.addi %add3A_297, %add3A_553 : i32
      %get3A_555 = arith.constant 0 : i32
      %get3A_556 = arith.index_cast %get3A_555 : i32 to index
      %get3A_557 = arith.index_cast %add3A_554 : i32 to index
      %get3A_558 = arith.constant 48 : index
      %get3A_559 = tpu.vector_load %arg8[%get3A_556, %get3A_557, %get3A_558] {strides = array<i32>} : memref<3x400x64xf32, #tpu.memory_space<vmem>>, vector<1x1x16xf32>,
      %get3A_560 = vector.shape_cast %get3A_559 : vector<1x1x16xf32> to vector<16xf32>
      %add3A_561 = arith.constant 6 : i32
      %add3A_562 = arith.addi %add3A_297, %add3A_561 : i32
      %get3A_563 = arith.constant 0 : i32
      %get3A_564 = arith.index_cast %get3A_563 : i32 to index
      %get3A_565 = arith.index_cast %add3A_562 : i32 to index
      %get3A_566 = arith.constant 48 : index
      %get3A_567 = tpu.vector_load %arg8[%get3A_564, %get3A_565, %get3A_566] {strides = array<i32>} : memref<3x400x64xf32, #tpu.memory_space<vmem>>, vector<1x1x16xf32>,
      %get3A_568 = vector.shape_cast %get3A_567 : vector<1x1x16xf32> to vector<16xf32>
      %add3A_569 = arith.constant 7 : i32
      %add3A_570 = arith.addi %add3A_297, %add3A_569 : i32
      %get3A_571 = arith.constant 0 : i32
      %get3A_572 = arith.index_cast %get3A_571 : i32 to index
      %get3A_573 = arith.index_cast %add3A_570 : i32 to index
      %get3A_574 = arith.constant 48 : index
      %get3A_575 = tpu.vector_load %arg8[%get3A_572, %get3A_573, %get3A_574] {strides = array<i32>} : memref<3x400x64xf32, #tpu.memory_space<vmem>>, vector<1x1x16xf32>,
      %get3A_576 = vector.shape_cast %get3A_575 : vector<1x1x16xf32> to vector<16xf32>
      %add3A_577 = arith.addf %get3A_520, %get3A_528 : vector<16xf32>
      %add3A_578 = arith.addf %get3A_536, %get3A_544 : vector<16xf32>
      %add3A_579 = arith.addf %add3A_577, %add3A_578 : vector<16xf32>
      %add3A_580 = arith.addf %get3A_552, %get3A_560 : vector<16xf32>
      %add3A_581 = arith.addf %get3A_568, %get3A_576 : vector<16xf32>
      %add3A_582 = arith.addf %add3A_580, %add3A_581 : vector<16xf32>
      %add3A_583 = arith.addf %add3A_579, %add3A_582 : vector<16xf32>
      %add3A_584 = arith.addf %scan3A_293, %add3A_583 : vector<16xf32>
      scf.yield %add3A_368, %add3A_440, %add3A_512, %add3A_584 : vector<16xf32>, vector<16xf32>, vector<16xf32>, vector<16xf32>
    }
    %scan3A_264 = arith.constant 25 : i32
    %swap3A_265 = arith.constant 511 : i32
    %swap3A_266 = arith.index_cast %swap3A_265 : i32 to index
    %swap3A_267 = arith.constant 0 : index
    %swap3A_268 = tpu.vector_load %arg9[%swap3A_266, %swap3A_267] {strides = array<i32>} : memref<512x64xf32, #tpu.memory_space<vmem>>, vector<1x16xf32>,
    %swap3A_269 = vector.shape_cast %swap3A_268 : vector<1x16xf32> to vector<16xf32>
    %swap3A_270 = vector.shape_cast %scan3A_263#0 : vector<16xf32> to vector<1x16xf32>
    tpu.vector_store %arg9[%swap3A_266, %swap3A_267], %swap3A_270 {strides = array<i32>} : memref<512x64xf32, #tpu.memory_space<vmem>>, vector<1x16xf32>,
    %swap3A_271 = arith.constant 511 : i32
    %swap3A_272 = arith.index_cast %swap3A_271 : i32 to index
    %swap3A_273 = arith.constant 16 : index
    %swap3A_274 = tpu.vector_load %arg9[%swap3A_272, %swap3A_273] {strides = array<i32>} : memref<512x64xf32, #tpu.memory_space<vmem>>, vector<1x16xf32>,
    %swap3A_275 = vector.shape_cast %swap3A_274 : vector<1x16xf32> to vector<16xf32>
    %swap3A_276 = vector.shape_cast %scan3A_263#1 : vector<16xf32> to vector<1x16xf32>
    tpu.vector_store %arg9[%swap3A_272, %swap3A_273], %swap3A_276 {strides = array<i32>} : memref<512x64xf32, #tpu.memory_space<vmem>>, vector<1x16xf32>,
    %swap3A_277 = arith.constant 511 : i32
    %swap3A_278 = arith.index_cast %swap3A_277 : i32 to index
    %swap3A_279 = arith.constant 32 : index
    %swap3A_280 = tpu.vector_load %arg9[%swap3A_278, %swap3A_279] {strides = array<i32>} : memref<512x64xf32, #tpu.memory_space<vmem>>, vector<1x16xf32>,
    %swap3A_281 = vector.shape_cast %swap3A_280 : vector<1x16xf32> to vector<16xf32>
    %swap3A_282 = vector.shape_cast %scan3A_263#2 : vector<16xf32> to vector<1x16xf32>
    tpu.vector_store %arg9[%swap3A_278, %swap3A_279], %swap3A_282 {strides = array<i32>} : memref<512x64xf32, #tpu.memory_space<vmem>>, vector<1x16xf32>,
    %swap3A_283 = arith.constant 511 : i32
    %swap3A_284 = arith.index_cast %swap3A_283 : i32 to index
    %swap3A_285 = arith.constant 48 : index
    %swap3A_286 = tpu.vector_load %arg9[%swap3A_284, %swap3A_285] {strides = array<i32>} : memref<512x64xf32, #tpu.memory_space<vmem>>, vector<1x16xf32>,
    %swap3A_287 = vector.shape_cast %swap3A_286 : vector<1x16xf32> to vector<16xf32>
    %swap3A_288 = vector.shape_cast %scan3A_263#3 : vector<16xf32> to vector<1x16xf32>
    tpu.vector_store %arg9[%swap3A_284, %swap3A_285], %swap3A_288 {strides = array<i32>} : memref<512x64xf32, #tpu.memory_space<vmem>>, vector<1x16xf32>,
    "tpu.region"() ({
      %run_scoped3A = tpu.sem_alloc : memref<!tpu.dma_semaphore, #tpu.memory_space<semaphore_mem>>
      %dma_start3A_289 = arith.constant 0 : i32
      %dma_start3A_290 = tpu.memref_slice %arg5[%mul3A_2, %dma_start3A_289] : memref<16384x64xf32, #tpu.memory_space<hbm>> -> memref<512x64xf32, #tpu.memory_space<hbm>>
      %dma_start3A_291 = arith.constant 0 : i32
      %dma_start3A_292 = tpu.memref_slice %arg5[%mul3A_2, %dma_start3A_291] : memref<16384x64xf32, #tpu.memory_space<hbm>> -> memref<512x64xf32, #tpu.memory_space<hbm>>
      tpu.enqueue_dma source(%arg9 : memref<512x64xf32, #tpu.memory_space<vmem>>) target(%dma_start3A_292 : memref<512x64xf32, #tpu.memory_space<hbm>>) target_semaphore(%run_scoped3A : memref<!tpu.dma_semaphore, #tpu.memory_space<semaphore_mem>>)
      %dma_wait3A_293 = arith.constant 0 : i32
      %dma_wait3A_294 = tpu.memref_slice %arg5[%mul3A_2, %dma_wait3A_293] : memref<16384x64xf32, #tpu.memory_space<hbm>> -> memref<512x64xf32, #tpu.memory_space<hbm>>
      %dma_wait3A_295 = arith.constant 0 : i32
      %dma_wait3A_296 = tpu.memref_slice %arg5[%mul3A_2, %dma_wait3A_295] : memref<16384x64xf32, #tpu.memory_space<hbm>> -> memref<512x64xf32, #tpu.memory_space<hbm>>
      tpu.wait_dma2 semaphore(%run_scoped3A : memref<!tpu.dma_semaphore, #tpu.memory_space<semaphore_mem>>) src(%arg9 : memref<512x64xf32, #tpu.memory_space<vmem>>) dst(%dma_wait3A_296 : memref<512x64xf32, #tpu.memory_space<hbm>>)
      tpu.yield
    }) : () -> ()
    return
  }
}

module attributes {stable_mosaic.version = 14 : i64} {
  func.func @body(%arg0: i32, %arg1: memref<512x128xi32, #tpu.memory_space<vmem>>, %arg2: memref<512x128xi32, #tpu.memory_space<vmem>>, %arg3: memref<512x64xf32, #tpu.memory_space<vmem>>, %arg4: memref<64x1000xf32, #tpu.memory_space<vmem>>, %arg5: memref<1000x1xf32, #tpu.memory_space<vmem>>, %arg6: memref<1000x512xf32, #tpu.memory_space<vmem>>) attributes {dimension_semantics = [#tpu.dimension_semantics<arbitrary>], iteration_bounds = array<i64: 32>, scalar_prefetch = 0 : i64, scratch_operands = 0 : i64, tpu.core_type = #tpu.core_type<tc>, window_params = [{transform_indices = @transform_0, window_bounds = array<i64: 512, 128>}, {transform_indices = @transform_1, window_bounds = array<i64: 512, 128>}, {transform_indices = @transform_2, window_bounds = array<i64: 512, 64>}, {pipeline_mode = #tpu.pipeline_mode<synchronous>, transform_indices = @transform_3, window_bounds = array<i64: 64, 1000>}, {pipeline_mode = #tpu.pipeline_mode<synchronous>, transform_indices = @transform_4, window_bounds = array<i64: 1000, 1>}, {transform_indices = @transform_5, window_bounds = array<i64: 1000, 512>}]} {
    %get3A = arith.constant 0 : index
    %get3A_0 = arith.constant 0 : index
    %get3A_1 = vector.load %arg1[%get3A, %get3A_0] : memref<512x128xi32, #tpu.memory_space<vmem>>, vector<512x128xi32>
    %ne3A = arith.constant 0 : i32
    %ne3A_2 = vector.broadcast %ne3A : i32 to vector<512x128xi32>
    %ne3A_3 = arith.cmpi ne, %get3A_1, %ne3A_2 : vector<512x128xi32>
    %convert_element_type3A = arith.extui %ne3A_3 : vector<512x128xi1> to vector<512x128xi32>
    %convert_element_type3A_4 = arith.sitofp %convert_element_type3A : vector<512x128xi32> to vector<512x128xf32>
    %reduce_sum3A = arith.constant dense<0.000000e+00> : vector<512xf32>
    %reduce_sum3A_5 = vector.multi_reduction <add>, %convert_element_type3A_4, %reduce_sum3A [1] : vector<512x128xf32> to vector<512xf32>
    %broadcast_in_dim3A = vector.shape_cast %reduce_sum3A_5 : vector<512xf32> to vector<512x1xf32>
    %get3A_6 = arith.constant 0 : index
    %get3A_7 = arith.constant 0 : index
    %get3A_8 = vector.load %arg2[%get3A_6, %get3A_7] : memref<512x128xi32, #tpu.memory_space<vmem>>, vector<512x128xi32>
    %ne3A_9 = arith.constant 0 : i32
    %ne3A_10 = vector.broadcast %ne3A_9 : i32 to vector<512x128xi32>
    %ne3A_11 = arith.cmpi ne, %get3A_8, %ne3A_10 : vector<512x128xi32>
    %convert_element_type3A_12 = arith.extui %ne3A_11 : vector<512x128xi1> to vector<512x128xi32>
    %convert_element_type3A_13 = arith.sitofp %convert_element_type3A_12 : vector<512x128xi32> to vector<512x128xf32>
    %reduce_sum3A_14 = arith.constant dense<0.000000e+00> : vector<512xf32>
    %reduce_sum3A_15 = vector.multi_reduction <add>, %convert_element_type3A_13, %reduce_sum3A_14 [1] : vector<512x128xf32> to vector<512xf32>
    %broadcast_in_dim3A_16 = vector.shape_cast %reduce_sum3A_15 : vector<512xf32> to vector<512x1xf32>
    %add3A = arith.addf %broadcast_in_dim3A, %broadcast_in_dim3A_16 : vector<512x1xf32>
    %get3A_17 = arith.constant 0 : index
    %get3A_18 = arith.constant 0 : index
    %get3A_19 = vector.load %arg3[%get3A_17, %get3A_18] : memref<512x64xf32, #tpu.memory_space<vmem>>, vector<512x64xf32>
    %max3A = arith.constant 1.000000e+00 : f32
    %max3A_20 = vector.broadcast %max3A : f32 to vector<512x1xf32>
    %max3A_21 = arith.maximumf %add3A, %max3A_20 : vector<512x1xf32>
    %div3A = arith.constant 1.000000e+00 : f32
    %div3A_22 = vector.broadcast %div3A : f32 to vector<512x1xf32>
    %div3A_23 = arith.divf %div3A_22, %max3A_21 : vector<512x1xf32>
    %mul3A = vector.broadcast %div3A_23 : vector<512x1xf32> to vector<512x64xf32>
    %mul3A_24 = arith.mulf %get3A_19, %mul3A : vector<512x64xf32>
    %get3A_25 = arith.constant 0 : index
    %get3A_26 = arith.constant 0 : index
    %get3A_27 = vector.load %arg4[%get3A_25, %get3A_26] : memref<64x1000xf32, #tpu.memory_space<vmem>>, vector<64x1000xf32>
    %dot_general3A = arith.constant dense<0.000000e+00> : vector<1000x512xf32>
    %dot_general3A_28 = tpu.matmul %get3A_27, %mul3A_24, %dot_general3A {dimension_numbers = #tpu.dot_dimension_numbers<[0], [1], [1], [0], [0, 1, 1, 0], [], []>, transpose_lhs_hint = false} : vector<64x1000xf32>, vector<512x64xf32>, vector<1000x512xf32> -> vector<1000x512xf32>
    %get3A_29 = arith.constant 0 : index
    %get3A_30 = arith.constant 0 : index
    %get3A_31 = vector.load %arg5[%get3A_29, %get3A_30] : memref<1000x1xf32, #tpu.memory_space<vmem>>, vector<1000x1xf32>
    %add3A_32 = vector.broadcast %get3A_31 : vector<1000x1xf32> to vector<1000x512xf32>
    %add3A_33 = arith.addf %dot_general3A_28, %add3A_32 : vector<1000x512xf32>
    %swap3A = arith.constant 0 : index
    %swap3A_34 = arith.constant 0 : index
    %swap3A_35 = vector.load %arg6[%swap3A, %swap3A_34] : memref<1000x512xf32, #tpu.memory_space<vmem>>, vector<1000x512xf32>
    tpu.vector_store %arg6[%swap3A, %swap3A_34], %add3A_33 {strides = array<i32>} : memref<1000x512xf32, #tpu.memory_space<vmem>>, vector<1000x512xf32>,
    return
  }
  func.func @transform_0(%arg0: i32) -> (i32, i32) {
    %c0_i32 = arith.constant 0 : i32
    %c0_i32_0 = arith.constant 0 : i32
    return %arg0, %c0_i32 : i32, i32
  }
  func.func @transform_1(%arg0: i32) -> (i32, i32) {
    %c0_i32 = arith.constant 0 : i32
    %c0_i32_0 = arith.constant 0 : i32
    return %arg0, %c0_i32 : i32, i32
  }
  func.func @transform_2(%arg0: i32) -> (i32, i32) {
    %c0_i32 = arith.constant 0 : i32
    %c0_i32_0 = arith.constant 0 : i32
    return %arg0, %c0_i32 : i32, i32
  }
  func.func @transform_3(%arg0: i32) -> (i32, i32) {
    %c0_i32 = arith.constant 0 : i32
    %c0_i32_0 = arith.constant 0 : i32
    %c0_i32_1 = arith.constant 0 : i32
    return %c0_i32, %c0_i32_0 : i32, i32
  }
  func.func @transform_4(%arg0: i32) -> (i32, i32) {
    %c0_i32 = arith.constant 0 : i32
    %c0_i32_0 = arith.constant 0 : i32
    %c0_i32_1 = arith.constant 0 : i32
    return %c0_i32, %c0_i32_0 : i32, i32
  }
  func.func @transform_5(%arg0: i32) -> (i32, i32) {
    %c0_i32 = arith.constant 0 : i32
    %c0_i32_0 = arith.constant 0 : i32
    return %c0_i32, %arg0 : i32, i32
  }
}

</mosaic_0001>

<sc_bundles>
// kernel: kernel.4.cloned.1.call-start
scs
__scs_entry_jumppad:
0x0: {  	(pc) =	sbr.rel $0x88, $3  }
0x1: {  	(tag) =	ssettag $0x0;
	lr =	simm.s32 $0x1  }
0x2: {  	[smem:$0x3F9D] =	sst lr;
	_ =	strace $0xD0000000  }
0x3: {  	_ = 	snop  }
0x4: {  	_ = 	snop  }
0x5: {  	_ = 	snop  }
0x6: {  	_ = 	snop  }
0x7: {  	_ = 	snop  }
__scs_overlays_trampoline_lowered:
0x8: {  	[smem:$0x3FAC] =	sst s0  }
0x9: {  	[smem:$0x3FAD] =	sst s1  }
0xa: {  	[smem:$0x3FAE] =	sst s2  }
0xb: {  	[smem:$0x3FAF] =	sst s3  }
0xc: {  	[smem:$0x3FB0] =	sst s4  }
0xd: {  	[smem:$0x3FB1] =	sst s5  }
0xe: {  	[smem:$0x3FB2] =	sst s6  }
0xf: {  	[smem:$0x3FB3] =	sst s7  }
0x10: {  	[smem:$0x3FB4] =	sst s8  }
0x11: {  	[smem:$0x3FB5] =	sst s9;
	s0 =	simm.s32 @!p0 $0x0  }
0x12: {  	s1 =	sld [smem:$0x3F9B];
	s0 =	simm.s32 @p0 $0x1  }
0x13: {  	[smem:$0x3FB6] =	sst s0;
	s0 =	simm.s32 @!p1 $0x0  }
0x14: {  	s2 =	sld [smem:$0x3F9A];
	s0 =	simm.s32 @p1 $0x1  }
0x15: {  	[smem:$0x3FB7] =	sst s0;
	s0 =	simm.s32 @!p2 $0x0  }
0x16: {  	s3 =	sld [smem:$0x3FDB];
	s0 =	simm.s32 @p2 $0x1  }
0x17: {  	s4 =	simm.s32 $0x1BF5;
	[smem:$0x3FB9] =	sst s0  }
0x18: {  	s0 =	sld [smem:$0x3F9C];
	_ =	swait.ge [sflag:s4], $0x0  }
0x19: {  	s7 =	sld [smem:$0x3F9D]  }
0x1a: {  	s8 =	sadd.s32 $0xFFFFE003, lr  }
0x1b: {  	s9 =	sadd.s32 $0xFFFFFEF7, lr;
	s5 =	simm.s32 $0xFFFFFFFF;
	p2 =	slt.u32 s8, $0xFFFFF086  }
0x1c: {  	p1 =	slt.u32 s9, $0xF7A;
	s5 =	simm.s32 @!p2 $0x0  }
0x1d: {  	s5 =	simm.s32 @p1 $0x1;
	p0 =	seq.s32 s7, s2  }
0x1e: {  	s7 =	smul.u32 @!p0 $0xF7A, s2;
	p2 =	seq.s32 @!p0 s5, $0x0  }
0x1f: {  	s9 =	smul.u32 $0xF7A, s1;
	s8 =	simm.s32 @!p0 $0x1BF5;
	p2 =	por !p2, p0  }
0x20: {  	[sflag:s8] =	ssyncset.s32 @!p0 $0xFFFFF086;
	s6 =	sadd.s32 @!p0 s3, s7;
	s7 =	simm.s32 @!p0 $0x108  }
0x21: {  	s3 =	sadd.s32 s3, s9;
	s6 =	sadd.s32 @!p0 $0x88, s6;
	s7 =	simm.s32 @p2 $0x1082  }
0x22: {  	[simem:s7], [sflag:s8] =	dma.local @!p0 [hbm:s6], $0xF7A  }
0x23: {  	s9 =	sor.u32 $0xD0000000, s2;
	s6 =	simm.s32 $0x108;
	_ =	swait.ge @!p0 [sflag:s8], $0x0  }
0x24: {  	s3 =	sadd.s32 $0x88, s3;
	s6 =	simm.s32 @!p1 $0x1082;
	[sflag:s4] =	ssyncset.s32 $0xFFFFF086  }
0x25: {  	[simem:s6], [sflag:s4] =	dma.local [hbm:s3], $0xF7A  }
0x26: {  	[smem:$0x3F9D] =	sst s1;
	(tag) =	ssettag s2;
	_ =	strace s9  }
0x27: {  	s1 =	sld [smem:$0x3FAD]  }
0x28: {  	s2 =	sld [smem:$0x3FAE]  }
0x29: {  	s4 =	sld [smem:$0x3FB0]  }
0x2a: {  	p0 =	seq.s32 s5, $0x0;
	s5 =	sld [smem:$0x3FB1]  }
0x2b: {  	s6 =	sld [smem:$0x3FB2]  }
0x2c: {  	s7 =	sld [smem:$0x3FB3]  }
0x2d: {  	s3 =	simm.s32 $0x108;
	s8 =	sld [smem:$0x3FB4]  }
0x2e: {  	s3 =	simm.s32 @!p0 $0x1082;
	s9 =	sld [smem:$0x3FB5]  }
0x2f: {  	lr =	sadd.s32 s0, s3;
	s0 =	sld [smem:$0x3FAC]  }
0x30: {  	s3 =	sld [smem:$0x3FAF]  }
0x31: {  	[smem:$0x3FB8] =	sst s10  }
0x32: {  	s10 =	sld [smem:$0x3FB6];
	_ =	sdelay $0x3  }
0x33: {  	p0 =	seq.s32 s10, $0x1;
	s10 =	sld [smem:$0x3FB8];
	_ =	sdelay $0x3  }
0x34: {  	[smem:$0x3FB8] =	sst s10  }
0x35: {  	s10 =	sld [smem:$0x3FB7];
	_ =	sdelay $0x3  }
0x36: {  	p1 =	seq.s32 s10, $0x1;
	s10 =	sld [smem:$0x3FB8];
	_ =	sdelay $0x3  }
0x37: {  	[smem:$0x3FB8] =	sst s10  }
0x38: {  	s10 =	sld [smem:$0x3FB9]  }
0x39: {  	_ = 	snop;
	(pc) =	sbr.ind lr, $3  }
0x3a: {  	_ = 	snop  }
0x3b: {  	_ = 	snop  }
0x3c: {  	p2 =	seq.s32 s10, $0x1;
	s10 =	sld [smem:$0x3FB8]  }
0x3d: {  	_ =	shalt  }
0x3e: {  	_ =	shalt  }
0x3f: {  	_ =	shalt  }
0x40: {  	_ =	shalt  }
0x41: {  	_ =	shalt  }
0x42: {  	_ =	shalt  }
0x43: {  	_ =	shalt  }
0x44: {  	_ =	shalt  }
0x45: {  	_ =	shalt  }
0x46: {  	_ =	shalt  }
0x47: {  	_ =	shalt  }
0x48: {  	_ =	shalt  }
0x49: {  	_ =	shalt  }
0x4a: {  	_ =	shalt  }
0x4b: {  	_ =	shalt  }
0x4c: {  	_ =	shalt  }
0x4d: {  	_ =	shalt  }
0x4e: {  	_ =	shalt  }
0x4f: {  	_ =	shalt  }
0x50: {  	_ =	shalt  }
0x51: {  	_ =	shalt  }
0x52: {  	_ =	shalt  }
0x53: {  	_ =	shalt  }
0x54: {  	_ =	shalt  }
0x55: {  	_ =	shalt  }
0x56: {  	_ =	shalt  }
0x57: {  	_ =	shalt  }
0x58: {  	_ =	shalt  }
0x59: {  	_ =	shalt  }
0x5a: {  	_ =	shalt  }
0x5b: {  	_ =	shalt  }
0x5c: {  	_ =	shalt  }
0x5d: {  	_ =	shalt  }
0x5e: {  	_ =	shalt  }
0x5f: {  	_ =	shalt  }
0x60: {  	_ =	shalt  }
0x61: {  	_ =	shalt  }
0x62: {  	_ =	shalt  }
0x63: {  	_ =	shalt  }
0x64: {  	_ =	shalt  }
0x65: {  	_ =	shalt  }
0x66: {  	_ =	shalt  }
0x67: {  	_ =	shalt  }
0x68: {  	_ =	shalt  }
0x69: {  	_ =	shalt  }
0x6a: {  	_ =	shalt  }
0x6b: {  	_ =	shalt  }
0x6c: {  	_ =	shalt  }
0x6d: {  	_ =	shalt  }
0x6e: {  	_ =	shalt  }
0x6f: {  	_ =	shalt  }
0x70: {  	_ =	shalt  }
0x71: {  	_ =	shalt  }
0x72: {  	_ =	shalt  }
0x73: {  	_ =	shalt  }
0x74: {  	_ =	shalt  }
0x75: {  	_ =	shalt  }
0x76: {  	_ =	shalt  }
0x77: {  	_ =	shalt  }
0x78: {  	_ =	shalt  }
0x79: {  	_ =	shalt  }
0x7a: {  	_ =	shalt  }
0x7b: {  	_ =	shalt  }
0x7c: {  	_ =	shalt  }
0x7d: {  	_ =	shalt  }
0x7e: {  	_ =	shalt  }
0x7f: {  	_ =	shalt  }
0x80: {  	_ =	shalt  }
0x81: {  	_ =	shalt  }
0x82: {  	_ =	shalt  }
0x83: {  	_ =	shalt  }
0x84: {  	_ =	shalt  }
0x85: {  	_ =	shalt  }
0x86: {  	_ =	shalt  }
0x87: {  	_ =	shalt  }
.Lfunc_end0:
.L_simem_size_0:
called_computation_lowered:
.L_overlay_start_0:
0x88: {  	s2 =	sld [smem:$0x3FD9]  }
0x89: {  	s3 =	sld [smem:$0x3FFE];
	_ =	sdelay $0x1  }
0x8a: {  	s1 =	srdreg.scid  }
0x8b: {  	s0 =	sand.u32 $0x1, s1  }
0x8c: {  	s17 =	sshll.u32 s0, $0xA;
	s2 =	sadd.s32 s3, s2  }
0x8d: {  	s2 =	sadd.s32 s2, s17  }
0x8e: {  	[smem:$0x3FC4] =	sst s2  }
0x8f: {  	_ = 	snop  }
0x90: {  	s2 =	sld [smem:$0x3FD0];
	(tm) =	ssettm $0x1  }
0x91: {  	s18 =	sld [smem:$0x3FFB];
	_ =	sdelay $0x3  }
0x92: {  	_ =	strace s18  }
0x93: {  	s3 =	sld [smem:$0x3FFC];
	_ =	sdelay $0x3  }
0x94: {  	_ =	strace s3  }
0x95: {  	s3 =	sld [smem:$0x3FFD];
	_ =	sdelay $0x3  }
0x96: {  	_ =	strace s3  }
0x97: {  	_ =	strace $0x8FFFFFFF  }
0x98: {  	s19 =	sld [smem:$0x3FDB];
	_ =	sdelay $0x1  }
0x99: {  	s4 =	simm.s32 $_scs_section_size  }
0x9a: {  	s5 =	simm.s32 $_size__tile_overlayer_lowered;
	s6 =	simm.s32 $_tile_overlayer_lowered  }
0x9b: {  	s22 =	simm.s32 $0x1BFF;
	s21 =	sshll.u32 s6, $0x1;
	s3 =	sadd.s32 s4, s19  }
0x9c: {  	s7 =	simm.s32 $0x0;
	s20 =	sshll.u32 s5, $0x1;
	s5 =	sadd.s32 s21, s3  }
0x9d: {  	[timem:s7], [sflag:s22] =	dma.local [hbm:s5], s20  }
0x9e: {  	_ =	swait.ge [sflag:s22], s20  }
0x9f: {  	s4 =	ssub.s32 $0x0, s20;
	[sflag:s22] =	ssyncset.done $0x0  }
0xa0: {  	[sflag:s22] =	ssyncadd.s32 s4;
	_ =	sdelay $0x1  }
0xa1: {  	s23 =	simm.s32 $0x1B8B  }
0xa2: {  	_ =	swait.ge [sflag:s23], $0x1  }
0xa3: {  	[sflag:s23] =	ssyncset.done $0x0  }
0xa4: {  	s25 =	simm.s32 $0x1B8E;
	s24 =	sld [smem:$0x3FFE];
	[sflag:s23] =	ssyncadd.s32 $0xFFFFFFFF  }
0xa5: {  	s26 =	simm.s32 $execute0_lowered;
	[smem:$0x3FD2] =	sst s25  }
0xa6: {  	s5 =	sshll.u32 s26, $0x1;
	_ =	strace $0x80000046;
	[dreg:$0x1] =	wrdreg $0xFFFFFFFF  }
0xa7: {  	s28 =	simm.s32 $_size_execute0_lowered;
	s3 =	sadd.s32 s3, s5;
	[dreg:$0x0] =	wrdreg $0x0  }
0xa8: {  	s5 =	sshll.u32 s28, $0x1;
	[dreg:$0x2] =	wrdreg s3  }
0xa9: {  	[dreg:$0x3] =	wrdreg s5  }
0xaa: {  	[dreg:$0x4] =	wrdreg $0xC0  }
0xab: {  	_ =	task [dreg:s7], $0x5FFFF  }
0xac: {  	[dreg:$0x1] =	wrdreg $0xFFFFFFFF  }
0xad: {  	[dreg:$0x0] =	wrdreg $0x60  }
0xae: {  	[dreg:$0x2] =	wrdreg s2  }
0xaf: {  	[dreg:$0x3] =	wrdreg s24  }
0xb0: {  	[dreg:$0x4] =	wrdreg $0x9  }
0xb1: {  	_ =	task.clear_ibuf [dreg:s7], $0x5FFFF;
	_ =	strace $0x90000046  }
0xb2: {  	s29 =	simm.s32 $0x9;
	_ =	strace $0x80000048  }
0xb3: {  	_ =	swait.ge [sflag:s29], $0x1  }
0xb4: {  	[sflag:s29] =	ssyncadd.s32 $0xFFFFFFFF  }
0xb5: {  	_ =	strace $0x90000048  }
0xb6: {  	_ =	sfence  }
0xb7: {  	s30 =	sld [smem:$0x0];
	_ =	sdelay $0x2  }
0xb8: {  	s31 =	sshll.u32 s1, $0xD;
	s1 =	sshrl.u32 s1, $0x2  }
0xb9: {  	s3 =	sand.u32 $0x4000, s31;
	s1 =	sadd.s32 s1, s30  }
0xba: {  	s0 =	sor.u32 s3, s0;
	s1 =	sshll.u32 s1, $0x11  }
0xbb: {  	s0 =	sor.u32 s1, s0  }
0xbc: {  	s0 =	sadd.s32 $0x8F2B, s0  }
0xbd: {  	[sflag:s0] =	ssyncadd.remote.s32 $0x1  }
0xbe: {  	_ =	sfence.sel $0xFFFF  }
0xbf: {  	[dreg:$0x0] =	wrdreg $0xFFFFFFFF;
	(pc) =	sbr.abs _section_cstart, $3  }
0xc0: {  	[dreg:$0x1] =	wrdreg $0xFFFFFFFF  }
0xc1: {  	_ =	task.clear_ibuf [dreg:s7], $0x2FFFF;
	_ =	strace $0x9FFFFFFF  }
0xc2: {  	(tm) =	ssettm $0x7FFFFFFF  }
0xc3: {  	_ =	shalt  }
tec
execute0_lowered:
.L_overlay_start_1:
0x0: {  	(tag) =	ssettag $0x1  }
0x1: {  	s1 =	rddreg [dreg:$0x0]  }
0x2: {  	s0 =	rddreg [dreg:$0x1];
	s3 =	simm.s32 $0x0;
	s2 =	srdreg.scid  }
0x3: {  	s4 =	stileid.u32;
	s17 =	simm.s32 $0x300;
	s18 =	simm.s32 $0x1  }
0x4: {  	s19 =	simm.s32 $0x80;
	s30 =	simm.s32 $0x200;
	s31 =	simm.s32 $0x500  }
0x5: {  	s29 =	simm.s32 $0x280;
	s28 =	simm.s32 $0x580;
	[smem:$0x7FF] =	sst s3  }
0x6: {  	s2 =	sand.u32 $0x1, s2;
	s5 =	sshll.u32 s4, $0x1;
	s4 =	sadd.s32 $0x1600, s0  }
0x7: {  	_ =	strace $0x80000047;
	s6 =	sor.u32 s2, s5;
	s2 =	ssub.s32 $0x2, s2  }
0x8: {  	s5 =	sadd.s32 $0xF83A00, s0;
	s7 =	sshll.u32 s6, $0xC;
	s20 =	sshrl.u32 s2, $0x1  }
0x9: {  	s8 =	sshll.u32 s6, $0xD;
	s6 =	sshll.u32 s6, $0x10;
	s0 =	sadd.s32 s7, s0  }
0xa: {  	s2 =	ssub.s32 s2, s20;
	s21 =	sadd.s32 s1, s8;
	s22 =	sadd.s32 s4, s8  }
0xb: {  	s23 =	sor.u32 $0x20, s8;
	s8 =	sor.u32 $0x40, s8;
	s12 =	sor.u32 $0x300, s6  }
0xc: {  	s13 =	sor.u32 $0x400, s6;
	s14 =	sor.u32 $0x500, s6;
	[dreg:$0x3] =	wrdreg s21  }
0xd: {  	s20 =	simm.s32 $0x600;
	[dreg:$0x4] =	wrdreg s22;
	s9 =	sadd.s32 s1, s23  }
0xe: {  	s6 =	simm.s32 $0x12000;
	s7 =	sadd.s32 s4, s23;
	[dreg:$0x5] =	wrdreg s9  }
0xf: {  	s24 =	sadd.s32 s1, s8;
	s25 =	sadd.s32 s4, s8;
	[dreg:$0x6] =	wrdreg s7  }
0x10: {  	s0 =	sadd.s32 $0x41600, s0;
	s26 =	smax.u32 s2, $0x1;
	[dreg:$0x7] =	wrdreg s24  }
0x11: {  	s21 =	simm.s32 $0x48;
	s22 =	simm.s32 $0x2600;
	[dreg:$0x8] =	wrdreg s25  }
0x12: {  	s23 =	simm.s32 $0x3800;
	s8 =	simm.s32 $0x3;
	[dreg:$0x9] =	wrdreg s0  }
0x13: {  	[dreg:$0xa] =	wrdreg s26;
	s24 =	simm.s32 $0x380;
	s25 =	simm.s32 $0x5800  }
0x14: {  	s26 =	simm.s32 $0x10000;
	s7 =	simm.s32 $0x2;
	s9 =	simm.s32 $0x0  }
.LBB2_1:
0x15: {  	[dreg:$0xb] =	wrdreg s9  }
0x16: {  	s0 =	rddreg [dreg:$0x3]  }
0x17: {  	[tilespmem:s3], [sflag:$0x1] =	stream.linear.gather [hbm4b:s0+s3], $0x100, $0x38;
	[tilespmem:$0x1B200] =	vst v63  }
0x18: {  	s2 =	rddreg [dreg:$0x4]  }
0x19: {  	[tilespmem:s17], [sflag:$0x1] =	stream.linear.gather [hbm4b:s2+s3], $0x100, $0x38;
	[tilespmem:$0x1B200] =	vst v63  }
0x1a: {  	_ =	swait.ge [sflag:s18], $0x100  }
0x1b: {  	[sflag:s18] =	ssyncset.done $0x0  }
0x1c: {  	[sflag:s18] =	ssyncadd.s32 $0xFFFFFF00  }
0x1d: {  	_ =	swait.ge [sflag:s18], $0x100  }
0x1e: {  	[sflag:s18] =	ssyncset.done $0x0  }
0x1f: {  	[sflag:s18] =	ssyncadd.s32 $0xFFFFFF00  }
0x20: {  	[tilespmem:s20], [sflag:$0x2] =	stream.indirect.gather [hbm4b:s5+s19], $0x40, s3, s19, $0xb8;
	[tilespmem:$0x1B200] =	vst v63  }
0x21: {  	_ = 	snop  }
0x22: {  	[tilespmem:s22], [sflag:$0x2] =	stream.indirect.gather [hbm4b:s5+s21], $0x40, s17, s21, $0xb8;
	[tilespmem:$0x1B200] =	vst v63  }
0x23: {  	_ = 	snop  }
0x24: {  	[tilespmem:s23], [sflag:$0x2] =	stream.indirect.gather [hbm4b:s5+s19], $0x40, s19, s19, $0xb8;
	[tilespmem:$0x1B200] =	vst v63  }
0x25: {  	_ = 	snop  }
0x26: {  	[tilespmem:s25], [sflag:$0x2] =	stream.indirect.gather [hbm4b:s5+s21], $0x40, s24, s21, $0xb8;
	[tilespmem:$0x1B200] =	vst v63  }
0x27: {  	s2 =	simm.s32 $0x100;
	s9 =	rddreg [dreg:$0x5]  }
0x28: {  	[tilespmem:s2], [sflag:$0x1] =	stream.linear.gather [hbm4b:s9+s3], $0x100, $0x38;
	[tilespmem:$0x1B200] =	vst v63  }
0x29: {  	s11 =	simm.s32 $0x400;
	s10 =	rddreg [dreg:$0x6]  }
0x2a: {  	[tilespmem:s11], [sflag:$0x1] =	stream.linear.gather [hbm4b:s10+s3], $0x100, $0x38;
	[tilespmem:$0x1B200] =	vst v63  }
0x2b: {  	_ =	swait.ge [sflag:s18], $0x100  }
0x2c: {  	[sflag:s18] =	ssyncset.done $0x0  }
0x2d: {  	[sflag:s18] =	ssyncadd.s32 $0xFFFFFF00  }
0x2e: {  	_ =	swait.ge [sflag:s18], $0x100  }
0x2f: {  	[sflag:s18] =	ssyncset.done $0x0  }
0x30: {  	s15 =	simm.s32 $0x6A00;
	[sflag:s18] =	ssyncadd.s32 $0xFFFFFF00  }
0x31: {  	[tilespmem:s15], [sflag:$0x3] =	stream.indirect.gather [hbm4b:s5+s19], $0x40, s2, s19, $0xb8;
	[tilespmem:$0x1B200] =	vst v63  }
0x32: {  	s16 =	simm.s32 $0x8A00  }
0x33: {  	[tilespmem:s16], [sflag:$0x3] =	stream.indirect.gather [hbm4b:s5+s21], $0x40, s11, s21, $0xb8;
	[tilespmem:$0x1B200] =	vst v63  }
0x34: {  	s9 =	simm.s32 $0x9C00;
	s2 =	simm.s32 $0x180  }
0x35: {  	[tilespmem:s9], [sflag:$0x3] =	stream.indirect.gather [hbm4b:s5+s19], $0x40, s2, s19, $0xb8;
	[tilespmem:$0x1B200] =	vst v63  }
0x36: {  	s10 =	simm.s32 $0x480;
	s11 =	simm.s32 $0xBC00  }
0x37: {  	[tilespmem:s11], [sflag:$0x3] =	stream.indirect.gather [hbm4b:s5+s21], $0x40, s10, s21, $0xb8;
	[tilespmem:$0x1B200] =	vst v63  }
0x38: {  	s15 =	rddreg [dreg:$0x7]  }
0x39: {  	[tilespmem:s30], [sflag:$0x1] =	stream.linear.gather [hbm4b:s15+s3], $0x100, $0x38;
	[tilespmem:$0x1B200] =	vst v63  }
0x3a: {  	s16 =	rddreg [dreg:$0x8];
	s11 =	simm.s32 $0x0  }
0x3b: {  	[tilespmem:s31], [sflag:$0x1] =	stream.linear.gather [hbm4b:s16+s3], $0x100, $0x38;
	[tilespmem:$0x1B200] =	vst v63  }
.LBB2_2:
0x3c: {  	_ =	swait.ge [sflag:s18], $0x100  }
0x3d: {  	[sflag:s18] =	ssyncset.done $0x0  }
0x3e: {  	[sflag:s18] =	ssyncadd.s32 $0xFFFFFF00  }
0x3f: {  	_ =	swait.ge [sflag:s18], $0x100  }
0x40: {  	[sflag:s18] =	ssyncset.done $0x0  }
0x41: {  	s0 =	simm.s32 $0xCE00;
	[sflag:s18] =	ssyncadd.s32 $0xFFFFFF00  }
0x42: {  	[tilespmem:s0], [sflag:$0x4] =	stream.indirect.gather [hbm4b:s5+s19], $0x40, s30, s19, $0xb8;
	[tilespmem:$0x1B200] =	vst v63  }
0x43: {  	s9 =	simm.s32 $0xEE00  }
0x44: {  	[tilespmem:s9], [sflag:$0x4] =	stream.indirect.gather [hbm4b:s5+s21], $0x40, s31, s21, $0xb8;
	[tilespmem:$0x1B200] =	vst v63  }
0x45: {  	_ = 	snop  }
0x46: {  	[tilespmem:s26], [sflag:$0x4] =	stream.indirect.gather [hbm4b:s5+s19], $0x40, s29, s19, $0xb8;
	[tilespmem:$0x1B200] =	vst v63  }
0x47: {  	s16 =	smul.u32 $0x300, s11  }
0x48: {  	[tilespmem:s6], [sflag:$0x4] =	stream.indirect.gather [hbm4b:s5+s21], $0x40, s28, s21, $0xb8;
	[tilespmem:$0x1B200] =	vst v63  }
0x49: {  	s9 =	sadd.s32 s16, s12;
	_ =	swait.ge [sflag:s7], $0x6400  }
0x4a: {  	s9 =	sshrl.u32 s9, $0x3;
	[sflag:s7] =	ssyncset.done $0x0  }
0x4b: {  	s15 =	simm.s32 $0x0;
	s10 =	sadd.s32 s1, s9;
	[sflag:s7] =	ssyncadd.s32 $0xFFFF9C00  }
0x4c: {  	[tilespmem:s15], [sflag:$0x1] =	stream.linear.gather [hbm4b:s10+s15], $0x100, $0x38;
	[tilespmem:$0x1B200] =	vst v63  }
0x4d: {  	s9 =	sadd.s32 s4, s9;
	s10 =	simm.s32 $0x0  }
0x4e: {  	[tilespmem:s17], [sflag:$0x1] =	stream.linear.gather [hbm4b:s9+s15], $0x100, $0x38;
	[tilespmem:$0x1B200] =	vst v63  }
0x4f: {  	v0 =	vld [tilespmem:s10+$0x630]  }
0x50: {  	v1 =	vld [tilespmem:s10+$0x670]  }
0x51: {  	v2 =	vld [tilespmem:s10+$0x6B0]  }
0x52: {  	v3 =	vld [tilespmem:s10+$0x6F0]  }
0x53: {  	v4 =	vld [tilespmem:s10+$0x730]  }
0x54: {  	v5 =	vld [tilespmem:s10+$0x770]  }
0x55: {  	v6 =	vld [tilespmem:s10+$0x7B0]  }
0x56: {  	v7 =	vld [tilespmem:s10+$0x7F0]  }
0x57: {  	v8 =	vld [tilespmem:s10+$0x600]  }
0x58: {  	v9 =	vld [tilespmem:s10+$0x640]  }
0x59: {  	v10 =	vld [tilespmem:s10+$0x680]  }
0x5a: {  	v11 =	vld [tilespmem:s10+$0x6C0]  }
0x5b: {  	v12 =	vld [tilespmem:s10+$0x700]  }
0x5c: {  	v13 =	vld [tilespmem:s10+$0x740]  }
0x5d: {  	v14 =	vld [tilespmem:s10+$0x780]  }
0x5e: {  	v15 =	vld [tilespmem:s10+$0x7C0]  }
0x5f: {  	v16 =	vld [tilespmem:s10+$0x610]  }
0x60: {  	v17 =	vld [tilespmem:s10+$0x650]  }
0x61: {  	v18 =	vld [tilespmem:s10+$0x690]  }
0x62: {  	v19 =	vld [tilespmem:s10+$0x6D0]  }
0x63: {  	v20 =	vld [tilespmem:s10+$0x710]  }
0x64: {  	v21 =	vld [tilespmem:s10+$0x750]  }
0x65: {  	v22 =	vld [tilespmem:s10+$0x790]  }
0x66: {  	v23 =	vld [tilespmem:s10+$0x6A0];
	v0 =	vadd.f32 v1, v0  }
0x67: {  	v1 =	vadd.f32 v3, v2;
	v2 =	vld [tilespmem:s10+$0x7D0];
	v3 =	vadd.f32 v5, v4  }
0x68: {  	v4 =	vadd.f32 v7, v6;
	v6 =	vld [tilespmem:s10+$0x620];
	v5 =	vadd.f32 v13, v12  }
0x69: {  	v7 =	vld [tilespmem:s10+$0x660];
	v12 =	vadd.f32 v19, v18;
	v0 =	vadd.f32 v1, v0  }
0x6a: {  	v13 =	vld [tilespmem:s10+$0x760];
	v1 =	vadd.f32 v4, v3;
	v3 =	vadd.f32 v9, v8  }
0x6b: {  	v4 =	vadd.f32 v11, v10;
	v8 =	vld [tilespmem:s10+$0x6E0];
	v9 =	vadd.f32 v15, v14  }
0x6c: {  	v10 =	vld [tilespmem:s10+$0x720];
	v11 =	vadd.f32 v17, v16;
	v14 =	vadd.f32 v21, v20  }
0x6d: {  	v15 =	vld [tilespmem:s10+$0x7A0];
	v3 =	vadd.f32 v4, v3;
	v5 =	vadd.f32 v9, v5  }
0x6e: {  	s15 =	simm.s32 $0x200;
	v9 =	vld [tilespmem:s10+$0x7E0];
	v11 =	vadd.f32 v12, v11;
	v2 =	vadd.f32 v2, v22  }
0x6f: {  	v4 =	vld [tilespmem:s15+$0x630];
	v0 =	vadd.f32 v1, v0;
	v12 =	vadd.f32 v7, v6  }
0x70: {  	v6 =	vld [tilespmem:s15+$0x6B0];
	v1 =	vadd.f32 v5, v3;
	v3 =	vimm.f32 $0.0e+00;
	v2 =	vadd.f32 v2, v14  }
0x71: {  	v7 =	vld [tilespmem:s15+$0x730];
	v0 =	vadd.f32 v0, v3  }
0x72: {  	v5 =	vld [tilespmem:s15+$0x670];
	v2 =	vadd.f32 v2, v11;
	v11 =	vadd.f32 v8, v23  }
0x73: {  	v13 =	vadd.f32 v13, v10;
	v10 =	vld [tilespmem:s15+$0x7B0];
	v14 =	vadd.f32 v9, v15  }
0x74: {  	v1 =	vadd.f32 v1, v3;
	v8 =	vld [tilespmem:s15+$0x6F0];
	v11 =	vadd.f32 v11, v12  }
0x75: {  	s9 =	simm.s32 $0x1000;
	v9 =	vld [tilespmem:s15+$0x770];
	v2 =	vadd.f32 v2, v3;
	v12 =	vadd.f32 v14, v13  }
.LBB2_3:
0x76: {  	p0 =	sne.s32 s9, $0xC000;
	v13 =	vld [tilespmem:s15+$0x7F0]  }
0x77: {  	v14 =	vld [tilespmem:s15+$0x600];
	v11 =	vadd.f32 v12, v11  }
0x78: {  	v12 =	vld [tilespmem:s15+$0x640]  }
0x79: {  	v15 =	vld [tilespmem:s15+$0x680];
	v3 =	vadd.f32 v11, v3  }
0x7a: {  	v4 =	vadd.f32 v5, v4;
	v5 =	vadd.f32 v8, v6;
	v11 =	vld [tilespmem:s15+$0x6C0]  }
0x7b: {  	v7 =	vadd.f32 v9, v7;
	v6 =	vld [tilespmem:s15+$0x700];
	v8 =	vadd.f32 v13, v10  }
0x7c: {  	v9 =	vld [tilespmem:s15+$0x740]  }
0x7d: {  	v4 =	vadd.f32 v5, v4;
	v10 =	vld [tilespmem:s15+$0x780];
	v5 =	vadd.f32 v8, v7  }
0x7e: {  	v8 =	vadd.f32 v12, v14;
	v7 =	vld [tilespmem:s15+$0x7C0]  }
0x7f: {  	v11 =	vadd.f32 v11, v15;
	v12 =	vld [tilespmem:s15+$0x610];
	v4 =	vadd.f32 v5, v4  }
0x80: {  	v5 =	vld [tilespmem:s15+$0x650]  }
0x81: {  	v6 =	vadd.f32 v9, v6;
	v9 =	vld [tilespmem:s15+$0x690];
	v0 =	vadd.f32 v4, v0  }
0x82: {  	v4 =	vadd.f32 v11, v8;
	v8 =	vld [tilespmem:s15+$0x6D0]  }
0x83: {  	v7 =	vadd.f32 v7, v10;
	v10 =	vld [tilespmem:s15+$0x710]  }
0x84: {  	v11 =	vld [tilespmem:s15+$0x750]  }
0x85: {  	v6 =	vadd.f32 v7, v6;
	v7 =	vld [tilespmem:s15+$0x790];
	v5 =	vadd.f32 v5, v12  }
0x86: {  	v12 =	vld [tilespmem:s15+$0x7D0]  }
0x87: {  	v4 =	vadd.f32 v6, v4;
	v6 =	vadd.f32 v8, v9;
	v8 =	vld [tilespmem:s15+$0x620]  }
0x88: {  	v9 =	vld [tilespmem:s15+$0x660]  }
0x89: {  	v5 =	vadd.f32 v6, v5;
	v6 =	vadd.f32 v11, v10;
	v10 =	vld [tilespmem:s15+$0x6A0]  }
0x8a: {  	v1 =	vadd.f32 v4, v1;
	v11 =	vld [tilespmem:s15+$0x6E0]  }
0x8b: {  	v4 =	vadd.f32 v12, v7;
	v7 =	vld [tilespmem:s15+$0x720]  }
0x8c: {  	v12 =	vld [tilespmem:s15+$0x760]  }
0x8d: {  	v6 =	vadd.f32 v4, v6;
	v13 =	vld [tilespmem:s15+$0x7A0];
	v8 =	vadd.f32 v9, v8  }
0x8e: {  	v9 =	vld [tilespmem:s15+$0x7E0];
	s15 =	sshra.s32 s9, $0x2  }
0x8f: {  	v4 =	vld [tilespmem:s15+$0x630];
	v14 =	vadd.f32 v6, v5;
	v10 =	vadd.f32 v11, v10  }
0x90: {  	v5 =	vld [tilespmem:s15+$0x670]  }
.Ltmp0:
0x91: {  	v6 =	vld [tilespmem:s15+$0x6B0];
	v11 =	vadd.f32 v10, v8;
	v12 =	vadd.f32 v12, v7;
	(pc) =	sbr.rel @p0 .LBB2_3-.Ltmp0, $4  }
0x92: {  	v2 =	vadd.f32 v14, v2;
	v8 =	vld [tilespmem:s15+$0x6F0]  }
0x93: {  	v7 =	vld [tilespmem:s15+$0x730];
	v13 =	vadd.f32 v9, v13  }
0x94: {  	v9 =	vld [tilespmem:s15+$0x770]  }
0x95: {  	s9 =	sadd.s32 $0x800, s9;
	v10 =	vld [tilespmem:s15+$0x7B0];
	v12 =	vadd.f32 v13, v12  }
0x96: {  	v13 =	vld [tilespmem:s15+$0x7F0]  }
0x97: {  	v14 =	vld [tilespmem:s15+$0x600]  }
0x98: {  	v15 =	vld [tilespmem:s15+$0x640]  }
0x99: {  	v16 =	vld [tilespmem:s15+$0x680]  }
0x9a: {  	v17 =	vld [tilespmem:s15+$0x6C0]  }
0x9b: {  	v18 =	vld [tilespmem:s15+$0x700]  }
0x9c: {  	v19 =	vld [tilespmem:s15+$0x740]  }
0x9d: {  	v20 =	vld [tilespmem:s15+$0x780]  }
0x9e: {  	v21 =	vld [tilespmem:s15+$0x7C0]  }
0x9f: {  	v22 =	vld [tilespmem:s15+$0x610]  }
0xa0: {  	v23 =	vld [tilespmem:s15+$0x650]  }
0xa1: {  	v24 =	vld [tilespmem:s15+$0x690]  }
0xa2: {  	v25 =	vld [tilespmem:s15+$0x6D0]  }
0xa3: {  	v26 =	vld [tilespmem:s15+$0x710]  }
0xa4: {  	v27 =	vld [tilespmem:s15+$0x750]  }
0xa5: {  	v28 =	vld [tilespmem:s15+$0x790]  }
0xa6: {  	v29 =	vld [tilespmem:s15+$0x7D0]  }
0xa7: {  	v30 =	vld [tilespmem:s15+$0x660];
	v11 =	vadd.f32 v12, v11  }
0xa8: {  	v4 =	vadd.f32 v5, v4;
	v53 =	vld [tilespmem:s15+$0x760];
	v5 =	vadd.f32 v8, v6  }
0xa9: {  	v12 =	vld [tilespmem:s15+$0x620];
	v3 =	vadd.f32 v11, v3  }
0xaa: {  	v6 =	vld [tilespmem:s15+$0x6E0];
	v7 =	vadd.f32 v9, v7;
	v4 =	vadd.f32 v5, v4  }
0xab: {  	v11 =	vld [tilespmem:s15+$0x6A0];
	v8 =	vadd.f32 v15, v14;
	v14 =	vadd.f32 v17, v16  }
0xac: {  	v15 =	vld [tilespmem:s15+$0x720];
	v51 =	vadd.f32 v19, v18;
	v52 =	vadd.f32 v21, v20  }
0xad: {  	v9 =	vadd.f32 v13, v10;
	v10 =	vld [tilespmem:s15+$0x7A0];
	v5 =	vadd.f32 v23, v22  }
0xae: {  	v54 =	vadd.f32 v27, v26;
	v8 =	vadd.f32 v14, v8;
	v14 =	vld [tilespmem:s15+$0x7E0]  }
0xaf: {  	v55 =	vadd.f32 v29, v28;
	v13 =	vadd.f32 v52, v51  }
0xb0: {  	v12 =	vadd.f32 v30, v12;
	v7 =	vadd.f32 v9, v7  }
0xb1: {  	v6 =	vadd.f32 v6, v11;
	v8 =	vadd.f32 v13, v8  }
0xb2: {  	v13 =	vadd.f32 v25, v24;
	v4 =	vadd.f32 v7, v4  }
0xb3: {  	v11 =	vadd.f32 v53, v15;
	v10 =	vadd.f32 v14, v10  }
0xb4: {  	v5 =	vadd.f32 v13, v5;
	v13 =	vadd.f32 v55, v54  }
0xb5: {  	s9 =	smul.u32 $0x600, s11;
	v6 =	vadd.f32 v6, v12;
	v10 =	vadd.f32 v10, v11  }
0xb6: {  	v1 =	vadd.f32 v8, v1;
	v5 =	vadd.f32 v13, v5  }
0xb7: {  	s15 =	sshra.s32 s9, $0x2;
	v0 =	vadd.f32 v4, v0;
	v6 =	vadd.f32 v10, v6  }
0xb8: {  	[tilespmem:s15+$0x13200] =	vst v1;
	v2 =	vadd.f32 v5, v2  }
0xb9: {  	[tilespmem:s15+$0x13230] =	vst v0;
	v3 =	vadd.f32 v6, v3  }
0xba: {  	[tilespmem:s15+$0x13210] =	vst v2  }
0xbb: {  	s10 =	simm.s32 $0x0;
	[tilespmem:s15+$0x13220] =	vst v3  }
0xbc: {  	v0 =	vld [tilespmem:s10+$0x3830]  }
0xbd: {  	v1 =	vld [tilespmem:s10+$0x3870]  }
0xbe: {  	v2 =	vld [tilespmem:s10+$0x38B0]  }
0xbf: {  	v3 =	vld [tilespmem:s10+$0x38F0]  }
0xc0: {  	v4 =	vld [tilespmem:s10+$0x3930]  }
0xc1: {  	v5 =	vld [tilespmem:s10+$0x3970]  }
0xc2: {  	v6 =	vld [tilespmem:s10+$0x39B0]  }
0xc3: {  	v7 =	vld [tilespmem:s10+$0x39F0]  }
0xc4: {  	v8 =	vld [tilespmem:s10+$0x3800]  }
0xc5: {  	v9 =	vld [tilespmem:s10+$0x3840]  }
0xc6: {  	v10 =	vld [tilespmem:s10+$0x3880]  }
0xc7: {  	v11 =	vld [tilespmem:s10+$0x38C0]  }
0xc8: {  	v12 =	vld [tilespmem:s10+$0x3900]  }
0xc9: {  	v13 =	vld [tilespmem:s10+$0x3940]  }
0xca: {  	v14 =	vld [tilespmem:s10+$0x3980]  }
0xcb: {  	v15 =	vld [tilespmem:s10+$0x39C0]  }
0xcc: {  	v56 =	vld [tilespmem:s10+$0x3810]  }
0xcd: {  	v57 =	vld [tilespmem:s10+$0x3850]  }
0xce: {  	v58 =	vld [tilespmem:s10+$0x3890]  }
0xcf: {  	v59 =	vld [tilespmem:s10+$0x38D0]  }
0xd0: {  	v60 =	vld [tilespmem:s10+$0x3910]  }
0xd1: {  	v61 =	vld [tilespmem:s10+$0x3950]  }
0xd2: {  	v62 =	vld [tilespmem:s10+$0x3990]  }
0xd3: {  	v63 =	vld [tilespmem:s10+$0x38A0];
	v0 =	vadd.f32 v1, v0;
	v1 =	vadd.f32 v3, v2  }
0xd4: {  	v2 =	vld [tilespmem:s10+$0x39D0];
	v3 =	vadd.f32 v5, v4;
	v4 =	vadd.f32 v7, v6  }
0xd5: {  	v6 =	vld [tilespmem:s10+$0x3820]  }
0xd6: {  	v7 =	vld [tilespmem:s10+$0x3860];
	v0 =	vadd.f32 v1, v0;
	v1 =	vadd.f32 v4, v3  }
0xd7: {  	v3 =	vadd.f32 v9, v8;
	v4 =	vadd.f32 v11, v10;
	v8 =	vld [tilespmem:s10+$0x38E0]  }
0xd8: {  	v5 =	vadd.f32 v59, v58;
	v9 =	vld [tilespmem:s10+$0x3920];
	v0 =	vadd.f32 v1, v0  }
0xd9: {  	v11 =	vld [tilespmem:s10+$0x3960];
	v1 =	vadd.f32 v13, v12;
	v10 =	vadd.f32 v4, v3  }
0xda: {  	v3 =	vadd.f32 v15, v14;
	v4 =	vadd.f32 v57, v56;
	v12 =	vld [tilespmem:s10+$0x39A0]  }
0xdb: {  	s9 =	simm.s32 $0x200;
	v13 =	vadd.f32 v61, v60;
	v14 =	vld [tilespmem:s10+$0x39E0];
	v2 =	vadd.f32 v2, v62  }
0xdc: {  	v1 =	vadd.f32 v3, v1;
	v3 =	vimm.f32 $0.0e+00;
	v15 =	vadd.f32 v5, v4;
	v4 =	vld [tilespmem:s9+$0x3830]  }
0xdd: {  	v5 =	vld [tilespmem:s9+$0x3870];
	v0 =	vadd.f32 v0, v3;
	v2 =	vadd.f32 v2, v13  }
0xde: {  	v13 =	vadd.f32 v8, v63;
	v8 =	vld [tilespmem:s9+$0x38F0];
	v1 =	vadd.f32 v1, v10  }
0xdf: {  	v10 =	vadd.f32 v7, v6;
	v6 =	vld [tilespmem:s9+$0x38B0];
	v2 =	vadd.f32 v2, v15  }
0xe0: {  	v7 =	vld [tilespmem:s9+$0x3930];
	v15 =	vadd.f32 v11, v9;
	v12 =	vadd.f32 v14, v12  }
0xe1: {  	v9 =	vld [tilespmem:s9+$0x3970];
	v1 =	vadd.f32 v1, v3;
	v11 =	vadd.f32 v13, v10  }
0xe2: {  	s10 =	simm.s32 $0x1000;
	v10 =	vld [tilespmem:s9+$0x39B0];
	v2 =	vadd.f32 v2, v3;
	v12 =	vadd.f32 v12, v15  }
.LBB2_5:
0xe3: {  	p0 =	sne.s32 s10, $0xC000;
	v13 =	vld [tilespmem:s9+$0x39F0]  }
0xe4: {  	v14 =	vld [tilespmem:s9+$0x3800];
	v11 =	vadd.f32 v12, v11  }
0xe5: {  	v12 =	vld [tilespmem:s9+$0x3840]  }
0xe6: {  	v15 =	vld [tilespmem:s9+$0x3880];
	v3 =	vadd.f32 v11, v3  }
0xe7: {  	v4 =	vadd.f32 v5, v4;
	v5 =	vadd.f32 v8, v6;
	v11 =	vld [tilespmem:s9+$0x38C0]  }
0xe8: {  	v7 =	vadd.f32 v9, v7;
	v6 =	vld [tilespmem:s9+$0x3900];
	v8 =	vadd.f32 v13, v10  }
0xe9: {  	v9 =	vld [tilespmem:s9+$0x3940]  }
0xea: {  	v4 =	vadd.f32 v5, v4;
	v10 =	vld [tilespmem:s9+$0x3980];
	v5 =	vadd.f32 v8, v7  }
0xeb: {  	v8 =	vadd.f32 v12, v14;
	v7 =	vld [tilespmem:s9+$0x39C0]  }
0xec: {  	v11 =	vadd.f32 v11, v15;
	v12 =	vld [tilespmem:s9+$0x3810];
	v4 =	vadd.f32 v5, v4  }
0xed: {  	v5 =	vld [tilespmem:s9+$0x3850]  }
0xee: {  	v6 =	vadd.f32 v9, v6;
	v9 =	vld [tilespmem:s9+$0x3890];
	v0 =	vadd.f32 v4, v0  }
0xef: {  	v4 =	vadd.f32 v11, v8;
	v8 =	vld [tilespmem:s9+$0x38D0]  }
0xf0: {  	v7 =	vadd.f32 v7, v10;
	v10 =	vld [tilespmem:s9+$0x3910]  }
0xf1: {  	v11 =	vld [tilespmem:s9+$0x3950]  }
0xf2: {  	v6 =	vadd.f32 v7, v6;
	v7 =	vld [tilespmem:s9+$0x3990];
	v5 =	vadd.f32 v5, v12  }
0xf3: {  	v12 =	vld [tilespmem:s9+$0x39D0]  }
0xf4: {  	v4 =	vadd.f32 v6, v4;
	v6 =	vadd.f32 v8, v9;
	v8 =	vld [tilespmem:s9+$0x3820]  }
0xf5: {  	v9 =	vld [tilespmem:s9+$0x3860]  }
0xf6: {  	v5 =	vadd.f32 v6, v5;
	v6 =	vadd.f32 v11, v10;
	v10 =	vld [tilespmem:s9+$0x38A0]  }
0xf7: {  	v1 =	vadd.f32 v4, v1;
	v11 =	vld [tilespmem:s9+$0x38E0]  }
0xf8: {  	v4 =	vadd.f32 v12, v7;
	v7 =	vld [tilespmem:s9+$0x3920]  }
0xf9: {  	v12 =	vld [tilespmem:s9+$0x3960]  }
0xfa: {  	v6 =	vadd.f32 v4, v6;
	v13 =	vld [tilespmem:s9+$0x39A0];
	v8 =	vadd.f32 v9, v8  }
0xfb: {  	v9 =	vld [tilespmem:s9+$0x39E0];
	s9 =	sshra.s32 s10, $0x2  }
0xfc: {  	v4 =	vld [tilespmem:s9+$0x3830];
	v14 =	vadd.f32 v6, v5;
	v10 =	vadd.f32 v11, v10  }
0xfd: {  	v5 =	vld [tilespmem:s9+$0x3870]  }
.Ltmp1:
0xfe: {  	v6 =	vld [tilespmem:s9+$0x38B0];
	v11 =	vadd.f32 v10, v8;
	v12 =	vadd.f32 v12, v7;
	(pc) =	sbr.rel @p0 .LBB2_5-.Ltmp1, $4  }
0xff: {  	v2 =	vadd.f32 v14, v2;
	v8 =	vld [tilespmem:s9+$0x38F0]  }
0x100: {  	v7 =	vld [tilespmem:s9+$0x3930];
	v13 =	vadd.f32 v9, v13  }
0x101: {  	v9 =	vld [tilespmem:s9+$0x3970]  }
0x102: {  	s10 =	sadd.s32 $0x800, s10;
	v10 =	vld [tilespmem:s9+$0x39B0];
	v12 =	vadd.f32 v13, v12  }
0x103: {  	v13 =	vld [tilespmem:s9+$0x39F0]  }
0x104: {  	v14 =	vld [tilespmem:s9+$0x3800]  }
0x105: {  	v15 =	vld [tilespmem:s9+$0x3840]  }
0x106: {  	v16 =	vld [tilespmem:s9+$0x3880]  }
0x107: {  	v17 =	vld [tilespmem:s9+$0x38C0]  }
0x108: {  	v18 =	vld [tilespmem:s9+$0x3900]  }
0x109: {  	v19 =	vld [tilespmem:s9+$0x3940]  }
0x10a: {  	v20 =	vld [tilespmem:s9+$0x3980]  }
0x10b: {  	v21 =	vld [tilespmem:s9+$0x39C0]  }
0x10c: {  	v22 =	vld [tilespmem:s9+$0x3810]  }
0x10d: {  	v23 =	vld [tilespmem:s9+$0x3850]  }
0x10e: {  	v24 =	vld [tilespmem:s9+$0x3890]  }
0x10f: {  	v25 =	vld [tilespmem:s9+$0x38D0]  }
0x110: {  	v26 =	vld [tilespmem:s9+$0x3910]  }
0x111: {  	v27 =	vld [tilespmem:s9+$0x3950]  }
0x112: {  	v28 =	vld [tilespmem:s9+$0x3990]  }
0x113: {  	v29 =	vld [tilespmem:s9+$0x39D0]  }
0x114: {  	v30 =	vld [tilespmem:s9+$0x3860];
	v11 =	vadd.f32 v12, v11  }
0x115: {  	v4 =	vadd.f32 v5, v4;
	v53 =	vld [tilespmem:s9+$0x3960];
	v5 =	vadd.f32 v8, v6  }
0x116: {  	v12 =	vld [tilespmem:s9+$0x3820];
	v3 =	vadd.f32 v11, v3  }
0x117: {  	v6 =	vld [tilespmem:s9+$0x38E0];
	v7 =	vadd.f32 v9, v7;
	v4 =	vadd.f32 v5, v4  }
0x118: {  	v11 =	vld [tilespmem:s9+$0x38A0];
	v8 =	vadd.f32 v15, v14;
	v14 =	vadd.f32 v17, v16  }
0x119: {  	v15 =	vld [tilespmem:s9+$0x3920];
	v51 =	vadd.f32 v19, v18;
	v52 =	vadd.f32 v21, v20  }
0x11a: {  	v9 =	vadd.f32 v13, v10;
	v10 =	vld [tilespmem:s9+$0x39A0];
	v5 =	vadd.f32 v23, v22  }
0x11b: {  	v54 =	vadd.f32 v27, v26;
	v8 =	vadd.f32 v14, v8;
	v14 =	vld [tilespmem:s9+$0x39E0]  }
0x11c: {  	v55 =	vadd.f32 v29, v28;
	v13 =	vadd.f32 v52, v51  }
0x11d: {  	v12 =	vadd.f32 v30, v12;
	v7 =	vadd.f32 v9, v7  }
0x11e: {  	v6 =	vadd.f32 v6, v11;
	v8 =	vadd.f32 v13, v8  }
0x11f: {  	v13 =	vadd.f32 v25, v24;
	v4 =	vadd.f32 v7, v4  }
0x120: {  	v11 =	vadd.f32 v53, v15;
	v10 =	vadd.f32 v14, v10  }
0x121: {  	v5 =	vadd.f32 v13, v5;
	v13 =	vadd.f32 v55, v54  }
0x122: {  	v6 =	vadd.f32 v6, v12;
	v10 =	vadd.f32 v10, v11  }
0x123: {  	v1 =	vadd.f32 v8, v1;
	v5 =	vadd.f32 v13, v5  }
0x124: {  	v0 =	vadd.f32 v4, v0;
	v6 =	vadd.f32 v10, v6  }
0x125: {  	[tilespmem:s15+$0x13240] =	vst v1;
	v2 =	vadd.f32 v5, v2  }
0x126: {  	[tilespmem:s15+$0x13270] =	vst v0;
	v3 =	vadd.f32 v6, v3  }
0x127: {  	[tilespmem:s15+$0x13250] =	vst v2  }
0x128: {  	[tilespmem:s15+$0x13260] =	vst v3  }
0x129: {  	_ =	swait.ge [sflag:s18], $0x100  }
0x12a: {  	[sflag:s18] =	ssyncset.done $0x0  }
0x12b: {  	[sflag:s18] =	ssyncadd.s32 $0xFFFFFF00  }
0x12c: {  	_ =	swait.ge [sflag:s18], $0x100  }
0x12d: {  	[sflag:s18] =	ssyncset.done $0x0  }
0x12e: {  	[sflag:s18] =	ssyncadd.s32 $0xFFFFFF00  }
0x12f: {  	[tilespmem:s20], [sflag:$0x2] =	stream.indirect.gather [hbm4b:s5+s19], $0x40, s3, s19, $0xb8;
	[tilespmem:$0x1B200] =	vst v63  }
0x130: {  	_ = 	snop  }
0x131: {  	[tilespmem:s22], [sflag:$0x2] =	stream.indirect.gather [hbm4b:s5+s21], $0x40, s17, s21, $0xb8;
	[tilespmem:$0x1B200] =	vst v63  }
0x132: {  	_ = 	snop  }
0x133: {  	[tilespmem:s23], [sflag:$0x2] =	stream.indirect.gather [hbm4b:s5+s19], $0x40, s19, s19, $0xb8;
	[tilespmem:$0x1B200] =	vst v63  }
0x134: {  	p0 =	seq.s32 s11, $0x54  }
0x135: {  	[tilespmem:s25], [sflag:$0x2] =	stream.indirect.gather [hbm4b:s5+s21], $0x40, s24, s21, $0xb8;
	[tilespmem:$0x1B200] =	vst v63  }
0x136: {  	s9 =	sadd.s32 @!p0 s16, s13;
	_ =	swait.ge [sflag:s8], $0x6400  }
0x137: {  	s0 =	simm.s32 @!p0 $0x0;
	s9 =	sshrl.u32 @!p0 s9, $0x3;
	[sflag:s8] =	ssyncset.done $0x0  }
0x138: {  	s2 =	simm.s32 @!p0 $0x100;
	s10 =	sadd.s32 @!p0 s1, s9;
	[sflag:s8] =	ssyncadd.s32 $0xFFFF9C00  }
0x139: {  	[tilespmem:s2], [sflag:$0x1] =	stream.linear.gather @!p0 [hbm4b:s10+s0], $0x100, $0x38;
	[tilespmem:$0x1B200] =	vst v63  }
0x13a: {  	s2 =	sadd.s32 @!p0 s4, s9;
	s9 =	simm.s32 @!p0 $0x400;
	s10 =	simm.s32 $0x0  }
0x13b: {  	[tilespmem:s9], [sflag:$0x1] =	stream.linear.gather @!p0 [hbm4b:s2+s0], $0x100, $0x38;
	[tilespmem:$0x1B200] =	vst v63  }
0x13c: {  	v0 =	vld [tilespmem:s10+$0x6A30]  }
0x13d: {  	v1 =	vld [tilespmem:s10+$0x6A70]  }
0x13e: {  	v2 =	vld [tilespmem:s10+$0x6AB0]  }
0x13f: {  	v3 =	vld [tilespmem:s10+$0x6AF0]  }
0x140: {  	v4 =	vld [tilespmem:s10+$0x6B30]  }
0x141: {  	v5 =	vld [tilespmem:s10+$0x6B70]  }
0x142: {  	v6 =	vld [tilespmem:s10+$0x6BB0]  }
0x143: {  	v7 =	vld [tilespmem:s10+$0x6BF0]  }
0x144: {  	v8 =	vld [tilespmem:s10+$0x6A00]  }
0x145: {  	v9 =	vld [tilespmem:s10+$0x6A40]  }
0x146: {  	v10 =	vld [tilespmem:s10+$0x6A80]  }
0x147: {  	v11 =	vld [tilespmem:s10+$0x6AC0]  }
0x148: {  	v12 =	vld [tilespmem:s10+$0x6B00]  }
0x149: {  	v13 =	vld [tilespmem:s10+$0x6B40]  }
0x14a: {  	v14 =	vld [tilespmem:s10+$0x6B80]  }
0x14b: {  	v15 =	vld [tilespmem:s10+$0x6BC0]  }
0x14c: {  	v56 =	vld [tilespmem:s10+$0x6A10]  }
0x14d: {  	v57 =	vld [tilespmem:s10+$0x6A50]  }
0x14e: {  	v58 =	vld [tilespmem:s10+$0x6A90]  }
0x14f: {  	v59 =	vld [tilespmem:s10+$0x6AD0]  }
0x150: {  	v60 =	vld [tilespmem:s10+$0x6B10]  }
0x151: {  	v61 =	vld [tilespmem:s10+$0x6B50]  }
0x152: {  	v62 =	vld [tilespmem:s10+$0x6B90]  }
0x153: {  	v63 =	vld [tilespmem:s10+$0x6AA0];
	v0 =	vadd.f32 v1, v0;
	v1 =	vadd.f32 v3, v2  }
0x154: {  	v2 =	vld [tilespmem:s10+$0x6BD0];
	v3 =	vadd.f32 v5, v4;
	v4 =	vadd.f32 v7, v6  }
0x155: {  	v6 =	vld [tilespmem:s10+$0x6A20]  }
0x156: {  	v7 =	vld [tilespmem:s10+$0x6A60];
	v0 =	vadd.f32 v1, v0;
	v1 =	vadd.f32 v4, v3  }
0x157: {  	v3 =	vadd.f32 v9, v8;
	v4 =	vadd.f32 v11, v10;
	v8 =	vld [tilespmem:s10+$0x6AE0]  }
0x158: {  	v5 =	vadd.f32 v59, v58;
	v9 =	vld [tilespmem:s10+$0x6B20];
	v0 =	vadd.f32 v1, v0  }
0x159: {  	v11 =	vld [tilespmem:s10+$0x6B60];
	v1 =	vadd.f32 v13, v12;
	v10 =	vadd.f32 v4, v3  }
0x15a: {  	v3 =	vadd.f32 v15, v14;
	v4 =	vadd.f32 v57, v56;
	v12 =	vld [tilespmem:s10+$0x6BA0]  }
0x15b: {  	s9 =	simm.s32 $0x200;
	v13 =	vadd.f32 v61, v60;
	v14 =	vld [tilespmem:s10+$0x6BE0];
	v2 =	vadd.f32 v2, v62  }
0x15c: {  	v1 =	vadd.f32 v3, v1;
	v3 =	vimm.f32 $0.0e+00;
	v15 =	vadd.f32 v5, v4;
	v4 =	vld [tilespmem:s9+$0x6A30]  }
0x15d: {  	v5 =	vld [tilespmem:s9+$0x6A70];
	v0 =	vadd.f32 v0, v3;
	v2 =	vadd.f32 v2, v13  }
0x15e: {  	v13 =	vadd.f32 v8, v63;
	v8 =	vld [tilespmem:s9+$0x6AF0];
	v1 =	vadd.f32 v1, v10  }
0x15f: {  	v10 =	vadd.f32 v7, v6;
	v6 =	vld [tilespmem:s9+$0x6AB0];
	v2 =	vadd.f32 v2, v15  }
0x160: {  	v7 =	vld [tilespmem:s9+$0x6B30];
	v15 =	vadd.f32 v11, v9;
	v12 =	vadd.f32 v14, v12  }
0x161: {  	v9 =	vld [tilespmem:s9+$0x6B70];
	v1 =	vadd.f32 v1, v3;
	v11 =	vadd.f32 v13, v10  }
0x162: {  	s10 =	simm.s32 $0x1000;
	v10 =	vld [tilespmem:s9+$0x6BB0];
	v2 =	vadd.f32 v2, v3;
	v12 =	vadd.f32 v12, v15  }
.LBB2_7:
0x163: {  	p0 =	sne.s32 s10, $0xC000;
	v13 =	vld [tilespmem:s9+$0x6BF0]  }
0x164: {  	v14 =	vld [tilespmem:s9+$0x6A00];
	v11 =	vadd.f32 v12, v11  }
0x165: {  	v12 =	vld [tilespmem:s9+$0x6A40]  }
0x166: {  	v15 =	vld [tilespmem:s9+$0x6A80];
	v3 =	vadd.f32 v11, v3  }
0x167: {  	v4 =	vadd.f32 v5, v4;
	v5 =	vadd.f32 v8, v6;
	v11 =	vld [tilespmem:s9+$0x6AC0]  }
0x168: {  	v7 =	vadd.f32 v9, v7;
	v6 =	vld [tilespmem:s9+$0x6B00];
	v8 =	vadd.f32 v13, v10  }
0x169: {  	v9 =	vld [tilespmem:s9+$0x6B40]  }
0x16a: {  	v4 =	vadd.f32 v5, v4;
	v10 =	vld [tilespmem:s9+$0x6B80];
	v5 =	vadd.f32 v8, v7  }
0x16b: {  	v8 =	vadd.f32 v12, v14;
	v7 =	vld [tilespmem:s9+$0x6BC0]  }
0x16c: {  	v11 =	vadd.f32 v11, v15;
	v12 =	vld [tilespmem:s9+$0x6A10];
	v4 =	vadd.f32 v5, v4  }
0x16d: {  	v5 =	vld [tilespmem:s9+$0x6A50]  }
0x16e: {  	v6 =	vadd.f32 v9, v6;
	v9 =	vld [tilespmem:s9+$0x6A90];
	v0 =	vadd.f32 v4, v0  }
0x16f: {  	v4 =	vadd.f32 v11, v8;
	v8 =	vld [tilespmem:s9+$0x6AD0]  }
0x170: {  	v7 =	vadd.f32 v7, v10;
	v10 =	vld [tilespmem:s9+$0x6B10]  }
0x171: {  	v11 =	vld [tilespmem:s9+$0x6B50]  }
0x172: {  	v6 =	vadd.f32 v7, v6;
	v7 =	vld [tilespmem:s9+$0x6B90];
	v5 =	vadd.f32 v5, v12  }
0x173: {  	v12 =	vld [tilespmem:s9+$0x6BD0]  }
0x174: {  	v4 =	vadd.f32 v6, v4;
	v6 =	vadd.f32 v8, v9;
	v8 =	vld [tilespmem:s9+$0x6A20]  }
0x175: {  	v9 =	vld [tilespmem:s9+$0x6A60]  }
0x176: {  	v5 =	vadd.f32 v6, v5;
	v6 =	vadd.f32 v11, v10;
	v10 =	vld [tilespmem:s9+$0x6AA0]  }
0x177: {  	v1 =	vadd.f32 v4, v1;
	v11 =	vld [tilespmem:s9+$0x6AE0]  }
0x178: {  	v4 =	vadd.f32 v12, v7;
	v7 =	vld [tilespmem:s9+$0x6B20]  }
0x179: {  	v12 =	vld [tilespmem:s9+$0x6B60]  }
0x17a: {  	v6 =	vadd.f32 v4, v6;
	v13 =	vld [tilespmem:s9+$0x6BA0];
	v8 =	vadd.f32 v9, v8  }
0x17b: {  	v9 =	vld [tilespmem:s9+$0x6BE0];
	s9 =	sshra.s32 s10, $0x2  }
0x17c: {  	v4 =	vld [tilespmem:s9+$0x6A30];
	v14 =	vadd.f32 v6, v5;
	v10 =	vadd.f32 v11, v10  }
0x17d: {  	v5 =	vld [tilespmem:s9+$0x6A70]  }
.Ltmp2:
0x17e: {  	v6 =	vld [tilespmem:s9+$0x6AB0];
	v11 =	vadd.f32 v10, v8;
	v12 =	vadd.f32 v12, v7;
	(pc) =	sbr.rel @p0 .LBB2_7-.Ltmp2, $4  }
0x17f: {  	v2 =	vadd.f32 v14, v2;
	v8 =	vld [tilespmem:s9+$0x6AF0]  }
0x180: {  	v7 =	vld [tilespmem:s9+$0x6B30];
	v13 =	vadd.f32 v9, v13  }
0x181: {  	v9 =	vld [tilespmem:s9+$0x6B70]  }
0x182: {  	s10 =	sadd.s32 $0x800, s10;
	v10 =	vld [tilespmem:s9+$0x6BB0];
	v12 =	vadd.f32 v13, v12  }
0x183: {  	v13 =	vld [tilespmem:s9+$0x6BF0]  }
0x184: {  	v14 =	vld [tilespmem:s9+$0x6A00]  }
0x185: {  	v15 =	vld [tilespmem:s9+$0x6A40]  }
0x186: {  	v16 =	vld [tilespmem:s9+$0x6A80]  }
0x187: {  	v17 =	vld [tilespmem:s9+$0x6AC0]  }
0x188: {  	v18 =	vld [tilespmem:s9+$0x6B00]  }
0x189: {  	v19 =	vld [tilespmem:s9+$0x6B40]  }
0x18a: {  	v20 =	vld [tilespmem:s9+$0x6B80]  }
0x18b: {  	v21 =	vld [tilespmem:s9+$0x6BC0]  }
0x18c: {  	v22 =	vld [tilespmem:s9+$0x6A10]  }
0x18d: {  	v23 =	vld [tilespmem:s9+$0x6A50]  }
0x18e: {  	v24 =	vld [tilespmem:s9+$0x6A90]  }
0x18f: {  	v25 =	vld [tilespmem:s9+$0x6AD0]  }
0x190: {  	v26 =	vld [tilespmem:s9+$0x6B10]  }
0x191: {  	v27 =	vld [tilespmem:s9+$0x6B50]  }
0x192: {  	v28 =	vld [tilespmem:s9+$0x6B90]  }
0x193: {  	v29 =	vld [tilespmem:s9+$0x6BD0]  }
0x194: {  	v30 =	vld [tilespmem:s9+$0x6A60];
	v11 =	vadd.f32 v12, v11  }
0x195: {  	v4 =	vadd.f32 v5, v4;
	v53 =	vld [tilespmem:s9+$0x6B60];
	v5 =	vadd.f32 v8, v6  }
0x196: {  	v12 =	vld [tilespmem:s9+$0x6A20];
	v3 =	vadd.f32 v11, v3  }
0x197: {  	v6 =	vld [tilespmem:s9+$0x6AE0];
	v7 =	vadd.f32 v9, v7;
	v4 =	vadd.f32 v5, v4  }
0x198: {  	v11 =	vld [tilespmem:s9+$0x6AA0];
	v8 =	vadd.f32 v15, v14;
	v14 =	vadd.f32 v17, v16  }
0x199: {  	v15 =	vld [tilespmem:s9+$0x6B20];
	v51 =	vadd.f32 v19, v18;
	v52 =	vadd.f32 v21, v20  }
0x19a: {  	v9 =	vadd.f32 v13, v10;
	v10 =	vld [tilespmem:s9+$0x6BA0];
	v5 =	vadd.f32 v23, v22  }
0x19b: {  	v54 =	vadd.f32 v27, v26;
	v8 =	vadd.f32 v14, v8;
	v14 =	vld [tilespmem:s9+$0x6BE0]  }
0x19c: {  	v55 =	vadd.f32 v29, v28;
	v13 =	vadd.f32 v52, v51  }
0x19d: {  	v12 =	vadd.f32 v30, v12;
	v7 =	vadd.f32 v9, v7  }
0x19e: {  	v6 =	vadd.f32 v6, v11;
	v8 =	vadd.f32 v13, v8  }
0x19f: {  	v13 =	vadd.f32 v25, v24;
	v4 =	vadd.f32 v7, v4  }
0x1a0: {  	v11 =	vadd.f32 v53, v15;
	v10 =	vadd.f32 v14, v10  }
0x1a1: {  	v5 =	vadd.f32 v13, v5;
	v13 =	vadd.f32 v55, v54  }
0x1a2: {  	v6 =	vadd.f32 v6, v12;
	v10 =	vadd.f32 v10, v11  }
0x1a3: {  	v1 =	vadd.f32 v8, v1;
	v5 =	vadd.f32 v13, v5  }
0x1a4: {  	v0 =	vadd.f32 v4, v0;
	v6 =	vadd.f32 v10, v6  }
0x1a5: {  	[tilespmem:s15+$0x13280] =	vst v1;
	v2 =	vadd.f32 v5, v2  }
0x1a6: {  	[tilespmem:s15+$0x132B0] =	vst v0;
	v3 =	vadd.f32 v6, v3  }
0x1a7: {  	[tilespmem:s15+$0x13290] =	vst v2  }
0x1a8: {  	s0 =	simm.s32 $0x0;
	[tilespmem:s15+$0x132A0] =	vst v3  }
0x1a9: {  	v0 =	vld [tilespmem:s0+$0x9C30]  }
0x1aa: {  	v1 =	vld [tilespmem:s0+$0x9C70]  }
0x1ab: {  	v2 =	vld [tilespmem:s0+$0x9CB0]  }
0x1ac: {  	v3 =	vld [tilespmem:s0+$0x9CF0]  }
0x1ad: {  	v4 =	vld [tilespmem:s0+$0x9D30]  }
0x1ae: {  	v5 =	vld [tilespmem:s0+$0x9D70]  }
0x1af: {  	v6 =	vld [tilespmem:s0+$0x9DB0]  }
0x1b0: {  	v7 =	vld [tilespmem:s0+$0x9DF0]  }
0x1b1: {  	v8 =	vld [tilespmem:s0+$0x9C00]  }
0x1b2: {  	v9 =	vld [tilespmem:s0+$0x9C40]  }
0x1b3: {  	v10 =	vld [tilespmem:s0+$0x9C80]  }
0x1b4: {  	v11 =	vld [tilespmem:s0+$0x9CC0]  }
0x1b5: {  	v12 =	vld [tilespmem:s0+$0x9D00]  }
0x1b6: {  	v13 =	vld [tilespmem:s0+$0x9D40]  }
0x1b7: {  	v14 =	vld [tilespmem:s0+$0x9D80]  }
0x1b8: {  	v15 =	vld [tilespmem:s0+$0x9DC0]  }
0x1b9: {  	v56 =	vld [tilespmem:s0+$0x9C10]  }
0x1ba: {  	v57 =	vld [tilespmem:s0+$0x9C50]  }
0x1bb: {  	v58 =	vld [tilespmem:s0+$0x9C90]  }
0x1bc: {  	v59 =	vld [tilespmem:s0+$0x9CD0]  }
0x1bd: {  	v60 =	vld [tilespmem:s0+$0x9D10]  }
0x1be: {  	v61 =	vld [tilespmem:s0+$0x9D50]  }
0x1bf: {  	v62 =	vld [tilespmem:s0+$0x9D90]  }
0x1c0: {  	v63 =	vld [tilespmem:s0+$0x9CA0];
	v0 =	vadd.f32 v1, v0;
	v1 =	vadd.f32 v3, v2  }
0x1c1: {  	v2 =	vld [tilespmem:s0+$0x9DD0];
	v3 =	vadd.f32 v5, v4;
	v4 =	vadd.f32 v7, v6  }
0x1c2: {  	v6 =	vld [tilespmem:s0+$0x9C20]  }
0x1c3: {  	v7 =	vld [tilespmem:s0+$0x9C60];
	v0 =	vadd.f32 v1, v0;
	v1 =	vadd.f32 v4, v3  }
0x1c4: {  	v3 =	vadd.f32 v9, v8;
	v4 =	vadd.f32 v11, v10;
	v8 =	vld [tilespmem:s0+$0x9CE0]  }
0x1c5: {  	v5 =	vadd.f32 v59, v58;
	v9 =	vld [tilespmem:s0+$0x9D20];
	v0 =	vadd.f32 v1, v0  }
0x1c6: {  	v11 =	vld [tilespmem:s0+$0x9D60];
	v1 =	vadd.f32 v13, v12;
	v10 =	vadd.f32 v4, v3  }
0x1c7: {  	v3 =	vadd.f32 v15, v14;
	v4 =	vadd.f32 v57, v56;
	v12 =	vld [tilespmem:s0+$0x9DA0]  }
0x1c8: {  	s9 =	simm.s32 $0x200;
	v13 =	vadd.f32 v61, v60;
	v14 =	vld [tilespmem:s0+$0x9DE0];
	v2 =	vadd.f32 v2, v62  }
0x1c9: {  	v1 =	vadd.f32 v3, v1;
	v3 =	vimm.f32 $0.0e+00;
	v15 =	vadd.f32 v5, v4;
	v4 =	vld [tilespmem:s9+$0x9C30]  }
0x1ca: {  	v5 =	vld [tilespmem:s9+$0x9C70];
	v0 =	vadd.f32 v0, v3;
	v2 =	vadd.f32 v2, v13  }
0x1cb: {  	v13 =	vadd.f32 v8, v63;
	v8 =	vld [tilespmem:s9+$0x9CF0];
	v1 =	vadd.f32 v1, v10  }
0x1cc: {  	v10 =	vadd.f32 v7, v6;
	v6 =	vld [tilespmem:s9+$0x9CB0];
	v2 =	vadd.f32 v2, v15  }
0x1cd: {  	v7 =	vld [tilespmem:s9+$0x9D30];
	v15 =	vadd.f32 v11, v9;
	v12 =	vadd.f32 v14, v12  }
0x1ce: {  	v9 =	vld [tilespmem:s9+$0x9D70];
	v1 =	vadd.f32 v1, v3;
	v11 =	vadd.f32 v13, v10  }
0x1cf: {  	s10 =	simm.s32 $0x1000;
	v10 =	vld [tilespmem:s9+$0x9DB0];
	v2 =	vadd.f32 v2, v3;
	v12 =	vadd.f32 v12, v15  }
.LBB2_9:
0x1d0: {  	p0 =	sne.s32 s10, $0xC000;
	v13 =	vld [tilespmem:s9+$0x9DF0]  }
0x1d1: {  	v14 =	vld [tilespmem:s9+$0x9C00];
	v11 =	vadd.f32 v12, v11  }
0x1d2: {  	v12 =	vld [tilespmem:s9+$0x9C40]  }
0x1d3: {  	v15 =	vld [tilespmem:s9+$0x9C80];
	v3 =	vadd.f32 v11, v3  }
0x1d4: {  	v4 =	vadd.f32 v5, v4;
	v5 =	vadd.f32 v8, v6;
	v11 =	vld [tilespmem:s9+$0x9CC0]  }
0x1d5: {  	v7 =	vadd.f32 v9, v7;
	v6 =	vld [tilespmem:s9+$0x9D00];
	v8 =	vadd.f32 v13, v10  }
0x1d6: {  	v9 =	vld [tilespmem:s9+$0x9D40]  }
0x1d7: {  	v4 =	vadd.f32 v5, v4;
	v10 =	vld [tilespmem:s9+$0x9D80];
	v5 =	vadd.f32 v8, v7  }
0x1d8: {  	v8 =	vadd.f32 v12, v14;
	v7 =	vld [tilespmem:s9+$0x9DC0]  }
0x1d9: {  	v11 =	vadd.f32 v11, v15;
	v12 =	vld [tilespmem:s9+$0x9C10];
	v4 =	vadd.f32 v5, v4  }
0x1da: {  	v5 =	vld [tilespmem:s9+$0x9C50]  }
0x1db: {  	v6 =	vadd.f32 v9, v6;
	v9 =	vld [tilespmem:s9+$0x9C90];
	v0 =	vadd.f32 v4, v0  }
0x1dc: {  	v4 =	vadd.f32 v11, v8;
	v8 =	vld [tilespmem:s9+$0x9CD0]  }
0x1dd: {  	v7 =	vadd.f32 v7, v10;
	v10 =	vld [tilespmem:s9+$0x9D10]  }
0x1de: {  	v11 =	vld [tilespmem:s9+$0x9D50]  }
0x1df: {  	v6 =	vadd.f32 v7, v6;
	v7 =	vld [tilespmem:s9+$0x9D90];
	v5 =	vadd.f32 v5, v12  }
0x1e0: {  	v12 =	vld [tilespmem:s9+$0x9DD0]  }
0x1e1: {  	v4 =	vadd.f32 v6, v4;
	v6 =	vadd.f32 v8, v9;
	v8 =	vld [tilespmem:s9+$0x9C20]  }
0x1e2: {  	v9 =	vld [tilespmem:s9+$0x9C60]  }
0x1e3: {  	v5 =	vadd.f32 v6, v5;
	v6 =	vadd.f32 v11, v10;
	v10 =	vld [tilespmem:s9+$0x9CA0]  }
0x1e4: {  	v1 =	vadd.f32 v4, v1;
	v11 =	vld [tilespmem:s9+$0x9CE0]  }
0x1e5: {  	v4 =	vadd.f32 v12, v7;
	v7 =	vld [tilespmem:s9+$0x9D20]  }
0x1e6: {  	v12 =	vld [tilespmem:s9+$0x9D60]  }
0x1e7: {  	v6 =	vadd.f32 v4, v6;
	v13 =	vld [tilespmem:s9+$0x9DA0];
	v8 =	vadd.f32 v9, v8  }
0x1e8: {  	v9 =	vld [tilespmem:s9+$0x9DE0];
	s9 =	sshra.s32 s10, $0x2  }
0x1e9: {  	v4 =	vld [tilespmem:s9+$0x9C30];
	v14 =	vadd.f32 v6, v5;
	v10 =	vadd.f32 v11, v10  }
0x1ea: {  	v5 =	vld [tilespmem:s9+$0x9C70]  }
.Ltmp3:
0x1eb: {  	v6 =	vld [tilespmem:s9+$0x9CB0];
	v11 =	vadd.f32 v10, v8;
	v12 =	vadd.f32 v12, v7;
	(pc) =	sbr.rel @p0 .LBB2_9-.Ltmp3, $4  }
0x1ec: {  	v2 =	vadd.f32 v14, v2;
	v8 =	vld [tilespmem:s9+$0x9CF0]  }
0x1ed: {  	v7 =	vld [tilespmem:s9+$0x9D30];
	v13 =	vadd.f32 v9, v13  }
0x1ee: {  	v9 =	vld [tilespmem:s9+$0x9D70]  }
0x1ef: {  	s10 =	sadd.s32 $0x800, s10;
	v10 =	vld [tilespmem:s9+$0x9DB0];
	v12 =	vadd.f32 v13, v12  }
0x1f0: {  	v13 =	vld [tilespmem:s9+$0x9DF0]  }
0x1f1: {  	v14 =	vld [tilespmem:s9+$0x9C00]  }
0x1f2: {  	v15 =	vld [tilespmem:s9+$0x9C40]  }
0x1f3: {  	v16 =	vld [tilespmem:s9+$0x9C80]  }
0x1f4: {  	v17 =	vld [tilespmem:s9+$0x9CC0]  }
0x1f5: {  	v18 =	vld [tilespmem:s9+$0x9D00]  }
0x1f6: {  	v19 =	vld [tilespmem:s9+$0x9D40]  }
0x1f7: {  	v20 =	vld [tilespmem:s9+$0x9D80]  }
0x1f8: {  	v21 =	vld [tilespmem:s9+$0x9DC0]  }
0x1f9: {  	v22 =	vld [tilespmem:s9+$0x9C10]  }
0x1fa: {  	v23 =	vld [tilespmem:s9+$0x9C50]  }
0x1fb: {  	v24 =	vld [tilespmem:s9+$0x9C90]  }
0x1fc: {  	v25 =	vld [tilespmem:s9+$0x9CD0]  }
0x1fd: {  	v26 =	vld [tilespmem:s9+$0x9D10]  }
0x1fe: {  	v27 =	vld [tilespmem:s9+$0x9D50]  }
0x1ff: {  	v28 =	vld [tilespmem:s9+$0x9D90]  }
0x200: {  	v29 =	vld [tilespmem:s9+$0x9DD0]  }
0x201: {  	v30 =	vld [tilespmem:s9+$0x9C60];
	v11 =	vadd.f32 v12, v11  }
0x202: {  	v4 =	vadd.f32 v5, v4;
	v53 =	vld [tilespmem:s9+$0x9D60];
	v5 =	vadd.f32 v8, v6  }
0x203: {  	v12 =	vld [tilespmem:s9+$0x9C20];
	v3 =	vadd.f32 v11, v3  }
0x204: {  	v6 =	vld [tilespmem:s9+$0x9CE0];
	v7 =	vadd.f32 v9, v7;
	v4 =	vadd.f32 v5, v4  }
0x205: {  	v11 =	vld [tilespmem:s9+$0x9CA0];
	v8 =	vadd.f32 v15, v14;
	v14 =	vadd.f32 v17, v16  }
0x206: {  	v15 =	vld [tilespmem:s9+$0x9D20];
	v51 =	vadd.f32 v19, v18;
	v52 =	vadd.f32 v21, v20  }
0x207: {  	v9 =	vadd.f32 v13, v10;
	v10 =	vld [tilespmem:s9+$0x9DA0];
	v5 =	vadd.f32 v23, v22  }
0x208: {  	v54 =	vadd.f32 v27, v26;
	v8 =	vadd.f32 v14, v8;
	v14 =	vld [tilespmem:s9+$0x9DE0]  }
0x209: {  	v55 =	vadd.f32 v29, v28;
	v13 =	vadd.f32 v52, v51  }
0x20a: {  	v12 =	vadd.f32 v30, v12;
	v7 =	vadd.f32 v9, v7  }
0x20b: {  	v6 =	vadd.f32 v6, v11;
	v8 =	vadd.f32 v13, v8  }
0x20c: {  	v13 =	vadd.f32 v25, v24;
	v4 =	vadd.f32 v7, v4  }
0x20d: {  	v11 =	vadd.f32 v53, v15;
	v10 =	vadd.f32 v14, v10  }
0x20e: {  	v5 =	vadd.f32 v13, v5;
	v13 =	vadd.f32 v55, v54  }
0x20f: {  	v6 =	vadd.f32 v6, v12;
	v10 =	vadd.f32 v10, v11  }
0x210: {  	v1 =	vadd.f32 v8, v1;
	v5 =	vadd.f32 v13, v5  }
0x211: {  	v0 =	vadd.f32 v4, v0;
	v6 =	vadd.f32 v10, v6  }
0x212: {  	[tilespmem:s15+$0x132C0] =	vst v1;
	v2 =	vadd.f32 v5, v2  }
0x213: {  	[tilespmem:s15+$0x132F0] =	vst v0;
	v3 =	vadd.f32 v6, v3  }
0x214: {  	p0 =	sne.s32 s11, $0x54;
	[tilespmem:s15+$0x132D0] =	vst v2  }
0x215: {  	s0 =	simm.s32 @p0 $0x1;
	[tilespmem:s15+$0x132E0] =	vst v3  }
0x216: {  	_ =	swait.ge @p0 [sflag:s0], $0x100  }
0x217: {  	[sflag:s0] =	ssyncset.done @p0 $0x0  }
0x218: {  	[sflag:s0] =	ssyncadd.s32 @p0 $0xFFFFFF00  }
0x219: {  	_ =	swait.ge @p0 [sflag:s0], $0x100  }
0x21a: {  	s2 =	simm.s32 @p0 $0x100;
	[sflag:s0] =	ssyncset.done @p0 $0x0  }
0x21b: {  	s9 =	simm.s32 @p0 $0x6A00;
	[sflag:s0] =	ssyncadd.s32 @p0 $0xFFFFFF00;
	s0 =	simm.s32 @p0 $0x80  }
0x21c: {  	[tilespmem:s9], [sflag:$0x3] =	stream.indirect.gather @p0 [hbm4b:s5+s0], $0x40, s2, s0, $0xb8;
	[tilespmem:$0x1B200] =	vst v63  }
0x21d: {  	s10 =	simm.s32 @p0 $0x8A00;
	s2 =	simm.s32 @p0 $0x48;
	s9 =	simm.s32 @p0 $0x400  }
0x21e: {  	[tilespmem:s10], [sflag:$0x3] =	stream.indirect.gather @p0 [hbm4b:s5+s2], $0x40, s9, s2, $0xb8;
	[tilespmem:$0x1B200] =	vst v63  }
0x21f: {  	s9 =	simm.s32 @p0 $0x180;
	s10 =	simm.s32 @p0 $0x9C00  }
0x220: {  	[tilespmem:s10], [sflag:$0x3] =	stream.indirect.gather @p0 [hbm4b:s5+s0], $0x40, s9, s0, $0xb8;
	[tilespmem:$0x1B200] =	vst v63  }
0x221: {  	s0 =	simm.s32 @p0 $0x480;
	s9 =	simm.s32 @p0 $0xBC00  }
0x222: {  	[tilespmem:s9], [sflag:$0x3] =	stream.indirect.gather @p0 [hbm4b:s5+s2], $0x40, s0, s2, $0xb8;
	[tilespmem:$0x1B200] =	vst v63  }
0x223: {  	s0 =	simm.s32 @p0 $0x4  }
0x224: {  	_ =	swait.ge @p0 [sflag:s0], $0x6400  }
0x225: {  	s2 =	sadd.s32 @p0 s16, s14;
	[sflag:s0] =	ssyncset.done @p0 $0x0  }
0x226: {  	[sflag:s0] =	ssyncadd.s32 @p0 $0xFFFF9C00;
	s0 =	sshrl.u32 @p0 s2, $0x3  }
0x227: {  	s10 =	simm.s32 @p0 $0x200;
	s9 =	simm.s32 @p0 $0x0;
	s2 =	sadd.s32 @p0 s1, s0  }
0x228: {  	[tilespmem:s10], [sflag:$0x1] =	stream.linear.gather @p0 [hbm4b:s2+s9], $0x100, $0x38;
	[tilespmem:$0x1B200] =	vst v63  }
0x229: {  	s0 =	sadd.s32 @p0 s4, s0;
	s2 =	simm.s32 @p0 $0x500  }
0x22a: {  	[tilespmem:s2], [sflag:$0x1] =	stream.linear.gather @p0 [hbm4b:s0+s9], $0x100, $0x38;
	[tilespmem:$0x1B200] =	vst v63  }
0x22b: {  	s0 =	simm.s32 @!p0 $0x4  }
0x22c: {  	_ =	swait.ge @!p0 [sflag:s0], $0x6400  }
0x22d: {  	[sflag:s0] =	ssyncset.done @!p0 $0x0  }
0x22e: {  	s16 =	simm.s32 $0x0;
	[sflag:s0] =	ssyncadd.s32 @!p0 $0xFFFF9C00  }
0x22f: {  	v0 =	vld [tilespmem:s16+$0xCE30]  }
0x230: {  	v1 =	vld [tilespmem:s16+$0xCE70]  }
0x231: {  	v2 =	vld [tilespmem:s16+$0xCEB0]  }
0x232: {  	v3 =	vld [tilespmem:s16+$0xCEF0]  }
0x233: {  	v4 =	vld [tilespmem:s16+$0xCF30]  }
0x234: {  	v5 =	vld [tilespmem:s16+$0xCF70]  }
0x235: {  	v6 =	vld [tilespmem:s16+$0xCFB0]  }
0x236: {  	v7 =	vld [tilespmem:s16+$0xCFF0]  }
0x237: {  	v8 =	vld [tilespmem:s16+$0xCE00]  }
0x238: {  	v9 =	vld [tilespmem:s16+$0xCE40]  }
0x239: {  	v10 =	vld [tilespmem:s16+$0xCE80]  }
0x23a: {  	v11 =	vld [tilespmem:s16+$0xCEC0]  }
0x23b: {  	v12 =	vld [tilespmem:s16+$0xCF00]  }
0x23c: {  	v13 =	vld [tilespmem:s16+$0xCF40]  }
0x23d: {  	v14 =	vld [tilespmem:s16+$0xCF80]  }
0x23e: {  	v15 =	vld [tilespmem:s16+$0xCFC0]  }
0x23f: {  	v56 =	vld [tilespmem:s16+$0xCE10]  }
0x240: {  	v57 =	vld [tilespmem:s16+$0xCE50]  }
0x241: {  	v58 =	vld [tilespmem:s16+$0xCE90]  }
0x242: {  	v59 =	vld [tilespmem:s16+$0xCED0]  }
0x243: {  	v60 =	vld [tilespmem:s16+$0xCF10]  }
0x244: {  	v61 =	vld [tilespmem:s16+$0xCF50]  }
0x245: {  	v62 =	vld [tilespmem:s16+$0xCF90]  }
0x246: {  	v63 =	vld [tilespmem:s16+$0xCEA0];
	v0 =	vadd.f32 v1, v0;
	v1 =	vadd.f32 v3, v2  }
0x247: {  	v2 =	vld [tilespmem:s16+$0xCFD0];
	v3 =	vadd.f32 v5, v4;
	v4 =	vadd.f32 v7, v6  }
0x248: {  	v6 =	vld [tilespmem:s16+$0xCE20]  }
0x249: {  	v7 =	vld [tilespmem:s16+$0xCE60];
	v0 =	vadd.f32 v1, v0;
	v1 =	vadd.f32 v4, v3  }
0x24a: {  	v3 =	vadd.f32 v9, v8;
	v4 =	vadd.f32 v11, v10;
	v8 =	vld [tilespmem:s16+$0xCEE0]  }
0x24b: {  	v5 =	vadd.f32 v59, v58;
	v9 =	vld [tilespmem:s16+$0xCF20];
	v0 =	vadd.f32 v1, v0  }
0x24c: {  	v11 =	vld [tilespmem:s16+$0xCF60];
	v1 =	vadd.f32 v13, v12;
	v10 =	vadd.f32 v4, v3  }
0x24d: {  	v3 =	vadd.f32 v15, v14;
	v4 =	vadd.f32 v57, v56;
	v12 =	vld [tilespmem:s16+$0xCFA0]  }
0x24e: {  	s9 =	simm.s32 $0x200;
	v13 =	vadd.f32 v61, v60;
	v14 =	vld [tilespmem:s16+$0xCFE0];
	v2 =	vadd.f32 v2, v62  }
0x24f: {  	v1 =	vadd.f32 v3, v1;
	v3 =	vimm.f32 $0.0e+00;
	v15 =	vadd.f32 v5, v4;
	v4 =	vld [tilespmem:s9+$0xCE30]  }
0x250: {  	v5 =	vld [tilespmem:s9+$0xCE70];
	v0 =	vadd.f32 v0, v3;
	v2 =	vadd.f32 v2, v13  }
0x251: {  	v13 =	vadd.f32 v8, v63;
	v8 =	vld [tilespmem:s9+$0xCEF0];
	v1 =	vadd.f32 v1, v10  }
0x252: {  	v10 =	vadd.f32 v7, v6;
	v6 =	vld [tilespmem:s9+$0xCEB0];
	v2 =	vadd.f32 v2, v15  }
0x253: {  	v7 =	vld [tilespmem:s9+$0xCF30];
	v15 =	vadd.f32 v11, v9;
	v12 =	vadd.f32 v14, v12  }
0x254: {  	v9 =	vld [tilespmem:s9+$0xCF70];
	v1 =	vadd.f32 v1, v3;
	v11 =	vadd.f32 v13, v10  }
0x255: {  	s10 =	simm.s32 $0x1000;
	v10 =	vld [tilespmem:s9+$0xCFB0];
	v2 =	vadd.f32 v2, v3;
	v12 =	vadd.f32 v12, v15  }
.LBB2_11:
0x256: {  	p0 =	sne.s32 s10, $0xC000;
	v13 =	vld [tilespmem:s9+$0xCFF0]  }
0x257: {  	v14 =	vld [tilespmem:s9+$0xCE00];
	v11 =	vadd.f32 v12, v11  }
0x258: {  	v12 =	vld [tilespmem:s9+$0xCE40]  }
0x259: {  	v15 =	vld [tilespmem:s9+$0xCE80];
	v3 =	vadd.f32 v11, v3  }
0x25a: {  	v4 =	vadd.f32 v5, v4;
	v5 =	vadd.f32 v8, v6;
	v11 =	vld [tilespmem:s9+$0xCEC0]  }
0x25b: {  	v7 =	vadd.f32 v9, v7;
	v6 =	vld [tilespmem:s9+$0xCF00];
	v8 =	vadd.f32 v13, v10  }
0x25c: {  	v9 =	vld [tilespmem:s9+$0xCF40]  }
0x25d: {  	v4 =	vadd.f32 v5, v4;
	v10 =	vld [tilespmem:s9+$0xCF80];
	v5 =	vadd.f32 v8, v7  }
0x25e: {  	v8 =	vadd.f32 v12, v14;
	v7 =	vld [tilespmem:s9+$0xCFC0]  }
0x25f: {  	v11 =	vadd.f32 v11, v15;
	v12 =	vld [tilespmem:s9+$0xCE10];
	v4 =	vadd.f32 v5, v4  }
0x260: {  	v5 =	vld [tilespmem:s9+$0xCE50]  }
0x261: {  	v6 =	vadd.f32 v9, v6;
	v9 =	vld [tilespmem:s9+$0xCE90];
	v0 =	vadd.f32 v4, v0  }
0x262: {  	v4 =	vadd.f32 v11, v8;
	v8 =	vld [tilespmem:s9+$0xCED0]  }
0x263: {  	v7 =	vadd.f32 v7, v10;
	v10 =	vld [tilespmem:s9+$0xCF10]  }
0x264: {  	v11 =	vld [tilespmem:s9+$0xCF50]  }
0x265: {  	v6 =	vadd.f32 v7, v6;
	v7 =	vld [tilespmem:s9+$0xCF90];
	v5 =	vadd.f32 v5, v12  }
0x266: {  	v12 =	vld [tilespmem:s9+$0xCFD0]  }
0x267: {  	v4 =	vadd.f32 v6, v4;
	v6 =	vadd.f32 v8, v9;
	v8 =	vld [tilespmem:s9+$0xCE20]  }
0x268: {  	v9 =	vld [tilespmem:s9+$0xCE60]  }
0x269: {  	v5 =	vadd.f32 v6, v5;
	v6 =	vadd.f32 v11, v10;
	v10 =	vld [tilespmem:s9+$0xCEA0]  }
0x26a: {  	v1 =	vadd.f32 v4, v1;
	v11 =	vld [tilespmem:s9+$0xCEE0]  }
0x26b: {  	v4 =	vadd.f32 v12, v7;
	v7 =	vld [tilespmem:s9+$0xCF20]  }
0x26c: {  	v12 =	vld [tilespmem:s9+$0xCF60]  }
0x26d: {  	v6 =	vadd.f32 v4, v6;
	v13 =	vld [tilespmem:s9+$0xCFA0];
	v8 =	vadd.f32 v9, v8  }
0x26e: {  	v9 =	vld [tilespmem:s9+$0xCFE0];
	s9 =	sshra.s32 s10, $0x2  }
0x26f: {  	v4 =	vld [tilespmem:s9+$0xCE30];
	v14 =	vadd.f32 v6, v5;
	v10 =	vadd.f32 v11, v10  }
0x270: {  	v5 =	vld [tilespmem:s9+$0xCE70]  }
.Ltmp4:
0x271: {  	v6 =	vld [tilespmem:s9+$0xCEB0];
	v11 =	vadd.f32 v10, v8;
	v12 =	vadd.f32 v12, v7;
	(pc) =	sbr.rel @p0 .LBB2_11-.Ltmp4, $4  }
0x272: {  	v2 =	vadd.f32 v14, v2;
	v8 =	vld [tilespmem:s9+$0xCEF0]  }
0x273: {  	v7 =	vld [tilespmem:s9+$0xCF30];
	v13 =	vadd.f32 v9, v13  }
0x274: {  	v9 =	vld [tilespmem:s9+$0xCF70]  }
0x275: {  	s10 =	sadd.s32 $0x800, s10;
	v10 =	vld [tilespmem:s9+$0xCFB0];
	v12 =	vadd.f32 v13, v12  }
0x276: {  	v13 =	vld [tilespmem:s9+$0xCFF0]  }
0x277: {  	v14 =	vld [tilespmem:s9+$0xCE00]  }
0x278: {  	v15 =	vld [tilespmem:s9+$0xCE40]  }
0x279: {  	v16 =	vld [tilespmem:s9+$0xCE80]  }
0x27a: {  	v17 =	vld [tilespmem:s9+$0xCEC0]  }
0x27b: {  	v18 =	vld [tilespmem:s9+$0xCF00]  }
0x27c: {  	v19 =	vld [tilespmem:s9+$0xCF40]  }
0x27d: {  	v20 =	vld [tilespmem:s9+$0xCF80]  }
0x27e: {  	v21 =	vld [tilespmem:s9+$0xCFC0]  }
0x27f: {  	v22 =	vld [tilespmem:s9+$0xCE10]  }
0x280: {  	v23 =	vld [tilespmem:s9+$0xCE50]  }
0x281: {  	v24 =	vld [tilespmem:s9+$0xCE90]  }
0x282: {  	v25 =	vld [tilespmem:s9+$0xCED0]  }
0x283: {  	v26 =	vld [tilespmem:s9+$0xCF10]  }
0x284: {  	v27 =	vld [tilespmem:s9+$0xCF50]  }
0x285: {  	v28 =	vld [tilespmem:s9+$0xCF90]  }
0x286: {  	v29 =	vld [tilespmem:s9+$0xCFD0]  }
0x287: {  	v30 =	vld [tilespmem:s9+$0xCE60];
	v11 =	vadd.f32 v12, v11  }
0x288: {  	v4 =	vadd.f32 v5, v4;
	v53 =	vld [tilespmem:s9+$0xCF60];
	v5 =	vadd.f32 v8, v6  }
0x289: {  	v12 =	vld [tilespmem:s9+$0xCE20];
	v3 =	vadd.f32 v11, v3  }
0x28a: {  	v6 =	vld [tilespmem:s9+$0xCEE0];
	v7 =	vadd.f32 v9, v7;
	v4 =	vadd.f32 v5, v4  }
0x28b: {  	v11 =	vld [tilespmem:s9+$0xCEA0];
	v8 =	vadd.f32 v15, v14;
	v14 =	vadd.f32 v17, v16  }
0x28c: {  	v15 =	vld [tilespmem:s9+$0xCF20];
	v51 =	vadd.f32 v19, v18;
	v52 =	vadd.f32 v21, v20  }
0x28d: {  	v9 =	vadd.f32 v13, v10;
	v10 =	vld [tilespmem:s9+$0xCFA0];
	v5 =	vadd.f32 v23, v22  }
0x28e: {  	v54 =	vadd.f32 v27, v26;
	v8 =	vadd.f32 v14, v8;
	v14 =	vld [tilespmem:s9+$0xCFE0]  }
0x28f: {  	v55 =	vadd.f32 v29, v28;
	v13 =	vadd.f32 v52, v51  }
0x290: {  	v12 =	vadd.f32 v30, v12;
	v7 =	vadd.f32 v9, v7  }
0x291: {  	v6 =	vadd.f32 v6, v11;
	v8 =	vadd.f32 v13, v8  }
0x292: {  	v13 =	vadd.f32 v25, v24;
	v4 =	vadd.f32 v7, v4  }
0x293: {  	v11 =	vadd.f32 v53, v15;
	v10 =	vadd.f32 v14, v10  }
0x294: {  	v5 =	vadd.f32 v13, v5;
	v13 =	vadd.f32 v55, v54  }
0x295: {  	v6 =	vadd.f32 v6, v12;
	v10 =	vadd.f32 v10, v11  }
0x296: {  	v1 =	vadd.f32 v8, v1;
	v5 =	vadd.f32 v13, v5  }
0x297: {  	v0 =	vadd.f32 v4, v0;
	v6 =	vadd.f32 v10, v6  }
0x298: {  	[tilespmem:s15+$0x13300] =	vst v1;
	v2 =	vadd.f32 v5, v2  }
0x299: {  	[tilespmem:s15+$0x13330] =	vst v0;
	v3 =	vadd.f32 v6, v3  }
0x29a: {  	[tilespmem:s15+$0x13310] =	vst v2  }
0x29b: {  	s0 =	simm.s32 $0x0;
	[tilespmem:s15+$0x13320] =	vst v3  }
0x29c: {  	v0 =	vld [tilespmem:s0+$0x10030]  }
0x29d: {  	v1 =	vld [tilespmem:s0+$0x10070]  }
0x29e: {  	v2 =	vld [tilespmem:s0+$0x100B0]  }
0x29f: {  	v3 =	vld [tilespmem:s0+$0x100F0]  }
0x2a0: {  	v4 =	vld [tilespmem:s0+$0x10130]  }
0x2a1: {  	v5 =	vld [tilespmem:s0+$0x10170]  }
0x2a2: {  	v6 =	vld [tilespmem:s0+$0x101B0]  }
0x2a3: {  	v7 =	vld [tilespmem:s0+$0x101F0]  }
0x2a4: {  	v8 =	vld [tilespmem:s0+$0x10000]  }
0x2a5: {  	v9 =	vld [tilespmem:s0+$0x10040]  }
0x2a6: {  	v10 =	vld [tilespmem:s0+$0x10080]  }
0x2a7: {  	v11 =	vld [tilespmem:s0+$0x100C0]  }
0x2a8: {  	v12 =	vld [tilespmem:s0+$0x10100]  }
0x2a9: {  	v13 =	vld [tilespmem:s0+$0x10140]  }
0x2aa: {  	v14 =	vld [tilespmem:s0+$0x10180]  }
0x2ab: {  	v15 =	vld [tilespmem:s0+$0x101C0]  }
0x2ac: {  	v56 =	vld [tilespmem:s0+$0x10010]  }
0x2ad: {  	v57 =	vld [tilespmem:s0+$0x10050]  }
0x2ae: {  	v58 =	vld [tilespmem:s0+$0x10090]  }
0x2af: {  	v59 =	vld [tilespmem:s0+$0x100D0]  }
0x2b0: {  	v60 =	vld [tilespmem:s0+$0x10110]  }
0x2b1: {  	v61 =	vld [tilespmem:s0+$0x10150]  }
0x2b2: {  	v62 =	vld [tilespmem:s0+$0x10190]  }
0x2b3: {  	v63 =	vld [tilespmem:s0+$0x100A0];
	v0 =	vadd.f32 v1, v0;
	v1 =	vadd.f32 v3, v2  }
0x2b4: {  	v2 =	vld [tilespmem:s0+$0x101D0];
	v3 =	vadd.f32 v5, v4;
	v4 =	vadd.f32 v7, v6  }
0x2b5: {  	v6 =	vld [tilespmem:s0+$0x10020]  }
0x2b6: {  	v7 =	vld [tilespmem:s0+$0x10060];
	v0 =	vadd.f32 v1, v0;
	v1 =	vadd.f32 v4, v3  }
0x2b7: {  	v3 =	vadd.f32 v9, v8;
	v4 =	vadd.f32 v11, v10;
	v8 =	vld [tilespmem:s0+$0x100E0]  }
0x2b8: {  	v5 =	vadd.f32 v59, v58;
	v9 =	vld [tilespmem:s0+$0x10120];
	v0 =	vadd.f32 v1, v0  }
0x2b9: {  	v11 =	vld [tilespmem:s0+$0x10160];
	v1 =	vadd.f32 v13, v12;
	v10 =	vadd.f32 v4, v3  }
0x2ba: {  	v3 =	vadd.f32 v15, v14;
	v4 =	vadd.f32 v57, v56;
	v12 =	vld [tilespmem:s0+$0x101A0]  }
0x2bb: {  	s9 =	simm.s32 $0x200;
	v13 =	vadd.f32 v61, v60;
	v14 =	vld [tilespmem:s0+$0x101E0];
	v2 =	vadd.f32 v2, v62  }
0x2bc: {  	v1 =	vadd.f32 v3, v1;
	v3 =	vimm.f32 $0.0e+00;
	v15 =	vadd.f32 v5, v4;
	v4 =	vld [tilespmem:s9+$0x10030]  }
0x2bd: {  	v5 =	vld [tilespmem:s9+$0x10070];
	v0 =	vadd.f32 v0, v3;
	v2 =	vadd.f32 v2, v13  }
0x2be: {  	v13 =	vadd.f32 v8, v63;
	v8 =	vld [tilespmem:s9+$0x100F0];
	v1 =	vadd.f32 v1, v10  }
0x2bf: {  	v10 =	vadd.f32 v7, v6;
	v6 =	vld [tilespmem:s9+$0x100B0];
	v2 =	vadd.f32 v2, v15  }
0x2c0: {  	v7 =	vld [tilespmem:s9+$0x10130];
	v15 =	vadd.f32 v11, v9;
	v12 =	vadd.f32 v14, v12  }
0x2c1: {  	v9 =	vld [tilespmem:s9+$0x10170];
	v1 =	vadd.f32 v1, v3;
	v11 =	vadd.f32 v13, v10  }
0x2c2: {  	s10 =	simm.s32 $0x1000;
	v10 =	vld [tilespmem:s9+$0x101B0];
	v2 =	vadd.f32 v2, v3;
	v12 =	vadd.f32 v12, v15  }
.LBB2_13:
0x2c3: {  	p0 =	sne.s32 s10, $0xC000;
	v13 =	vld [tilespmem:s9+$0x101F0]  }
0x2c4: {  	v14 =	vld [tilespmem:s9+$0x10000];
	v11 =	vadd.f32 v12, v11  }
0x2c5: {  	v12 =	vld [tilespmem:s9+$0x10040]  }
0x2c6: {  	v15 =	vld [tilespmem:s9+$0x10080];
	v3 =	vadd.f32 v11, v3  }
0x2c7: {  	v4 =	vadd.f32 v5, v4;
	v5 =	vadd.f32 v8, v6;
	v11 =	vld [tilespmem:s9+$0x100C0]  }
0x2c8: {  	v7 =	vadd.f32 v9, v7;
	v6 =	vld [tilespmem:s9+$0x10100];
	v8 =	vadd.f32 v13, v10  }
0x2c9: {  	v9 =	vld [tilespmem:s9+$0x10140]  }
0x2ca: {  	v4 =	vadd.f32 v5, v4;
	v10 =	vld [tilespmem:s9+$0x10180];
	v5 =	vadd.f32 v8, v7  }
0x2cb: {  	v8 =	vadd.f32 v12, v14;
	v7 =	vld [tilespmem:s9+$0x101C0]  }
0x2cc: {  	v11 =	vadd.f32 v11, v15;
	v12 =	vld [tilespmem:s9+$0x10010];
	v4 =	vadd.f32 v5, v4  }
0x2cd: {  	v5 =	vld [tilespmem:s9+$0x10050]  }
0x2ce: {  	v6 =	vadd.f32 v9, v6;
	v9 =	vld [tilespmem:s9+$0x10090];
	v0 =	vadd.f32 v4, v0  }
0x2cf: {  	v4 =	vadd.f32 v11, v8;
	v8 =	vld [tilespmem:s9+$0x100D0]  }
0x2d0: {  	v7 =	vadd.f32 v7, v10;
	v10 =	vld [tilespmem:s9+$0x10110]  }
0x2d1: {  	v11 =	vld [tilespmem:s9+$0x10150]  }
0x2d2: {  	v6 =	vadd.f32 v7, v6;
	v7 =	vld [tilespmem:s9+$0x10190];
	v5 =	vadd.f32 v5, v12  }
0x2d3: {  	v12 =	vld [tilespmem:s9+$0x101D0]  }
0x2d4: {  	v4 =	vadd.f32 v6, v4;
	v6 =	vadd.f32 v8, v9;
	v8 =	vld [tilespmem:s9+$0x10020]  }
0x2d5: {  	v9 =	vld [tilespmem:s9+$0x10060]  }
0x2d6: {  	v5 =	vadd.f32 v6, v5;
	v6 =	vadd.f32 v11, v10;
	v10 =	vld [tilespmem:s9+$0x100A0]  }
0x2d7: {  	v1 =	vadd.f32 v4, v1;
	v11 =	vld [tilespmem:s9+$0x100E0]  }
0x2d8: {  	v4 =	vadd.f32 v12, v7;
	v7 =	vld [tilespmem:s9+$0x10120]  }
0x2d9: {  	v12 =	vld [tilespmem:s9+$0x10160]  }
0x2da: {  	v6 =	vadd.f32 v4, v6;
	v13 =	vld [tilespmem:s9+$0x101A0];
	v8 =	vadd.f32 v9, v8  }
0x2db: {  	v9 =	vld [tilespmem:s9+$0x101E0];
	s9 =	sshra.s32 s10, $0x2  }
0x2dc: {  	v4 =	vld [tilespmem:s9+$0x10030];
	v14 =	vadd.f32 v6, v5;
	v10 =	vadd.f32 v11, v10  }
0x2dd: {  	v5 =	vld [tilespmem:s9+$0x10070]  }
.Ltmp5:
0x2de: {  	v6 =	vld [tilespmem:s9+$0x100B0];
	v11 =	vadd.f32 v10, v8;
	v12 =	vadd.f32 v12, v7;
	(pc) =	sbr.rel @p0 .LBB2_13-.Ltmp5, $4  }
0x2df: {  	v2 =	vadd.f32 v14, v2;
	v8 =	vld [tilespmem:s9+$0x100F0]  }
0x2e0: {  	v7 =	vld [tilespmem:s9+$0x10130];
	v13 =	vadd.f32 v9, v13  }
0x2e1: {  	v9 =	vld [tilespmem:s9+$0x10170]  }
0x2e2: {  	s10 =	sadd.s32 $0x800, s10;
	v10 =	vld [tilespmem:s9+$0x101B0];
	v12 =	vadd.f32 v13, v12  }
0x2e3: {  	v13 =	vld [tilespmem:s9+$0x101F0]  }
0x2e4: {  	v14 =	vld [tilespmem:s9+$0x10000]  }
0x2e5: {  	v15 =	vld [tilespmem:s9+$0x10040]  }
0x2e6: {  	v16 =	vld [tilespmem:s9+$0x10080]  }
0x2e7: {  	v17 =	vld [tilespmem:s9+$0x100C0]  }
0x2e8: {  	v18 =	vld [tilespmem:s9+$0x10100]  }
0x2e9: {  	v19 =	vld [tilespmem:s9+$0x10140]  }
0x2ea: {  	v20 =	vld [tilespmem:s9+$0x10180]  }
0x2eb: {  	v21 =	vld [tilespmem:s9+$0x101C0]  }
0x2ec: {  	v22 =	vld [tilespmem:s9+$0x10010]  }
0x2ed: {  	v23 =	vld [tilespmem:s9+$0x10050]  }
0x2ee: {  	v24 =	vld [tilespmem:s9+$0x10090]  }
0x2ef: {  	v25 =	vld [tilespmem:s9+$0x100D0]  }
0x2f0: {  	v26 =	vld [tilespmem:s9+$0x10110]  }
0x2f1: {  	v27 =	vld [tilespmem:s9+$0x10150]  }
0x2f2: {  	v28 =	vld [tilespmem:s9+$0x10190]  }
0x2f3: {  	v29 =	vld [tilespmem:s9+$0x101D0]  }
0x2f4: {  	v44 =	vld [tilespmem:s9+$0x10020]  }
0x2f5: {  	v30 =	vld [tilespmem:s9+$0x10060]  }
0x2f6: {  	v45 =	vld [tilespmem:s9+$0x100A0];
	v11 =	vadd.f32 v12, v11  }
0x2f7: {  	v4 =	vadd.f32 v5, v4;
	v47 =	vld [tilespmem:s9+$0x100E0];
	v46 =	vadd.f32 v8, v6  }
0x2f8: {  	v50 =	vld [tilespmem:s9+$0x10120];
	v3 =	vadd.f32 v11, v3  }
0x2f9: {  	v53 =	vld [tilespmem:s9+$0x10160];
	v7 =	vadd.f32 v9, v7;
	v4 =	vadd.f32 v46, v4  }
0x2fa: {  	v55 =	vld [tilespmem:s9+$0x101A0];
	v48 =	vadd.f32 v15, v14;
	v49 =	vadd.f32 v17, v16  }
0x2fb: {  	v57 =	vld [tilespmem:s9+$0x101E0];
	v51 =	vadd.f32 v19, v18;
	v52 =	vadd.f32 v21, v20  }
0x2fc: {  	v54 =	vadd.f32 v13, v10;
	v58 =	vadd.f32 v23, v22  }
0x2fd: {  	v59 =	vadd.f32 v25, v24;
	v60 =	vadd.f32 v27, v26  }
0x2fe: {  	v61 =	vadd.f32 v29, v28;
	v12 =	vadd.f32 v30, v44  }
0x2ff: {  	v6 =	vadd.f32 v47, v45;
	v62 =	vadd.f32 v53, v50  }
0x300: {  	v10 =	vadd.f32 v57, v55;
	v8 =	vadd.f32 v49, v48  }
0x301: {  	v56 =	vadd.f32 v52, v51;
	v5 =	vadd.f32 v59, v58  }
0x302: {  	v63 =	vadd.f32 v61, v60;
	v6 =	vadd.f32 v6, v12  }
0x303: {  	v10 =	vadd.f32 v10, v62;
	v8 =	vadd.f32 v56, v8  }
0x304: {  	s11 =	sadd.s32 $0x1, s11;
	v7 =	vadd.f32 v54, v7;
	v5 =	vadd.f32 v63, v5  }
0x305: {  	p0 =	sne.s32 s11, $0x55;
	v6 =	vadd.f32 v10, v6;
	v1 =	vadd.f32 v8, v1  }
.Ltmp6:
0x306: {  	v4 =	vadd.f32 v7, v4;
	v2 =	vadd.f32 v5, v2;
	(pc) =	sbr.rel @p0 .LBB2_2-.Ltmp6, $4  }
0x307: {  	v3 =	vadd.f32 v6, v3;
	[tilespmem:s15+$0x13340] =	vst v1  }
0x308: {  	v0 =	vadd.f32 v4, v0;
	[tilespmem:s15+$0x13350] =	vst v2  }
0x309: {  	[tilespmem:s15+$0x13360] =	vst v3  }
0x30a: {  	[tilespmem:s15+$0x13370] =	vst v0  }
0x30b: {  	_ =	swait.ge [sflag:s7], $0x6400  }
0x30c: {  	[sflag:s7] =	ssyncset.done $0x0  }
0x30d: {  	s0 =	simm.s32 $0x0;
	[sflag:s7] =	ssyncadd.s32 $0xFFFF9C00  }
0x30e: {  	v0 =	vld [tilespmem:s0+$0x630]  }
0x30f: {  	v1 =	vld [tilespmem:s0+$0x670]  }
0x310: {  	v2 =	vld [tilespmem:s0+$0x6B0]  }
0x311: {  	v3 =	vld [tilespmem:s0+$0x6F0]  }
0x312: {  	v4 =	vld [tilespmem:s0+$0x730]  }
0x313: {  	v5 =	vld [tilespmem:s0+$0x770]  }
0x314: {  	v6 =	vld [tilespmem:s0+$0x7B0]  }
0x315: {  	v7 =	vld [tilespmem:s0+$0x7F0]  }
0x316: {  	v8 =	vld [tilespmem:s0+$0x600]  }
0x317: {  	v9 =	vld [tilespmem:s0+$0x640]  }
0x318: {  	v10 =	vld [tilespmem:s0+$0x680]  }
0x319: {  	v11 =	vld [tilespmem:s0+$0x6C0]  }
0x31a: {  	v12 =	vld [tilespmem:s0+$0x700]  }
0x31b: {  	v13 =	vld [tilespmem:s0+$0x740]  }
0x31c: {  	v14 =	vld [tilespmem:s0+$0x780]  }
0x31d: {  	v15 =	vld [tilespmem:s0+$0x7C0]  }
0x31e: {  	v16 =	vld [tilespmem:s0+$0x610]  }
0x31f: {  	v17 =	vld [tilespmem:s0+$0x650]  }
0x320: {  	v18 =	vld [tilespmem:s0+$0x690]  }
0x321: {  	v19 =	vld [tilespmem:s0+$0x6D0]  }
0x322: {  	v20 =	vld [tilespmem:s0+$0x710]  }
0x323: {  	v21 =	vld [tilespmem:s0+$0x750]  }
0x324: {  	v22 =	vld [tilespmem:s0+$0x790]  }
0x325: {  	v23 =	vld [tilespmem:s0+$0x6A0];
	v0 =	vadd.f32 v1, v0  }
0x326: {  	v1 =	vadd.f32 v3, v2;
	v2 =	vld [tilespmem:s0+$0x7D0];
	v3 =	vadd.f32 v5, v4  }
0x327: {  	v4 =	vadd.f32 v7, v6;
	v6 =	vld [tilespmem:s0+$0x620];
	v5 =	vadd.f32 v13, v12  }
0x328: {  	v7 =	vld [tilespmem:s0+$0x660];
	v12 =	vadd.f32 v19, v18;
	v0 =	vadd.f32 v1, v0  }
0x329: {  	v13 =	vld [tilespmem:s0+$0x760];
	v1 =	vadd.f32 v4, v3;
	v3 =	vadd.f32 v9, v8  }
0x32a: {  	v4 =	vadd.f32 v11, v10;
	v8 =	vld [tilespmem:s0+$0x6E0];
	v9 =	vadd.f32 v15, v14  }
0x32b: {  	v10 =	vld [tilespmem:s0+$0x720];
	v11 =	vadd.f32 v17, v16;
	v14 =	vadd.f32 v21, v20  }
0x32c: {  	v15 =	vld [tilespmem:s0+$0x7A0];
	v3 =	vadd.f32 v4, v3;
	v5 =	vadd.f32 v9, v5  }
0x32d: {  	s9 =	simm.s32 $0x200;
	v9 =	vld [tilespmem:s0+$0x7E0];
	v11 =	vadd.f32 v12, v11;
	v2 =	vadd.f32 v2, v22  }
0x32e: {  	v4 =	vld [tilespmem:s9+$0x630];
	v0 =	vadd.f32 v1, v0;
	v12 =	vadd.f32 v7, v6  }
0x32f: {  	v6 =	vld [tilespmem:s9+$0x6B0];
	v1 =	vadd.f32 v5, v3;
	v3 =	vimm.f32 $0.0e+00;
	v2 =	vadd.f32 v2, v14  }
0x330: {  	v7 =	vld [tilespmem:s9+$0x730];
	v0 =	vadd.f32 v0, v3  }
0x331: {  	v5 =	vld [tilespmem:s9+$0x670];
	v2 =	vadd.f32 v2, v11;
	v11 =	vadd.f32 v8, v23  }
0x332: {  	v13 =	vadd.f32 v13, v10;
	v10 =	vld [tilespmem:s9+$0x7B0];
	v14 =	vadd.f32 v9, v15  }
0x333: {  	v1 =	vadd.f32 v1, v3;
	v8 =	vld [tilespmem:s9+$0x6F0];
	v11 =	vadd.f32 v11, v12  }
0x334: {  	s10 =	simm.s32 $0x1000;
	v9 =	vld [tilespmem:s9+$0x770];
	v2 =	vadd.f32 v2, v3;
	v12 =	vadd.f32 v14, v13  }
.LBB2_16:
0x335: {  	p0 =	sne.s32 s10, $0xC000;
	v13 =	vld [tilespmem:s9+$0x7F0]  }
0x336: {  	v14 =	vld [tilespmem:s9+$0x600];
	v11 =	vadd.f32 v12, v11  }
0x337: {  	v12 =	vld [tilespmem:s9+$0x640]  }
0x338: {  	v15 =	vld [tilespmem:s9+$0x680];
	v3 =	vadd.f32 v11, v3  }
0x339: {  	v4 =	vadd.f32 v5, v4;
	v5 =	vadd.f32 v8, v6;
	v11 =	vld [tilespmem:s9+$0x6C0]  }
0x33a: {  	v7 =	vadd.f32 v9, v7;
	v6 =	vld [tilespmem:s9+$0x700];
	v8 =	vadd.f32 v13, v10  }
0x33b: {  	v9 =	vld [tilespmem:s9+$0x740]  }
0x33c: {  	v4 =	vadd.f32 v5, v4;
	v10 =	vld [tilespmem:s9+$0x780];
	v5 =	vadd.f32 v8, v7  }
0x33d: {  	v8 =	vadd.f32 v12, v14;
	v7 =	vld [tilespmem:s9+$0x7C0]  }
0x33e: {  	v11 =	vadd.f32 v11, v15;
	v12 =	vld [tilespmem:s9+$0x610];
	v4 =	vadd.f32 v5, v4  }
0x33f: {  	v5 =	vld [tilespmem:s9+$0x650]  }
0x340: {  	v6 =	vadd.f32 v9, v6;
	v9 =	vld [tilespmem:s9+$0x690];
	v0 =	vadd.f32 v4, v0  }
0x341: {  	v4 =	vadd.f32 v11, v8;
	v8 =	vld [tilespmem:s9+$0x6D0]  }
0x342: {  	v7 =	vadd.f32 v7, v10;
	v10 =	vld [tilespmem:s9+$0x710]  }
0x343: {  	v11 =	vld [tilespmem:s9+$0x750]  }
0x344: {  	v6 =	vadd.f32 v7, v6;
	v7 =	vld [tilespmem:s9+$0x790];
	v5 =	vadd.f32 v5, v12  }
0x345: {  	v12 =	vld [tilespmem:s9+$0x7D0]  }
0x346: {  	v4 =	vadd.f32 v6, v4;
	v6 =	vadd.f32 v8, v9;
	v8 =	vld [tilespmem:s9+$0x620]  }
0x347: {  	v9 =	vld [tilespmem:s9+$0x660]  }
0x348: {  	v5 =	vadd.f32 v6, v5;
	v6 =	vadd.f32 v11, v10;
	v10 =	vld [tilespmem:s9+$0x6A0]  }
0x349: {  	v1 =	vadd.f32 v4, v1;
	v11 =	vld [tilespmem:s9+$0x6E0]  }
0x34a: {  	v4 =	vadd.f32 v12, v7;
	v7 =	vld [tilespmem:s9+$0x720]  }
0x34b: {  	v12 =	vld [tilespmem:s9+$0x760]  }
0x34c: {  	v6 =	vadd.f32 v4, v6;
	v13 =	vld [tilespmem:s9+$0x7A0];
	v8 =	vadd.f32 v9, v8  }
0x34d: {  	v9 =	vld [tilespmem:s9+$0x7E0];
	s9 =	sshra.s32 s10, $0x2  }
0x34e: {  	v4 =	vld [tilespmem:s9+$0x630];
	v14 =	vadd.f32 v6, v5;
	v10 =	vadd.f32 v11, v10  }
0x34f: {  	v5 =	vld [tilespmem:s9+$0x670]  }
.Ltmp7:
0x350: {  	v6 =	vld [tilespmem:s9+$0x6B0];
	v11 =	vadd.f32 v10, v8;
	v12 =	vadd.f32 v12, v7;
	(pc) =	sbr.rel @p0 .LBB2_16-.Ltmp7, $4  }
0x351: {  	v2 =	vadd.f32 v14, v2;
	v8 =	vld [tilespmem:s9+$0x6F0]  }
0x352: {  	v7 =	vld [tilespmem:s9+$0x730];
	v13 =	vadd.f32 v9, v13  }
0x353: {  	v9 =	vld [tilespmem:s9+$0x770]  }
0x354: {  	s10 =	sadd.s32 $0x800, s10;
	v10 =	vld [tilespmem:s9+$0x7B0];
	v12 =	vadd.f32 v13, v12  }
0x355: {  	v13 =	vld [tilespmem:s9+$0x7F0]  }
0x356: {  	v14 =	vld [tilespmem:s9+$0x600]  }
0x357: {  	v15 =	vld [tilespmem:s9+$0x640]  }
0x358: {  	v16 =	vld [tilespmem:s9+$0x680]  }
0x359: {  	v17 =	vld [tilespmem:s9+$0x6C0]  }
0x35a: {  	v18 =	vld [tilespmem:s9+$0x700]  }
0x35b: {  	v19 =	vld [tilespmem:s9+$0x740]  }
0x35c: {  	v20 =	vld [tilespmem:s9+$0x780]  }
0x35d: {  	v21 =	vld [tilespmem:s9+$0x7C0]  }
0x35e: {  	v22 =	vld [tilespmem:s9+$0x610]  }
0x35f: {  	v23 =	vld [tilespmem:s9+$0x650]  }
0x360: {  	v24 =	vld [tilespmem:s9+$0x690]  }
0x361: {  	v25 =	vld [tilespmem:s9+$0x6D0]  }
0x362: {  	v26 =	vld [tilespmem:s9+$0x710]  }
0x363: {  	v27 =	vld [tilespmem:s9+$0x750]  }
0x364: {  	v28 =	vld [tilespmem:s9+$0x790]  }
0x365: {  	v29 =	vld [tilespmem:s9+$0x7D0]  }
0x366: {  	v30 =	vld [tilespmem:s9+$0x660];
	v11 =	vadd.f32 v12, v11  }
0x367: {  	v4 =	vadd.f32 v5, v4;
	v53 =	vld [tilespmem:s9+$0x760];
	v5 =	vadd.f32 v8, v6  }
0x368: {  	v12 =	vld [tilespmem:s9+$0x620];
	v3 =	vadd.f32 v11, v3  }
0x369: {  	v6 =	vld [tilespmem:s9+$0x6E0];
	v7 =	vadd.f32 v9, v7;
	v4 =	vadd.f32 v5, v4  }
0x36a: {  	v11 =	vld [tilespmem:s9+$0x6A0];
	v8 =	vadd.f32 v15, v14;
	v14 =	vadd.f32 v17, v16  }
0x36b: {  	v15 =	vld [tilespmem:s9+$0x720];
	v51 =	vadd.f32 v19, v18;
	v52 =	vadd.f32 v21, v20  }
0x36c: {  	v9 =	vadd.f32 v13, v10;
	v10 =	vld [tilespmem:s9+$0x7A0];
	v5 =	vadd.f32 v23, v22  }
0x36d: {  	v54 =	vadd.f32 v27, v26;
	v8 =	vadd.f32 v14, v8;
	v14 =	vld [tilespmem:s9+$0x7E0]  }
0x36e: {  	v55 =	vadd.f32 v29, v28;
	v13 =	vadd.f32 v52, v51  }
0x36f: {  	v12 =	vadd.f32 v30, v12;
	v7 =	vadd.f32 v9, v7  }
0x370: {  	v6 =	vadd.f32 v6, v11;
	v8 =	vadd.f32 v13, v8  }
0x371: {  	v13 =	vadd.f32 v25, v24;
	v4 =	vadd.f32 v7, v4  }
0x372: {  	v11 =	vadd.f32 v53, v15;
	v10 =	vadd.f32 v14, v10  }
0x373: {  	v5 =	vadd.f32 v13, v5;
	v13 =	vadd.f32 v55, v54  }
0x374: {  	v6 =	vadd.f32 v6, v12;
	v10 =	vadd.f32 v10, v11  }
0x375: {  	v1 =	vadd.f32 v8, v1;
	v5 =	vadd.f32 v13, v5  }
0x376: {  	v0 =	vadd.f32 v4, v0;
	v6 =	vadd.f32 v10, v6  }
0x377: {  	[tilespmem:$0x1B180] =	vst v1;
	v2 =	vadd.f32 v5, v2  }
0x378: {  	[tilespmem:$0x1B1B0] =	vst v0;
	v3 =	vadd.f32 v6, v3  }
0x379: {  	[tilespmem:$0x1B190] =	vst v2  }
0x37a: {  	s0 =	simm.s32 $0x0;
	[tilespmem:$0x1B1A0] =	vst v3  }
0x37b: {  	v0 =	vld [tilespmem:s0+$0x3830]  }
0x37c: {  	v1 =	vld [tilespmem:s0+$0x3870]  }
0x37d: {  	v2 =	vld [tilespmem:s0+$0x38B0]  }
0x37e: {  	v3 =	vld [tilespmem:s0+$0x38F0]  }
0x37f: {  	v4 =	vld [tilespmem:s0+$0x3930]  }
0x380: {  	v5 =	vld [tilespmem:s0+$0x3970]  }
0x381: {  	v6 =	vld [tilespmem:s0+$0x39B0]  }
0x382: {  	v7 =	vld [tilespmem:s0+$0x39F0]  }
0x383: {  	v8 =	vld [tilespmem:s0+$0x3800]  }
0x384: {  	v9 =	vld [tilespmem:s0+$0x3840]  }
0x385: {  	v10 =	vld [tilespmem:s0+$0x3880]  }
0x386: {  	v11 =	vld [tilespmem:s0+$0x38C0]  }
0x387: {  	v12 =	vld [tilespmem:s0+$0x3900]  }
0x388: {  	v13 =	vld [tilespmem:s0+$0x3940]  }
0x389: {  	v14 =	vld [tilespmem:s0+$0x3980]  }
0x38a: {  	v15 =	vld [tilespmem:s0+$0x39C0]  }
0x38b: {  	v56 =	vld [tilespmem:s0+$0x3810]  }
0x38c: {  	v57 =	vld [tilespmem:s0+$0x3850]  }
0x38d: {  	v58 =	vld [tilespmem:s0+$0x3890]  }
0x38e: {  	v59 =	vld [tilespmem:s0+$0x38D0]  }
0x38f: {  	v60 =	vld [tilespmem:s0+$0x3910]  }
0x390: {  	v61 =	vld [tilespmem:s0+$0x3950]  }
0x391: {  	v62 =	vld [tilespmem:s0+$0x3990]  }
0x392: {  	v63 =	vld [tilespmem:s0+$0x38A0];
	v0 =	vadd.f32 v1, v0;
	v1 =	vadd.f32 v3, v2  }
0x393: {  	v2 =	vld [tilespmem:s0+$0x39D0];
	v3 =	vadd.f32 v5, v4;
	v4 =	vadd.f32 v7, v6  }
0x394: {  	v6 =	vld [tilespmem:s0+$0x3820]  }
0x395: {  	v7 =	vld [tilespmem:s0+$0x3860];
	v0 =	vadd.f32 v1, v0;
	v1 =	vadd.f32 v4, v3  }
0x396: {  	v3 =	vadd.f32 v9, v8;
	v4 =	vadd.f32 v11, v10;
	v8 =	vld [tilespmem:s0+$0x38E0]  }
0x397: {  	v5 =	vadd.f32 v59, v58;
	v9 =	vld [tilespmem:s0+$0x3920];
	v0 =	vadd.f32 v1, v0  }
0x398: {  	v11 =	vld [tilespmem:s0+$0x3960];
	v1 =	vadd.f32 v13, v12;
	v10 =	vadd.f32 v4, v3  }
0x399: {  	v3 =	vadd.f32 v15, v14;
	v4 =	vadd.f32 v57, v56;
	v12 =	vld [tilespmem:s0+$0x39A0]  }
0x39a: {  	s9 =	simm.s32 $0x200;
	v13 =	vadd.f32 v61, v60;
	v14 =	vld [tilespmem:s0+$0x39E0];
	v2 =	vadd.f32 v2, v62  }
0x39b: {  	v1 =	vadd.f32 v3, v1;
	v3 =	vimm.f32 $0.0e+00;
	v15 =	vadd.f32 v5, v4;
	v4 =	vld [tilespmem:s9+$0x3830]  }
0x39c: {  	v5 =	vld [tilespmem:s9+$0x3870];
	v0 =	vadd.f32 v0, v3;
	v2 =	vadd.f32 v2, v13  }
0x39d: {  	v13 =	vadd.f32 v8, v63;
	v8 =	vld [tilespmem:s9+$0x38F0];
	v1 =	vadd.f32 v1, v10  }
0x39e: {  	v10 =	vadd.f32 v7, v6;
	v6 =	vld [tilespmem:s9+$0x38B0];
	v2 =	vadd.f32 v2, v15  }
0x39f: {  	v7 =	vld [tilespmem:s9+$0x3930];
	v15 =	vadd.f32 v11, v9;
	v12 =	vadd.f32 v14, v12  }
0x3a0: {  	v9 =	vld [tilespmem:s9+$0x3970];
	v1 =	vadd.f32 v1, v3;
	v11 =	vadd.f32 v13, v10  }
0x3a1: {  	s10 =	simm.s32 $0x1000;
	v10 =	vld [tilespmem:s9+$0x39B0];
	v2 =	vadd.f32 v2, v3;
	v12 =	vadd.f32 v12, v15  }
.LBB2_18:
0x3a2: {  	p0 =	sne.s32 s10, $0xC000;
	v13 =	vld [tilespmem:s9+$0x39F0]  }
0x3a3: {  	v14 =	vld [tilespmem:s9+$0x3800];
	v11 =	vadd.f32 v12, v11  }
0x3a4: {  	v12 =	vld [tilespmem:s9+$0x3840]  }
0x3a5: {  	v15 =	vld [tilespmem:s9+$0x3880];
	v3 =	vadd.f32 v11, v3  }
0x3a6: {  	v4 =	vadd.f32 v5, v4;
	v5 =	vadd.f32 v8, v6;
	v11 =	vld [tilespmem:s9+$0x38C0]  }
0x3a7: {  	v7 =	vadd.f32 v9, v7;
	v6 =	vld [tilespmem:s9+$0x3900];
	v8 =	vadd.f32 v13, v10  }
0x3a8: {  	v9 =	vld [tilespmem:s9+$0x3940]  }
0x3a9: {  	v4 =	vadd.f32 v5, v4;
	v10 =	vld [tilespmem:s9+$0x3980];
	v5 =	vadd.f32 v8, v7  }
0x3aa: {  	v8 =	vadd.f32 v12, v14;
	v7 =	vld [tilespmem:s9+$0x39C0]  }
0x3ab: {  	v11 =	vadd.f32 v11, v15;
	v12 =	vld [tilespmem:s9+$0x3810];
	v4 =	vadd.f32 v5, v4  }
0x3ac: {  	v5 =	vld [tilespmem:s9+$0x3850]  }
0x3ad: {  	v6 =	vadd.f32 v9, v6;
	v9 =	vld [tilespmem:s9+$0x3890];
	v0 =	vadd.f32 v4, v0  }
0x3ae: {  	v4 =	vadd.f32 v11, v8;
	v8 =	vld [tilespmem:s9+$0x38D0]  }
0x3af: {  	v7 =	vadd.f32 v7, v10;
	v10 =	vld [tilespmem:s9+$0x3910]  }
0x3b0: {  	v11 =	vld [tilespmem:s9+$0x3950]  }
0x3b1: {  	v6 =	vadd.f32 v7, v6;
	v7 =	vld [tilespmem:s9+$0x3990];
	v5 =	vadd.f32 v5, v12  }
0x3b2: {  	v12 =	vld [tilespmem:s9+$0x39D0]  }
0x3b3: {  	v4 =	vadd.f32 v6, v4;
	v6 =	vadd.f32 v8, v9;
	v8 =	vld [tilespmem:s9+$0x3820]  }
0x3b4: {  	v9 =	vld [tilespmem:s9+$0x3860]  }
0x3b5: {  	v5 =	vadd.f32 v6, v5;
	v6 =	vadd.f32 v11, v10;
	v10 =	vld [tilespmem:s9+$0x38A0]  }
0x3b6: {  	v1 =	vadd.f32 v4, v1;
	v11 =	vld [tilespmem:s9+$0x38E0]  }
0x3b7: {  	v4 =	vadd.f32 v12, v7;
	v7 =	vld [tilespmem:s9+$0x3920]  }
0x3b8: {  	v12 =	vld [tilespmem:s9+$0x3960]  }
0x3b9: {  	v6 =	vadd.f32 v4, v6;
	v13 =	vld [tilespmem:s9+$0x39A0];
	v8 =	vadd.f32 v9, v8  }
0x3ba: {  	v9 =	vld [tilespmem:s9+$0x39E0];
	s9 =	sshra.s32 s10, $0x2  }
0x3bb: {  	v4 =	vld [tilespmem:s9+$0x3830];
	v14 =	vadd.f32 v6, v5;
	v10 =	vadd.f32 v11, v10  }
0x3bc: {  	v5 =	vld [tilespmem:s9+$0x3870]  }
.Ltmp8:
0x3bd: {  	v6 =	vld [tilespmem:s9+$0x38B0];
	v11 =	vadd.f32 v10, v8;
	v12 =	vadd.f32 v12, v7;
	(pc) =	sbr.rel @p0 .LBB2_18-.Ltmp8, $4  }
0x3be: {  	v2 =	vadd.f32 v14, v2;
	v8 =	vld [tilespmem:s9+$0x38F0]  }
0x3bf: {  	v7 =	vld [tilespmem:s9+$0x3930];
	v13 =	vadd.f32 v9, v13  }
0x3c0: {  	v9 =	vld [tilespmem:s9+$0x3970]  }
0x3c1: {  	s10 =	sadd.s32 $0x800, s10;
	v10 =	vld [tilespmem:s9+$0x39B0];
	v12 =	vadd.f32 v13, v12  }
0x3c2: {  	v13 =	vld [tilespmem:s9+$0x39F0]  }
0x3c3: {  	v14 =	vld [tilespmem:s9+$0x3800]  }
0x3c4: {  	v15 =	vld [tilespmem:s9+$0x3840]  }
0x3c5: {  	v16 =	vld [tilespmem:s9+$0x3880]  }
0x3c6: {  	v17 =	vld [tilespmem:s9+$0x38C0]  }
0x3c7: {  	v18 =	vld [tilespmem:s9+$0x3900]  }
0x3c8: {  	v19 =	vld [tilespmem:s9+$0x3940]  }
0x3c9: {  	v20 =	vld [tilespmem:s9+$0x3980]  }
0x3ca: {  	v21 =	vld [tilespmem:s9+$0x39C0]  }
0x3cb: {  	v22 =	vld [tilespmem:s9+$0x3810]  }
0x3cc: {  	v23 =	vld [tilespmem:s9+$0x3850]  }
0x3cd: {  	v24 =	vld [tilespmem:s9+$0x3890]  }
0x3ce: {  	v25 =	vld [tilespmem:s9+$0x38D0]  }
0x3cf: {  	v26 =	vld [tilespmem:s9+$0x3910]  }
0x3d0: {  	v27 =	vld [tilespmem:s9+$0x3950]  }
0x3d1: {  	v28 =	vld [tilespmem:s9+$0x3990]  }
0x3d2: {  	v29 =	vld [tilespmem:s9+$0x39D0]  }
0x3d3: {  	v44 =	vld [tilespmem:s9+$0x3820]  }
0x3d4: {  	v30 =	vld [tilespmem:s9+$0x3860]  }
0x3d5: {  	v45 =	vld [tilespmem:s9+$0x38A0];
	v11 =	vadd.f32 v12, v11  }
0x3d6: {  	v4 =	vadd.f32 v5, v4;
	v47 =	vld [tilespmem:s9+$0x38E0];
	v46 =	vadd.f32 v8, v6  }
0x3d7: {  	v50 =	vld [tilespmem:s9+$0x3920];
	v3 =	vadd.f32 v11, v3  }
0x3d8: {  	v53 =	vld [tilespmem:s9+$0x3960];
	v7 =	vadd.f32 v9, v7;
	v4 =	vadd.f32 v46, v4  }
0x3d9: {  	v55 =	vld [tilespmem:s9+$0x39A0];
	v48 =	vadd.f32 v15, v14;
	v49 =	vadd.f32 v17, v16  }
0x3da: {  	v57 =	vld [tilespmem:s9+$0x39E0];
	v51 =	vadd.f32 v19, v18;
	v52 =	vadd.f32 v21, v20  }
0x3db: {  	v54 =	vadd.f32 v13, v10;
	v58 =	vadd.f32 v23, v22  }
0x3dc: {  	v59 =	vadd.f32 v25, v24;
	v60 =	vadd.f32 v27, v26  }
0x3dd: {  	v61 =	vadd.f32 v29, v28;
	v12 =	vadd.f32 v30, v44  }
0x3de: {  	v6 =	vadd.f32 v47, v45;
	v62 =	vadd.f32 v53, v50  }
0x3df: {  	v10 =	vadd.f32 v57, v55;
	v8 =	vadd.f32 v49, v48  }
0x3e0: {  	v56 =	vadd.f32 v52, v51;
	v5 =	vadd.f32 v59, v58  }
0x3e1: {  	v63 =	vadd.f32 v61, v60;
	v6 =	vadd.f32 v6, v12  }
0x3e2: {  	v10 =	vadd.f32 v10, v62;
	v8 =	vadd.f32 v56, v8  }
0x3e3: {  	v7 =	vadd.f32 v54, v7;
	v5 =	vadd.f32 v63, v5  }
0x3e4: {  	v6 =	vadd.f32 v10, v6;
	v1 =	vadd.f32 v8, v1  }
0x3e5: {  	v4 =	vadd.f32 v7, v4;
	v2 =	vadd.f32 v5, v2  }
0x3e6: {  	v3 =	vadd.f32 v6, v3;
	[tilespmem:$0x1B1C0] =	vst v1  }
0x3e7: {  	v0 =	vadd.f32 v4, v0;
	[tilespmem:$0x1B1D0] =	vst v2  }
0x3e8: {  	[tilespmem:$0x1B1E0] =	vst v3  }
0x3e9: {  	s0 =	rddreg [dreg:$0x9];
	s2 =	simm.s32 $0x13200;
	s11 =	simm.s32 $0x5;
	[tilespmem:$0x1B1F0] =	vst v0  }
0x3ea: {  	[hbm4b:s0+s3] =	stream.linear.scatter [tilespmem:s2], [sflag:$0x5], $0x8000, $0x38;
	[tilespmem:$0x1B200] =	vst v63  }
0x3eb: {  	_ =	swait.ge [sflag:s11], $0x8000  }
0x3ec: {  	s15 =	rddreg [dreg:$0xb]  }
0x3ed: {  	s16 =	rddreg [dreg:$0xa];
	s9 =	sadd.s32 $0x1, s15  }
0x3ee: {  	p0 =	sne.s32 s9, s16  }
.Ltmp9:
0x3ef: {  	_ = 	snop;
	(pc) =	sbr.rel @p0 .LBB2_1-.Ltmp9, $3  }
0x3f0: {  	_ =	sdelay $0x1  }
0x3f1: {  	[sflag:s11] =	ssyncset.done $0x0  }
0x3f2: {  	[sflag:s11] =	ssyncadd.s32 $0xFFFF8000  }
0x3f3: {  	_ =	sfence.sel $0x180000  }
0x3f4: {  	[bflag:$0x0] =	sbarrier.arrive $0xFFFF  }
0x3f5: {  	_ =	strace $0x90000047  }
0x3f6: {  	s0 =	stileid.u32;
	[bflag:$0x2] =	sbarrier.arrive $0xFFFF  }
0x3f7: {  	p0 =	sne.s32 s0, $0x0;
	s0 =	rddreg [dreg:$0x2]  }
0x3f8: {  	s0 =	sadd.s32 @!p0 $0x100000, s0  }
0x3f9: {  	[sflag:s0] =	ssyncadd.tile.s32 @!p0 $0x1;
	_ =	shalt  }
.Lfunc_end2:
_tile_overlayer_lowered:
.L_overlay_start_2:
0x3fa: {  	(tag) =	ssettag $0x2  }
0x3fb: {  	s0 =	rddreg [dreg:$0x0];
	s2 =	stileid.u32  }
0x3fc: {  	s1 =	rddreg [dreg:$0x1];
	p0 =	sne.s32 s2, $0x0  }
0x3fd: {  	s3 =	rddreg [dreg:$0x2];
	[bflag:$0x3] =	sbarrier.arrive $0xFFFF;
	s2 =	simm.s32 @!p0 $0x1C05  }
0x3fe: {  	[timem:s3], [sflag:s2] =	dma.local @!p0 [hbm:s0], s1  }
0x3ff: {  	s0 =	simm.s32 @!p0 $0x5  }
0x400: {  	_ =	swait.ge @!p0 [sflag:s0], s1  }
0x401: {  	s1 =	ssub.s32 @!p0 $0x0, s1;
	[sflag:s0] =	ssyncset.done @!p0 $0x0  }
0x402: {  	[sflag:s0] =	ssyncadd.s32 @!p0 s1  }
0x403: {  	[bflag:$0x3] =	sbarrier.arrive $0xFFFF  }
0x404: {  	_ =	shalt  }

</sc_bundles>
